<compile_context>
chip_gen: v7x
topology: tpu7x:2x2x1
jax: 0.10.2.dev20260603
libtpu: 0.0.44.dev20260713+nightly
codegen_flags: <defaults>
</compile_context>

<pallas_src>
import functools

import jax
import jax.numpy as jnp
from jax import lax
from jax.experimental import pallas as pl
from jax.experimental.pallas import tpu as pltpu
from jax.experimental.pallas import tpu_sc as plsc

B, C, R, K = 4, 192, 512, 15
NCH = 8
NSEL = 8
LANES = 16
CCH = 8
TASKS = B * (C // CCH)
NBUF = 8
RCHUNKS = R // LANES
UNROLL = 8


def _make_sc_call():
    info = plsc.get_sparse_core_info()
    nc, ns = info.num_cores, info.num_subcores
    nw = nc * ns
    assert TASKS % nw == 0
    tpw = TASKS // nw

    mesh = plsc.VectorSubcoreMesh(core_axis_name="c", subcore_axis_name="s")

    @functools.partial(
        pl.kernel,
        mesh=mesh,
        compiler_params=pltpu.CompilerParams(
            needs_layout_passes=False, use_tc_tiling_on_sc=True),
        out_type=jax.ShapeDtypeStruct((B, NCH * C, NSEL, R), jnp.float32),
        scratch_types=[
            pltpu.VMEM((NCH * LANES,), jnp.float32),
            pltpu.VMEM((LANES,), jnp.int32),
            pltpu.VMEM((LANES,), jnp.float32),
            pltpu.VMEM((NCH * LANES,), jnp.int32),
            pltpu.VMEM((NCH * LANES,), jnp.float32),
            pltpu.VMEM((K, CCH, R), jnp.float32),
            pltpu.VMEM((NBUF, NSEL, R), jnp.float32),
            pltpu.SemaphoreType.DMA,
            pltpu.SemaphoreType.DMA,
        ],
    )
    def sc_call(x_hbm, w_hbm, out_hbm, w_v, idxtab, wtab, coltab, wseltab,
                xin, ob, si, so):
        wid = lax.axis_index("s") * nc + lax.axis_index("c")

        task0 = wid * tpw
        b0 = task0 // (C // CCH)
        c00 = (task0 - b0 * (C // CCH)) * CCH
        for k in range(K):
            pltpu.async_copy(x_hbm.at[b0, k, pl.ds(c00, CCH)], xin.at[k], si)

        pltpu.sync_copy(w_hbm, w_v)

        iota = lax.iota(jnp.int32, LANES)
        n_vec = lax.bitwise_and(iota, NSEL - 1)

        for i in range(NCH):
            row = w_v[pl.ds(i * LANES, LANES)]
            rank = jnp.zeros((LANES,), jnp.int32)
            for j in range(K):
                wj = jnp.full((LANES,), row[j])
                cond = (wj < row) | ((wj == row) & (j < iota))
                rank = rank + cond.astype(jnp.int32)
            sel = rank < NSEL
            sig = 1.0 / (1.0 + jnp.exp(-row))
            plsc.store_scatter(idxtab, [rank], iota, mask=sel)
            plsc.store_scatter(wtab, [rank], sig, mask=sel)
            coltab[pl.ds(i * LANES, LANES)] = plsc.load_gather(idxtab, [n_vec])
            wseltab[pl.ds(i * LANES, LANES)] = plsc.load_gather(wtab, [n_vec])

        def task_body(t, carry):
            task = wid * tpw + t
            b = task // (C // CCH)
            c0 = (task - b * (C // CCH)) * CCH

            @pl.when(t > 0)
            def _():
                for k in range(K):
                    pltpu.async_copy(x_hbm.at[b, k, pl.ds(c0, CCH)],
                                     xin.at[k], si)

            for k in range(K):
                pltpu.make_async_copy(x_hbm.at[b, k, pl.ds(c0, CCH)],
                                      xin.at[k], si).wait()

            def slab_body(s, carry2):
                i = s // CCH
                c = s - i * CCH
                gs = t * (NCH * CCH) + s
                slot = lax.rem(gs, NBUF)
                ch = i * C + c0 + c

                @pl.when(gs >= NBUF)
                def _():
                    pltpu.make_async_copy(ob.at[slot], out_hbm.at[b, ch],
                                          so).wait()

                for n in range(NSEL):
                    sel_ix = jnp.full((LANES,), i * LANES + n, jnp.int32)
                    kv = plsc.load_gather(coltab, [sel_ix])
                    wv = plsc.load_gather(wseltab, [sel_ix])
                    k = kv[0]

                    @plsc.parallel_loop(0, RCHUNKS, unroll=UNROLL)
                    def rchunk(j, n=n, k=k, c=c, wv=wv, slot=slot):
                        v = xin[k, c, pl.ds(j * LANES, LANES)]
                        ob[slot, n, pl.ds(j * LANES, LANES)] = v * wv

                pltpu.async_copy(ob.at[slot], out_hbm.at[b, ch], so)
                return carry2

            lax.fori_loop(0, NCH * CCH, slab_body, 0)
            return carry

        lax.fori_loop(0, tpw, task_body, 0)

        for _ in range(NBUF):
            pltpu.make_async_copy(ob.at[0], out_hbm.at[0, 0], so).wait()

    return sc_call


_sc_call = _make_sc_call()


def kernel(X, partition_weights):
    wpad = jnp.concatenate(
        [partition_weights,
         jnp.full((NCH, LANES - K), jnp.inf, jnp.float32)], axis=1)
    xt = X.transpose(0, 3, 1, 2)
    out = _sc_call(xt, wpad.reshape(NCH * LANES))
    return out.transpose(0, 1, 3, 2)

# --- scband reference (transcript-rebuilt; emitter-appended) ---
"""Pipeline reference for scband-dynamic-column-partition-with-projection-layer-6236292514457 (READ-ONLY COPY).

The authoritative reference and input builder live on the scoring server;
editing this copy changes nothing except your own understanding.
"""

import jax, jax.numpy as jnp
import numpy as np

N = 8
MAX_CHANNELS = 8


def setup_inputs(seed: int = 0) -> dict:
    key = jax.random.key(seed)
    k1, k2 = jax.random.split(key)
    X = jax.random.normal(k1, (4, 192, 512, 15), dtype=jnp.float32)
    partition_weights = jax.random.normal(k2, (MAX_CHANNELS, 15), dtype=jnp.float32)
    return {"X": X, "partition_weights": partition_weights}


def reference(X, partition_weights):
    # sigmoid of learned partition weights
    pw = jax.nn.sigmoid(partition_weights)  # [MAX_CHANNELS, 15]
    # select_columns: ascending argsort, take first n indices per channel
    column_indices = jnp.argsort(pw, axis=1)[:, :N]  # [MAX_CHANNELS, N] int
    parts = []
    for i in range(MAX_CHANNELS):
        selected_columns = jnp.take(X, column_indices[i], axis=3)  # [B, C, R, N]
        selected_weights = pw[i][column_indices[i]][None, None, :]  # [1, 1, N]
        weighted_columns = selected_columns * selected_weights
        parts.append(weighted_columns)
    out = jnp.concatenate(parts, axis=1)  # [B, C*MAX_CHANNELS, R, N]
    return out

if __name__ == "__main__":
    import jax
    _d = setup_inputs()
    print(jax.jit(kernel)(*tuple(_d.values())))

</pallas_src>

<mosaic_0001>
#map = affine_map<(d0, d1) -> (0, 0, 0, 0)>
#map1 = affine_map<(d0, d1) -> (0)>
module attributes {stable_mosaic.version = 14 : i64} {
  func.func @sc_call(%arg0: i32, %arg1: i32, %arg2: memref<4x15x192x512xf32, #tpu.memory_space<hbm>>, %arg3: memref<128xf32, #tpu.memory_space<hbm>>, %arg4: memref<4x1536x8x512xf32, #tpu.memory_space<hbm>>, %arg5: memref<128xf32, #tpu.memory_space<vmem>>, %arg6: memref<16xi32, #tpu.memory_space<vmem>>, %arg7: memref<16xf32, #tpu.memory_space<vmem>>, %arg8: memref<128xi32, #tpu.memory_space<vmem>>, %arg9: memref<128xf32, #tpu.memory_space<vmem>>, %arg10: memref<15x8x512xf32, #tpu.memory_space<vmem>>, %arg11: memref<8x8x512xf32, #tpu.memory_space<vmem>>, %arg12: memref<!tpu.dma_semaphore, #tpu.memory_space<semaphore_mem>>, %arg13: memref<!tpu.dma_semaphore, #tpu.memory_space<semaphore_mem>>) attributes {dimension_semantics = [#tpu.dimension_semantics<core_parallel>, #tpu.dimension_semantics<subcore_parallel>], iteration_bounds = array<i64: 2, 16>, scalar_prefetch = 0 : i64, scratch_operands = 9 : i64, tpu.core_type = #tpu.core_type<sc_vector_subcore>, window_params = [{transform_indices = #map}, {transform_indices = #map1}, {transform_indices = #map}]} {
    %mul3A = arith.constant 2 : i32
    %mul3A_0 = arith.muli %arg1, %mul3A : i32
    %add3A = arith.addi %mul3A_0, %arg0 : i32
    %mul3A_1 = arith.constant 3 : i32
    %mul3A_2 = arith.muli %add3A, %mul3A_1 : i32
    %jit3A = arith.constant 24 : i32
    %div3A = arith.divsi %mul3A_2, %jit3A : i32
    %sign3A = arith.constant 0 : i32
    %sign3A_3 = arith.cmpi sgt, %mul3A_2, %sign3A : i32
    %sign3A_4 = arith.extui %sign3A_3 : i1 to i32
    %sign3A_5 = arith.constant 0 : i32
    %sign3A_6 = arith.cmpi slt, %mul3A_2, %sign3A_5 : i32
    %sign3A_7 = arith.extui %sign3A_6 : i1 to i32
    %sign3A_8 = arith.subi %sign3A_4, %sign3A_7 : i32
    %sign3A_9 = arith.constant 0 : i32
    %sign3A_10 = arith.cmpi sgt, %jit3A, %sign3A_9 : i32
    %sign3A_11 = arith.extui %sign3A_10 : i1 to i32
    %sign3A_12 = arith.constant 0 : i32
    %sign3A_13 = arith.cmpi slt, %jit3A, %sign3A_12 : i32
    %sign3A_14 = arith.extui %sign3A_13 : i1 to i32
    %sign3A_15 = arith.subi %sign3A_11, %sign3A_14 : i32
    %ne3A = arith.cmpi ne, %sign3A_8, %sign3A_15 : i32
    %rem3A = arith.remsi %mul3A_2, %jit3A : i32
    %ne3A_16 = arith.constant 0 : i32
    %ne3A_17 = arith.cmpi ne, %rem3A, %ne3A_16 : i32
    %and3A = arith.andi %ne3A, %ne3A_17 : i1
    %sub3A = arith.constant 1 : i32
    %sub3A_18 = arith.subi %div3A, %sub3A : i32
    %select_n3A = arith.select %and3A, %sub3A_18, %div3A : i32
    %mul3A_19 = arith.constant 24 : i32
    %mul3A_20 = arith.muli %select_n3A, %mul3A_19 : i32
    %sub3A_21 = arith.subi %mul3A_2, %mul3A_20 : i32
    %mul3A_22 = arith.constant 8 : i32
    %mul3A_23 = arith.muli %sub3A_21, %mul3A_22 : i32
    %dma_start3A = arith.constant 0 : i32
    %dma_start3A_24 = arith.constant 0 : i32
    %dma_start3A_25 = arith.constant 0 : i32
    %dma_start3A_26 = arith.constant 0 : i32
    %dma_start3A_27 = tpu.memref_slice %arg10[%dma_start3A_24, %dma_start3A_25, %dma_start3A_26] : memref<15x8x512xf32, #tpu.memory_space<vmem>> -> memref<1x8x512xf32, #tpu.memory_space<vmem>>
    %dma_start3A_28 = tpu.memref_squeeze %dma_start3A_27 : memref<1x8x512xf32, #tpu.memory_space<vmem>> -> memref<8x512xf32, #tpu.memory_space<vmem>>
    %dma_start3A_29 = arith.constant 0 : i32
    %dma_start3A_30 = tpu.memref_slice %arg2[%select_n3A, %dma_start3A, %mul3A_23, %dma_start3A_29] : memref<4x15x192x512xf32, #tpu.memory_space<hbm>> -> memref<1x1x8x512xf32, #tpu.memory_space<hbm>>
    %dma_start3A_31 = tpu.memref_squeeze %dma_start3A_30 : memref<1x1x8x512xf32, #tpu.memory_space<hbm>> -> memref<8x512xf32, #tpu.memory_space<hbm>>
    %dma_start3A_32 = arith.constant 0 : i32
    %dma_start3A_33 = arith.constant 0 : i32
    %dma_start3A_34 = tpu.memref_slice %arg10[%dma_start3A_24, %dma_start3A_32, %dma_start3A_33] : memref<15x8x512xf32, #tpu.memory_space<vmem>> -> memref<1x8x512xf32, #tpu.memory_space<vmem>>
    %dma_start3A_35 = tpu.memref_squeeze %dma_start3A_34 : memref<1x8x512xf32, #tpu.memory_space<vmem>> -> memref<8x512xf32, #tpu.memory_space<vmem>>
    %dma_start3A_36 = arith.constant 0 : i32
    %dma_start3A_37 = tpu.memref_slice %arg2[%select_n3A, %dma_start3A, %mul3A_23, %dma_start3A_36] : memref<4x15x192x512xf32, #tpu.memory_space<hbm>> -> memref<1x1x8x512xf32, #tpu.memory_space<hbm>>
    %dma_start3A_38 = tpu.memref_squeeze %dma_start3A_37 : memref<1x1x8x512xf32, #tpu.memory_space<hbm>> -> memref<8x512xf32, #tpu.memory_space<hbm>>
    tpu.enqueue_dma source(%dma_start3A_38 : memref<8x512xf32, #tpu.memory_space<hbm>>) target(%dma_start3A_35 : memref<8x512xf32, #tpu.memory_space<vmem>>) target_semaphore(%arg12 : memref<!tpu.dma_semaphore, #tpu.memory_space<semaphore_mem>>)
    %dma_start3A_39 = arith.constant 1 : i32
    %dma_start3A_40 = arith.constant 1 : i32
    %dma_start3A_41 = arith.constant 0 : i32
    %dma_start3A_42 = arith.constant 0 : i32
    %dma_start3A_43 = tpu.memref_slice %arg10[%dma_start3A_40, %dma_start3A_41, %dma_start3A_42] : memref<15x8x512xf32, #tpu.memory_space<vmem>> -> memref<1x8x512xf32, #tpu.memory_space<vmem>>
    %dma_start3A_44 = tpu.memref_squeeze %dma_start3A_43 : memref<1x8x512xf32, #tpu.memory_space<vmem>> -> memref<8x512xf32, #tpu.memory_space<vmem>>
    %dma_start3A_45 = arith.constant 0 : i32
    %dma_start3A_46 = tpu.memref_slice %arg2[%select_n3A, %dma_start3A_39, %mul3A_23, %dma_start3A_45] : memref<4x15x192x512xf32, #tpu.memory_space<hbm>> -> memref<1x1x8x512xf32, #tpu.memory_space<hbm>>
    %dma_start3A_47 = tpu.memref_squeeze %dma_start3A_46 : memref<1x1x8x512xf32, #tpu.memory_space<hbm>> -> memref<8x512xf32, #tpu.memory_space<hbm>>
    %dma_start3A_48 = arith.constant 0 : i32
    %dma_start3A_49 = arith.constant 0 : i32
    %dma_start3A_50 = tpu.memref_slice %arg10[%dma_start3A_40, %dma_start3A_48, %dma_start3A_49] : memref<15x8x512xf32, #tpu.memory_space<vmem>> -> memref<1x8x512xf32, #tpu.memory_space<vmem>>
    %dma_start3A_51 = tpu.memref_squeeze %dma_start3A_50 : memref<1x8x512xf32, #tpu.memory_space<vmem>> -> memref<8x512xf32, #tpu.memory_space<vmem>>
    %dma_start3A_52 = arith.constant 0 : i32
    %dma_start3A_53 = tpu.memref_slice %arg2[%select_n3A, %dma_start3A_39, %mul3A_23, %dma_start3A_52] : memref<4x15x192x512xf32, #tpu.memory_space<hbm>> -> memref<1x1x8x512xf32, #tpu.memory_space<hbm>>
    %dma_start3A_54 = tpu.memref_squeeze %dma_start3A_53 : memref<1x1x8x512xf32, #tpu.memory_space<hbm>> -> memref<8x512xf32, #tpu.memory_space<hbm>>
    tpu.enqueue_dma source(%dma_start3A_54 : memref<8x512xf32, #tpu.memory_space<hbm>>) target(%dma_start3A_51 : memref<8x512xf32, #tpu.memory_space<vmem>>) target_semaphore(%arg12 : memref<!tpu.dma_semaphore, #tpu.memory_space<semaphore_mem>>)
    %dma_start3A_55 = arith.constant 2 : i32
    %dma_start3A_56 = arith.constant 2 : i32
    %dma_start3A_57 = arith.constant 0 : i32
    %dma_start3A_58 = arith.constant 0 : i32
    %dma_start3A_59 = tpu.memref_slice %arg10[%dma_start3A_56, %dma_start3A_57, %dma_start3A_58] : memref<15x8x512xf32, #tpu.memory_space<vmem>> -> memref<1x8x512xf32, #tpu.memory_space<vmem>>
    %dma_start3A_60 = tpu.memref_squeeze %dma_start3A_59 : memref<1x8x512xf32, #tpu.memory_space<vmem>> -> memref<8x512xf32, #tpu.memory_space<vmem>>
    %dma_start3A_61 = arith.constant 0 : i32
    %dma_start3A_62 = tpu.memref_slice %arg2[%select_n3A, %dma_start3A_55, %mul3A_23, %dma_start3A_61] : memref<4x15x192x512xf32, #tpu.memory_space<hbm>> -> memref<1x1x8x512xf32, #tpu.memory_space<hbm>>
    %dma_start3A_63 = tpu.memref_squeeze %dma_start3A_62 : memref<1x1x8x512xf32, #tpu.memory_space<hbm>> -> memref<8x512xf32, #tpu.memory_space<hbm>>
    %dma_start3A_64 = arith.constant 0 : i32
    %dma_start3A_65 = arith.constant 0 : i32
    %dma_start3A_66 = tpu.memref_slice %arg10[%dma_start3A_56, %dma_start3A_64, %dma_start3A_65] : memref<15x8x512xf32, #tpu.memory_space<vmem>> -> memref<1x8x512xf32, #tpu.memory_space<vmem>>
    %dma_start3A_67 = tpu.memref_squeeze %dma_start3A_66 : memref<1x8x512xf32, #tpu.memory_space<vmem>> -> memref<8x512xf32, #tpu.memory_space<vmem>>
    %dma_start3A_68 = arith.constant 0 : i32
    %dma_start3A_69 = tpu.memref_slice %arg2[%select_n3A, %dma_start3A_55, %mul3A_23, %dma_start3A_68] : memref<4x15x192x512xf32, #tpu.memory_space<hbm>> -> memref<1x1x8x512xf32, #tpu.memory_space<hbm>>
    %dma_start3A_70 = tpu.memref_squeeze %dma_start3A_69 : memref<1x1x8x512xf32, #tpu.memory_space<hbm>> -> memref<8x512xf32, #tpu.memory_space<hbm>>
    tpu.enqueue_dma source(%dma_start3A_70 : memref<8x512xf32, #tpu.memory_space<hbm>>) target(%dma_start3A_67 : memref<8x512xf32, #tpu.memory_space<vmem>>) target_semaphore(%arg12 : memref<!tpu.dma_semaphore, #tpu.memory_space<semaphore_mem>>)
    %dma_start3A_71 = arith.constant 3 : i32
    %dma_start3A_72 = arith.constant 3 : i32
    %dma_start3A_73 = arith.constant 0 : i32
    %dma_start3A_74 = arith.constant 0 : i32
    %dma_start3A_75 = tpu.memref_slice %arg10[%dma_start3A_72, %dma_start3A_73, %dma_start3A_74] : memref<15x8x512xf32, #tpu.memory_space<vmem>> -> memref<1x8x512xf32, #tpu.memory_space<vmem>>
    %dma_start3A_76 = tpu.memref_squeeze %dma_start3A_75 : memref<1x8x512xf32, #tpu.memory_space<vmem>> -> memref<8x512xf32, #tpu.memory_space<vmem>>
    %dma_start3A_77 = arith.constant 0 : i32
    %dma_start3A_78 = tpu.memref_slice %arg2[%select_n3A, %dma_start3A_71, %mul3A_23, %dma_start3A_77] : memref<4x15x192x512xf32, #tpu.memory_space<hbm>> -> memref<1x1x8x512xf32, #tpu.memory_space<hbm>>
    %dma_start3A_79 = tpu.memref_squeeze %dma_start3A_78 : memref<1x1x8x512xf32, #tpu.memory_space<hbm>> -> memref<8x512xf32, #tpu.memory_space<hbm>>
    %dma_start3A_80 = arith.constant 0 : i32
    %dma_start3A_81 = arith.constant 0 : i32
    %dma_start3A_82 = tpu.memref_slice %arg10[%dma_start3A_72, %dma_start3A_80, %dma_start3A_81] : memref<15x8x512xf32, #tpu.memory_space<vmem>> -> memref<1x8x512xf32, #tpu.memory_space<vmem>>
    %dma_start3A_83 = tpu.memref_squeeze %dma_start3A_82 : memref<1x8x512xf32, #tpu.memory_space<vmem>> -> memref<8x512xf32, #tpu.memory_space<vmem>>
    %dma_start3A_84 = arith.constant 0 : i32
    %dma_start3A_85 = tpu.memref_slice %arg2[%select_n3A, %dma_start3A_71, %mul3A_23, %dma_start3A_84] : memref<4x15x192x512xf32, #tpu.memory_space<hbm>> -> memref<1x1x8x512xf32, #tpu.memory_space<hbm>>
    %dma_start3A_86 = tpu.memref_squeeze %dma_start3A_85 : memref<1x1x8x512xf32, #tpu.memory_space<hbm>> -> memref<8x512xf32, #tpu.memory_space<hbm>>
    tpu.enqueue_dma source(%dma_start3A_86 : memref<8x512xf32, #tpu.memory_space<hbm>>) target(%dma_start3A_83 : memref<8x512xf32, #tpu.memory_space<vmem>>) target_semaphore(%arg12 : memref<!tpu.dma_semaphore, #tpu.memory_space<semaphore_mem>>)
    %dma_start3A_87 = arith.constant 4 : i32
    %dma_start3A_88 = arith.constant 4 : i32
    %dma_start3A_89 = arith.constant 0 : i32
    %dma_start3A_90 = arith.constant 0 : i32
    %dma_start3A_91 = tpu.memref_slice %arg10[%dma_start3A_88, %dma_start3A_89, %dma_start3A_90] : memref<15x8x512xf32, #tpu.memory_space<vmem>> -> memref<1x8x512xf32, #tpu.memory_space<vmem>>
    %dma_start3A_92 = tpu.memref_squeeze %dma_start3A_91 : memref<1x8x512xf32, #tpu.memory_space<vmem>> -> memref<8x512xf32, #tpu.memory_space<vmem>>
    %dma_start3A_93 = arith.constant 0 : i32
    %dma_start3A_94 = tpu.memref_slice %arg2[%select_n3A, %dma_start3A_87, %mul3A_23, %dma_start3A_93] : memref<4x15x192x512xf32, #tpu.memory_space<hbm>> -> memref<1x1x8x512xf32, #tpu.memory_space<hbm>>
    %dma_start3A_95 = tpu.memref_squeeze %dma_start3A_94 : memref<1x1x8x512xf32, #tpu.memory_space<hbm>> -> memref<8x512xf32, #tpu.memory_space<hbm>>
    %dma_start3A_96 = arith.constant 0 : i32
    %dma_start3A_97 = arith.constant 0 : i32
    %dma_start3A_98 = tpu.memref_slice %arg10[%dma_start3A_88, %dma_start3A_96, %dma_start3A_97] : memref<15x8x512xf32, #tpu.memory_space<vmem>> -> memref<1x8x512xf32, #tpu.memory_space<vmem>>
    %dma_start3A_99 = tpu.memref_squeeze %dma_start3A_98 : memref<1x8x512xf32, #tpu.memory_space<vmem>> -> memref<8x512xf32, #tpu.memory_space<vmem>>
    %dma_start3A_100 = arith.constant 0 : i32
    %dma_start3A_101 = tpu.memref_slice %arg2[%select_n3A, %dma_start3A_87, %mul3A_23, %dma_start3A_100] : memref<4x15x192x512xf32, #tpu.memory_space<hbm>> -> memref<1x1x8x512xf32, #tpu.memory_space<hbm>>
    %dma_start3A_102 = tpu.memref_squeeze %dma_start3A_101 : memref<1x1x8x512xf32, #tpu.memory_space<hbm>> -> memref<8x512xf32, #tpu.memory_space<hbm>>
    tpu.enqueue_dma source(%dma_start3A_102 : memref<8x512xf32, #tpu.memory_space<hbm>>) target(%dma_start3A_99 : memref<8x512xf32, #tpu.memory_space<vmem>>) target_semaphore(%arg12 : memref<!tpu.dma_semaphore, #tpu.memory_space<semaphore_mem>>)
    %dma_start3A_103 = arith.constant 5 : i32
    %dma_start3A_104 = arith.constant 5 : i32
    %dma_start3A_105 = arith.constant 0 : i32
    %dma_start3A_106 = arith.constant 0 : i32
    %dma_start3A_107 = tpu.memref_slice %arg10[%dma_start3A_104, %dma_start3A_105, %dma_start3A_106] : memref<15x8x512xf32, #tpu.memory_space<vmem>> -> memref<1x8x512xf32, #tpu.memory_space<vmem>>
    %dma_start3A_108 = tpu.memref_squeeze %dma_start3A_107 : memref<1x8x512xf32, #tpu.memory_space<vmem>> -> memref<8x512xf32, #tpu.memory_space<vmem>>
    %dma_start3A_109 = arith.constant 0 : i32
    %dma_start3A_110 = tpu.memref_slice %arg2[%select_n3A, %dma_start3A_103, %mul3A_23, %dma_start3A_109] : memref<4x15x192x512xf32, #tpu.memory_space<hbm>> -> memref<1x1x8x512xf32, #tpu.memory_space<hbm>>
    %dma_start3A_111 = tpu.memref_squeeze %dma_start3A_110 : memref<1x1x8x512xf32, #tpu.memory_space<hbm>> -> memref<8x512xf32, #tpu.memory_space<hbm>>
    %dma_start3A_112 = arith.constant 0 : i32
    %dma_start3A_113 = arith.constant 0 : i32
    %dma_start3A_114 = tpu.memref_slice %arg10[%dma_start3A_104, %dma_start3A_112, %dma_start3A_113] : memref<15x8x512xf32, #tpu.memory_space<vmem>> -> memref<1x8x512xf32, #tpu.memory_space<vmem>>
    %dma_start3A_115 = tpu.memref_squeeze %dma_start3A_114 : memref<1x8x512xf32, #tpu.memory_space<vmem>> -> memref<8x512xf32, #tpu.memory_space<vmem>>
    %dma_start3A_116 = arith.constant 0 : i32
    %dma_start3A_117 = tpu.memref_slice %arg2[%select_n3A, %dma_start3A_103, %mul3A_23, %dma_start3A_116] : memref<4x15x192x512xf32, #tpu.memory_space<hbm>> -> memref<1x1x8x512xf32, #tpu.memory_space<hbm>>
    %dma_start3A_118 = tpu.memref_squeeze %dma_start3A_117 : memref<1x1x8x512xf32, #tpu.memory_space<hbm>> -> memref<8x512xf32, #tpu.memory_space<hbm>>
    tpu.enqueue_dma source(%dma_start3A_118 : memref<8x512xf32, #tpu.memory_space<hbm>>) target(%dma_start3A_115 : memref<8x512xf32, #tpu.memory_space<vmem>>) target_semaphore(%arg12 : memref<!tpu.dma_semaphore, #tpu.memory_space<semaphore_mem>>)
    %dma_start3A_119 = arith.constant 6 : i32
    %dma_start3A_120 = arith.constant 6 : i32
    %dma_start3A_121 = arith.constant 0 : i32
    %dma_start3A_122 = arith.constant 0 : i32
    %dma_start3A_123 = tpu.memref_slice %arg10[%dma_start3A_120, %dma_start3A_121, %dma_start3A_122] : memref<15x8x512xf32, #tpu.memory_space<vmem>> -> memref<1x8x512xf32, #tpu.memory_space<vmem>>
    %dma_start3A_124 = tpu.memref_squeeze %dma_start3A_123 : memref<1x8x512xf32, #tpu.memory_space<vmem>> -> memref<8x512xf32, #tpu.memory_space<vmem>>
    %dma_start3A_125 = arith.constant 0 : i32
    %dma_start3A_126 = tpu.memref_slice %arg2[%select_n3A, %dma_start3A_119, %mul3A_23, %dma_start3A_125] : memref<4x15x192x512xf32, #tpu.memory_space<hbm>> -> memref<1x1x8x512xf32, #tpu.memory_space<hbm>>
    %dma_start3A_127 = tpu.memref_squeeze %dma_start3A_126 : memref<1x1x8x512xf32, #tpu.memory_space<hbm>> -> memref<8x512xf32, #tpu.memory_space<hbm>>
    %dma_start3A_128 = arith.constant 0 : i32
    %dma_start3A_129 = arith.constant 0 : i32
    %dma_start3A_130 = tpu.memref_slice %arg10[%dma_start3A_120, %dma_start3A_128, %dma_start3A_129] : memref<15x8x512xf32, #tpu.memory_space<vmem>> -> memref<1x8x512xf32, #tpu.memory_space<vmem>>
    %dma_start3A_131 = tpu.memref_squeeze %dma_start3A_130 : memref<1x8x512xf32, #tpu.memory_space<vmem>> -> memref<8x512xf32, #tpu.memory_space<vmem>>
    %dma_start3A_132 = arith.constant 0 : i32
    %dma_start3A_133 = tpu.memref_slice %arg2[%select_n3A, %dma_start3A_119, %mul3A_23, %dma_start3A_132] : memref<4x15x192x512xf32, #tpu.memory_space<hbm>> -> memref<1x1x8x512xf32, #tpu.memory_space<hbm>>
    %dma_start3A_134 = tpu.memref_squeeze %dma_start3A_133 : memref<1x1x8x512xf32, #tpu.memory_space<hbm>> -> memref<8x512xf32, #tpu.memory_space<hbm>>
    tpu.enqueue_dma source(%dma_start3A_134 : memref<8x512xf32, #tpu.memory_space<hbm>>) target(%dma_start3A_131 : memref<8x512xf32, #tpu.memory_space<vmem>>) target_semaphore(%arg12 : memref<!tpu.dma_semaphore, #tpu.memory_space<semaphore_mem>>)
    %dma_start3A_135 = arith.constant 7 : i32
    %dma_start3A_136 = arith.constant 7 : i32
    %dma_start3A_137 = arith.constant 0 : i32
    %dma_start3A_138 = arith.constant 0 : i32
    %dma_start3A_139 = tpu.memref_slice %arg10[%dma_start3A_136, %dma_start3A_137, %dma_start3A_138] : memref<15x8x512xf32, #tpu.memory_space<vmem>> -> memref<1x8x512xf32, #tpu.memory_space<vmem>>
    %dma_start3A_140 = tpu.memref_squeeze %dma_start3A_139 : memref<1x8x512xf32, #tpu.memory_space<vmem>> -> memref<8x512xf32, #tpu.memory_space<vmem>>
    %dma_start3A_141 = arith.constant 0 : i32
    %dma_start3A_142 = tpu.memref_slice %arg2[%select_n3A, %dma_start3A_135, %mul3A_23, %dma_start3A_141] : memref<4x15x192x512xf32, #tpu.memory_space<hbm>> -> memref<1x1x8x512xf32, #tpu.memory_space<hbm>>
    %dma_start3A_143 = tpu.memref_squeeze %dma_start3A_142 : memref<1x1x8x512xf32, #tpu.memory_space<hbm>> -> memref<8x512xf32, #tpu.memory_space<hbm>>
    %dma_start3A_144 = arith.constant 0 : i32
    %dma_start3A_145 = arith.constant 0 : i32
    %dma_start3A_146 = tpu.memref_slice %arg10[%dma_start3A_136, %dma_start3A_144, %dma_start3A_145] : memref<15x8x512xf32, #tpu.memory_space<vmem>> -> memref<1x8x512xf32, #tpu.memory_space<vmem>>
    %dma_start3A_147 = tpu.memref_squeeze %dma_start3A_146 : memref<1x8x512xf32, #tpu.memory_space<vmem>> -> memref<8x512xf32, #tpu.memory_space<vmem>>
    %dma_start3A_148 = arith.constant 0 : i32
    %dma_start3A_149 = tpu.memref_slice %arg2[%select_n3A, %dma_start3A_135, %mul3A_23, %dma_start3A_148] : memref<4x15x192x512xf32, #tpu.memory_space<hbm>> -> memref<1x1x8x512xf32, #tpu.memory_space<hbm>>
    %dma_start3A_150 = tpu.memref_squeeze %dma_start3A_149 : memref<1x1x8x512xf32, #tpu.memory_space<hbm>> -> memref<8x512xf32, #tpu.memory_space<hbm>>
    tpu.enqueue_dma source(%dma_start3A_150 : memref<8x512xf32, #tpu.memory_space<hbm>>) target(%dma_start3A_147 : memref<8x512xf32, #tpu.memory_space<vmem>>) target_semaphore(%arg12 : memref<!tpu.dma_semaphore, #tpu.memory_space<semaphore_mem>>)
    %dma_start3A_151 = arith.constant 8 : i32
    %dma_start3A_152 = arith.constant 8 : i32
    %dma_start3A_153 = arith.constant 0 : i32
    %dma_start3A_154 = arith.constant 0 : i32
    %dma_start3A_155 = tpu.memref_slice %arg10[%dma_start3A_152, %dma_start3A_153, %dma_start3A_154] : memref<15x8x512xf32, #tpu.memory_space<vmem>> -> memref<1x8x512xf32, #tpu.memory_space<vmem>>
    %dma_start3A_156 = tpu.memref_squeeze %dma_start3A_155 : memref<1x8x512xf32, #tpu.memory_space<vmem>> -> memref<8x512xf32, #tpu.memory_space<vmem>>
    %dma_start3A_157 = arith.constant 0 : i32
    %dma_start3A_158 = tpu.memref_slice %arg2[%select_n3A, %dma_start3A_151, %mul3A_23, %dma_start3A_157] : memref<4x15x192x512xf32, #tpu.memory_space<hbm>> -> memref<1x1x8x512xf32, #tpu.memory_space<hbm>>
    %dma_start3A_159 = tpu.memref_squeeze %dma_start3A_158 : memref<1x1x8x512xf32, #tpu.memory_space<hbm>> -> memref<8x512xf32, #tpu.memory_space<hbm>>
    %dma_start3A_160 = arith.constant 0 : i32
    %dma_start3A_161 = arith.constant 0 : i32
    %dma_start3A_162 = tpu.memref_slice %arg10[%dma_start3A_152, %dma_start3A_160, %dma_start3A_161] : memref<15x8x512xf32, #tpu.memory_space<vmem>> -> memref<1x8x512xf32, #tpu.memory_space<vmem>>
    %dma_start3A_163 = tpu.memref_squeeze %dma_start3A_162 : memref<1x8x512xf32, #tpu.memory_space<vmem>> -> memref<8x512xf32, #tpu.memory_space<vmem>>
    %dma_start3A_164 = arith.constant 0 : i32
    %dma_start3A_165 = tpu.memref_slice %arg2[%select_n3A, %dma_start3A_151, %mul3A_23, %dma_start3A_164] : memref<4x15x192x512xf32, #tpu.memory_space<hbm>> -> memref<1x1x8x512xf32, #tpu.memory_space<hbm>>
    %dma_start3A_166 = tpu.memref_squeeze %dma_start3A_165 : memref<1x1x8x512xf32, #tpu.memory_space<hbm>> -> memref<8x512xf32, #tpu.memory_space<hbm>>
    tpu.enqueue_dma source(%dma_start3A_166 : memref<8x512xf32, #tpu.memory_space<hbm>>) target(%dma_start3A_163 : memref<8x512xf32, #tpu.memory_space<vmem>>) target_semaphore(%arg12 : memref<!tpu.dma_semaphore, #tpu.memory_space<semaphore_mem>>)
    %dma_start3A_167 = arith.constant 9 : i32
    %dma_start3A_168 = arith.constant 9 : i32
    %dma_start3A_169 = arith.constant 0 : i32
    %dma_start3A_170 = arith.constant 0 : i32
    %dma_start3A_171 = tpu.memref_slice %arg10[%dma_start3A_168, %dma_start3A_169, %dma_start3A_170] : memref<15x8x512xf32, #tpu.memory_space<vmem>> -> memref<1x8x512xf32, #tpu.memory_space<vmem>>
    %dma_start3A_172 = tpu.memref_squeeze %dma_start3A_171 : memref<1x8x512xf32, #tpu.memory_space<vmem>> -> memref<8x512xf32, #tpu.memory_space<vmem>>
    %dma_start3A_173 = arith.constant 0 : i32
    %dma_start3A_174 = tpu.memref_slice %arg2[%select_n3A, %dma_start3A_167, %mul3A_23, %dma_start3A_173] : memref<4x15x192x512xf32, #tpu.memory_space<hbm>> -> memref<1x1x8x512xf32, #tpu.memory_space<hbm>>
    %dma_start3A_175 = tpu.memref_squeeze %dma_start3A_174 : memref<1x1x8x512xf32, #tpu.memory_space<hbm>> -> memref<8x512xf32, #tpu.memory_space<hbm>>
    %dma_start3A_176 = arith.constant 0 : i32
    %dma_start3A_177 = arith.constant 0 : i32
    %dma_start3A_178 = tpu.memref_slice %arg10[%dma_start3A_168, %dma_start3A_176, %dma_start3A_177] : memref<15x8x512xf32, #tpu.memory_space<vmem>> -> memref<1x8x512xf32, #tpu.memory_space<vmem>>
    %dma_start3A_179 = tpu.memref_squeeze %dma_start3A_178 : memref<1x8x512xf32, #tpu.memory_space<vmem>> -> memref<8x512xf32, #tpu.memory_space<vmem>>
    %dma_start3A_180 = arith.constant 0 : i32
    %dma_start3A_181 = tpu.memref_slice %arg2[%select_n3A, %dma_start3A_167, %mul3A_23, %dma_start3A_180] : memref<4x15x192x512xf32, #tpu.memory_space<hbm>> -> memref<1x1x8x512xf32, #tpu.memory_space<hbm>>
    %dma_start3A_182 = tpu.memref_squeeze %dma_start3A_181 : memref<1x1x8x512xf32, #tpu.memory_space<hbm>> -> memref<8x512xf32, #tpu.memory_space<hbm>>
    tpu.enqueue_dma source(%dma_start3A_182 : memref<8x512xf32, #tpu.memory_space<hbm>>) target(%dma_start3A_179 : memref<8x512xf32, #tpu.memory_space<vmem>>) target_semaphore(%arg12 : memref<!tpu.dma_semaphore, #tpu.memory_space<semaphore_mem>>)
    %dma_start3A_183 = arith.constant 10 : i32
    %dma_start3A_184 = arith.constant 10 : i32
    %dma_start3A_185 = arith.constant 0 : i32
    %dma_start3A_186 = arith.constant 0 : i32
    %dma_start3A_187 = tpu.memref_slice %arg10[%dma_start3A_184, %dma_start3A_185, %dma_start3A_186] : memref<15x8x512xf32, #tpu.memory_space<vmem>> -> memref<1x8x512xf32, #tpu.memory_space<vmem>>
    %dma_start3A_188 = tpu.memref_squeeze %dma_start3A_187 : memref<1x8x512xf32, #tpu.memory_space<vmem>> -> memref<8x512xf32, #tpu.memory_space<vmem>>
    %dma_start3A_189 = arith.constant 0 : i32
    %dma_start3A_190 = tpu.memref_slice %arg2[%select_n3A, %dma_start3A_183, %mul3A_23, %dma_start3A_189] : memref<4x15x192x512xf32, #tpu.memory_space<hbm>> -> memref<1x1x8x512xf32, #tpu.memory_space<hbm>>
    %dma_start3A_191 = tpu.memref_squeeze %dma_start3A_190 : memref<1x1x8x512xf32, #tpu.memory_space<hbm>> -> memref<8x512xf32, #tpu.memory_space<hbm>>
    %dma_start3A_192 = arith.constant 0 : i32
    %dma_start3A_193 = arith.constant 0 : i32
    %dma_start3A_194 = tpu.memref_slice %arg10[%dma_start3A_184, %dma_start3A_192, %dma_start3A_193] : memref<15x8x512xf32, #tpu.memory_space<vmem>> -> memref<1x8x512xf32, #tpu.memory_space<vmem>>
    %dma_start3A_195 = tpu.memref_squeeze %dma_start3A_194 : memref<1x8x512xf32, #tpu.memory_space<vmem>> -> memref<8x512xf32, #tpu.memory_space<vmem>>
    %dma_start3A_196 = arith.constant 0 : i32
    %dma_start3A_197 = tpu.memref_slice %arg2[%select_n3A, %dma_start3A_183, %mul3A_23, %dma_start3A_196] : memref<4x15x192x512xf32, #tpu.memory_space<hbm>> -> memref<1x1x8x512xf32, #tpu.memory_space<hbm>>
    %dma_start3A_198 = tpu.memref_squeeze %dma_start3A_197 : memref<1x1x8x512xf32, #tpu.memory_space<hbm>> -> memref<8x512xf32, #tpu.memory_space<hbm>>
    tpu.enqueue_dma source(%dma_start3A_198 : memref<8x512xf32, #tpu.memory_space<hbm>>) target(%dma_start3A_195 : memref<8x512xf32, #tpu.memory_space<vmem>>) target_semaphore(%arg12 : memref<!tpu.dma_semaphore, #tpu.memory_space<semaphore_mem>>)
    %dma_start3A_199 = arith.constant 11 : i32
    %dma_start3A_200 = arith.constant 11 : i32
    %dma_start3A_201 = arith.constant 0 : i32
    %dma_start3A_202 = arith.constant 0 : i32
    %dma_start3A_203 = tpu.memref_slice %arg10[%dma_start3A_200, %dma_start3A_201, %dma_start3A_202] : memref<15x8x512xf32, #tpu.memory_space<vmem>> -> memref<1x8x512xf32, #tpu.memory_space<vmem>>
    %dma_start3A_204 = tpu.memref_squeeze %dma_start3A_203 : memref<1x8x512xf32, #tpu.memory_space<vmem>> -> memref<8x512xf32, #tpu.memory_space<vmem>>
    %dma_start3A_205 = arith.constant 0 : i32
    %dma_start3A_206 = tpu.memref_slice %arg2[%select_n3A, %dma_start3A_199, %mul3A_23, %dma_start3A_205] : memref<4x15x192x512xf32, #tpu.memory_space<hbm>> -> memref<1x1x8x512xf32, #tpu.memory_space<hbm>>
    %dma_start3A_207 = tpu.memref_squeeze %dma_start3A_206 : memref<1x1x8x512xf32, #tpu.memory_space<hbm>> -> memref<8x512xf32, #tpu.memory_space<hbm>>
    %dma_start3A_208 = arith.constant 0 : i32
    %dma_start3A_209 = arith.constant 0 : i32
    %dma_start3A_210 = tpu.memref_slice %arg10[%dma_start3A_200, %dma_start3A_208, %dma_start3A_209] : memref<15x8x512xf32, #tpu.memory_space<vmem>> -> memref<1x8x512xf32, #tpu.memory_space<vmem>>
    %dma_start3A_211 = tpu.memref_squeeze %dma_start3A_210 : memref<1x8x512xf32, #tpu.memory_space<vmem>> -> memref<8x512xf32, #tpu.memory_space<vmem>>
    %dma_start3A_212 = arith.constant 0 : i32
    %dma_start3A_213 = tpu.memref_slice %arg2[%select_n3A, %dma_start3A_199, %mul3A_23, %dma_start3A_212] : memref<4x15x192x512xf32, #tpu.memory_space<hbm>> -> memref<1x1x8x512xf32, #tpu.memory_space<hbm>>
    %dma_start3A_214 = tpu.memref_squeeze %dma_start3A_213 : memref<1x1x8x512xf32, #tpu.memory_space<hbm>> -> memref<8x512xf32, #tpu.memory_space<hbm>>
    tpu.enqueue_dma source(%dma_start3A_214 : memref<8x512xf32, #tpu.memory_space<hbm>>) target(%dma_start3A_211 : memref<8x512xf32, #tpu.memory_space<vmem>>) target_semaphore(%arg12 : memref<!tpu.dma_semaphore, #tpu.memory_space<semaphore_mem>>)
    %dma_start3A_215 = arith.constant 12 : i32
    %dma_start3A_216 = arith.constant 12 : i32
    %dma_start3A_217 = arith.constant 0 : i32
    %dma_start3A_218 = arith.constant 0 : i32
    %dma_start3A_219 = tpu.memref_slice %arg10[%dma_start3A_216, %dma_start3A_217, %dma_start3A_218] : memref<15x8x512xf32, #tpu.memory_space<vmem>> -> memref<1x8x512xf32, #tpu.memory_space<vmem>>
    %dma_start3A_220 = tpu.memref_squeeze %dma_start3A_219 : memref<1x8x512xf32, #tpu.memory_space<vmem>> -> memref<8x512xf32, #tpu.memory_space<vmem>>
    %dma_start3A_221 = arith.constant 0 : i32
    %dma_start3A_222 = tpu.memref_slice %arg2[%select_n3A, %dma_start3A_215, %mul3A_23, %dma_start3A_221] : memref<4x15x192x512xf32, #tpu.memory_space<hbm>> -> memref<1x1x8x512xf32, #tpu.memory_space<hbm>>
    %dma_start3A_223 = tpu.memref_squeeze %dma_start3A_222 : memref<1x1x8x512xf32, #tpu.memory_space<hbm>> -> memref<8x512xf32, #tpu.memory_space<hbm>>
    %dma_start3A_224 = arith.constant 0 : i32
    %dma_start3A_225 = arith.constant 0 : i32
    %dma_start3A_226 = tpu.memref_slice %arg10[%dma_start3A_216, %dma_start3A_224, %dma_start3A_225] : memref<15x8x512xf32, #tpu.memory_space<vmem>> -> memref<1x8x512xf32, #tpu.memory_space<vmem>>
    %dma_start3A_227 = tpu.memref_squeeze %dma_start3A_226 : memref<1x8x512xf32, #tpu.memory_space<vmem>> -> memref<8x512xf32, #tpu.memory_space<vmem>>
    %dma_start3A_228 = arith.constant 0 : i32
    %dma_start3A_229 = tpu.memref_slice %arg2[%select_n3A, %dma_start3A_215, %mul3A_23, %dma_start3A_228] : memref<4x15x192x512xf32, #tpu.memory_space<hbm>> -> memref<1x1x8x512xf32, #tpu.memory_space<hbm>>
    %dma_start3A_230 = tpu.memref_squeeze %dma_start3A_229 : memref<1x1x8x512xf32, #tpu.memory_space<hbm>> -> memref<8x512xf32, #tpu.memory_space<hbm>>
    tpu.enqueue_dma source(%dma_start3A_230 : memref<8x512xf32, #tpu.memory_space<hbm>>) target(%dma_start3A_227 : memref<8x512xf32, #tpu.memory_space<vmem>>) target_semaphore(%arg12 : memref<!tpu.dma_semaphore, #tpu.memory_space<semaphore_mem>>)
    %dma_start3A_231 = arith.constant 13 : i32
    %dma_start3A_232 = arith.constant 13 : i32
    %dma_start3A_233 = arith.constant 0 : i32
    %dma_start3A_234 = arith.constant 0 : i32
    %dma_start3A_235 = tpu.memref_slice %arg10[%dma_start3A_232, %dma_start3A_233, %dma_start3A_234] : memref<15x8x512xf32, #tpu.memory_space<vmem>> -> memref<1x8x512xf32, #tpu.memory_space<vmem>>
    %dma_start3A_236 = tpu.memref_squeeze %dma_start3A_235 : memref<1x8x512xf32, #tpu.memory_space<vmem>> -> memref<8x512xf32, #tpu.memory_space<vmem>>
    %dma_start3A_237 = arith.constant 0 : i32
    %dma_start3A_238 = tpu.memref_slice %arg2[%select_n3A, %dma_start3A_231, %mul3A_23, %dma_start3A_237] : memref<4x15x192x512xf32, #tpu.memory_space<hbm>> -> memref<1x1x8x512xf32, #tpu.memory_space<hbm>>
    %dma_start3A_239 = tpu.memref_squeeze %dma_start3A_238 : memref<1x1x8x512xf32, #tpu.memory_space<hbm>> -> memref<8x512xf32, #tpu.memory_space<hbm>>
    %dma_start3A_240 = arith.constant 0 : i32
    %dma_start3A_241 = arith.constant 0 : i32
    %dma_start3A_242 = tpu.memref_slice %arg10[%dma_start3A_232, %dma_start3A_240, %dma_start3A_241] : memref<15x8x512xf32, #tpu.memory_space<vmem>> -> memref<1x8x512xf32, #tpu.memory_space<vmem>>
    %dma_start3A_243 = tpu.memref_squeeze %dma_start3A_242 : memref<1x8x512xf32, #tpu.memory_space<vmem>> -> memref<8x512xf32, #tpu.memory_space<vmem>>
    %dma_start3A_244 = arith.constant 0 : i32
    %dma_start3A_245 = tpu.memref_slice %arg2[%select_n3A, %dma_start3A_231, %mul3A_23, %dma_start3A_244] : memref<4x15x192x512xf32, #tpu.memory_space<hbm>> -> memref<1x1x8x512xf32, #tpu.memory_space<hbm>>
    %dma_start3A_246 = tpu.memref_squeeze %dma_start3A_245 : memref<1x1x8x512xf32, #tpu.memory_space<hbm>> -> memref<8x512xf32, #tpu.memory_space<hbm>>
    tpu.enqueue_dma source(%dma_start3A_246 : memref<8x512xf32, #tpu.memory_space<hbm>>) target(%dma_start3A_243 : memref<8x512xf32, #tpu.memory_space<vmem>>) target_semaphore(%arg12 : memref<!tpu.dma_semaphore, #tpu.memory_space<semaphore_mem>>)
    %dma_start3A_247 = arith.constant 14 : i32
    %dma_start3A_248 = arith.constant 14 : i32
    %dma_start3A_249 = arith.constant 0 : i32
    %dma_start3A_250 = arith.constant 0 : i32
    %dma_start3A_251 = tpu.memref_slice %arg10[%dma_start3A_248, %dma_start3A_249, %dma_start3A_250] : memref<15x8x512xf32, #tpu.memory_space<vmem>> -> memref<1x8x512xf32, #tpu.memory_space<vmem>>
    %dma_start3A_252 = tpu.memref_squeeze %dma_start3A_251 : memref<1x8x512xf32, #tpu.memory_space<vmem>> -> memref<8x512xf32, #tpu.memory_space<vmem>>
    %dma_start3A_253 = arith.constant 0 : i32
    %dma_start3A_254 = tpu.memref_slice %arg2[%select_n3A, %dma_start3A_247, %mul3A_23, %dma_start3A_253] : memref<4x15x192x512xf32, #tpu.memory_space<hbm>> -> memref<1x1x8x512xf32, #tpu.memory_space<hbm>>
    %dma_start3A_255 = tpu.memref_squeeze %dma_start3A_254 : memref<1x1x8x512xf32, #tpu.memory_space<hbm>> -> memref<8x512xf32, #tpu.memory_space<hbm>>
    %dma_start3A_256 = arith.constant 0 : i32
    %dma_start3A_257 = arith.constant 0 : i32
    %dma_start3A_258 = tpu.memref_slice %arg10[%dma_start3A_248, %dma_start3A_256, %dma_start3A_257] : memref<15x8x512xf32, #tpu.memory_space<vmem>> -> memref<1x8x512xf32, #tpu.memory_space<vmem>>
    %dma_start3A_259 = tpu.memref_squeeze %dma_start3A_258 : memref<1x8x512xf32, #tpu.memory_space<vmem>> -> memref<8x512xf32, #tpu.memory_space<vmem>>
    %dma_start3A_260 = arith.constant 0 : i32
    %dma_start3A_261 = tpu.memref_slice %arg2[%select_n3A, %dma_start3A_247, %mul3A_23, %dma_start3A_260] : memref<4x15x192x512xf32, #tpu.memory_space<hbm>> -> memref<1x1x8x512xf32, #tpu.memory_space<hbm>>
    %dma_start3A_262 = tpu.memref_squeeze %dma_start3A_261 : memref<1x1x8x512xf32, #tpu.memory_space<hbm>> -> memref<8x512xf32, #tpu.memory_space<hbm>>
    tpu.enqueue_dma source(%dma_start3A_262 : memref<8x512xf32, #tpu.memory_space<hbm>>) target(%dma_start3A_259 : memref<8x512xf32, #tpu.memory_space<vmem>>) target_semaphore(%arg12 : memref<!tpu.dma_semaphore, #tpu.memory_space<semaphore_mem>>)
    "tpu.region"() ({
      %run_scoped3A = tpu.sem_alloc : memref<!tpu.dma_semaphore, #tpu.memory_space<semaphore_mem>>
      tpu.enqueue_dma source(%arg3 : memref<128xf32, #tpu.memory_space<hbm>>) target(%arg5 : memref<128xf32, #tpu.memory_space<vmem>>) target_semaphore(%run_scoped3A : memref<!tpu.dma_semaphore, #tpu.memory_space<semaphore_mem>>)
      tpu.wait_dma2 semaphore(%run_scoped3A : memref<!tpu.dma_semaphore, #tpu.memory_space<semaphore_mem>>) src(%arg3 : memref<128xf32, #tpu.memory_space<hbm>>) dst(%arg5 : memref<128xf32, #tpu.memory_space<vmem>>)
      tpu.yield
    }) : () -> ()
    %iota3A = tpu.iota {dimensions = array<i32: 0>} : vector<16xi32>
    %and3A_263 = arith.constant 7 : i32
    %and3A_264 = vector.broadcast %and3A_263 : i32 to vector<16xi32>
    %and3A_265 = arith.andi %iota3A, %and3A_264 : vector<16xi32>
    %get3A = arith.constant 0 : index
    %get3A_266 = tpu.vector_load %arg5[%get3A] {strides = array<i32>} : memref<128xf32, #tpu.memory_space<vmem>>, vector<16xf32>,
    %broadcast_in_dim3A = arith.constant 0 : i32
    %broadcast_in_dim3A_267 = vector.broadcast %broadcast_in_dim3A : i32 to vector<16xi32>
    %slice3A = vector.extract_strided_slice %get3A_266 {offsets = [0], sizes = [1], strides = [1]} : vector<16xf32> to vector<1xf32>
    %squeeze3A = vector.extract %slice3A[0] : f32 from vector<1xf32>
    %broadcast_in_dim3A_268 = vector.broadcast %squeeze3A : f32 to vector<16xf32>
    %lt3A = arith.cmpf olt, %broadcast_in_dim3A_268, %get3A_266 : vector<16xf32>
    %eq3A = arith.cmpf oeq, %broadcast_in_dim3A_268, %get3A_266 : vector<16xf32>
    %gt3A = arith.constant 0 : i32
    %gt3A_269 = vector.broadcast %gt3A : i32 to vector<16xi32>
    %gt3A_270 = arith.cmpi sgt, %iota3A, %gt3A_269 : vector<16xi32>
    %and3A_271 = arith.andi %eq3A, %gt3A_270 : vector<16xi1>
    %or3A = arith.ori %lt3A, %and3A_271 : vector<16xi1>
    %convert_element_type3A = arith.extui %or3A : vector<16xi1> to vector<16xi32>
    %add3A_272 = arith.addi %broadcast_in_dim3A_267, %convert_element_type3A : vector<16xi32>
    %slice3A_273 = vector.extract_strided_slice %get3A_266 {offsets = [1], sizes = [1], strides = [1]} : vector<16xf32> to vector<1xf32>
    %squeeze3A_274 = vector.extract %slice3A_273[0] : f32 from vector<1xf32>
    %broadcast_in_dim3A_275 = vector.broadcast %squeeze3A_274 : f32 to vector<16xf32>
    %lt3A_276 = arith.cmpf olt, %broadcast_in_dim3A_275, %get3A_266 : vector<16xf32>
    %eq3A_277 = arith.cmpf oeq, %broadcast_in_dim3A_275, %get3A_266 : vector<16xf32>
    %gt3A_278 = arith.constant 1 : i32
    %gt3A_279 = vector.broadcast %gt3A_278 : i32 to vector<16xi32>
    %gt3A_280 = arith.cmpi sgt, %iota3A, %gt3A_279 : vector<16xi32>
    %and3A_281 = arith.andi %eq3A_277, %gt3A_280 : vector<16xi1>
    %or3A_282 = arith.ori %lt3A_276, %and3A_281 : vector<16xi1>
    %convert_element_type3A_283 = arith.extui %or3A_282 : vector<16xi1> to vector<16xi32>
    %add3A_284 = arith.addi %add3A_272, %convert_element_type3A_283 : vector<16xi32>
    %slice3A_285 = vector.extract_strided_slice %get3A_266 {offsets = [2], sizes = [1], strides = [1]} : vector<16xf32> to vector<1xf32>
    %squeeze3A_286 = vector.extract %slice3A_285[0] : f32 from vector<1xf32>
    %broadcast_in_dim3A_287 = vector.broadcast %squeeze3A_286 : f32 to vector<16xf32>
    %lt3A_288 = arith.cmpf olt, %broadcast_in_dim3A_287, %get3A_266 : vector<16xf32>
    %eq3A_289 = arith.cmpf oeq, %broadcast_in_dim3A_287, %get3A_266 : vector<16xf32>
    %gt3A_290 = arith.constant 2 : i32
    %gt3A_291 = vector.broadcast %gt3A_290 : i32 to vector<16xi32>
    %gt3A_292 = arith.cmpi sgt, %iota3A, %gt3A_291 : vector<16xi32>
    %and3A_293 = arith.andi %eq3A_289, %gt3A_292 : vector<16xi1>
    %or3A_294 = arith.ori %lt3A_288, %and3A_293 : vector<16xi1>
    %convert_element_type3A_295 = arith.extui %or3A_294 : vector<16xi1> to vector<16xi32>
    %add3A_296 = arith.addi %add3A_284, %convert_element_type3A_295 : vector<16xi32>
    %slice3A_297 = vector.extract_strided_slice %get3A_266 {offsets = [3], sizes = [1], strides = [1]} : vector<16xf32> to vector<1xf32>
    %squeeze3A_298 = vector.extract %slice3A_297[0] : f32 from vector<1xf32>
    %broadcast_in_dim3A_299 = vector.broadcast %squeeze3A_298 : f32 to vector<16xf32>
    %lt3A_300 = arith.cmpf olt, %broadcast_in_dim3A_299, %get3A_266 : vector<16xf32>
    %eq3A_301 = arith.cmpf oeq, %broadcast_in_dim3A_299, %get3A_266 : vector<16xf32>
    %gt3A_302 = arith.constant 3 : i32
    %gt3A_303 = vector.broadcast %gt3A_302 : i32 to vector<16xi32>
    %gt3A_304 = arith.cmpi sgt, %iota3A, %gt3A_303 : vector<16xi32>
    %and3A_305 = arith.andi %eq3A_301, %gt3A_304 : vector<16xi1>
    %or3A_306 = arith.ori %lt3A_300, %and3A_305 : vector<16xi1>
    %convert_element_type3A_307 = arith.extui %or3A_306 : vector<16xi1> to vector<16xi32>
    %add3A_308 = arith.addi %add3A_296, %convert_element_type3A_307 : vector<16xi32>
    %slice3A_309 = vector.extract_strided_slice %get3A_266 {offsets = [4], sizes = [1], strides = [1]} : vector<16xf32> to vector<1xf32>
    %squeeze3A_310 = vector.extract %slice3A_309[0] : f32 from vector<1xf32>
    %broadcast_in_dim3A_311 = vector.broadcast %squeeze3A_310 : f32 to vector<16xf32>
    %lt3A_312 = arith.cmpf olt, %broadcast_in_dim3A_311, %get3A_266 : vector<16xf32>
    %eq3A_313 = arith.cmpf oeq, %broadcast_in_dim3A_311, %get3A_266 : vector<16xf32>
    %gt3A_314 = arith.constant 4 : i32
    %gt3A_315 = vector.broadcast %gt3A_314 : i32 to vector<16xi32>
    %gt3A_316 = arith.cmpi sgt, %iota3A, %gt3A_315 : vector<16xi32>
    %and3A_317 = arith.andi %eq3A_313, %gt3A_316 : vector<16xi1>
    %or3A_318 = arith.ori %lt3A_312, %and3A_317 : vector<16xi1>
    %convert_element_type3A_319 = arith.extui %or3A_318 : vector<16xi1> to vector<16xi32>
    %add3A_320 = arith.addi %add3A_308, %convert_element_type3A_319 : vector<16xi32>
    %slice3A_321 = vector.extract_strided_slice %get3A_266 {offsets = [5], sizes = [1], strides = [1]} : vector<16xf32> to vector<1xf32>
    %squeeze3A_322 = vector.extract %slice3A_321[0] : f32 from vector<1xf32>
    %broadcast_in_dim3A_323 = vector.broadcast %squeeze3A_322 : f32 to vector<16xf32>
    %lt3A_324 = arith.cmpf olt, %broadcast_in_dim3A_323, %get3A_266 : vector<16xf32>
    %eq3A_325 = arith.cmpf oeq, %broadcast_in_dim3A_323, %get3A_266 : vector<16xf32>
    %gt3A_326 = arith.constant 5 : i32
    %gt3A_327 = vector.broadcast %gt3A_326 : i32 to vector<16xi32>
    %gt3A_328 = arith.cmpi sgt, %iota3A, %gt3A_327 : vector<16xi32>
    %and3A_329 = arith.andi %eq3A_325, %gt3A_328 : vector<16xi1>
    %or3A_330 = arith.ori %lt3A_324, %and3A_329 : vector<16xi1>
    %convert_element_type3A_331 = arith.extui %or3A_330 : vector<16xi1> to vector<16xi32>
    %add3A_332 = arith.addi %add3A_320, %convert_element_type3A_331 : vector<16xi32>
    %slice3A_333 = vector.extract_strided_slice %get3A_266 {offsets = [6], sizes = [1], strides = [1]} : vector<16xf32> to vector<1xf32>
    %squeeze3A_334 = vector.extract %slice3A_333[0] : f32 from vector<1xf32>
    %broadcast_in_dim3A_335 = vector.broadcast %squeeze3A_334 : f32 to vector<16xf32>
    %lt3A_336 = arith.cmpf olt, %broadcast_in_dim3A_335, %get3A_266 : vector<16xf32>
    %eq3A_337 = arith.cmpf oeq, %broadcast_in_dim3A_335, %get3A_266 : vector<16xf32>
    %gt3A_338 = arith.constant 6 : i32
    %gt3A_339 = vector.broadcast %gt3A_338 : i32 to vector<16xi32>
    %gt3A_340 = arith.cmpi sgt, %iota3A, %gt3A_339 : vector<16xi32>
    %and3A_341 = arith.andi %eq3A_337, %gt3A_340 : vector<16xi1>
    %or3A_342 = arith.ori %lt3A_336, %and3A_341 : vector<16xi1>
    %convert_element_type3A_343 = arith.extui %or3A_342 : vector<16xi1> to vector<16xi32>
    %add3A_344 = arith.addi %add3A_332, %convert_element_type3A_343 : vector<16xi32>
    %slice3A_345 = vector.extract_strided_slice %get3A_266 {offsets = [7], sizes = [1], strides = [1]} : vector<16xf32> to vector<1xf32>
    %squeeze3A_346 = vector.extract %slice3A_345[0] : f32 from vector<1xf32>
    %broadcast_in_dim3A_347 = vector.broadcast %squeeze3A_346 : f32 to vector<16xf32>
    %lt3A_348 = arith.cmpf olt, %broadcast_in_dim3A_347, %get3A_266 : vector<16xf32>
    %eq3A_349 = arith.cmpf oeq, %broadcast_in_dim3A_347, %get3A_266 : vector<16xf32>
    %gt3A_350 = arith.constant 7 : i32
    %gt3A_351 = vector.broadcast %gt3A_350 : i32 to vector<16xi32>
    %gt3A_352 = arith.cmpi sgt, %iota3A, %gt3A_351 : vector<16xi32>
    %and3A_353 = arith.andi %eq3A_349, %gt3A_352 : vector<16xi1>
    %or3A_354 = arith.ori %lt3A_348, %and3A_353 : vector<16xi1>
    %convert_element_type3A_355 = arith.extui %or3A_354 : vector<16xi1> to vector<16xi32>
    %add3A_356 = arith.addi %add3A_344, %convert_element_type3A_355 : vector<16xi32>
    %slice3A_357 = vector.extract_strided_slice %get3A_266 {offsets = [8], sizes = [1], strides = [1]} : vector<16xf32> to vector<1xf32>
    %squeeze3A_358 = vector.extract %slice3A_357[0] : f32 from vector<1xf32>
    %broadcast_in_dim3A_359 = vector.broadcast %squeeze3A_358 : f32 to vector<16xf32>
    %lt3A_360 = arith.cmpf olt, %broadcast_in_dim3A_359, %get3A_266 : vector<16xf32>
    %eq3A_361 = arith.cmpf oeq, %broadcast_in_dim3A_359, %get3A_266 : vector<16xf32>
    %gt3A_362 = arith.constant 8 : i32
    %gt3A_363 = vector.broadcast %gt3A_362 : i32 to vector<16xi32>
    %gt3A_364 = arith.cmpi sgt, %iota3A, %gt3A_363 : vector<16xi32>
    %and3A_365 = arith.andi %eq3A_361, %gt3A_364 : vector<16xi1>
    %or3A_366 = arith.ori %lt3A_360, %and3A_365 : vector<16xi1>
    %convert_element_type3A_367 = arith.extui %or3A_366 : vector<16xi1> to vector<16xi32>
    %add3A_368 = arith.addi %add3A_356, %convert_element_type3A_367 : vector<16xi32>
    %slice3A_369 = vector.extract_strided_slice %get3A_266 {offsets = [9], sizes = [1], strides = [1]} : vector<16xf32> to vector<1xf32>
    %squeeze3A_370 = vector.extract %slice3A_369[0] : f32 from vector<1xf32>
    %broadcast_in_dim3A_371 = vector.broadcast %squeeze3A_370 : f32 to vector<16xf32>
    %lt3A_372 = arith.cmpf olt, %broadcast_in_dim3A_371, %get3A_266 : vector<16xf32>
    %eq3A_373 = arith.cmpf oeq, %broadcast_in_dim3A_371, %get3A_266 : vector<16xf32>
    %gt3A_374 = arith.constant 9 : i32
    %gt3A_375 = vector.broadcast %gt3A_374 : i32 to vector<16xi32>
    %gt3A_376 = arith.cmpi sgt, %iota3A, %gt3A_375 : vector<16xi32>
    %and3A_377 = arith.andi %eq3A_373, %gt3A_376 : vector<16xi1>
    %or3A_378 = arith.ori %lt3A_372, %and3A_377 : vector<16xi1>
    %convert_element_type3A_379 = arith.extui %or3A_378 : vector<16xi1> to vector<16xi32>
    %add3A_380 = arith.addi %add3A_368, %convert_element_type3A_379 : vector<16xi32>
    %slice3A_381 = vector.extract_strided_slice %get3A_266 {offsets = [10], sizes = [1], strides = [1]} : vector<16xf32> to vector<1xf32>
    %squeeze3A_382 = vector.extract %slice3A_381[0] : f32 from vector<1xf32>
    %broadcast_in_dim3A_383 = vector.broadcast %squeeze3A_382 : f32 to vector<16xf32>
    %lt3A_384 = arith.cmpf olt, %broadcast_in_dim3A_383, %get3A_266 : vector<16xf32>
    %eq3A_385 = arith.cmpf oeq, %broadcast_in_dim3A_383, %get3A_266 : vector<16xf32>
    %gt3A_386 = arith.constant 10 : i32
    %gt3A_387 = vector.broadcast %gt3A_386 : i32 to vector<16xi32>
    %gt3A_388 = arith.cmpi sgt, %iota3A, %gt3A_387 : vector<16xi32>
    %and3A_389 = arith.andi %eq3A_385, %gt3A_388 : vector<16xi1>
    %or3A_390 = arith.ori %lt3A_384, %and3A_389 : vector<16xi1>
    %convert_element_type3A_391 = arith.extui %or3A_390 : vector<16xi1> to vector<16xi32>
    %add3A_392 = arith.addi %add3A_380, %convert_element_type3A_391 : vector<16xi32>
    %slice3A_393 = vector.extract_strided_slice %get3A_266 {offsets = [11], sizes = [1], strides = [1]} : vector<16xf32> to vector<1xf32>
    %squeeze3A_394 = vector.extract %slice3A_393[0] : f32 from vector<1xf32>
    %broadcast_in_dim3A_395 = vector.broadcast %squeeze3A_394 : f32 to vector<16xf32>
    %lt3A_396 = arith.cmpf olt, %broadcast_in_dim3A_395, %get3A_266 : vector<16xf32>
    %eq3A_397 = arith.cmpf oeq, %broadcast_in_dim3A_395, %get3A_266 : vector<16xf32>
    %gt3A_398 = arith.constant 11 : i32
    %gt3A_399 = vector.broadcast %gt3A_398 : i32 to vector<16xi32>
    %gt3A_400 = arith.cmpi sgt, %iota3A, %gt3A_399 : vector<16xi32>
    %and3A_401 = arith.andi %eq3A_397, %gt3A_400 : vector<16xi1>
    %or3A_402 = arith.ori %lt3A_396, %and3A_401 : vector<16xi1>
    %convert_element_type3A_403 = arith.extui %or3A_402 : vector<16xi1> to vector<16xi32>
    %add3A_404 = arith.addi %add3A_392, %convert_element_type3A_403 : vector<16xi32>
    %slice3A_405 = vector.extract_strided_slice %get3A_266 {offsets = [12], sizes = [1], strides = [1]} : vector<16xf32> to vector<1xf32>
    %squeeze3A_406 = vector.extract %slice3A_405[0] : f32 from vector<1xf32>
    %broadcast_in_dim3A_407 = vector.broadcast %squeeze3A_406 : f32 to vector<16xf32>
    %lt3A_408 = arith.cmpf olt, %broadcast_in_dim3A_407, %get3A_266 : vector<16xf32>
    %eq3A_409 = arith.cmpf oeq, %broadcast_in_dim3A_407, %get3A_266 : vector<16xf32>
    %gt3A_410 = arith.constant 12 : i32
    %gt3A_411 = vector.broadcast %gt3A_410 : i32 to vector<16xi32>
    %gt3A_412 = arith.cmpi sgt, %iota3A, %gt3A_411 : vector<16xi32>
    %and3A_413 = arith.andi %eq3A_409, %gt3A_412 : vector<16xi1>
    %or3A_414 = arith.ori %lt3A_408, %and3A_413 : vector<16xi1>
    %convert_element_type3A_415 = arith.extui %or3A_414 : vector<16xi1> to vector<16xi32>
    %add3A_416 = arith.addi %add3A_404, %convert_element_type3A_415 : vector<16xi32>
    %slice3A_417 = vector.extract_strided_slice %get3A_266 {offsets = [13], sizes = [1], strides = [1]} : vector<16xf32> to vector<1xf32>
    %squeeze3A_418 = vector.extract %slice3A_417[0] : f32 from vector<1xf32>
    %broadcast_in_dim3A_419 = vector.broadcast %squeeze3A_418 : f32 to vector<16xf32>
    %lt3A_420 = arith.cmpf olt, %broadcast_in_dim3A_419, %get3A_266 : vector<16xf32>
    %eq3A_421 = arith.cmpf oeq, %broadcast_in_dim3A_419, %get3A_266 : vector<16xf32>
    %gt3A_422 = arith.constant 13 : i32
    %gt3A_423 = vector.broadcast %gt3A_422 : i32 to vector<16xi32>
    %gt3A_424 = arith.cmpi sgt, %iota3A, %gt3A_423 : vector<16xi32>
    %and3A_425 = arith.andi %eq3A_421, %gt3A_424 : vector<16xi1>
    %or3A_426 = arith.ori %lt3A_420, %and3A_425 : vector<16xi1>
    %convert_element_type3A_427 = arith.extui %or3A_426 : vector<16xi1> to vector<16xi32>
    %add3A_428 = arith.addi %add3A_416, %convert_element_type3A_427 : vector<16xi32>
    %slice3A_429 = vector.extract_strided_slice %get3A_266 {offsets = [14], sizes = [1], strides = [1]} : vector<16xf32> to vector<1xf32>
    %squeeze3A_430 = vector.extract %slice3A_429[0] : f32 from vector<1xf32>
    %broadcast_in_dim3A_431 = vector.broadcast %squeeze3A_430 : f32 to vector<16xf32>
    %lt3A_432 = arith.cmpf olt, %broadcast_in_dim3A_431, %get3A_266 : vector<16xf32>
    %eq3A_433 = arith.cmpf oeq, %broadcast_in_dim3A_431, %get3A_266 : vector<16xf32>
    %gt3A_434 = arith.constant 14 : i32
    %gt3A_435 = vector.broadcast %gt3A_434 : i32 to vector<16xi32>
    %gt3A_436 = arith.cmpi sgt, %iota3A, %gt3A_435 : vector<16xi32>
    %and3A_437 = arith.andi %eq3A_433, %gt3A_436 : vector<16xi1>
    %or3A_438 = arith.ori %lt3A_432, %and3A_437 : vector<16xi1>
    %convert_element_type3A_439 = arith.extui %or3A_438 : vector<16xi1> to vector<16xi32>
    %add3A_440 = arith.addi %add3A_428, %convert_element_type3A_439 : vector<16xi32>
    %lt3A_441 = arith.constant 8 : i32
    %lt3A_442 = vector.broadcast %lt3A_441 : i32 to vector<16xi32>
    %lt3A_443 = arith.cmpi slt, %add3A_440, %lt3A_442 : vector<16xi32>
    %neg3A = arith.constant 0.000000e+00 : f32
    %neg3A_444 = vector.broadcast %neg3A : f32 to vector<16xf32>
    %neg3A_445 = arith.subf %neg3A_444, %get3A_266 : vector<16xf32>
    %exp3A = math.exp %neg3A_445 : vector<16xf32>
    %add3A_446 = arith.constant 1.000000e+00 : f32
    %add3A_447 = vector.broadcast %add3A_446 : f32 to vector<16xf32>
    %add3A_448 = arith.addf %add3A_447, %exp3A : vector<16xf32>
    %div3A_449 = arith.constant 1.000000e+00 : f32
    %div3A_450 = vector.broadcast %div3A_449 : f32 to vector<16xf32>
    %div3A_451 = arith.divf %div3A_450, %add3A_448 : vector<16xf32>
    tpu.vector_store_idx %arg6[%add3A_440], %iota3A masked %lt3A_443 : memref<16xi32, #tpu.memory_space<vmem>>[vector<16xi32>], vector<16xi32>, vector<16xi1>
    tpu.vector_store_idx %arg7[%add3A_440], %div3A_451 masked %lt3A_443 : memref<16xf32, #tpu.memory_space<vmem>>[vector<16xi32>], vector<16xf32>, vector<16xi1>
    %gather3A = tpu.vector_load_idx %arg6[%and3A_265] : memref<16xi32, #tpu.memory_space<vmem>>[vector<16xi32>], vector<16xi32>,
    %swap3A = arith.constant 0 : index
    %swap3A_452 = tpu.vector_load %arg8[%swap3A] {strides = array<i32>} : memref<128xi32, #tpu.memory_space<vmem>>, vector<16xi32>,
    tpu.vector_store %arg8[%swap3A], %gather3A {strides = array<i32>} : memref<128xi32, #tpu.memory_space<vmem>>, vector<16xi32>,
    %gather3A_453 = tpu.vector_load_idx %arg7[%and3A_265] : memref<16xf32, #tpu.memory_space<vmem>>[vector<16xi32>], vector<16xf32>,
    %swap3A_454 = arith.constant 0 : index
    %swap3A_455 = tpu.vector_load %arg9[%swap3A_454] {strides = array<i32>} : memref<128xf32, #tpu.memory_space<vmem>>, vector<16xf32>,
    tpu.vector_store %arg9[%swap3A_454], %gather3A_453 {strides = array<i32>} : memref<128xf32, #tpu.memory_space<vmem>>, vector<16xf32>,
    %get3A_456 = arith.constant 16 : index
    %get3A_457 = tpu.vector_load %arg5[%get3A_456] {strides = array<i32>} : memref<128xf32, #tpu.memory_space<vmem>>, vector<16xf32>,
    %broadcast_in_dim3A_458 = arith.constant 0 : i32
    %broadcast_in_dim3A_459 = vector.broadcast %broadcast_in_dim3A_458 : i32 to vector<16xi32>
    %slice3A_460 = vector.extract_strided_slice %get3A_457 {offsets = [0], sizes = [1], strides = [1]} : vector<16xf32> to vector<1xf32>
    %squeeze3A_461 = vector.extract %slice3A_460[0] : f32 from vector<1xf32>
    %broadcast_in_dim3A_462 = vector.broadcast %squeeze3A_461 : f32 to vector<16xf32>
    %lt3A_463 = arith.cmpf olt, %broadcast_in_dim3A_462, %get3A_457 : vector<16xf32>
    %eq3A_464 = arith.cmpf oeq, %broadcast_in_dim3A_462, %get3A_457 : vector<16xf32>
    %gt3A_465 = arith.constant 0 : i32
    %gt3A_466 = vector.broadcast %gt3A_465 : i32 to vector<16xi32>
    %gt3A_467 = arith.cmpi sgt, %iota3A, %gt3A_466 : vector<16xi32>
    %and3A_468 = arith.andi %eq3A_464, %gt3A_467 : vector<16xi1>
    %or3A_469 = arith.ori %lt3A_463, %and3A_468 : vector<16xi1>
    %convert_element_type3A_470 = arith.extui %or3A_469 : vector<16xi1> to vector<16xi32>
    %add3A_471 = arith.addi %broadcast_in_dim3A_459, %convert_element_type3A_470 : vector<16xi32>
    %slice3A_472 = vector.extract_strided_slice %get3A_457 {offsets = [1], sizes = [1], strides = [1]} : vector<16xf32> to vector<1xf32>
    %squeeze3A_473 = vector.extract %slice3A_472[0] : f32 from vector<1xf32>
    %broadcast_in_dim3A_474 = vector.broadcast %squeeze3A_473 : f32 to vector<16xf32>
    %lt3A_475 = arith.cmpf olt, %broadcast_in_dim3A_474, %get3A_457 : vector<16xf32>
    %eq3A_476 = arith.cmpf oeq, %broadcast_in_dim3A_474, %get3A_457 : vector<16xf32>
    %gt3A_477 = arith.constant 1 : i32
    %gt3A_478 = vector.broadcast %gt3A_477 : i32 to vector<16xi32>
    %gt3A_479 = arith.cmpi sgt, %iota3A, %gt3A_478 : vector<16xi32>
    %and3A_480 = arith.andi %eq3A_476, %gt3A_479 : vector<16xi1>
    %or3A_481 = arith.ori %lt3A_475, %and3A_480 : vector<16xi1>
    %convert_element_type3A_482 = arith.extui %or3A_481 : vector<16xi1> to vector<16xi32>
    %add3A_483 = arith.addi %add3A_471, %convert_element_type3A_482 : vector<16xi32>
    %slice3A_484 = vector.extract_strided_slice %get3A_457 {offsets = [2], sizes = [1], strides = [1]} : vector<16xf32> to vector<1xf32>
    %squeeze3A_485 = vector.extract %slice3A_484[0] : f32 from vector<1xf32>
    %broadcast_in_dim3A_486 = vector.broadcast %squeeze3A_485 : f32 to vector<16xf32>
    %lt3A_487 = arith.cmpf olt, %broadcast_in_dim3A_486, %get3A_457 : vector<16xf32>
    %eq3A_488 = arith.cmpf oeq, %broadcast_in_dim3A_486, %get3A_457 : vector<16xf32>
    %gt3A_489 = arith.constant 2 : i32
    %gt3A_490 = vector.broadcast %gt3A_489 : i32 to vector<16xi32>
    %gt3A_491 = arith.cmpi sgt, %iota3A, %gt3A_490 : vector<16xi32>
    %and3A_492 = arith.andi %eq3A_488, %gt3A_491 : vector<16xi1>
    %or3A_493 = arith.ori %lt3A_487, %and3A_492 : vector<16xi1>
    %convert_element_type3A_494 = arith.extui %or3A_493 : vector<16xi1> to vector<16xi32>
    %add3A_495 = arith.addi %add3A_483, %convert_element_type3A_494 : vector<16xi32>
    %slice3A_496 = vector.extract_strided_slice %get3A_457 {offsets = [3], sizes = [1], strides = [1]} : vector<16xf32> to vector<1xf32>
    %squeeze3A_497 = vector.extract %slice3A_496[0] : f32 from vector<1xf32>
    %broadcast_in_dim3A_498 = vector.broadcast %squeeze3A_497 : f32 to vector<16xf32>
    %lt3A_499 = arith.cmpf olt, %broadcast_in_dim3A_498, %get3A_457 : vector<16xf32>
    %eq3A_500 = arith.cmpf oeq, %broadcast_in_dim3A_498, %get3A_457 : vector<16xf32>
    %gt3A_501 = arith.constant 3 : i32
    %gt3A_502 = vector.broadcast %gt3A_501 : i32 to vector<16xi32>
    %gt3A_503 = arith.cmpi sgt, %iota3A, %gt3A_502 : vector<16xi32>
    %and3A_504 = arith.andi %eq3A_500, %gt3A_503 : vector<16xi1>
    %or3A_505 = arith.ori %lt3A_499, %and3A_504 : vector<16xi1>
    %convert_element_type3A_506 = arith.extui %or3A_505 : vector<16xi1> to vector<16xi32>
    %add3A_507 = arith.addi %add3A_495, %convert_element_type3A_506 : vector<16xi32>
    %slice3A_508 = vector.extract_strided_slice %get3A_457 {offsets = [4], sizes = [1], strides = [1]} : vector<16xf32> to vector<1xf32>
    %squeeze3A_509 = vector.extract %slice3A_508[0] : f32 from vector<1xf32>
    %broadcast_in_dim3A_510 = vector.broadcast %squeeze3A_509 : f32 to vector<16xf32>
    %lt3A_511 = arith.cmpf olt, %broadcast_in_dim3A_510, %get3A_457 : vector<16xf32>
    %eq3A_512 = arith.cmpf oeq, %broadcast_in_dim3A_510, %get3A_457 : vector<16xf32>
    %gt3A_513 = arith.constant 4 : i32
    %gt3A_514 = vector.broadcast %gt3A_513 : i32 to vector<16xi32>
    %gt3A_515 = arith.cmpi sgt, %iota3A, %gt3A_514 : vector<16xi32>
    %and3A_516 = arith.andi %eq3A_512, %gt3A_515 : vector<16xi1>
    %or3A_517 = arith.ori %lt3A_511, %and3A_516 : vector<16xi1>
    %convert_element_type3A_518 = arith.extui %or3A_517 : vector<16xi1> to vector<16xi32>
    %add3A_519 = arith.addi %add3A_507, %convert_element_type3A_518 : vector<16xi32>
    %slice3A_520 = vector.extract_strided_slice %get3A_457 {offsets = [5], sizes = [1], strides = [1]} : vector<16xf32> to vector<1xf32>
    %squeeze3A_521 = vector.extract %slice3A_520[0] : f32 from vector<1xf32>
    %broadcast_in_dim3A_522 = vector.broadcast %squeeze3A_521 : f32 to vector<16xf32>
    %lt3A_523 = arith.cmpf olt, %broadcast_in_dim3A_522, %get3A_457 : vector<16xf32>
    %eq3A_524 = arith.cmpf oeq, %broadcast_in_dim3A_522, %get3A_457 : vector<16xf32>
    %gt3A_525 = arith.constant 5 : i32
    %gt3A_526 = vector.broadcast %gt3A_525 : i32 to vector<16xi32>
    %gt3A_527 = arith.cmpi sgt, %iota3A, %gt3A_526 : vector<16xi32>
    %and3A_528 = arith.andi %eq3A_524, %gt3A_527 : vector<16xi1>
    %or3A_529 = arith.ori %lt3A_523, %and3A_528 : vector<16xi1>
    %convert_element_type3A_530 = arith.extui %or3A_529 : vector<16xi1> to vector<16xi32>
    %add3A_531 = arith.addi %add3A_519, %convert_element_type3A_530 : vector<16xi32>
    %slice3A_532 = vector.extract_strided_slice %get3A_457 {offsets = [6], sizes = [1], strides = [1]} : vector<16xf32> to vector<1xf32>
    %squeeze3A_533 = vector.extract %slice3A_532[0] : f32 from vector<1xf32>
    %broadcast_in_dim3A_534 = vector.broadcast %squeeze3A_533 : f32 to vector<16xf32>
    %lt3A_535 = arith.cmpf olt, %broadcast_in_dim3A_534, %get3A_457 : vector<16xf32>
    %eq3A_536 = arith.cmpf oeq, %broadcast_in_dim3A_534, %get3A_457 : vector<16xf32>
    %gt3A_537 = arith.constant 6 : i32
    %gt3A_538 = vector.broadcast %gt3A_537 : i32 to vector<16xi32>
    %gt3A_539 = arith.cmpi sgt, %iota3A, %gt3A_538 : vector<16xi32>
    %and3A_540 = arith.andi %eq3A_536, %gt3A_539 : vector<16xi1>
    %or3A_541 = arith.ori %lt3A_535, %and3A_540 : vector<16xi1>
    %convert_element_type3A_542 = arith.extui %or3A_541 : vector<16xi1> to vector<16xi32>
    %add3A_543 = arith.addi %add3A_531, %convert_element_type3A_542 : vector<16xi32>
    %slice3A_544 = vector.extract_strided_slice %get3A_457 {offsets = [7], sizes = [1], strides = [1]} : vector<16xf32> to vector<1xf32>
    %squeeze3A_545 = vector.extract %slice3A_544[0] : f32 from vector<1xf32>
    %broadcast_in_dim3A_546 = vector.broadcast %squeeze3A_545 : f32 to vector<16xf32>
    %lt3A_547 = arith.cmpf olt, %broadcast_in_dim3A_546, %get3A_457 : vector<16xf32>
    %eq3A_548 = arith.cmpf oeq, %broadcast_in_dim3A_546, %get3A_457 : vector<16xf32>
    %gt3A_549 = arith.constant 7 : i32
    %gt3A_550 = vector.broadcast %gt3A_549 : i32 to vector<16xi32>
    %gt3A_551 = arith.cmpi sgt, %iota3A, %gt3A_550 : vector<16xi32>
    %and3A_552 = arith.andi %eq3A_548, %gt3A_551 : vector<16xi1>
    %or3A_553 = arith.ori %lt3A_547, %and3A_552 : vector<16xi1>
    %convert_element_type3A_554 = arith.extui %or3A_553 : vector<16xi1> to vector<16xi32>
    %add3A_555 = arith.addi %add3A_543, %convert_element_type3A_554 : vector<16xi32>
    %slice3A_556 = vector.extract_strided_slice %get3A_457 {offsets = [8], sizes = [1], strides = [1]} : vector<16xf32> to vector<1xf32>
    %squeeze3A_557 = vector.extract %slice3A_556[0] : f32 from vector<1xf32>
    %broadcast_in_dim3A_558 = vector.broadcast %squeeze3A_557 : f32 to vector<16xf32>
    %lt3A_559 = arith.cmpf olt, %broadcast_in_dim3A_558, %get3A_457 : vector<16xf32>
    %eq3A_560 = arith.cmpf oeq, %broadcast_in_dim3A_558, %get3A_457 : vector<16xf32>
    %gt3A_561 = arith.constant 8 : i32
    %gt3A_562 = vector.broadcast %gt3A_561 : i32 to vector<16xi32>
    %gt3A_563 = arith.cmpi sgt, %iota3A, %gt3A_562 : vector<16xi32>
    %and3A_564 = arith.andi %eq3A_560, %gt3A_563 : vector<16xi1>
    %or3A_565 = arith.ori %lt3A_559, %and3A_564 : vector<16xi1>
    %convert_element_type3A_566 = arith.extui %or3A_565 : vector<16xi1> to vector<16xi32>
    %add3A_567 = arith.addi %add3A_555, %convert_element_type3A_566 : vector<16xi32>
    %slice3A_568 = vector.extract_strided_slice %get3A_457 {offsets = [9], sizes = [1], strides = [1]} : vector<16xf32> to vector<1xf32>
    %squeeze3A_569 = vector.extract %slice3A_568[0] : f32 from vector<1xf32>
    %broadcast_in_dim3A_570 = vector.broadcast %squeeze3A_569 : f32 to vector<16xf32>
    %lt3A_571 = arith.cmpf olt, %broadcast_in_dim3A_570, %get3A_457 : vector<16xf32>
    %eq3A_572 = arith.cmpf oeq, %broadcast_in_dim3A_570, %get3A_457 : vector<16xf32>
    %gt3A_573 = arith.constant 9 : i32
    %gt3A_574 = vector.broadcast %gt3A_573 : i32 to vector<16xi32>
    %gt3A_575 = arith.cmpi sgt, %iota3A, %gt3A_574 : vector<16xi32>
    %and3A_576 = arith.andi %eq3A_572, %gt3A_575 : vector<16xi1>
    %or3A_577 = arith.ori %lt3A_571, %and3A_576 : vector<16xi1>
    %convert_element_type3A_578 = arith.extui %or3A_577 : vector<16xi1> to vector<16xi32>
    %add3A_579 = arith.addi %add3A_567, %convert_element_type3A_578 : vector<16xi32>
    %slice3A_580 = vector.extract_strided_slice %get3A_457 {offsets = [10], sizes = [1], strides = [1]} : vector<16xf32> to vector<1xf32>
    %squeeze3A_581 = vector.extract %slice3A_580[0] : f32 from vector<1xf32>
    %broadcast_in_dim3A_582 = vector.broadcast %squeeze3A_581 : f32 to vector<16xf32>
    %lt3A_583 = arith.cmpf olt, %broadcast_in_dim3A_582, %get3A_457 : vector<16xf32>
    %eq3A_584 = arith.cmpf oeq, %broadcast_in_dim3A_582, %get3A_457 : vector<16xf32>
    %gt3A_585 = arith.constant 10 : i32
    %gt3A_586 = vector.broadcast %gt3A_585 : i32 to vector<16xi32>
    %gt3A_587 = arith.cmpi sgt, %iota3A, %gt3A_586 : vector<16xi32>
    %and3A_588 = arith.andi %eq3A_584, %gt3A_587 : vector<16xi1>
    %or3A_589 = arith.ori %lt3A_583, %and3A_588 : vector<16xi1>
    %convert_element_type3A_590 = arith.extui %or3A_589 : vector<16xi1> to vector<16xi32>
    %add3A_591 = arith.addi %add3A_579, %convert_element_type3A_590 : vector<16xi32>
    %slice3A_592 = vector.extract_strided_slice %get3A_457 {offsets = [11], sizes = [1], strides = [1]} : vector<16xf32> to vector<1xf32>
    %squeeze3A_593 = vector.extract %slice3A_592[0] : f32 from vector<1xf32>
    %broadcast_in_dim3A_594 = vector.broadcast %squeeze3A_593 : f32 to vector<16xf32>
    %lt3A_595 = arith.cmpf olt, %broadcast_in_dim3A_594, %get3A_457 : vector<16xf32>
    %eq3A_596 = arith.cmpf oeq, %broadcast_in_dim3A_594, %get3A_457 : vector<16xf32>
    %gt3A_597 = arith.constant 11 : i32
    %gt3A_598 = vector.broadcast %gt3A_597 : i32 to vector<16xi32>
    %gt3A_599 = arith.cmpi sgt, %iota3A, %gt3A_598 : vector<16xi32>
    %and3A_600 = arith.andi %eq3A_596, %gt3A_599 : vector<16xi1>
    %or3A_601 = arith.ori %lt3A_595, %and3A_600 : vector<16xi1>
    %convert_element_type3A_602 = arith.extui %or3A_601 : vector<16xi1> to vector<16xi32>
    %add3A_603 = arith.addi %add3A_591, %convert_element_type3A_602 : vector<16xi32>
    %slice3A_604 = vector.extract_strided_slice %get3A_457 {offsets = [12], sizes = [1], strides = [1]} : vector<16xf32> to vector<1xf32>
    %squeeze3A_605 = vector.extract %slice3A_604[0] : f32 from vector<1xf32>
    %broadcast_in_dim3A_606 = vector.broadcast %squeeze3A_605 : f32 to vector<16xf32>
    %lt3A_607 = arith.cmpf olt, %broadcast_in_dim3A_606, %get3A_457 : vector<16xf32>
    %eq3A_608 = arith.cmpf oeq, %broadcast_in_dim3A_606, %get3A_457 : vector<16xf32>
    %gt3A_609 = arith.constant 12 : i32
    %gt3A_610 = vector.broadcast %gt3A_609 : i32 to vector<16xi32>
    %gt3A_611 = arith.cmpi sgt, %iota3A, %gt3A_610 : vector<16xi32>
    %and3A_612 = arith.andi %eq3A_608, %gt3A_611 : vector<16xi1>
    %or3A_613 = arith.ori %lt3A_607, %and3A_612 : vector<16xi1>
    %convert_element_type3A_614 = arith.extui %or3A_613 : vector<16xi1> to vector<16xi32>
    %add3A_615 = arith.addi %add3A_603, %convert_element_type3A_614 : vector<16xi32>
    %slice3A_616 = vector.extract_strided_slice %get3A_457 {offsets = [13], sizes = [1], strides = [1]} : vector<16xf32> to vector<1xf32>
    %squeeze3A_617 = vector.extract %slice3A_616[0] : f32 from vector<1xf32>
    %broadcast_in_dim3A_618 = vector.broadcast %squeeze3A_617 : f32 to vector<16xf32>
    %lt3A_619 = arith.cmpf olt, %broadcast_in_dim3A_618, %get3A_457 : vector<16xf32>
    %eq3A_620 = arith.cmpf oeq, %broadcast_in_dim3A_618, %get3A_457 : vector<16xf32>
    %gt3A_621 = arith.constant 13 : i32
    %gt3A_622 = vector.broadcast %gt3A_621 : i32 to vector<16xi32>
    %gt3A_623 = arith.cmpi sgt, %iota3A, %gt3A_622 : vector<16xi32>
    %and3A_624 = arith.andi %eq3A_620, %gt3A_623 : vector<16xi1>
    %or3A_625 = arith.ori %lt3A_619, %and3A_624 : vector<16xi1>
    %convert_element_type3A_626 = arith.extui %or3A_625 : vector<16xi1> to vector<16xi32>
    %add3A_627 = arith.addi %add3A_615, %convert_element_type3A_626 : vector<16xi32>
    %slice3A_628 = vector.extract_strided_slice %get3A_457 {offsets = [14], sizes = [1], strides = [1]} : vector<16xf32> to vector<1xf32>
    %squeeze3A_629 = vector.extract %slice3A_628[0] : f32 from vector<1xf32>
    %broadcast_in_dim3A_630 = vector.broadcast %squeeze3A_629 : f32 to vector<16xf32>
    %lt3A_631 = arith.cmpf olt, %broadcast_in_dim3A_630, %get3A_457 : vector<16xf32>
    %eq3A_632 = arith.cmpf oeq, %broadcast_in_dim3A_630, %get3A_457 : vector<16xf32>
    %gt3A_633 = arith.constant 14 : i32
    %gt3A_634 = vector.broadcast %gt3A_633 : i32 to vector<16xi32>
    %gt3A_635 = arith.cmpi sgt, %iota3A, %gt3A_634 : vector<16xi32>
    %and3A_636 = arith.andi %eq3A_632, %gt3A_635 : vector<16xi1>
    %or3A_637 = arith.ori %lt3A_631, %and3A_636 : vector<16xi1>
    %convert_element_type3A_638 = arith.extui %or3A_637 : vector<16xi1> to vector<16xi32>
    %add3A_639 = arith.addi %add3A_627, %convert_element_type3A_638 : vector<16xi32>
    %lt3A_640 = arith.constant 8 : i32
    %lt3A_641 = vector.broadcast %lt3A_640 : i32 to vector<16xi32>
    %lt3A_642 = arith.cmpi slt, %add3A_639, %lt3A_641 : vector<16xi32>
    %neg3A_643 = arith.constant 0.000000e+00 : f32
    %neg3A_644 = vector.broadcast %neg3A_643 : f32 to vector<16xf32>
    %neg3A_645 = arith.subf %neg3A_644, %get3A_457 : vector<16xf32>
    %exp3A_646 = math.exp %neg3A_645 : vector<16xf32>
    %add3A_647 = arith.constant 1.000000e+00 : f32
    %add3A_648 = vector.broadcast %add3A_647 : f32 to vector<16xf32>
    %add3A_649 = arith.addf %add3A_648, %exp3A_646 : vector<16xf32>
    %div3A_650 = arith.constant 1.000000e+00 : f32
    %div3A_651 = vector.broadcast %div3A_650 : f32 to vector<16xf32>
    %div3A_652 = arith.divf %div3A_651, %add3A_649 : vector<16xf32>
    tpu.vector_store_idx %arg6[%add3A_639], %iota3A masked %lt3A_642 : memref<16xi32, #tpu.memory_space<vmem>>[vector<16xi32>], vector<16xi32>, vector<16xi1>
    tpu.vector_store_idx %arg7[%add3A_639], %div3A_652 masked %lt3A_642 : memref<16xf32, #tpu.memory_space<vmem>>[vector<16xi32>], vector<16xf32>, vector<16xi1>
    %gather3A_653 = tpu.vector_load_idx %arg6[%and3A_265] : memref<16xi32, #tpu.memory_space<vmem>>[vector<16xi32>], vector<16xi32>,
    %swap3A_654 = arith.constant 16 : index
    %swap3A_655 = tpu.vector_load %arg8[%swap3A_654] {strides = array<i32>} : memref<128xi32, #tpu.memory_space<vmem>>, vector<16xi32>,
    tpu.vector_store %arg8[%swap3A_654], %gather3A_653 {strides = array<i32>} : memref<128xi32, #tpu.memory_space<vmem>>, vector<16xi32>,
    %gather3A_656 = tpu.vector_load_idx %arg7[%and3A_265] : memref<16xf32, #tpu.memory_space<vmem>>[vector<16xi32>], vector<16xf32>,
    %swap3A_657 = arith.constant 16 : index
    %swap3A_658 = tpu.vector_load %arg9[%swap3A_657] {strides = array<i32>} : memref<128xf32, #tpu.memory_space<vmem>>, vector<16xf32>,
    tpu.vector_store %arg9[%swap3A_657], %gather3A_656 {strides = array<i32>} : memref<128xf32, #tpu.memory_space<vmem>>, vector<16xf32>,
    %get3A_659 = arith.constant 32 : index
    %get3A_660 = tpu.vector_load %arg5[%get3A_659] {strides = array<i32>} : memref<128xf32, #tpu.memory_space<vmem>>, vector<16xf32>,
    %broadcast_in_dim3A_661 = arith.constant 0 : i32
    %broadcast_in_dim3A_662 = vector.broadcast %broadcast_in_dim3A_661 : i32 to vector<16xi32>
    %slice3A_663 = vector.extract_strided_slice %get3A_660 {offsets = [0], sizes = [1], strides = [1]} : vector<16xf32> to vector<1xf32>
    %squeeze3A_664 = vector.extract %slice3A_663[0] : f32 from vector<1xf32>
    %broadcast_in_dim3A_665 = vector.broadcast %squeeze3A_664 : f32 to vector<16xf32>
    %lt3A_666 = arith.cmpf olt, %broadcast_in_dim3A_665, %get3A_660 : vector<16xf32>
    %eq3A_667 = arith.cmpf oeq, %broadcast_in_dim3A_665, %get3A_660 : vector<16xf32>
    %gt3A_668 = arith.constant 0 : i32
    %gt3A_669 = vector.broadcast %gt3A_668 : i32 to vector<16xi32>
    %gt3A_670 = arith.cmpi sgt, %iota3A, %gt3A_669 : vector<16xi32>
    %and3A_671 = arith.andi %eq3A_667, %gt3A_670 : vector<16xi1>
    %or3A_672 = arith.ori %lt3A_666, %and3A_671 : vector<16xi1>
    %convert_element_type3A_673 = arith.extui %or3A_672 : vector<16xi1> to vector<16xi32>
    %add3A_674 = arith.addi %broadcast_in_dim3A_662, %convert_element_type3A_673 : vector<16xi32>
    %slice3A_675 = vector.extract_strided_slice %get3A_660 {offsets = [1], sizes = [1], strides = [1]} : vector<16xf32> to vector<1xf32>
    %squeeze3A_676 = vector.extract %slice3A_675[0] : f32 from vector<1xf32>
    %broadcast_in_dim3A_677 = vector.broadcast %squeeze3A_676 : f32 to vector<16xf32>
    %lt3A_678 = arith.cmpf olt, %broadcast_in_dim3A_677, %get3A_660 : vector<16xf32>
    %eq3A_679 = arith.cmpf oeq, %broadcast_in_dim3A_677, %get3A_660 : vector<16xf32>
    %gt3A_680 = arith.constant 1 : i32
    %gt3A_681 = vector.broadcast %gt3A_680 : i32 to vector<16xi32>
    %gt3A_682 = arith.cmpi sgt, %iota3A, %gt3A_681 : vector<16xi32>
    %and3A_683 = arith.andi %eq3A_679, %gt3A_682 : vector<16xi1>
    %or3A_684 = arith.ori %lt3A_678, %and3A_683 : vector<16xi1>
    %convert_element_type3A_685 = arith.extui %or3A_684 : vector<16xi1> to vector<16xi32>
    %add3A_686 = arith.addi %add3A_674, %convert_element_type3A_685 : vector<16xi32>
    %slice3A_687 = vector.extract_strided_slice %get3A_660 {offsets = [2], sizes = [1], strides = [1]} : vector<16xf32> to vector<1xf32>
    %squeeze3A_688 = vector.extract %slice3A_687[0] : f32 from vector<1xf32>
    %broadcast_in_dim3A_689 = vector.broadcast %squeeze3A_688 : f32 to vector<16xf32>
    %lt3A_690 = arith.cmpf olt, %broadcast_in_dim3A_689, %get3A_660 : vector<16xf32>
    %eq3A_691 = arith.cmpf oeq, %broadcast_in_dim3A_689, %get3A_660 : vector<16xf32>
    %gt3A_692 = arith.constant 2 : i32
    %gt3A_693 = vector.broadcast %gt3A_692 : i32 to vector<16xi32>
    %gt3A_694 = arith.cmpi sgt, %iota3A, %gt3A_693 : vector<16xi32>
    %and3A_695 = arith.andi %eq3A_691, %gt3A_694 : vector<16xi1>
    %or3A_696 = arith.ori %lt3A_690, %and3A_695 : vector<16xi1>
    %convert_element_type3A_697 = arith.extui %or3A_696 : vector<16xi1> to vector<16xi32>
    %add3A_698 = arith.addi %add3A_686, %convert_element_type3A_697 : vector<16xi32>
    %slice3A_699 = vector.extract_strided_slice %get3A_660 {offsets = [3], sizes = [1], strides = [1]} : vector<16xf32> to vector<1xf32>
    %squeeze3A_700 = vector.extract %slice3A_699[0] : f32 from vector<1xf32>
    %broadcast_in_dim3A_701 = vector.broadcast %squeeze3A_700 : f32 to vector<16xf32>
    %lt3A_702 = arith.cmpf olt, %broadcast_in_dim3A_701, %get3A_660 : vector<16xf32>
    %eq3A_703 = arith.cmpf oeq, %broadcast_in_dim3A_701, %get3A_660 : vector<16xf32>
    %gt3A_704 = arith.constant 3 : i32
    %gt3A_705 = vector.broadcast %gt3A_704 : i32 to vector<16xi32>
    %gt3A_706 = arith.cmpi sgt, %iota3A, %gt3A_705 : vector<16xi32>
    %and3A_707 = arith.andi %eq3A_703, %gt3A_706 : vector<16xi1>
    %or3A_708 = arith.ori %lt3A_702, %and3A_707 : vector<16xi1>
    %convert_element_type3A_709 = arith.extui %or3A_708 : vector<16xi1> to vector<16xi32>
    %add3A_710 = arith.addi %add3A_698, %convert_element_type3A_709 : vector<16xi32>
    %slice3A_711 = vector.extract_strided_slice %get3A_660 {offsets = [4], sizes = [1], strides = [1]} : vector<16xf32> to vector<1xf32>
    %squeeze3A_712 = vector.extract %slice3A_711[0] : f32 from vector<1xf32>
    %broadcast_in_dim3A_713 = vector.broadcast %squeeze3A_712 : f32 to vector<16xf32>
    %lt3A_714 = arith.cmpf olt, %broadcast_in_dim3A_713, %get3A_660 : vector<16xf32>
    %eq3A_715 = arith.cmpf oeq, %broadcast_in_dim3A_713, %get3A_660 : vector<16xf32>
    %gt3A_716 = arith.constant 4 : i32
    %gt3A_717 = vector.broadcast %gt3A_716 : i32 to vector<16xi32>
    %gt3A_718 = arith.cmpi sgt, %iota3A, %gt3A_717 : vector<16xi32>
    %and3A_719 = arith.andi %eq3A_715, %gt3A_718 : vector<16xi1>
    %or3A_720 = arith.ori %lt3A_714, %and3A_719 : vector<16xi1>
    %convert_element_type3A_721 = arith.extui %or3A_720 : vector<16xi1> to vector<16xi32>
    %add3A_722 = arith.addi %add3A_710, %convert_element_type3A_721 : vector<16xi32>
    %slice3A_723 = vector.extract_strided_slice %get3A_660 {offsets = [5], sizes = [1], strides = [1]} : vector<16xf32> to vector<1xf32>
    %squeeze3A_724 = vector.extract %slice3A_723[0] : f32 from vector<1xf32>
    %broadcast_in_dim3A_725 = vector.broadcast %squeeze3A_724 : f32 to vector<16xf32>
    %lt3A_726 = arith.cmpf olt, %broadcast_in_dim3A_725, %get3A_660 : vector<16xf32>
    %eq3A_727 = arith.cmpf oeq, %broadcast_in_dim3A_725, %get3A_660 : vector<16xf32>
    %gt3A_728 = arith.constant 5 : i32
    %gt3A_729 = vector.broadcast %gt3A_728 : i32 to vector<16xi32>
    %gt3A_730 = arith.cmpi sgt, %iota3A, %gt3A_729 : vector<16xi32>
    %and3A_731 = arith.andi %eq3A_727, %gt3A_730 : vector<16xi1>
    %or3A_732 = arith.ori %lt3A_726, %and3A_731 : vector<16xi1>
    %convert_element_type3A_733 = arith.extui %or3A_732 : vector<16xi1> to vector<16xi32>
    %add3A_734 = arith.addi %add3A_722, %convert_element_type3A_733 : vector<16xi32>
    %slice3A_735 = vector.extract_strided_slice %get3A_660 {offsets = [6], sizes = [1], strides = [1]} : vector<16xf32> to vector<1xf32>
    %squeeze3A_736 = vector.extract %slice3A_735[0] : f32 from vector<1xf32>
    %broadcast_in_dim3A_737 = vector.broadcast %squeeze3A_736 : f32 to vector<16xf32>
    %lt3A_738 = arith.cmpf olt, %broadcast_in_dim3A_737, %get3A_660 : vector<16xf32>
    %eq3A_739 = arith.cmpf oeq, %broadcast_in_dim3A_737, %get3A_660 : vector<16xf32>
    %gt3A_740 = arith.constant 6 : i32
    %gt3A_741 = vector.broadcast %gt3A_740 : i32 to vector<16xi32>
    %gt3A_742 = arith.cmpi sgt, %iota3A, %gt3A_741 : vector<16xi32>
    %and3A_743 = arith.andi %eq3A_739, %gt3A_742 : vector<16xi1>
    %or3A_744 = arith.ori %lt3A_738, %and3A_743 : vector<16xi1>
    %convert_element_type3A_745 = arith.extui %or3A_744 : vector<16xi1> to vector<16xi32>
    %add3A_746 = arith.addi %add3A_734, %convert_element_type3A_745 : vector<16xi32>
    %slice3A_747 = vector.extract_strided_slice %get3A_660 {offsets = [7], sizes = [1], strides = [1]} : vector<16xf32> to vector<1xf32>
    %squeeze3A_748 = vector.extract %slice3A_747[0] : f32 from vector<1xf32>
    %broadcast_in_dim3A_749 = vector.broadcast %squeeze3A_748 : f32 to vector<16xf32>
    %lt3A_750 = arith.cmpf olt, %broadcast_in_dim3A_749, %get3A_660 : vector<16xf32>
    %eq3A_751 = arith.cmpf oeq, %broadcast_in_dim3A_749, %get3A_660 : vector<16xf32>
    %gt3A_752 = arith.constant 7 : i32
    %gt3A_753 = vector.broadcast %gt3A_752 : i32 to vector<16xi32>
    %gt3A_754 = arith.cmpi sgt, %iota3A, %gt3A_753 : vector<16xi32>
    %and3A_755 = arith.andi %eq3A_751, %gt3A_754 : vector<16xi1>
    %or3A_756 = arith.ori %lt3A_750, %and3A_755 : vector<16xi1>
    %convert_element_type3A_757 = arith.extui %or3A_756 : vector<16xi1> to vector<16xi32>
    %add3A_758 = arith.addi %add3A_746, %convert_element_type3A_757 : vector<16xi32>
    %slice3A_759 = vector.extract_strided_slice %get3A_660 {offsets = [8], sizes = [1], strides = [1]} : vector<16xf32> to vector<1xf32>
    %squeeze3A_760 = vector.extract %slice3A_759[0] : f32 from vector<1xf32>
    %broadcast_in_dim3A_761 = vector.broadcast %squeeze3A_760 : f32 to vector<16xf32>
    %lt3A_762 = arith.cmpf olt, %broadcast_in_dim3A_761, %get3A_660 : vector<16xf32>
    %eq3A_763 = arith.cmpf oeq, %broadcast_in_dim3A_761, %get3A_660 : vector<16xf32>
    %gt3A_764 = arith.constant 8 : i32
    %gt3A_765 = vector.broadcast %gt3A_764 : i32 to vector<16xi32>
    %gt3A_766 = arith.cmpi sgt, %iota3A, %gt3A_765 : vector<16xi32>
    %and3A_767 = arith.andi %eq3A_763, %gt3A_766 : vector<16xi1>
    %or3A_768 = arith.ori %lt3A_762, %and3A_767 : vector<16xi1>
    %convert_element_type3A_769 = arith.extui %or3A_768 : vector<16xi1> to vector<16xi32>
    %add3A_770 = arith.addi %add3A_758, %convert_element_type3A_769 : vector<16xi32>
    %slice3A_771 = vector.extract_strided_slice %get3A_660 {offsets = [9], sizes = [1], strides = [1]} : vector<16xf32> to vector<1xf32>
    %squeeze3A_772 = vector.extract %slice3A_771[0] : f32 from vector<1xf32>
    %broadcast_in_dim3A_773 = vector.broadcast %squeeze3A_772 : f32 to vector<16xf32>
    %lt3A_774 = arith.cmpf olt, %broadcast_in_dim3A_773, %get3A_660 : vector<16xf32>
    %eq3A_775 = arith.cmpf oeq, %broadcast_in_dim3A_773, %get3A_660 : vector<16xf32>
    %gt3A_776 = arith.constant 9 : i32
    %gt3A_777 = vector.broadcast %gt3A_776 : i32 to vector<16xi32>
    %gt3A_778 = arith.cmpi sgt, %iota3A, %gt3A_777 : vector<16xi32>
    %and3A_779 = arith.andi %eq3A_775, %gt3A_778 : vector<16xi1>
    %or3A_780 = arith.ori %lt3A_774, %and3A_779 : vector<16xi1>
    %convert_element_type3A_781 = arith.extui %or3A_780 : vector<16xi1> to vector<16xi32>
    %add3A_782 = arith.addi %add3A_770, %convert_element_type3A_781 : vector<16xi32>
    %slice3A_783 = vector.extract_strided_slice %get3A_660 {offsets = [10], sizes = [1], strides = [1]} : vector<16xf32> to vector<1xf32>
    %squeeze3A_784 = vector.extract %slice3A_783[0] : f32 from vector<1xf32>
    %broadcast_in_dim3A_785 = vector.broadcast %squeeze3A_784 : f32 to vector<16xf32>
    %lt3A_786 = arith.cmpf olt, %broadcast_in_dim3A_785, %get3A_660 : vector<16xf32>
    %eq3A_787 = arith.cmpf oeq, %broadcast_in_dim3A_785, %get3A_660 : vector<16xf32>
    %gt3A_788 = arith.constant 10 : i32
    %gt3A_789 = vector.broadcast %gt3A_788 : i32 to vector<16xi32>
    %gt3A_790 = arith.cmpi sgt, %iota3A, %gt3A_789 : vector<16xi32>
    %and3A_791 = arith.andi %eq3A_787, %gt3A_790 : vector<16xi1>
    %or3A_792 = arith.ori %lt3A_786, %and3A_791 : vector<16xi1>
    %convert_element_type3A_793 = arith.extui %or3A_792 : vector<16xi1> to vector<16xi32>
    %add3A_794 = arith.addi %add3A_782, %convert_element_type3A_793 : vector<16xi32>
    %slice3A_795 = vector.extract_strided_slice %get3A_660 {offsets = [11], sizes = [1], strides = [1]} : vector<16xf32> to vector<1xf32>
    %squeeze3A_796 = vector.extract %slice3A_795[0] : f32 from vector<1xf32>
    %broadcast_in_dim3A_797 = vector.broadcast %squeeze3A_796 : f32 to vector<16xf32>
    %lt3A_798 = arith.cmpf olt, %broadcast_in_dim3A_797, %get3A_660 : vector<16xf32>
    %eq3A_799 = arith.cmpf oeq, %broadcast_in_dim3A_797, %get3A_660 : vector<16xf32>
    %gt3A_800 = arith.constant 11 : i32
    %gt3A_801 = vector.broadcast %gt3A_800 : i32 to vector<16xi32>
    %gt3A_802 = arith.cmpi sgt, %iota3A, %gt3A_801 : vector<16xi32>
    %and3A_803 = arith.andi %eq3A_799, %gt3A_802 : vector<16xi1>
    %or3A_804 = arith.ori %lt3A_798, %and3A_803 : vector<16xi1>
    %convert_element_type3A_805 = arith.extui %or3A_804 : vector<16xi1> to vector<16xi32>
    %add3A_806 = arith.addi %add3A_794, %convert_element_type3A_805 : vector<16xi32>
    %slice3A_807 = vector.extract_strided_slice %get3A_660 {offsets = [12], sizes = [1], strides = [1]} : vector<16xf32> to vector<1xf32>
    %squeeze3A_808 = vector.extract %slice3A_807[0] : f32 from vector<1xf32>
    %broadcast_in_dim3A_809 = vector.broadcast %squeeze3A_808 : f32 to vector<16xf32>
    %lt3A_810 = arith.cmpf olt, %broadcast_in_dim3A_809, %get3A_660 : vector<16xf32>
    %eq3A_811 = arith.cmpf oeq, %broadcast_in_dim3A_809, %get3A_660 : vector<16xf32>
    %gt3A_812 = arith.constant 12 : i32
    %gt3A_813 = vector.broadcast %gt3A_812 : i32 to vector<16xi32>
    %gt3A_814 = arith.cmpi sgt, %iota3A, %gt3A_813 : vector<16xi32>
    %and3A_815 = arith.andi %eq3A_811, %gt3A_814 : vector<16xi1>
    %or3A_816 = arith.ori %lt3A_810, %and3A_815 : vector<16xi1>
    %convert_element_type3A_817 = arith.extui %or3A_816 : vector<16xi1> to vector<16xi32>
    %add3A_818 = arith.addi %add3A_806, %convert_element_type3A_817 : vector<16xi32>
    %slice3A_819 = vector.extract_strided_slice %get3A_660 {offsets = [13], sizes = [1], strides = [1]} : vector<16xf32> to vector<1xf32>
    %squeeze3A_820 = vector.extract %slice3A_819[0] : f32 from vector<1xf32>
    %broadcast_in_dim3A_821 = vector.broadcast %squeeze3A_820 : f32 to vector<16xf32>
    %lt3A_822 = arith.cmpf olt, %broadcast_in_dim3A_821, %get3A_660 : vector<16xf32>
    %eq3A_823 = arith.cmpf oeq, %broadcast_in_dim3A_821, %get3A_660 : vector<16xf32>
    %gt3A_824 = arith.constant 13 : i32
    %gt3A_825 = vector.broadcast %gt3A_824 : i32 to vector<16xi32>
    %gt3A_826 = arith.cmpi sgt, %iota3A, %gt3A_825 : vector<16xi32>
    %and3A_827 = arith.andi %eq3A_823, %gt3A_826 : vector<16xi1>
    %or3A_828 = arith.ori %lt3A_822, %and3A_827 : vector<16xi1>
    %convert_element_type3A_829 = arith.extui %or3A_828 : vector<16xi1> to vector<16xi32>
    %add3A_830 = arith.addi %add3A_818, %convert_element_type3A_829 : vector<16xi32>
    %slice3A_831 = vector.extract_strided_slice %get3A_660 {offsets = [14], sizes = [1], strides = [1]} : vector<16xf32> to vector<1xf32>
    %squeeze3A_832 = vector.extract %slice3A_831[0] : f32 from vector<1xf32>
    %broadcast_in_dim3A_833 = vector.broadcast %squeeze3A_832 : f32 to vector<16xf32>
    %lt3A_834 = arith.cmpf olt, %broadcast_in_dim3A_833, %get3A_660 : vector<16xf32>
    %eq3A_835 = arith.cmpf oeq, %broadcast_in_dim3A_833, %get3A_660 : vector<16xf32>
    %gt3A_836 = arith.constant 14 : i32
    %gt3A_837 = vector.broadcast %gt3A_836 : i32 to vector<16xi32>
    %gt3A_838 = arith.cmpi sgt, %iota3A, %gt3A_837 : vector<16xi32>
    %and3A_839 = arith.andi %eq3A_835, %gt3A_838 : vector<16xi1>
    %or3A_840 = arith.ori %lt3A_834, %and3A_839 : vector<16xi1>
    %convert_element_type3A_841 = arith.extui %or3A_840 : vector<16xi1> to vector<16xi32>
    %add3A_842 = arith.addi %add3A_830, %convert_element_type3A_841 : vector<16xi32>
    %lt3A_843 = arith.constant 8 : i32
    %lt3A_844 = vector.broadcast %lt3A_843 : i32 to vector<16xi32>
    %lt3A_845 = arith.cmpi slt, %add3A_842, %lt3A_844 : vector<16xi32>
    %neg3A_846 = arith.constant 0.000000e+00 : f32
    %neg3A_847 = vector.broadcast %neg3A_846 : f32 to vector<16xf32>
    %neg3A_848 = arith.subf %neg3A_847, %get3A_660 : vector<16xf32>
    %exp3A_849 = math.exp %neg3A_848 : vector<16xf32>
    %add3A_850 = arith.constant 1.000000e+00 : f32
    %add3A_851 = vector.broadcast %add3A_850 : f32 to vector<16xf32>
    %add3A_852 = arith.addf %add3A_851, %exp3A_849 : vector<16xf32>
    %div3A_853 = arith.constant 1.000000e+00 : f32
    %div3A_854 = vector.broadcast %div3A_853 : f32 to vector<16xf32>
    %div3A_855 = arith.divf %div3A_854, %add3A_852 : vector<16xf32>
    tpu.vector_store_idx %arg6[%add3A_842], %iota3A masked %lt3A_845 : memref<16xi32, #tpu.memory_space<vmem>>[vector<16xi32>], vector<16xi32>, vector<16xi1>
    tpu.vector_store_idx %arg7[%add3A_842], %div3A_855 masked %lt3A_845 : memref<16xf32, #tpu.memory_space<vmem>>[vector<16xi32>], vector<16xf32>, vector<16xi1>
    %gather3A_856 = tpu.vector_load_idx %arg6[%and3A_265] : memref<16xi32, #tpu.memory_space<vmem>>[vector<16xi32>], vector<16xi32>,
    %swap3A_857 = arith.constant 32 : index
    %swap3A_858 = tpu.vector_load %arg8[%swap3A_857] {strides = array<i32>} : memref<128xi32, #tpu.memory_space<vmem>>, vector<16xi32>,
    tpu.vector_store %arg8[%swap3A_857], %gather3A_856 {strides = array<i32>} : memref<128xi32, #tpu.memory_space<vmem>>, vector<16xi32>,
    %gather3A_859 = tpu.vector_load_idx %arg7[%and3A_265] : memref<16xf32, #tpu.memory_space<vmem>>[vector<16xi32>], vector<16xf32>,
    %swap3A_860 = arith.constant 32 : index
    %swap3A_861 = tpu.vector_load %arg9[%swap3A_860] {strides = array<i32>} : memref<128xf32, #tpu.memory_space<vmem>>, vector<16xf32>,
    tpu.vector_store %arg9[%swap3A_860], %gather3A_859 {strides = array<i32>} : memref<128xf32, #tpu.memory_space<vmem>>, vector<16xf32>,
    %get3A_862 = arith.constant 48 : index
    %get3A_863 = tpu.vector_load %arg5[%get3A_862] {strides = array<i32>} : memref<128xf32, #tpu.memory_space<vmem>>, vector<16xf32>,
    %broadcast_in_dim3A_864 = arith.constant 0 : i32
    %broadcast_in_dim3A_865 = vector.broadcast %broadcast_in_dim3A_864 : i32 to vector<16xi32>
    %slice3A_866 = vector.extract_strided_slice %get3A_863 {offsets = [0], sizes = [1], strides = [1]} : vector<16xf32> to vector<1xf32>
    %squeeze3A_867 = vector.extract %slice3A_866[0] : f32 from vector<1xf32>
    %broadcast_in_dim3A_868 = vector.broadcast %squeeze3A_867 : f32 to vector<16xf32>
    %lt3A_869 = arith.cmpf olt, %broadcast_in_dim3A_868, %get3A_863 : vector<16xf32>
    %eq3A_870 = arith.cmpf oeq, %broadcast_in_dim3A_868, %get3A_863 : vector<16xf32>
    %gt3A_871 = arith.constant 0 : i32
    %gt3A_872 = vector.broadcast %gt3A_871 : i32 to vector<16xi32>
    %gt3A_873 = arith.cmpi sgt, %iota3A, %gt3A_872 : vector<16xi32>
    %and3A_874 = arith.andi %eq3A_870, %gt3A_873 : vector<16xi1>
    %or3A_875 = arith.ori %lt3A_869, %and3A_874 : vector<16xi1>
    %convert_element_type3A_876 = arith.extui %or3A_875 : vector<16xi1> to vector<16xi32>
    %add3A_877 = arith.addi %broadcast_in_dim3A_865, %convert_element_type3A_876 : vector<16xi32>
    %slice3A_878 = vector.extract_strided_slice %get3A_863 {offsets = [1], sizes = [1], strides = [1]} : vector<16xf32> to vector<1xf32>
    %squeeze3A_879 = vector.extract %slice3A_878[0] : f32 from vector<1xf32>
    %broadcast_in_dim3A_880 = vector.broadcast %squeeze3A_879 : f32 to vector<16xf32>
    %lt3A_881 = arith.cmpf olt, %broadcast_in_dim3A_880, %get3A_863 : vector<16xf32>
    %eq3A_882 = arith.cmpf oeq, %broadcast_in_dim3A_880, %get3A_863 : vector<16xf32>
    %gt3A_883 = arith.constant 1 : i32
    %gt3A_884 = vector.broadcast %gt3A_883 : i32 to vector<16xi32>
    %gt3A_885 = arith.cmpi sgt, %iota3A, %gt3A_884 : vector<16xi32>
    %and3A_886 = arith.andi %eq3A_882, %gt3A_885 : vector<16xi1>
    %or3A_887 = arith.ori %lt3A_881, %and3A_886 : vector<16xi1>
    %convert_element_type3A_888 = arith.extui %or3A_887 : vector<16xi1> to vector<16xi32>
    %add3A_889 = arith.addi %add3A_877, %convert_element_type3A_888 : vector<16xi32>
    %slice3A_890 = vector.extract_strided_slice %get3A_863 {offsets = [2], sizes = [1], strides = [1]} : vector<16xf32> to vector<1xf32>
    %squeeze3A_891 = vector.extract %slice3A_890[0] : f32 from vector<1xf32>
    %broadcast_in_dim3A_892 = vector.broadcast %squeeze3A_891 : f32 to vector<16xf32>
    %lt3A_893 = arith.cmpf olt, %broadcast_in_dim3A_892, %get3A_863 : vector<16xf32>
    %eq3A_894 = arith.cmpf oeq, %broadcast_in_dim3A_892, %get3A_863 : vector<16xf32>
    %gt3A_895 = arith.constant 2 : i32
    %gt3A_896 = vector.broadcast %gt3A_895 : i32 to vector<16xi32>
    %gt3A_897 = arith.cmpi sgt, %iota3A, %gt3A_896 : vector<16xi32>
    %and3A_898 = arith.andi %eq3A_894, %gt3A_897 : vector<16xi1>
    %or3A_899 = arith.ori %lt3A_893, %and3A_898 : vector<16xi1>
    %convert_element_type3A_900 = arith.extui %or3A_899 : vector<16xi1> to vector<16xi32>
    %add3A_901 = arith.addi %add3A_889, %convert_element_type3A_900 : vector<16xi32>
    %slice3A_902 = vector.extract_strided_slice %get3A_863 {offsets = [3], sizes = [1], strides = [1]} : vector<16xf32> to vector<1xf32>
    %squeeze3A_903 = vector.extract %slice3A_902[0] : f32 from vector<1xf32>
    %broadcast_in_dim3A_904 = vector.broadcast %squeeze3A_903 : f32 to vector<16xf32>
    %lt3A_905 = arith.cmpf olt, %broadcast_in_dim3A_904, %get3A_863 : vector<16xf32>
    %eq3A_906 = arith.cmpf oeq, %broadcast_in_dim3A_904, %get3A_863 : vector<16xf32>
    %gt3A_907 = arith.constant 3 : i32
    %gt3A_908 = vector.broadcast %gt3A_907 : i32 to vector<16xi32>
    %gt3A_909 = arith.cmpi sgt, %iota3A, %gt3A_908 : vector<16xi32>
    %and3A_910 = arith.andi %eq3A_906, %gt3A_909 : vector<16xi1>
    %or3A_911 = arith.ori %lt3A_905, %and3A_910 : vector<16xi1>
    %convert_element_type3A_912 = arith.extui %or3A_911 : vector<16xi1> to vector<16xi32>
    %add3A_913 = arith.addi %add3A_901, %convert_element_type3A_912 : vector<16xi32>
    %slice3A_914 = vector.extract_strided_slice %get3A_863 {offsets = [4], sizes = [1], strides = [1]} : vector<16xf32> to vector<1xf32>
    %squeeze3A_915 = vector.extract %slice3A_914[0] : f32 from vector<1xf32>
    %broadcast_in_dim3A_916 = vector.broadcast %squeeze3A_915 : f32 to vector<16xf32>
    %lt3A_917 = arith.cmpf olt, %broadcast_in_dim3A_916, %get3A_863 : vector<16xf32>
    %eq3A_918 = arith.cmpf oeq, %broadcast_in_dim3A_916, %get3A_863 : vector<16xf32>
    %gt3A_919 = arith.constant 4 : i32
    %gt3A_920 = vector.broadcast %gt3A_919 : i32 to vector<16xi32>
    %gt3A_921 = arith.cmpi sgt, %iota3A, %gt3A_920 : vector<16xi32>
    %and3A_922 = arith.andi %eq3A_918, %gt3A_921 : vector<16xi1>
    %or3A_923 = arith.ori %lt3A_917, %and3A_922 : vector<16xi1>
    %convert_element_type3A_924 = arith.extui %or3A_923 : vector<16xi1> to vector<16xi32>
    %add3A_925 = arith.addi %add3A_913, %convert_element_type3A_924 : vector<16xi32>
    %slice3A_926 = vector.extract_strided_slice %get3A_863 {offsets = [5], sizes = [1], strides = [1]} : vector<16xf32> to vector<1xf32>
    %squeeze3A_927 = vector.extract %slice3A_926[0] : f32 from vector<1xf32>
    %broadcast_in_dim3A_928 = vector.broadcast %squeeze3A_927 : f32 to vector<16xf32>
    %lt3A_929 = arith.cmpf olt, %broadcast_in_dim3A_928, %get3A_863 : vector<16xf32>
    %eq3A_930 = arith.cmpf oeq, %broadcast_in_dim3A_928, %get3A_863 : vector<16xf32>
    %gt3A_931 = arith.constant 5 : i32
    %gt3A_932 = vector.broadcast %gt3A_931 : i32 to vector<16xi32>
    %gt3A_933 = arith.cmpi sgt, %iota3A, %gt3A_932 : vector<16xi32>
    %and3A_934 = arith.andi %eq3A_930, %gt3A_933 : vector<16xi1>
    %or3A_935 = arith.ori %lt3A_929, %and3A_934 : vector<16xi1>
    %convert_element_type3A_936 = arith.extui %or3A_935 : vector<16xi1> to vector<16xi32>
    %add3A_937 = arith.addi %add3A_925, %convert_element_type3A_936 : vector<16xi32>
    %slice3A_938 = vector.extract_strided_slice %get3A_863 {offsets = [6], sizes = [1], strides = [1]} : vector<16xf32> to vector<1xf32>
    %squeeze3A_939 = vector.extract %slice3A_938[0] : f32 from vector<1xf32>
    %broadcast_in_dim3A_940 = vector.broadcast %squeeze3A_939 : f32 to vector<16xf32>
    %lt3A_941 = arith.cmpf olt, %broadcast_in_dim3A_940, %get3A_863 : vector<16xf32>
    %eq3A_942 = arith.cmpf oeq, %broadcast_in_dim3A_940, %get3A_863 : vector<16xf32>
    %gt3A_943 = arith.constant 6 : i32
    %gt3A_944 = vector.broadcast %gt3A_943 : i32 to vector<16xi32>
    %gt3A_945 = arith.cmpi sgt, %iota3A, %gt3A_944 : vector<16xi32>
    %and3A_946 = arith.andi %eq3A_942, %gt3A_945 : vector<16xi1>
    %or3A_947 = arith.ori %lt3A_941, %and3A_946 : vector<16xi1>
    %convert_element_type3A_948 = arith.extui %or3A_947 : vector<16xi1> to vector<16xi32>
    %add3A_949 = arith.addi %add3A_937, %convert_element_type3A_948 : vector<16xi32>
    %slice3A_950 = vector.extract_strided_slice %get3A_863 {offsets = [7], sizes = [1], strides = [1]} : vector<16xf32> to vector<1xf32>
    %squeeze3A_951 = vector.extract %slice3A_950[0] : f32 from vector<1xf32>
    %broadcast_in_dim3A_952 = vector.broadcast %squeeze3A_951 : f32 to vector<16xf32>
    %lt3A_953 = arith.cmpf olt, %broadcast_in_dim3A_952, %get3A_863 : vector<16xf32>
    %eq3A_954 = arith.cmpf oeq, %broadcast_in_dim3A_952, %get3A_863 : vector<16xf32>
    %gt3A_955 = arith.constant 7 : i32
    %gt3A_956 = vector.broadcast %gt3A_955 : i32 to vector<16xi32>
    %gt3A_957 = arith.cmpi sgt, %iota3A, %gt3A_956 : vector<16xi32>
    %and3A_958 = arith.andi %eq3A_954, %gt3A_957 : vector<16xi1>
    %or3A_959 = arith.ori %lt3A_953, %and3A_958 : vector<16xi1>
    %convert_element_type3A_960 = arith.extui %or3A_959 : vector<16xi1> to vector<16xi32>
    %add3A_961 = arith.addi %add3A_949, %convert_element_type3A_960 : vector<16xi32>
    %slice3A_962 = vector.extract_strided_slice %get3A_863 {offsets = [8], sizes = [1], strides = [1]} : vector<16xf32> to vector<1xf32>
    %squeeze3A_963 = vector.extract %slice3A_962[0] : f32 from vector<1xf32>
    %broadcast_in_dim3A_964 = vector.broadcast %squeeze3A_963 : f32 to vector<16xf32>
    %lt3A_965 = arith.cmpf olt, %broadcast_in_dim3A_964, %get3A_863 : vector<16xf32>
    %eq3A_966 = arith.cmpf oeq, %broadcast_in_dim3A_964, %get3A_863 : vector<16xf32>
    %gt3A_967 = arith.constant 8 : i32
    %gt3A_968 = vector.broadcast %gt3A_967 : i32 to vector<16xi32>
    %gt3A_969 = arith.cmpi sgt, %iota3A, %gt3A_968 : vector<16xi32>
    %and3A_970 = arith.andi %eq3A_966, %gt3A_969 : vector<16xi1>
    %or3A_971 = arith.ori %lt3A_965, %and3A_970 : vector<16xi1>
    %convert_element_type3A_972 = arith.extui %or3A_971 : vector<16xi1> to vector<16xi32>
    %add3A_973 = arith.addi %add3A_961, %convert_element_type3A_972 : vector<16xi32>
    %slice3A_974 = vector.extract_strided_slice %get3A_863 {offsets = [9], sizes = [1], strides = [1]} : vector<16xf32> to vector<1xf32>
    %squeeze3A_975 = vector.extract %slice3A_974[0] : f32 from vector<1xf32>
    %broadcast_in_dim3A_976 = vector.broadcast %squeeze3A_975 : f32 to vector<16xf32>
    %lt3A_977 = arith.cmpf olt, %broadcast_in_dim3A_976, %get3A_863 : vector<16xf32>
    %eq3A_978 = arith.cmpf oeq, %broadcast_in_dim3A_976, %get3A_863 : vector<16xf32>
    %gt3A_979 = arith.constant 9 : i32
    %gt3A_980 = vector.broadcast %gt3A_979 : i32 to vector<16xi32>
    %gt3A_981 = arith.cmpi sgt, %iota3A, %gt3A_980 : vector<16xi32>
    %and3A_982 = arith.andi %eq3A_978, %gt3A_981 : vector<16xi1>
    %or3A_983 = arith.ori %lt3A_977, %and3A_982 : vector<16xi1>
    %convert_element_type3A_984 = arith.extui %or3A_983 : vector<16xi1> to vector<16xi32>
    %add3A_985 = arith.addi %add3A_973, %convert_element_type3A_984 : vector<16xi32>
    %slice3A_986 = vector.extract_strided_slice %get3A_863 {offsets = [10], sizes = [1], strides = [1]} : vector<16xf32> to vector<1xf32>
    %squeeze3A_987 = vector.extract %slice3A_986[0] : f32 from vector<1xf32>
    %broadcast_in_dim3A_988 = vector.broadcast %squeeze3A_987 : f32 to vector<16xf32>
    %lt3A_989 = arith.cmpf olt, %broadcast_in_dim3A_988, %get3A_863 : vector<16xf32>
    %eq3A_990 = arith.cmpf oeq, %broadcast_in_dim3A_988, %get3A_863 : vector<16xf32>
    %gt3A_991 = arith.constant 10 : i32
    %gt3A_992 = vector.broadcast %gt3A_991 : i32 to vector<16xi32>
    %gt3A_993 = arith.cmpi sgt, %iota3A, %gt3A_992 : vector<16xi32>
    %and3A_994 = arith.andi %eq3A_990, %gt3A_993 : vector<16xi1>
    %or3A_995 = arith.ori %lt3A_989, %and3A_994 : vector<16xi1>
    %convert_element_type3A_996 = arith.extui %or3A_995 : vector<16xi1> to vector<16xi32>
    %add3A_997 = arith.addi %add3A_985, %convert_element_type3A_996 : vector<16xi32>
    %slice3A_998 = vector.extract_strided_slice %get3A_863 {offsets = [11], sizes = [1], strides = [1]} : vector<16xf32> to vector<1xf32>
    %squeeze3A_999 = vector.extract %slice3A_998[0] : f32 from vector<1xf32>
    %broadcast_in_dim3A_1000 = vector.broadcast %squeeze3A_999 : f32 to vector<16xf32>
    %lt3A_1001 = arith.cmpf olt, %broadcast_in_dim3A_1000, %get3A_863 : vector<16xf32>
    %eq3A_1002 = arith.cmpf oeq, %broadcast_in_dim3A_1000, %get3A_863 : vector<16xf32>
    %gt3A_1003 = arith.constant 11 : i32
    %gt3A_1004 = vector.broadcast %gt3A_1003 : i32 to vector<16xi32>
    %gt3A_1005 = arith.cmpi sgt, %iota3A, %gt3A_1004 : vector<16xi32>
    %and3A_1006 = arith.andi %eq3A_1002, %gt3A_1005 : vector<16xi1>
    %or3A_1007 = arith.ori %lt3A_1001, %and3A_1006 : vector<16xi1>
    %convert_element_type3A_1008 = arith.extui %or3A_1007 : vector<16xi1> to vector<16xi32>
    %add3A_1009 = arith.addi %add3A_997, %convert_element_type3A_1008 : vector<16xi32>
    %slice3A_1010 = vector.extract_strided_slice %get3A_863 {offsets = [12], sizes = [1], strides = [1]} : vector<16xf32> to vector<1xf32>
    %squeeze3A_1011 = vector.extract %slice3A_1010[0] : f32 from vector<1xf32>
    %broadcast_in_dim3A_1012 = vector.broadcast %squeeze3A_1011 : f32 to vector<16xf32>
    %lt3A_1013 = arith.cmpf olt, %broadcast_in_dim3A_1012, %get3A_863 : vector<16xf32>
    %eq3A_1014 = arith.cmpf oeq, %broadcast_in_dim3A_1012, %get3A_863 : vector<16xf32>
    %gt3A_1015 = arith.constant 12 : i32
    %gt3A_1016 = vector.broadcast %gt3A_1015 : i32 to vector<16xi32>
    %gt3A_1017 = arith.cmpi sgt, %iota3A, %gt3A_1016 : vector<16xi32>
    %and3A_1018 = arith.andi %eq3A_1014, %gt3A_1017 : vector<16xi1>
    %or3A_1019 = arith.ori %lt3A_1013, %and3A_1018 : vector<16xi1>
    %convert_element_type3A_1020 = arith.extui %or3A_1019 : vector<16xi1> to vector<16xi32>
    %add3A_1021 = arith.addi %add3A_1009, %convert_element_type3A_1020 : vector<16xi32>
    %slice3A_1022 = vector.extract_strided_slice %get3A_863 {offsets = [13], sizes = [1], strides = [1]} : vector<16xf32> to vector<1xf32>
    %squeeze3A_1023 = vector.extract %slice3A_1022[0] : f32 from vector<1xf32>
    %broadcast_in_dim3A_1024 = vector.broadcast %squeeze3A_1023 : f32 to vector<16xf32>
    %lt3A_1025 = arith.cmpf olt, %broadcast_in_dim3A_1024, %get3A_863 : vector<16xf32>
    %eq3A_1026 = arith.cmpf oeq, %broadcast_in_dim3A_1024, %get3A_863 : vector<16xf32>
    %gt3A_1027 = arith.constant 13 : i32
    %gt3A_1028 = vector.broadcast %gt3A_1027 : i32 to vector<16xi32>
    %gt3A_1029 = arith.cmpi sgt, %iota3A, %gt3A_1028 : vector<16xi32>
    %and3A_1030 = arith.andi %eq3A_1026, %gt3A_1029 : vector<16xi1>
    %or3A_1031 = arith.ori %lt3A_1025, %and3A_1030 : vector<16xi1>
    %convert_element_type3A_1032 = arith.extui %or3A_1031 : vector<16xi1> to vector<16xi32>
    %add3A_1033 = arith.addi %add3A_1021, %convert_element_type3A_1032 : vector<16xi32>
    %slice3A_1034 = vector.extract_strided_slice %get3A_863 {offsets = [14], sizes = [1], strides = [1]} : vector<16xf32> to vector<1xf32>
    %squeeze3A_1035 = vector.extract %slice3A_1034[0] : f32 from vector<1xf32>
    %broadcast_in_dim3A_1036 = vector.broadcast %squeeze3A_1035 : f32 to vector<16xf32>
    %lt3A_1037 = arith.cmpf olt, %broadcast_in_dim3A_1036, %get3A_863 : vector<16xf32>
    %eq3A_1038 = arith.cmpf oeq, %broadcast_in_dim3A_1036, %get3A_863 : vector<16xf32>
    %gt3A_1039 = arith.constant 14 : i32
    %gt3A_1040 = vector.broadcast %gt3A_1039 : i32 to vector<16xi32>
    %gt3A_1041 = arith.cmpi sgt, %iota3A, %gt3A_1040 : vector<16xi32>
    %and3A_1042 = arith.andi %eq3A_1038, %gt3A_1041 : vector<16xi1>
    %or3A_1043 = arith.ori %lt3A_1037, %and3A_1042 : vector<16xi1>
    %convert_element_type3A_1044 = arith.extui %or3A_1043 : vector<16xi1> to vector<16xi32>
    %add3A_1045 = arith.addi %add3A_1033, %convert_element_type3A_1044 : vector<16xi32>
    %lt3A_1046 = arith.constant 8 : i32
    %lt3A_1047 = vector.broadcast %lt3A_1046 : i32 to vector<16xi32>
    %lt3A_1048 = arith.cmpi slt, %add3A_1045, %lt3A_1047 : vector<16xi32>
    %neg3A_1049 = arith.constant 0.000000e+00 : f32
    %neg3A_1050 = vector.broadcast %neg3A_1049 : f32 to vector<16xf32>
    %neg3A_1051 = arith.subf %neg3A_1050, %get3A_863 : vector<16xf32>
    %exp3A_1052 = math.exp %neg3A_1051 : vector<16xf32>
    %add3A_1053 = arith.constant 1.000000e+00 : f32
    %add3A_1054 = vector.broadcast %add3A_1053 : f32 to vector<16xf32>
    %add3A_1055 = arith.addf %add3A_1054, %exp3A_1052 : vector<16xf32>
    %div3A_1056 = arith.constant 1.000000e+00 : f32
    %div3A_1057 = vector.broadcast %div3A_1056 : f32 to vector<16xf32>
    %div3A_1058 = arith.divf %div3A_1057, %add3A_1055 : vector<16xf32>
    tpu.vector_store_idx %arg6[%add3A_1045], %iota3A masked %lt3A_1048 : memref<16xi32, #tpu.memory_space<vmem>>[vector<16xi32>], vector<16xi32>, vector<16xi1>
    tpu.vector_store_idx %arg7[%add3A_1045], %div3A_1058 masked %lt3A_1048 : memref<16xf32, #tpu.memory_space<vmem>>[vector<16xi32>], vector<16xf32>, vector<16xi1>
    %gather3A_1059 = tpu.vector_load_idx %arg6[%and3A_265] : memref<16xi32, #tpu.memory_space<vmem>>[vector<16xi32>], vector<16xi32>,
    %swap3A_1060 = arith.constant 48 : index
    %swap3A_1061 = tpu.vector_load %arg8[%swap3A_1060] {strides = array<i32>} : memref<128xi32, #tpu.memory_space<vmem>>, vector<16xi32>,
    tpu.vector_store %arg8[%swap3A_1060], %gather3A_1059 {strides = array<i32>} : memref<128xi32, #tpu.memory_space<vmem>>, vector<16xi32>,
    %gather3A_1062 = tpu.vector_load_idx %arg7[%and3A_265] : memref<16xf32, #tpu.memory_space<vmem>>[vector<16xi32>], vector<16xf32>,
    %swap3A_1063 = arith.constant 48 : index
    %swap3A_1064 = tpu.vector_load %arg9[%swap3A_1063] {strides = array<i32>} : memref<128xf32, #tpu.memory_space<vmem>>, vector<16xf32>,
    tpu.vector_store %arg9[%swap3A_1063], %gather3A_1062 {strides = array<i32>} : memref<128xf32, #tpu.memory_space<vmem>>, vector<16xf32>,
    %get3A_1065 = arith.constant 64 : index
    %get3A_1066 = tpu.vector_load %arg5[%get3A_1065] {strides = array<i32>} : memref<128xf32, #tpu.memory_space<vmem>>, vector<16xf32>,
    %broadcast_in_dim3A_1067 = arith.constant 0 : i32
    %broadcast_in_dim3A_1068 = vector.broadcast %broadcast_in_dim3A_1067 : i32 to vector<16xi32>
    %slice3A_1069 = vector.extract_strided_slice %get3A_1066 {offsets = [0], sizes = [1], strides = [1]} : vector<16xf32> to vector<1xf32>
    %squeeze3A_1070 = vector.extract %slice3A_1069[0] : f32 from vector<1xf32>
    %broadcast_in_dim3A_1071 = vector.broadcast %squeeze3A_1070 : f32 to vector<16xf32>
    %lt3A_1072 = arith.cmpf olt, %broadcast_in_dim3A_1071, %get3A_1066 : vector<16xf32>
    %eq3A_1073 = arith.cmpf oeq, %broadcast_in_dim3A_1071, %get3A_1066 : vector<16xf32>
    %gt3A_1074 = arith.constant 0 : i32
    %gt3A_1075 = vector.broadcast %gt3A_1074 : i32 to vector<16xi32>
    %gt3A_1076 = arith.cmpi sgt, %iota3A, %gt3A_1075 : vector<16xi32>
    %and3A_1077 = arith.andi %eq3A_1073, %gt3A_1076 : vector<16xi1>
    %or3A_1078 = arith.ori %lt3A_1072, %and3A_1077 : vector<16xi1>
    %convert_element_type3A_1079 = arith.extui %or3A_1078 : vector<16xi1> to vector<16xi32>
    %add3A_1080 = arith.addi %broadcast_in_dim3A_1068, %convert_element_type3A_1079 : vector<16xi32>
    %slice3A_1081 = vector.extract_strided_slice %get3A_1066 {offsets = [1], sizes = [1], strides = [1]} : vector<16xf32> to vector<1xf32>
    %squeeze3A_1082 = vector.extract %slice3A_1081[0] : f32 from vector<1xf32>
    %broadcast_in_dim3A_1083 = vector.broadcast %squeeze3A_1082 : f32 to vector<16xf32>
    %lt3A_1084 = arith.cmpf olt, %broadcast_in_dim3A_1083, %get3A_1066 : vector<16xf32>
    %eq3A_1085 = arith.cmpf oeq, %broadcast_in_dim3A_1083, %get3A_1066 : vector<16xf32>
    %gt3A_1086 = arith.constant 1 : i32
    %gt3A_1087 = vector.broadcast %gt3A_1086 : i32 to vector<16xi32>
    %gt3A_1088 = arith.cmpi sgt, %iota3A, %gt3A_1087 : vector<16xi32>
    %and3A_1089 = arith.andi %eq3A_1085, %gt3A_1088 : vector<16xi1>
    %or3A_1090 = arith.ori %lt3A_1084, %and3A_1089 : vector<16xi1>
    %convert_element_type3A_1091 = arith.extui %or3A_1090 : vector<16xi1> to vector<16xi32>
    %add3A_1092 = arith.addi %add3A_1080, %convert_element_type3A_1091 : vector<16xi32>
    %slice3A_1093 = vector.extract_strided_slice %get3A_1066 {offsets = [2], sizes = [1], strides = [1]} : vector<16xf32> to vector<1xf32>
    %squeeze3A_1094 = vector.extract %slice3A_1093[0] : f32 from vector<1xf32>
    %broadcast_in_dim3A_1095 = vector.broadcast %squeeze3A_1094 : f32 to vector<16xf32>
    %lt3A_1096 = arith.cmpf olt, %broadcast_in_dim3A_1095, %get3A_1066 : vector<16xf32>
    %eq3A_1097 = arith.cmpf oeq, %broadcast_in_dim3A_1095, %get3A_1066 : vector<16xf32>
    %gt3A_1098 = arith.constant 2 : i32
    %gt3A_1099 = vector.broadcast %gt3A_1098 : i32 to vector<16xi32>
    %gt3A_1100 = arith.cmpi sgt, %iota3A, %gt3A_1099 : vector<16xi32>
    %and3A_1101 = arith.andi %eq3A_1097, %gt3A_1100 : vector<16xi1>
    %or3A_1102 = arith.ori %lt3A_1096, %and3A_1101 : vector<16xi1>
    %convert_element_type3A_1103 = arith.extui %or3A_1102 : vector<16xi1> to vector<16xi32>
    %add3A_1104 = arith.addi %add3A_1092, %convert_element_type3A_1103 : vector<16xi32>
    %slice3A_1105 = vector.extract_strided_slice %get3A_1066 {offsets = [3], sizes = [1], strides = [1]} : vector<16xf32> to vector<1xf32>
    %squeeze3A_1106 = vector.extract %slice3A_1105[0] : f32 from vector<1xf32>
    %broadcast_in_dim3A_1107 = vector.broadcast %squeeze3A_1106 : f32 to vector<16xf32>
    %lt3A_1108 = arith.cmpf olt, %broadcast_in_dim3A_1107, %get3A_1066 : vector<16xf32>
    %eq3A_1109 = arith.cmpf oeq, %broadcast_in_dim3A_1107, %get3A_1066 : vector<16xf32>
    %gt3A_1110 = arith.constant 3 : i32
    %gt3A_1111 = vector.broadcast %gt3A_1110 : i32 to vector<16xi32>
    %gt3A_1112 = arith.cmpi sgt, %iota3A, %gt3A_1111 : vector<16xi32>
    %and3A_1113 = arith.andi %eq3A_1109, %gt3A_1112 : vector<16xi1>
    %or3A_1114 = arith.ori %lt3A_1108, %and3A_1113 : vector<16xi1>
    %convert_element_type3A_1115 = arith.extui %or3A_1114 : vector<16xi1> to vector<16xi32>
    %add3A_1116 = arith.addi %add3A_1104, %convert_element_type3A_1115 : vector<16xi32>
    %slice3A_1117 = vector.extract_strided_slice %get3A_1066 {offsets = [4], sizes = [1], strides = [1]} : vector<16xf32> to vector<1xf32>
    %squeeze3A_1118 = vector.extract %slice3A_1117[0] : f32 from vector<1xf32>
    %broadcast_in_dim3A_1119 = vector.broadcast %squeeze3A_1118 : f32 to vector<16xf32>
    %lt3A_1120 = arith.cmpf olt, %broadcast_in_dim3A_1119, %get3A_1066 : vector<16xf32>
    %eq3A_1121 = arith.cmpf oeq, %broadcast_in_dim3A_1119, %get3A_1066 : vector<16xf32>
    %gt3A_1122 = arith.constant 4 : i32
    %gt3A_1123 = vector.broadcast %gt3A_1122 : i32 to vector<16xi32>
    %gt3A_1124 = arith.cmpi sgt, %iota3A, %gt3A_1123 : vector<16xi32>
    %and3A_1125 = arith.andi %eq3A_1121, %gt3A_1124 : vector<16xi1>
    %or3A_1126 = arith.ori %lt3A_1120, %and3A_1125 : vector<16xi1>
    %convert_element_type3A_1127 = arith.extui %or3A_1126 : vector<16xi1> to vector<16xi32>
    %add3A_1128 = arith.addi %add3A_1116, %convert_element_type3A_1127 : vector<16xi32>
    %slice3A_1129 = vector.extract_strided_slice %get3A_1066 {offsets = [5], sizes = [1], strides = [1]} : vector<16xf32> to vector<1xf32>
    %squeeze3A_1130 = vector.extract %slice3A_1129[0] : f32 from vector<1xf32>
    %broadcast_in_dim3A_1131 = vector.broadcast %squeeze3A_1130 : f32 to vector<16xf32>
    %lt3A_1132 = arith.cmpf olt, %broadcast_in_dim3A_1131, %get3A_1066 : vector<16xf32>
    %eq3A_1133 = arith.cmpf oeq, %broadcast_in_dim3A_1131, %get3A_1066 : vector<16xf32>
    %gt3A_1134 = arith.constant 5 : i32
    %gt3A_1135 = vector.broadcast %gt3A_1134 : i32 to vector<16xi32>
    %gt3A_1136 = arith.cmpi sgt, %iota3A, %gt3A_1135 : vector<16xi32>
    %and3A_1137 = arith.andi %eq3A_1133, %gt3A_1136 : vector<16xi1>
    %or3A_1138 = arith.ori %lt3A_1132, %and3A_1137 : vector<16xi1>
    %convert_element_type3A_1139 = arith.extui %or3A_1138 : vector<16xi1> to vector<16xi32>
    %add3A_1140 = arith.addi %add3A_1128, %convert_element_type3A_1139 : vector<16xi32>
    %slice3A_1141 = vector.extract_strided_slice %get3A_1066 {offsets = [6], sizes = [1], strides = [1]} : vector<16xf32> to vector<1xf32>
    %squeeze3A_1142 = vector.extract %slice3A_1141[0] : f32 from vector<1xf32>
    %broadcast_in_dim3A_1143 = vector.broadcast %squeeze3A_1142 : f32 to vector<16xf32>
    %lt3A_1144 = arith.cmpf olt, %broadcast_in_dim3A_1143, %get3A_1066 : vector<16xf32>
    %eq3A_1145 = arith.cmpf oeq, %broadcast_in_dim3A_1143, %get3A_1066 : vector<16xf32>
    %gt3A_1146 = arith.constant 6 : i32
    %gt3A_1147 = vector.broadcast %gt3A_1146 : i32 to vector<16xi32>
    %gt3A_1148 = arith.cmpi sgt, %iota3A, %gt3A_1147 : vector<16xi32>
    %and3A_1149 = arith.andi %eq3A_1145, %gt3A_1148 : vector<16xi1>
    %or3A_1150 = arith.ori %lt3A_1144, %and3A_1149 : vector<16xi1>
    %convert_element_type3A_1151 = arith.extui %or3A_1150 : vector<16xi1> to vector<16xi32>
    %add3A_1152 = arith.addi %add3A_1140, %convert_element_type3A_1151 : vector<16xi32>
    %slice3A_1153 = vector.extract_strided_slice %get3A_1066 {offsets = [7], sizes = [1], strides = [1]} : vector<16xf32> to vector<1xf32>
    %squeeze3A_1154 = vector.extract %slice3A_1153[0] : f32 from vector<1xf32>
    %broadcast_in_dim3A_1155 = vector.broadcast %squeeze3A_1154 : f32 to vector<16xf32>
    %lt3A_1156 = arith.cmpf olt, %broadcast_in_dim3A_1155, %get3A_1066 : vector<16xf32>
    %eq3A_1157 = arith.cmpf oeq, %broadcast_in_dim3A_1155, %get3A_1066 : vector<16xf32>
    %gt3A_1158 = arith.constant 7 : i32
    %gt3A_1159 = vector.broadcast %gt3A_1158 : i32 to vector<16xi32>
    %gt3A_1160 = arith.cmpi sgt, %iota3A, %gt3A_1159 : vector<16xi32>
    %and3A_1161 = arith.andi %eq3A_1157, %gt3A_1160 : vector<16xi1>
    %or3A_1162 = arith.ori %lt3A_1156, %and3A_1161 : vector<16xi1>
    %convert_element_type3A_1163 = arith.extui %or3A_1162 : vector<16xi1> to vector<16xi32>
    %add3A_1164 = arith.addi %add3A_1152, %convert_element_type3A_1163 : vector<16xi32>
    %slice3A_1165 = vector.extract_strided_slice %get3A_1066 {offsets = [8], sizes = [1], strides = [1]} : vector<16xf32> to vector<1xf32>
    %squeeze3A_1166 = vector.extract %slice3A_1165[0] : f32 from vector<1xf32>
    %broadcast_in_dim3A_1167 = vector.broadcast %squeeze3A_1166 : f32 to vector<16xf32>
    %lt3A_1168 = arith.cmpf olt, %broadcast_in_dim3A_1167, %get3A_1066 : vector<16xf32>
    %eq3A_1169 = arith.cmpf oeq, %broadcast_in_dim3A_1167, %get3A_1066 : vector<16xf32>
    %gt3A_1170 = arith.constant 8 : i32
    %gt3A_1171 = vector.broadcast %gt3A_1170 : i32 to vector<16xi32>
    %gt3A_1172 = arith.cmpi sgt, %iota3A, %gt3A_1171 : vector<16xi32>
    %and3A_1173 = arith.andi %eq3A_1169, %gt3A_1172 : vector<16xi1>
    %or3A_1174 = arith.ori %lt3A_1168, %and3A_1173 : vector<16xi1>
    %convert_element_type3A_1175 = arith.extui %or3A_1174 : vector<16xi1> to vector<16xi32>
    %add3A_1176 = arith.addi %add3A_1164, %convert_element_type3A_1175 : vector<16xi32>
    %slice3A_1177 = vector.extract_strided_slice %get3A_1066 {offsets = [9], sizes = [1], strides = [1]} : vector<16xf32> to vector<1xf32>
    %squeeze3A_1178 = vector.extract %slice3A_1177[0] : f32 from vector<1xf32>
    %broadcast_in_dim3A_1179 = vector.broadcast %squeeze3A_1178 : f32 to vector<16xf32>
    %lt3A_1180 = arith.cmpf olt, %broadcast_in_dim3A_1179, %get3A_1066 : vector<16xf32>
    %eq3A_1181 = arith.cmpf oeq, %broadcast_in_dim3A_1179, %get3A_1066 : vector<16xf32>
    %gt3A_1182 = arith.constant 9 : i32
    %gt3A_1183 = vector.broadcast %gt3A_1182 : i32 to vector<16xi32>
    %gt3A_1184 = arith.cmpi sgt, %iota3A, %gt3A_1183 : vector<16xi32>
    %and3A_1185 = arith.andi %eq3A_1181, %gt3A_1184 : vector<16xi1>
    %or3A_1186 = arith.ori %lt3A_1180, %and3A_1185 : vector<16xi1>
    %convert_element_type3A_1187 = arith.extui %or3A_1186 : vector<16xi1> to vector<16xi32>
    %add3A_1188 = arith.addi %add3A_1176, %convert_element_type3A_1187 : vector<16xi32>
    %slice3A_1189 = vector.extract_strided_slice %get3A_1066 {offsets = [10], sizes = [1], strides = [1]} : vector<16xf32> to vector<1xf32>
    %squeeze3A_1190 = vector.extract %slice3A_1189[0] : f32 from vector<1xf32>
    %broadcast_in_dim3A_1191 = vector.broadcast %squeeze3A_1190 : f32 to vector<16xf32>
    %lt3A_1192 = arith.cmpf olt, %broadcast_in_dim3A_1191, %get3A_1066 : vector<16xf32>
    %eq3A_1193 = arith.cmpf oeq, %broadcast_in_dim3A_1191, %get3A_1066 : vector<16xf32>
    %gt3A_1194 = arith.constant 10 : i32
    %gt3A_1195 = vector.broadcast %gt3A_1194 : i32 to vector<16xi32>
    %gt3A_1196 = arith.cmpi sgt, %iota3A, %gt3A_1195 : vector<16xi32>
    %and3A_1197 = arith.andi %eq3A_1193, %gt3A_1196 : vector<16xi1>
    %or3A_1198 = arith.ori %lt3A_1192, %and3A_1197 : vector<16xi1>
    %convert_element_type3A_1199 = arith.extui %or3A_1198 : vector<16xi1> to vector<16xi32>
    %add3A_1200 = arith.addi %add3A_1188, %convert_element_type3A_1199 : vector<16xi32>
    %slice3A_1201 = vector.extract_strided_slice %get3A_1066 {offsets = [11], sizes = [1], strides = [1]} : vector<16xf32> to vector<1xf32>
    %squeeze3A_1202 = vector.extract %slice3A_1201[0] : f32 from vector<1xf32>
    %broadcast_in_dim3A_1203 = vector.broadcast %squeeze3A_1202 : f32 to vector<16xf32>
    %lt3A_1204 = arith.cmpf olt, %broadcast_in_dim3A_1203, %get3A_1066 : vector<16xf32>
    %eq3A_1205 = arith.cmpf oeq, %broadcast_in_dim3A_1203, %get3A_1066 : vector<16xf32>
    %gt3A_1206 = arith.constant 11 : i32
    %gt3A_1207 = vector.broadcast %gt3A_1206 : i32 to vector<16xi32>
    %gt3A_1208 = arith.cmpi sgt, %iota3A, %gt3A_1207 : vector<16xi32>
    %and3A_1209 = arith.andi %eq3A_1205, %gt3A_1208 : vector<16xi1>
    %or3A_1210 = arith.ori %lt3A_1204, %and3A_1209 : vector<16xi1>
    %convert_element_type3A_1211 = arith.extui %or3A_1210 : vector<16xi1> to vector<16xi32>
    %add3A_1212 = arith.addi %add3A_1200, %convert_element_type3A_1211 : vector<16xi32>
    %slice3A_1213 = vector.extract_strided_slice %get3A_1066 {offsets = [12], sizes = [1], strides = [1]} : vector<16xf32> to vector<1xf32>
    %squeeze3A_1214 = vector.extract %slice3A_1213[0] : f32 from vector<1xf32>
    %broadcast_in_dim3A_1215 = vector.broadcast %squeeze3A_1214 : f32 to vector<16xf32>
    %lt3A_1216 = arith.cmpf olt, %broadcast_in_dim3A_1215, %get3A_1066 : vector<16xf32>
    %eq3A_1217 = arith.cmpf oeq, %broadcast_in_dim3A_1215, %get3A_1066 : vector<16xf32>
    %gt3A_1218 = arith.constant 12 : i32
    %gt3A_1219 = vector.broadcast %gt3A_1218 : i32 to vector<16xi32>
    %gt3A_1220 = arith.cmpi sgt, %iota3A, %gt3A_1219 : vector<16xi32>
    %and3A_1221 = arith.andi %eq3A_1217, %gt3A_1220 : vector<16xi1>
    %or3A_1222 = arith.ori %lt3A_1216, %and3A_1221 : vector<16xi1>
    %convert_element_type3A_1223 = arith.extui %or3A_1222 : vector<16xi1> to vector<16xi32>
    %add3A_1224 = arith.addi %add3A_1212, %convert_element_type3A_1223 : vector<16xi32>
    %slice3A_1225 = vector.extract_strided_slice %get3A_1066 {offsets = [13], sizes = [1], strides = [1]} : vector<16xf32> to vector<1xf32>
    %squeeze3A_1226 = vector.extract %slice3A_1225[0] : f32 from vector<1xf32>
    %broadcast_in_dim3A_1227 = vector.broadcast %squeeze3A_1226 : f32 to vector<16xf32>
    %lt3A_1228 = arith.cmpf olt, %broadcast_in_dim3A_1227, %get3A_1066 : vector<16xf32>
    %eq3A_1229 = arith.cmpf oeq, %broadcast_in_dim3A_1227, %get3A_1066 : vector<16xf32>
    %gt3A_1230 = arith.constant 13 : i32
    %gt3A_1231 = vector.broadcast %gt3A_1230 : i32 to vector<16xi32>
    %gt3A_1232 = arith.cmpi sgt, %iota3A, %gt3A_1231 : vector<16xi32>
    %and3A_1233 = arith.andi %eq3A_1229, %gt3A_1232 : vector<16xi1>
    %or3A_1234 = arith.ori %lt3A_1228, %and3A_1233 : vector<16xi1>
    %convert_element_type3A_1235 = arith.extui %or3A_1234 : vector<16xi1> to vector<16xi32>
    %add3A_1236 = arith.addi %add3A_1224, %convert_element_type3A_1235 : vector<16xi32>
    %slice3A_1237 = vector.extract_strided_slice %get3A_1066 {offsets = [14], sizes = [1], strides = [1]} : vector<16xf32> to vector<1xf32>
    %squeeze3A_1238 = vector.extract %slice3A_1237[0] : f32 from vector<1xf32>
    %broadcast_in_dim3A_1239 = vector.broadcast %squeeze3A_1238 : f32 to vector<16xf32>
    %lt3A_1240 = arith.cmpf olt, %broadcast_in_dim3A_1239, %get3A_1066 : vector<16xf32>
    %eq3A_1241 = arith.cmpf oeq, %broadcast_in_dim3A_1239, %get3A_1066 : vector<16xf32>
    %gt3A_1242 = arith.constant 14 : i32
    %gt3A_1243 = vector.broadcast %gt3A_1242 : i32 to vector<16xi32>
    %gt3A_1244 = arith.cmpi sgt, %iota3A, %gt3A_1243 : vector<16xi32>
    %and3A_1245 = arith.andi %eq3A_1241, %gt3A_1244 : vector<16xi1>
    %or3A_1246 = arith.ori %lt3A_1240, %and3A_1245 : vector<16xi1>
    %convert_element_type3A_1247 = arith.extui %or3A_1246 : vector<16xi1> to vector<16xi32>
    %add3A_1248 = arith.addi %add3A_1236, %convert_element_type3A_1247 : vector<16xi32>
    %lt3A_1249 = arith.constant 8 : i32
    %lt3A_1250 = vector.broadcast %lt3A_1249 : i32 to vector<16xi32>
    %lt3A_1251 = arith.cmpi slt, %add3A_1248, %lt3A_1250 : vector<16xi32>
    %neg3A_1252 = arith.constant 0.000000e+00 : f32
    %neg3A_1253 = vector.broadcast %neg3A_1252 : f32 to vector<16xf32>
    %neg3A_1254 = arith.subf %neg3A_1253, %get3A_1066 : vector<16xf32>
    %exp3A_1255 = math.exp %neg3A_1254 : vector<16xf32>
    %add3A_1256 = arith.constant 1.000000e+00 : f32
    %add3A_1257 = vector.broadcast %add3A_1256 : f32 to vector<16xf32>
    %add3A_1258 = arith.addf %add3A_1257, %exp3A_1255 : vector<16xf32>
    %div3A_1259 = arith.constant 1.000000e+00 : f32
    %div3A_1260 = vector.broadcast %div3A_1259 : f32 to vector<16xf32>
    %div3A_1261 = arith.divf %div3A_1260, %add3A_1258 : vector<16xf32>
    tpu.vector_store_idx %arg6[%add3A_1248], %iota3A masked %lt3A_1251 : memref<16xi32, #tpu.memory_space<vmem>>[vector<16xi32>], vector<16xi32>, vector<16xi1>
    tpu.vector_store_idx %arg7[%add3A_1248], %div3A_1261 masked %lt3A_1251 : memref<16xf32, #tpu.memory_space<vmem>>[vector<16xi32>], vector<16xf32>, vector<16xi1>
    %gather3A_1262 = tpu.vector_load_idx %arg6[%and3A_265] : memref<16xi32, #tpu.memory_space<vmem>>[vector<16xi32>], vector<16xi32>,
    %swap3A_1263 = arith.constant 64 : index
    %swap3A_1264 = tpu.vector_load %arg8[%swap3A_1263] {strides = array<i32>} : memref<128xi32, #tpu.memory_space<vmem>>, vector<16xi32>,
    tpu.vector_store %arg8[%swap3A_1263], %gather3A_1262 {strides = array<i32>} : memref<128xi32, #tpu.memory_space<vmem>>, vector<16xi32>,
    %gather3A_1265 = tpu.vector_load_idx %arg7[%and3A_265] : memref<16xf32, #tpu.memory_space<vmem>>[vector<16xi32>], vector<16xf32>,
    %swap3A_1266 = arith.constant 64 : index
    %swap3A_1267 = tpu.vector_load %arg9[%swap3A_1266] {strides = array<i32>} : memref<128xf32, #tpu.memory_space<vmem>>, vector<16xf32>,
    tpu.vector_store %arg9[%swap3A_1266], %gather3A_1265 {strides = array<i32>} : memref<128xf32, #tpu.memory_space<vmem>>, vector<16xf32>,
    %get3A_1268 = arith.constant 80 : index
    %get3A_1269 = tpu.vector_load %arg5[%get3A_1268] {strides = array<i32>} : memref<128xf32, #tpu.memory_space<vmem>>, vector<16xf32>,
    %broadcast_in_dim3A_1270 = arith.constant 0 : i32
    %broadcast_in_dim3A_1271 = vector.broadcast %broadcast_in_dim3A_1270 : i32 to vector<16xi32>
    %slice3A_1272 = vector.extract_strided_slice %get3A_1269 {offsets = [0], sizes = [1], strides = [1]} : vector<16xf32> to vector<1xf32>
    %squeeze3A_1273 = vector.extract %slice3A_1272[0] : f32 from vector<1xf32>
    %broadcast_in_dim3A_1274 = vector.broadcast %squeeze3A_1273 : f32 to vector<16xf32>
    %lt3A_1275 = arith.cmpf olt, %broadcast_in_dim3A_1274, %get3A_1269 : vector<16xf32>
    %eq3A_1276 = arith.cmpf oeq, %broadcast_in_dim3A_1274, %get3A_1269 : vector<16xf32>
    %gt3A_1277 = arith.constant 0 : i32
    %gt3A_1278 = vector.broadcast %gt3A_1277 : i32 to vector<16xi32>
    %gt3A_1279 = arith.cmpi sgt, %iota3A, %gt3A_1278 : vector<16xi32>
    %and3A_1280 = arith.andi %eq3A_1276, %gt3A_1279 : vector<16xi1>
    %or3A_1281 = arith.ori %lt3A_1275, %and3A_1280 : vector<16xi1>
    %convert_element_type3A_1282 = arith.extui %or3A_1281 : vector<16xi1> to vector<16xi32>
    %add3A_1283 = arith.addi %broadcast_in_dim3A_1271, %convert_element_type3A_1282 : vector<16xi32>
    %slice3A_1284 = vector.extract_strided_slice %get3A_1269 {offsets = [1], sizes = [1], strides = [1]} : vector<16xf32> to vector<1xf32>
    %squeeze3A_1285 = vector.extract %slice3A_1284[0] : f32 from vector<1xf32>
    %broadcast_in_dim3A_1286 = vector.broadcast %squeeze3A_1285 : f32 to vector<16xf32>
    %lt3A_1287 = arith.cmpf olt, %broadcast_in_dim3A_1286, %get3A_1269 : vector<16xf32>
    %eq3A_1288 = arith.cmpf oeq, %broadcast_in_dim3A_1286, %get3A_1269 : vector<16xf32>
    %gt3A_1289 = arith.constant 1 : i32
    %gt3A_1290 = vector.broadcast %gt3A_1289 : i32 to vector<16xi32>
    %gt3A_1291 = arith.cmpi sgt, %iota3A, %gt3A_1290 : vector<16xi32>
    %and3A_1292 = arith.andi %eq3A_1288, %gt3A_1291 : vector<16xi1>
    %or3A_1293 = arith.ori %lt3A_1287, %and3A_1292 : vector<16xi1>
    %convert_element_type3A_1294 = arith.extui %or3A_1293 : vector<16xi1> to vector<16xi32>
    %add3A_1295 = arith.addi %add3A_1283, %convert_element_type3A_1294 : vector<16xi32>
    %slice3A_1296 = vector.extract_strided_slice %get3A_1269 {offsets = [2], sizes = [1], strides = [1]} : vector<16xf32> to vector<1xf32>
    %squeeze3A_1297 = vector.extract %slice3A_1296[0] : f32 from vector<1xf32>
    %broadcast_in_dim3A_1298 = vector.broadcast %squeeze3A_1297 : f32 to vector<16xf32>
    %lt3A_1299 = arith.cmpf olt, %broadcast_in_dim3A_1298, %get3A_1269 : vector<16xf32>
    %eq3A_1300 = arith.cmpf oeq, %broadcast_in_dim3A_1298, %get3A_1269 : vector<16xf32>
    %gt3A_1301 = arith.constant 2 : i32
    %gt3A_1302 = vector.broadcast %gt3A_1301 : i32 to vector<16xi32>
    %gt3A_1303 = arith.cmpi sgt, %iota3A, %gt3A_1302 : vector<16xi32>
    %and3A_1304 = arith.andi %eq3A_1300, %gt3A_1303 : vector<16xi1>
    %or3A_1305 = arith.ori %lt3A_1299, %and3A_1304 : vector<16xi1>
    %convert_element_type3A_1306 = arith.extui %or3A_1305 : vector<16xi1> to vector<16xi32>
    %add3A_1307 = arith.addi %add3A_1295, %convert_element_type3A_1306 : vector<16xi32>
    %slice3A_1308 = vector.extract_strided_slice %get3A_1269 {offsets = [3], sizes = [1], strides = [1]} : vector<16xf32> to vector<1xf32>
    %squeeze3A_1309 = vector.extract %slice3A_1308[0] : f32 from vector<1xf32>
    %broadcast_in_dim3A_1310 = vector.broadcast %squeeze3A_1309 : f32 to vector<16xf32>
    %lt3A_1311 = arith.cmpf olt, %broadcast_in_dim3A_1310, %get3A_1269 : vector<16xf32>
    %eq3A_1312 = arith.cmpf oeq, %broadcast_in_dim3A_1310, %get3A_1269 : vector<16xf32>
    %gt3A_1313 = arith.constant 3 : i32
    %gt3A_1314 = vector.broadcast %gt3A_1313 : i32 to vector<16xi32>
    %gt3A_1315 = arith.cmpi sgt, %iota3A, %gt3A_1314 : vector<16xi32>
    %and3A_1316 = arith.andi %eq3A_1312, %gt3A_1315 : vector<16xi1>
    %or3A_1317 = arith.ori %lt3A_1311, %and3A_1316 : vector<16xi1>
    %convert_element_type3A_1318 = arith.extui %or3A_1317 : vector<16xi1> to vector<16xi32>
    %add3A_1319 = arith.addi %add3A_1307, %convert_element_type3A_1318 : vector<16xi32>
    %slice3A_1320 = vector.extract_strided_slice %get3A_1269 {offsets = [4], sizes = [1], strides = [1]} : vector<16xf32> to vector<1xf32>
    %squeeze3A_1321 = vector.extract %slice3A_1320[0] : f32 from vector<1xf32>
    %broadcast_in_dim3A_1322 = vector.broadcast %squeeze3A_1321 : f32 to vector<16xf32>
    %lt3A_1323 = arith.cmpf olt, %broadcast_in_dim3A_1322, %get3A_1269 : vector<16xf32>
    %eq3A_1324 = arith.cmpf oeq, %broadcast_in_dim3A_1322, %get3A_1269 : vector<16xf32>
    %gt3A_1325 = arith.constant 4 : i32
    %gt3A_1326 = vector.broadcast %gt3A_1325 : i32 to vector<16xi32>
    %gt3A_1327 = arith.cmpi sgt, %iota3A, %gt3A_1326 : vector<16xi32>
    %and3A_1328 = arith.andi %eq3A_1324, %gt3A_1327 : vector<16xi1>
    %or3A_1329 = arith.ori %lt3A_1323, %and3A_1328 : vector<16xi1>
    %convert_element_type3A_1330 = arith.extui %or3A_1329 : vector<16xi1> to vector<16xi32>
    %add3A_1331 = arith.addi %add3A_1319, %convert_element_type3A_1330 : vector<16xi32>
    %slice3A_1332 = vector.extract_strided_slice %get3A_1269 {offsets = [5], sizes = [1], strides = [1]} : vector<16xf32> to vector<1xf32>
    %squeeze3A_1333 = vector.extract %slice3A_1332[0] : f32 from vector<1xf32>
    %broadcast_in_dim3A_1334 = vector.broadcast %squeeze3A_1333 : f32 to vector<16xf32>
    %lt3A_1335 = arith.cmpf olt, %broadcast_in_dim3A_1334, %get3A_1269 : vector<16xf32>
    %eq3A_1336 = arith.cmpf oeq, %broadcast_in_dim3A_1334, %get3A_1269 : vector<16xf32>
    %gt3A_1337 = arith.constant 5 : i32
    %gt3A_1338 = vector.broadcast %gt3A_1337 : i32 to vector<16xi32>
    %gt3A_1339 = arith.cmpi sgt, %iota3A, %gt3A_1338 : vector<16xi32>
    %and3A_1340 = arith.andi %eq3A_1336, %gt3A_1339 : vector<16xi1>
    %or3A_1341 = arith.ori %lt3A_1335, %and3A_1340 : vector<16xi1>
    %convert_element_type3A_1342 = arith.extui %or3A_1341 : vector<16xi1> to vector<16xi32>
    %add3A_1343 = arith.addi %add3A_1331, %convert_element_type3A_1342 : vector<16xi32>
    %slice3A_1344 = vector.extract_strided_slice %get3A_1269 {offsets = [6], sizes = [1], strides = [1]} : vector<16xf32> to vector<1xf32>
    %squeeze3A_1345 = vector.extract %slice3A_1344[0] : f32 from vector<1xf32>
    %broadcast_in_dim3A_1346 = vector.broadcast %squeeze3A_1345 : f32 to vector<16xf32>
    %lt3A_1347 = arith.cmpf olt, %broadcast_in_dim3A_1346, %get3A_1269 : vector<16xf32>
    %eq3A_1348 = arith.cmpf oeq, %broadcast_in_dim3A_1346, %get3A_1269 : vector<16xf32>
    %gt3A_1349 = arith.constant 6 : i32
    %gt3A_1350 = vector.broadcast %gt3A_1349 : i32 to vector<16xi32>
    %gt3A_1351 = arith.cmpi sgt, %iota3A, %gt3A_1350 : vector<16xi32>
    %and3A_1352 = arith.andi %eq3A_1348, %gt3A_1351 : vector<16xi1>
    %or3A_1353 = arith.ori %lt3A_1347, %and3A_1352 : vector<16xi1>
    %convert_element_type3A_1354 = arith.extui %or3A_1353 : vector<16xi1> to vector<16xi32>
    %add3A_1355 = arith.addi %add3A_1343, %convert_element_type3A_1354 : vector<16xi32>
    %slice3A_1356 = vector.extract_strided_slice %get3A_1269 {offsets = [7], sizes = [1], strides = [1]} : vector<16xf32> to vector<1xf32>
    %squeeze3A_1357 = vector.extract %slice3A_1356[0] : f32 from vector<1xf32>
    %broadcast_in_dim3A_1358 = vector.broadcast %squeeze3A_1357 : f32 to vector<16xf32>
    %lt3A_1359 = arith.cmpf olt, %broadcast_in_dim3A_1358, %get3A_1269 : vector<16xf32>
    %eq3A_1360 = arith.cmpf oeq, %broadcast_in_dim3A_1358, %get3A_1269 : vector<16xf32>
    %gt3A_1361 = arith.constant 7 : i32
    %gt3A_1362 = vector.broadcast %gt3A_1361 : i32 to vector<16xi32>
    %gt3A_1363 = arith.cmpi sgt, %iota3A, %gt3A_1362 : vector<16xi32>
    %and3A_1364 = arith.andi %eq3A_1360, %gt3A_1363 : vector<16xi1>
    %or3A_1365 = arith.ori %lt3A_1359, %and3A_1364 : vector<16xi1>
    %convert_element_type3A_1366 = arith.extui %or3A_1365 : vector<16xi1> to vector<16xi32>
    %add3A_1367 = arith.addi %add3A_1355, %convert_element_type3A_1366 : vector<16xi32>
    %slice3A_1368 = vector.extract_strided_slice %get3A_1269 {offsets = [8], sizes = [1], strides = [1]} : vector<16xf32> to vector<1xf32>
    %squeeze3A_1369 = vector.extract %slice3A_1368[0] : f32 from vector<1xf32>
    %broadcast_in_dim3A_1370 = vector.broadcast %squeeze3A_1369 : f32 to vector<16xf32>
    %lt3A_1371 = arith.cmpf olt, %broadcast_in_dim3A_1370, %get3A_1269 : vector<16xf32>
    %eq3A_1372 = arith.cmpf oeq, %broadcast_in_dim3A_1370, %get3A_1269 : vector<16xf32>
    %gt3A_1373 = arith.constant 8 : i32
    %gt3A_1374 = vector.broadcast %gt3A_1373 : i32 to vector<16xi32>
    %gt3A_1375 = arith.cmpi sgt, %iota3A, %gt3A_1374 : vector<16xi32>
    %and3A_1376 = arith.andi %eq3A_1372, %gt3A_1375 : vector<16xi1>
    %or3A_1377 = arith.ori %lt3A_1371, %and3A_1376 : vector<16xi1>
    %convert_element_type3A_1378 = arith.extui %or3A_1377 : vector<16xi1> to vector<16xi32>
    %add3A_1379 = arith.addi %add3A_1367, %convert_element_type3A_1378 : vector<16xi32>
    %slice3A_1380 = vector.extract_strided_slice %get3A_1269 {offsets = [9], sizes = [1], strides = [1]} : vector<16xf32> to vector<1xf32>
    %squeeze3A_1381 = vector.extract %slice3A_1380[0] : f32 from vector<1xf32>
    %broadcast_in_dim3A_1382 = vector.broadcast %squeeze3A_1381 : f32 to vector<16xf32>
    %lt3A_1383 = arith.cmpf olt, %broadcast_in_dim3A_1382, %get3A_1269 : vector<16xf32>
    %eq3A_1384 = arith.cmpf oeq, %broadcast_in_dim3A_1382, %get3A_1269 : vector<16xf32>
    %gt3A_1385 = arith.constant 9 : i32
    %gt3A_1386 = vector.broadcast %gt3A_1385 : i32 to vector<16xi32>
    %gt3A_1387 = arith.cmpi sgt, %iota3A, %gt3A_1386 : vector<16xi32>
    %and3A_1388 = arith.andi %eq3A_1384, %gt3A_1387 : vector<16xi1>
    %or3A_1389 = arith.ori %lt3A_1383, %and3A_1388 : vector<16xi1>
    %convert_element_type3A_1390 = arith.extui %or3A_1389 : vector<16xi1> to vector<16xi32>
    %add3A_1391 = arith.addi %add3A_1379, %convert_element_type3A_1390 : vector<16xi32>
    %slice3A_1392 = vector.extract_strided_slice %get3A_1269 {offsets = [10], sizes = [1], strides = [1]} : vector<16xf32> to vector<1xf32>
    %squeeze3A_1393 = vector.extract %slice3A_1392[0] : f32 from vector<1xf32>
    %broadcast_in_dim3A_1394 = vector.broadcast %squeeze3A_1393 : f32 to vector<16xf32>
    %lt3A_1395 = arith.cmpf olt, %broadcast_in_dim3A_1394, %get3A_1269 : vector<16xf32>
    %eq3A_1396 = arith.cmpf oeq, %broadcast_in_dim3A_1394, %get3A_1269 : vector<16xf32>
    %gt3A_1397 = arith.constant 10 : i32
    %gt3A_1398 = vector.broadcast %gt3A_1397 : i32 to vector<16xi32>
    %gt3A_1399 = arith.cmpi sgt, %iota3A, %gt3A_1398 : vector<16xi32>
    %and3A_1400 = arith.andi %eq3A_1396, %gt3A_1399 : vector<16xi1>
    %or3A_1401 = arith.ori %lt3A_1395, %and3A_1400 : vector<16xi1>
    %convert_element_type3A_1402 = arith.extui %or3A_1401 : vector<16xi1> to vector<16xi32>
    %add3A_1403 = arith.addi %add3A_1391, %convert_element_type3A_1402 : vector<16xi32>
    %slice3A_1404 = vector.extract_strided_slice %get3A_1269 {offsets = [11], sizes = [1], strides = [1]} : vector<16xf32> to vector<1xf32>
    %squeeze3A_1405 = vector.extract %slice3A_1404[0] : f32 from vector<1xf32>
    %broadcast_in_dim3A_1406 = vector.broadcast %squeeze3A_1405 : f32 to vector<16xf32>
    %lt3A_1407 = arith.cmpf olt, %broadcast_in_dim3A_1406, %get3A_1269 : vector<16xf32>
    %eq3A_1408 = arith.cmpf oeq, %broadcast_in_dim3A_1406, %get3A_1269 : vector<16xf32>
    %gt3A_1409 = arith.constant 11 : i32
    %gt3A_1410 = vector.broadcast %gt3A_1409 : i32 to vector<16xi32>
    %gt3A_1411 = arith.cmpi sgt, %iota3A, %gt3A_1410 : vector<16xi32>
    %and3A_1412 = arith.andi %eq3A_1408, %gt3A_1411 : vector<16xi1>
    %or3A_1413 = arith.ori %lt3A_1407, %and3A_1412 : vector<16xi1>
    %convert_element_type3A_1414 = arith.extui %or3A_1413 : vector<16xi1> to vector<16xi32>
    %add3A_1415 = arith.addi %add3A_1403, %convert_element_type3A_1414 : vector<16xi32>
    %slice3A_1416 = vector.extract_strided_slice %get3A_1269 {offsets = [12], sizes = [1], strides = [1]} : vector<16xf32> to vector<1xf32>
    %squeeze3A_1417 = vector.extract %slice3A_1416[0] : f32 from vector<1xf32>
    %broadcast_in_dim3A_1418 = vector.broadcast %squeeze3A_1417 : f32 to vector<16xf32>
    %lt3A_1419 = arith.cmpf olt, %broadcast_in_dim3A_1418, %get3A_1269 : vector<16xf32>
    %eq3A_1420 = arith.cmpf oeq, %broadcast_in_dim3A_1418, %get3A_1269 : vector<16xf32>
    %gt3A_1421 = arith.constant 12 : i32
    %gt3A_1422 = vector.broadcast %gt3A_1421 : i32 to vector<16xi32>
    %gt3A_1423 = arith.cmpi sgt, %iota3A, %gt3A_1422 : vector<16xi32>
    %and3A_1424 = arith.andi %eq3A_1420, %gt3A_1423 : vector<16xi1>
    %or3A_1425 = arith.ori %lt3A_1419, %and3A_1424 : vector<16xi1>
    %convert_element_type3A_1426 = arith.extui %or3A_1425 : vector<16xi1> to vector<16xi32>
    %add3A_1427 = arith.addi %add3A_1415, %convert_element_type3A_1426 : vector<16xi32>
    %slice3A_1428 = vector.extract_strided_slice %get3A_1269 {offsets = [13], sizes = [1], strides = [1]} : vector<16xf32> to vector<1xf32>
    %squeeze3A_1429 = vector.extract %slice3A_1428[0] : f32 from vector<1xf32>
    %broadcast_in_dim3A_1430 = vector.broadcast %squeeze3A_1429 : f32 to vector<16xf32>
    %lt3A_1431 = arith.cmpf olt, %broadcast_in_dim3A_1430, %get3A_1269 : vector<16xf32>
    %eq3A_1432 = arith.cmpf oeq, %broadcast_in_dim3A_1430, %get3A_1269 : vector<16xf32>
    %gt3A_1433 = arith.constant 13 : i32
    %gt3A_1434 = vector.broadcast %gt3A_1433 : i32 to vector<16xi32>
    %gt3A_1435 = arith.cmpi sgt, %iota3A, %gt3A_1434 : vector<16xi32>
    %and3A_1436 = arith.andi %eq3A_1432, %gt3A_1435 : vector<16xi1>
    %or3A_1437 = arith.ori %lt3A_1431, %and3A_1436 : vector<16xi1>
    %convert_element_type3A_1438 = arith.extui %or3A_1437 : vector<16xi1> to vector<16xi32>
    %add3A_1439 = arith.addi %add3A_1427, %convert_element_type3A_1438 : vector<16xi32>
    %slice3A_1440 = vector.extract_strided_slice %get3A_1269 {offsets = [14], sizes = [1], strides = [1]} : vector<16xf32> to vector<1xf32>
    %squeeze3A_1441 = vector.extract %slice3A_1440[0] : f32 from vector<1xf32>
    %broadcast_in_dim3A_1442 = vector.broadcast %squeeze3A_1441 : f32 to vector<16xf32>
    %lt3A_1443 = arith.cmpf olt, %broadcast_in_dim3A_1442, %get3A_1269 : vector<16xf32>
    %eq3A_1444 = arith.cmpf oeq, %broadcast_in_dim3A_1442, %get3A_1269 : vector<16xf32>
    %gt3A_1445 = arith.constant 14 : i32
    %gt3A_1446 = vector.broadcast %gt3A_1445 : i32 to vector<16xi32>
    %gt3A_1447 = arith.cmpi sgt, %iota3A, %gt3A_1446 : vector<16xi32>
    %and3A_1448 = arith.andi %eq3A_1444, %gt3A_1447 : vector<16xi1>
    %or3A_1449 = arith.ori %lt3A_1443, %and3A_1448 : vector<16xi1>
    %convert_element_type3A_1450 = arith.extui %or3A_1449 : vector<16xi1> to vector<16xi32>
    %add3A_1451 = arith.addi %add3A_1439, %convert_element_type3A_1450 : vector<16xi32>
    %lt3A_1452 = arith.constant 8 : i32
    %lt3A_1453 = vector.broadcast %lt3A_1452 : i32 to vector<16xi32>
    %lt3A_1454 = arith.cmpi slt, %add3A_1451, %lt3A_1453 : vector<16xi32>
    %neg3A_1455 = arith.constant 0.000000e+00 : f32
    %neg3A_1456 = vector.broadcast %neg3A_1455 : f32 to vector<16xf32>
    %neg3A_1457 = arith.subf %neg3A_1456, %get3A_1269 : vector<16xf32>
    %exp3A_1458 = math.exp %neg3A_1457 : vector<16xf32>
    %add3A_1459 = arith.constant 1.000000e+00 : f32
    %add3A_1460 = vector.broadcast %add3A_1459 : f32 to vector<16xf32>
    %add3A_1461 = arith.addf %add3A_1460, %exp3A_1458 : vector<16xf32>
    %div3A_1462 = arith.constant 1.000000e+00 : f32
    %div3A_1463 = vector.broadcast %div3A_1462 : f32 to vector<16xf32>
    %div3A_1464 = arith.divf %div3A_1463, %add3A_1461 : vector<16xf32>
    tpu.vector_store_idx %arg6[%add3A_1451], %iota3A masked %lt3A_1454 : memref<16xi32, #tpu.memory_space<vmem>>[vector<16xi32>], vector<16xi32>, vector<16xi1>
    tpu.vector_store_idx %arg7[%add3A_1451], %div3A_1464 masked %lt3A_1454 : memref<16xf32, #tpu.memory_space<vmem>>[vector<16xi32>], vector<16xf32>, vector<16xi1>
    %gather3A_1465 = tpu.vector_load_idx %arg6[%and3A_265] : memref<16xi32, #tpu.memory_space<vmem>>[vector<16xi32>], vector<16xi32>,
    %swap3A_1466 = arith.constant 80 : index
    %swap3A_1467 = tpu.vector_load %arg8[%swap3A_1466] {strides = array<i32>} : memref<128xi32, #tpu.memory_space<vmem>>, vector<16xi32>,
    tpu.vector_store %arg8[%swap3A_1466], %gather3A_1465 {strides = array<i32>} : memref<128xi32, #tpu.memory_space<vmem>>, vector<16xi32>,
    %gather3A_1468 = tpu.vector_load_idx %arg7[%and3A_265] : memref<16xf32, #tpu.memory_space<vmem>>[vector<16xi32>], vector<16xf32>,
    %swap3A_1469 = arith.constant 80 : index
    %swap3A_1470 = tpu.vector_load %arg9[%swap3A_1469] {strides = array<i32>} : memref<128xf32, #tpu.memory_space<vmem>>, vector<16xf32>,
    tpu.vector_store %arg9[%swap3A_1469], %gather3A_1468 {strides = array<i32>} : memref<128xf32, #tpu.memory_space<vmem>>, vector<16xf32>,
    %get3A_1471 = arith.constant 96 : index
    %get3A_1472 = tpu.vector_load %arg5[%get3A_1471] {strides = array<i32>} : memref<128xf32, #tpu.memory_space<vmem>>, vector<16xf32>,
    %broadcast_in_dim3A_1473 = arith.constant 0 : i32
    %broadcast_in_dim3A_1474 = vector.broadcast %broadcast_in_dim3A_1473 : i32 to vector<16xi32>
    %slice3A_1475 = vector.extract_strided_slice %get3A_1472 {offsets = [0], sizes = [1], strides = [1]} : vector<16xf32> to vector<1xf32>
    %squeeze3A_1476 = vector.extract %slice3A_1475[0] : f32 from vector<1xf32>
    %broadcast_in_dim3A_1477 = vector.broadcast %squeeze3A_1476 : f32 to vector<16xf32>
    %lt3A_1478 = arith.cmpf olt, %broadcast_in_dim3A_1477, %get3A_1472 : vector<16xf32>
    %eq3A_1479 = arith.cmpf oeq, %broadcast_in_dim3A_1477, %get3A_1472 : vector<16xf32>
    %gt3A_1480 = arith.constant 0 : i32
    %gt3A_1481 = vector.broadcast %gt3A_1480 : i32 to vector<16xi32>
    %gt3A_1482 = arith.cmpi sgt, %iota3A, %gt3A_1481 : vector<16xi32>
    %and3A_1483 = arith.andi %eq3A_1479, %gt3A_1482 : vector<16xi1>
    %or3A_1484 = arith.ori %lt3A_1478, %and3A_1483 : vector<16xi1>
    %convert_element_type3A_1485 = arith.extui %or3A_1484 : vector<16xi1> to vector<16xi32>
    %add3A_1486 = arith.addi %broadcast_in_dim3A_1474, %convert_element_type3A_1485 : vector<16xi32>
    %slice3A_1487 = vector.extract_strided_slice %get3A_1472 {offsets = [1], sizes = [1], strides = [1]} : vector<16xf32> to vector<1xf32>
    %squeeze3A_1488 = vector.extract %slice3A_1487[0] : f32 from vector<1xf32>
    %broadcast_in_dim3A_1489 = vector.broadcast %squeeze3A_1488 : f32 to vector<16xf32>
    %lt3A_1490 = arith.cmpf olt, %broadcast_in_dim3A_1489, %get3A_1472 : vector<16xf32>
    %eq3A_1491 = arith.cmpf oeq, %broadcast_in_dim3A_1489, %get3A_1472 : vector<16xf32>
    %gt3A_1492 = arith.constant 1 : i32
    %gt3A_1493 = vector.broadcast %gt3A_1492 : i32 to vector<16xi32>
    %gt3A_1494 = arith.cmpi sgt, %iota3A, %gt3A_1493 : vector<16xi32>
    %and3A_1495 = arith.andi %eq3A_1491, %gt3A_1494 : vector<16xi1>
    %or3A_1496 = arith.ori %lt3A_1490, %and3A_1495 : vector<16xi1>
    %convert_element_type3A_1497 = arith.extui %or3A_1496 : vector<16xi1> to vector<16xi32>
    %add3A_1498 = arith.addi %add3A_1486, %convert_element_type3A_1497 : vector<16xi32>
    %slice3A_1499 = vector.extract_strided_slice %get3A_1472 {offsets = [2], sizes = [1], strides = [1]} : vector<16xf32> to vector<1xf32>
    %squeeze3A_1500 = vector.extract %slice3A_1499[0] : f32 from vector<1xf32>
    %broadcast_in_dim3A_1501 = vector.broadcast %squeeze3A_1500 : f32 to vector<16xf32>
    %lt3A_1502 = arith.cmpf olt, %broadcast_in_dim3A_1501, %get3A_1472 : vector<16xf32>
    %eq3A_1503 = arith.cmpf oeq, %broadcast_in_dim3A_1501, %get3A_1472 : vector<16xf32>
    %gt3A_1504 = arith.constant 2 : i32
    %gt3A_1505 = vector.broadcast %gt3A_1504 : i32 to vector<16xi32>
    %gt3A_1506 = arith.cmpi sgt, %iota3A, %gt3A_1505 : vector<16xi32>
    %and3A_1507 = arith.andi %eq3A_1503, %gt3A_1506 : vector<16xi1>
    %or3A_1508 = arith.ori %lt3A_1502, %and3A_1507 : vector<16xi1>
    %convert_element_type3A_1509 = arith.extui %or3A_1508 : vector<16xi1> to vector<16xi32>
    %add3A_1510 = arith.addi %add3A_1498, %convert_element_type3A_1509 : vector<16xi32>
    %slice3A_1511 = vector.extract_strided_slice %get3A_1472 {offsets = [3], sizes = [1], strides = [1]} : vector<16xf32> to vector<1xf32>
    %squeeze3A_1512 = vector.extract %slice3A_1511[0] : f32 from vector<1xf32>
    %broadcast_in_dim3A_1513 = vector.broadcast %squeeze3A_1512 : f32 to vector<16xf32>
    %lt3A_1514 = arith.cmpf olt, %broadcast_in_dim3A_1513, %get3A_1472 : vector<16xf32>
    %eq3A_1515 = arith.cmpf oeq, %broadcast_in_dim3A_1513, %get3A_1472 : vector<16xf32>
    %gt3A_1516 = arith.constant 3 : i32
    %gt3A_1517 = vector.broadcast %gt3A_1516 : i32 to vector<16xi32>
    %gt3A_1518 = arith.cmpi sgt, %iota3A, %gt3A_1517 : vector<16xi32>
    %and3A_1519 = arith.andi %eq3A_1515, %gt3A_1518 : vector<16xi1>
    %or3A_1520 = arith.ori %lt3A_1514, %and3A_1519 : vector<16xi1>
    %convert_element_type3A_1521 = arith.extui %or3A_1520 : vector<16xi1> to vector<16xi32>
    %add3A_1522 = arith.addi %add3A_1510, %convert_element_type3A_1521 : vector<16xi32>
    %slice3A_1523 = vector.extract_strided_slice %get3A_1472 {offsets = [4], sizes = [1], strides = [1]} : vector<16xf32> to vector<1xf32>
    %squeeze3A_1524 = vector.extract %slice3A_1523[0] : f32 from vector<1xf32>
    %broadcast_in_dim3A_1525 = vector.broadcast %squeeze3A_1524 : f32 to vector<16xf32>
    %lt3A_1526 = arith.cmpf olt, %broadcast_in_dim3A_1525, %get3A_1472 : vector<16xf32>
    %eq3A_1527 = arith.cmpf oeq, %broadcast_in_dim3A_1525, %get3A_1472 : vector<16xf32>
    %gt3A_1528 = arith.constant 4 : i32
    %gt3A_1529 = vector.broadcast %gt3A_1528 : i32 to vector<16xi32>
    %gt3A_1530 = arith.cmpi sgt, %iota3A, %gt3A_1529 : vector<16xi32>
    %and3A_1531 = arith.andi %eq3A_1527, %gt3A_1530 : vector<16xi1>
    %or3A_1532 = arith.ori %lt3A_1526, %and3A_1531 : vector<16xi1>
    %convert_element_type3A_1533 = arith.extui %or3A_1532 : vector<16xi1> to vector<16xi32>
    %add3A_1534 = arith.addi %add3A_1522, %convert_element_type3A_1533 : vector<16xi32>
    %slice3A_1535 = vector.extract_strided_slice %get3A_1472 {offsets = [5], sizes = [1], strides = [1]} : vector<16xf32> to vector<1xf32>
    %squeeze3A_1536 = vector.extract %slice3A_1535[0] : f32 from vector<1xf32>
    %broadcast_in_dim3A_1537 = vector.broadcast %squeeze3A_1536 : f32 to vector<16xf32>
    %lt3A_1538 = arith.cmpf olt, %broadcast_in_dim3A_1537, %get3A_1472 : vector<16xf32>
    %eq3A_1539 = arith.cmpf oeq, %broadcast_in_dim3A_1537, %get3A_1472 : vector<16xf32>
    %gt3A_1540 = arith.constant 5 : i32
    %gt3A_1541 = vector.broadcast %gt3A_1540 : i32 to vector<16xi32>
    %gt3A_1542 = arith.cmpi sgt, %iota3A, %gt3A_1541 : vector<16xi32>
    %and3A_1543 = arith.andi %eq3A_1539, %gt3A_1542 : vector<16xi1>
    %or3A_1544 = arith.ori %lt3A_1538, %and3A_1543 : vector<16xi1>
    %convert_element_type3A_1545 = arith.extui %or3A_1544 : vector<16xi1> to vector<16xi32>
    %add3A_1546 = arith.addi %add3A_1534, %convert_element_type3A_1545 : vector<16xi32>
    %slice3A_1547 = vector.extract_strided_slice %get3A_1472 {offsets = [6], sizes = [1], strides = [1]} : vector<16xf32> to vector<1xf32>
    %squeeze3A_1548 = vector.extract %slice3A_1547[0] : f32 from vector<1xf32>
    %broadcast_in_dim3A_1549 = vector.broadcast %squeeze3A_1548 : f32 to vector<16xf32>
    %lt3A_1550 = arith.cmpf olt, %broadcast_in_dim3A_1549, %get3A_1472 : vector<16xf32>
    %eq3A_1551 = arith.cmpf oeq, %broadcast_in_dim3A_1549, %get3A_1472 : vector<16xf32>
    %gt3A_1552 = arith.constant 6 : i32
    %gt3A_1553 = vector.broadcast %gt3A_1552 : i32 to vector<16xi32>
    %gt3A_1554 = arith.cmpi sgt, %iota3A, %gt3A_1553 : vector<16xi32>
    %and3A_1555 = arith.andi %eq3A_1551, %gt3A_1554 : vector<16xi1>
    %or3A_1556 = arith.ori %lt3A_1550, %and3A_1555 : vector<16xi1>
    %convert_element_type3A_1557 = arith.extui %or3A_1556 : vector<16xi1> to vector<16xi32>
    %add3A_1558 = arith.addi %add3A_1546, %convert_element_type3A_1557 : vector<16xi32>
    %slice3A_1559 = vector.extract_strided_slice %get3A_1472 {offsets = [7], sizes = [1], strides = [1]} : vector<16xf32> to vector<1xf32>
    %squeeze3A_1560 = vector.extract %slice3A_1559[0] : f32 from vector<1xf32>
    %broadcast_in_dim3A_1561 = vector.broadcast %squeeze3A_1560 : f32 to vector<16xf32>
    %lt3A_1562 = arith.cmpf olt, %broadcast_in_dim3A_1561, %get3A_1472 : vector<16xf32>
    %eq3A_1563 = arith.cmpf oeq, %broadcast_in_dim3A_1561, %get3A_1472 : vector<16xf32>
    %gt3A_1564 = arith.constant 7 : i32
    %gt3A_1565 = vector.broadcast %gt3A_1564 : i32 to vector<16xi32>
    %gt3A_1566 = arith.cmpi sgt, %iota3A, %gt3A_1565 : vector<16xi32>
    %and3A_1567 = arith.andi %eq3A_1563, %gt3A_1566 : vector<16xi1>
    %or3A_1568 = arith.ori %lt3A_1562, %and3A_1567 : vector<16xi1>
    %convert_element_type3A_1569 = arith.extui %or3A_1568 : vector<16xi1> to vector<16xi32>
    %add3A_1570 = arith.addi %add3A_1558, %convert_element_type3A_1569 : vector<16xi32>
    %slice3A_1571 = vector.extract_strided_slice %get3A_1472 {offsets = [8], sizes = [1], strides = [1]} : vector<16xf32> to vector<1xf32>
    %squeeze3A_1572 = vector.extract %slice3A_1571[0] : f32 from vector<1xf32>
    %broadcast_in_dim3A_1573 = vector.broadcast %squeeze3A_1572 : f32 to vector<16xf32>
    %lt3A_1574 = arith.cmpf olt, %broadcast_in_dim3A_1573, %get3A_1472 : vector<16xf32>
    %eq3A_1575 = arith.cmpf oeq, %broadcast_in_dim3A_1573, %get3A_1472 : vector<16xf32>
    %gt3A_1576 = arith.constant 8 : i32
    %gt3A_1577 = vector.broadcast %gt3A_1576 : i32 to vector<16xi32>
    %gt3A_1578 = arith.cmpi sgt, %iota3A, %gt3A_1577 : vector<16xi32>
    %and3A_1579 = arith.andi %eq3A_1575, %gt3A_1578 : vector<16xi1>
    %or3A_1580 = arith.ori %lt3A_1574, %and3A_1579 : vector<16xi1>
    %convert_element_type3A_1581 = arith.extui %or3A_1580 : vector<16xi1> to vector<16xi32>
    %add3A_1582 = arith.addi %add3A_1570, %convert_element_type3A_1581 : vector<16xi32>
    %slice3A_1583 = vector.extract_strided_slice %get3A_1472 {offsets = [9], sizes = [1], strides = [1]} : vector<16xf32> to vector<1xf32>
    %squeeze3A_1584 = vector.extract %slice3A_1583[0] : f32 from vector<1xf32>
    %broadcast_in_dim3A_1585 = vector.broadcast %squeeze3A_1584 : f32 to vector<16xf32>
    %lt3A_1586 = arith.cmpf olt, %broadcast_in_dim3A_1585, %get3A_1472 : vector<16xf32>
    %eq3A_1587 = arith.cmpf oeq, %broadcast_in_dim3A_1585, %get3A_1472 : vector<16xf32>
    %gt3A_1588 = arith.constant 9 : i32
    %gt3A_1589 = vector.broadcast %gt3A_1588 : i32 to vector<16xi32>
    %gt3A_1590 = arith.cmpi sgt, %iota3A, %gt3A_1589 : vector<16xi32>
    %and3A_1591 = arith.andi %eq3A_1587, %gt3A_1590 : vector<16xi1>
    %or3A_1592 = arith.ori %lt3A_1586, %and3A_1591 : vector<16xi1>
    %convert_element_type3A_1593 = arith.extui %or3A_1592 : vector<16xi1> to vector<16xi32>
    %add3A_1594 = arith.addi %add3A_1582, %convert_element_type3A_1593 : vector<16xi32>
    %slice3A_1595 = vector.extract_strided_slice %get3A_1472 {offsets = [10], sizes = [1], strides = [1]} : vector<16xf32> to vector<1xf32>
    %squeeze3A_1596 = vector.extract %slice3A_1595[0] : f32 from vector<1xf32>
    %broadcast_in_dim3A_1597 = vector.broadcast %squeeze3A_1596 : f32 to vector<16xf32>
    %lt3A_1598 = arith.cmpf olt, %broadcast_in_dim3A_1597, %get3A_1472 : vector<16xf32>
    %eq3A_1599 = arith.cmpf oeq, %broadcast_in_dim3A_1597, %get3A_1472 : vector<16xf32>
    %gt3A_1600 = arith.constant 10 : i32
    %gt3A_1601 = vector.broadcast %gt3A_1600 : i32 to vector<16xi32>
    %gt3A_1602 = arith.cmpi sgt, %iota3A, %gt3A_1601 : vector<16xi32>
    %and3A_1603 = arith.andi %eq3A_1599, %gt3A_1602 : vector<16xi1>
    %or3A_1604 = arith.ori %lt3A_1598, %and3A_1603 : vector<16xi1>
    %convert_element_type3A_1605 = arith.extui %or3A_1604 : vector<16xi1> to vector<16xi32>
    %add3A_1606 = arith.addi %add3A_1594, %convert_element_type3A_1605 : vector<16xi32>
    %slice3A_1607 = vector.extract_strided_slice %get3A_1472 {offsets = [11], sizes = [1], strides = [1]} : vector<16xf32> to vector<1xf32>
    %squeeze3A_1608 = vector.extract %slice3A_1607[0] : f32 from vector<1xf32>
    %broadcast_in_dim3A_1609 = vector.broadcast %squeeze3A_1608 : f32 to vector<16xf32>
    %lt3A_1610 = arith.cmpf olt, %broadcast_in_dim3A_1609, %get3A_1472 : vector<16xf32>
    %eq3A_1611 = arith.cmpf oeq, %broadcast_in_dim3A_1609, %get3A_1472 : vector<16xf32>
    %gt3A_1612 = arith.constant 11 : i32
    %gt3A_1613 = vector.broadcast %gt3A_1612 : i32 to vector<16xi32>
    %gt3A_1614 = arith.cmpi sgt, %iota3A, %gt3A_1613 : vector<16xi32>
    %and3A_1615 = arith.andi %eq3A_1611, %gt3A_1614 : vector<16xi1>
    %or3A_1616 = arith.ori %lt3A_1610, %and3A_1615 : vector<16xi1>
    %convert_element_type3A_1617 = arith.extui %or3A_1616 : vector<16xi1> to vector<16xi32>
    %add3A_1618 = arith.addi %add3A_1606, %convert_element_type3A_1617 : vector<16xi32>
    %slice3A_1619 = vector.extract_strided_slice %get3A_1472 {offsets = [12], sizes = [1], strides = [1]} : vector<16xf32> to vector<1xf32>
    %squeeze3A_1620 = vector.extract %slice3A_1619[0] : f32 from vector<1xf32>
    %broadcast_in_dim3A_1621 = vector.broadcast %squeeze3A_1620 : f32 to vector<16xf32>
    %lt3A_1622 = arith.cmpf olt, %broadcast_in_dim3A_1621, %get3A_1472 : vector<16xf32>
    %eq3A_1623 = arith.cmpf oeq, %broadcast_in_dim3A_1621, %get3A_1472 : vector<16xf32>
    %gt3A_1624 = arith.constant 12 : i32
    %gt3A_1625 = vector.broadcast %gt3A_1624 : i32 to vector<16xi32>
    %gt3A_1626 = arith.cmpi sgt, %iota3A, %gt3A_1625 : vector<16xi32>
    %and3A_1627 = arith.andi %eq3A_1623, %gt3A_1626 : vector<16xi1>
    %or3A_1628 = arith.ori %lt3A_1622, %and3A_1627 : vector<16xi1>
    %convert_element_type3A_1629 = arith.extui %or3A_1628 : vector<16xi1> to vector<16xi32>
    %add3A_1630 = arith.addi %add3A_1618, %convert_element_type3A_1629 : vector<16xi32>
    %slice3A_1631 = vector.extract_strided_slice %get3A_1472 {offsets = [13], sizes = [1], strides = [1]} : vector<16xf32> to vector<1xf32>
    %squeeze3A_1632 = vector.extract %slice3A_1631[0] : f32 from vector<1xf32>
    %broadcast_in_dim3A_1633 = vector.broadcast %squeeze3A_1632 : f32 to vector<16xf32>
    %lt3A_1634 = arith.cmpf olt, %broadcast_in_dim3A_1633, %get3A_1472 : vector<16xf32>
    %eq3A_1635 = arith.cmpf oeq, %broadcast_in_dim3A_1633, %get3A_1472 : vector<16xf32>
    %gt3A_1636 = arith.constant 13 : i32
    %gt3A_1637 = vector.broadcast %gt3A_1636 : i32 to vector<16xi32>
    %gt3A_1638 = arith.cmpi sgt, %iota3A, %gt3A_1637 : vector<16xi32>
    %and3A_1639 = arith.andi %eq3A_1635, %gt3A_1638 : vector<16xi1>
    %or3A_1640 = arith.ori %lt3A_1634, %and3A_1639 : vector<16xi1>
    %convert_element_type3A_1641 = arith.extui %or3A_1640 : vector<16xi1> to vector<16xi32>
    %add3A_1642 = arith.addi %add3A_1630, %convert_element_type3A_1641 : vector<16xi32>
    %slice3A_1643 = vector.extract_strided_slice %get3A_1472 {offsets = [14], sizes = [1], strides = [1]} : vector<16xf32> to vector<1xf32>
    %squeeze3A_1644 = vector.extract %slice3A_1643[0] : f32 from vector<1xf32>
    %broadcast_in_dim3A_1645 = vector.broadcast %squeeze3A_1644 : f32 to vector<16xf32>
    %lt3A_1646 = arith.cmpf olt, %broadcast_in_dim3A_1645, %get3A_1472 : vector<16xf32>
    %eq3A_1647 = arith.cmpf oeq, %broadcast_in_dim3A_1645, %get3A_1472 : vector<16xf32>
    %gt3A_1648 = arith.constant 14 : i32
    %gt3A_1649 = vector.broadcast %gt3A_1648 : i32 to vector<16xi32>
    %gt3A_1650 = arith.cmpi sgt, %iota3A, %gt3A_1649 : vector<16xi32>
    %and3A_1651 = arith.andi %eq3A_1647, %gt3A_1650 : vector<16xi1>
    %or3A_1652 = arith.ori %lt3A_1646, %and3A_1651 : vector<16xi1>
    %convert_element_type3A_1653 = arith.extui %or3A_1652 : vector<16xi1> to vector<16xi32>
    %add3A_1654 = arith.addi %add3A_1642, %convert_element_type3A_1653 : vector<16xi32>
    %lt3A_1655 = arith.constant 8 : i32
    %lt3A_1656 = vector.broadcast %lt3A_1655 : i32 to vector<16xi32>
    %lt3A_1657 = arith.cmpi slt, %add3A_1654, %lt3A_1656 : vector<16xi32>
    %neg3A_1658 = arith.constant 0.000000e+00 : f32
    %neg3A_1659 = vector.broadcast %neg3A_1658 : f32 to vector<16xf32>
    %neg3A_1660 = arith.subf %neg3A_1659, %get3A_1472 : vector<16xf32>
    %exp3A_1661 = math.exp %neg3A_1660 : vector<16xf32>
    %add3A_1662 = arith.constant 1.000000e+00 : f32
    %add3A_1663 = vector.broadcast %add3A_1662 : f32 to vector<16xf32>
    %add3A_1664 = arith.addf %add3A_1663, %exp3A_1661 : vector<16xf32>
    %div3A_1665 = arith.constant 1.000000e+00 : f32
    %div3A_1666 = vector.broadcast %div3A_1665 : f32 to vector<16xf32>
    %div3A_1667 = arith.divf %div3A_1666, %add3A_1664 : vector<16xf32>
    tpu.vector_store_idx %arg6[%add3A_1654], %iota3A masked %lt3A_1657 : memref<16xi32, #tpu.memory_space<vmem>>[vector<16xi32>], vector<16xi32>, vector<16xi1>
    tpu.vector_store_idx %arg7[%add3A_1654], %div3A_1667 masked %lt3A_1657 : memref<16xf32, #tpu.memory_space<vmem>>[vector<16xi32>], vector<16xf32>, vector<16xi1>
    %gather3A_1668 = tpu.vector_load_idx %arg6[%and3A_265] : memref<16xi32, #tpu.memory_space<vmem>>[vector<16xi32>], vector<16xi32>,
    %swap3A_1669 = arith.constant 96 : index
    %swap3A_1670 = tpu.vector_load %arg8[%swap3A_1669] {strides = array<i32>} : memref<128xi32, #tpu.memory_space<vmem>>, vector<16xi32>,
    tpu.vector_store %arg8[%swap3A_1669], %gather3A_1668 {strides = array<i32>} : memref<128xi32, #tpu.memory_space<vmem>>, vector<16xi32>,
    %gather3A_1671 = tpu.vector_load_idx %arg7[%and3A_265] : memref<16xf32, #tpu.memory_space<vmem>>[vector<16xi32>], vector<16xf32>,
    %swap3A_1672 = arith.constant 96 : index
    %swap3A_1673 = tpu.vector_load %arg9[%swap3A_1672] {strides = array<i32>} : memref<128xf32, #tpu.memory_space<vmem>>, vector<16xf32>,
    tpu.vector_store %arg9[%swap3A_1672], %gather3A_1671 {strides = array<i32>} : memref<128xf32, #tpu.memory_space<vmem>>, vector<16xf32>,
    %get3A_1674 = arith.constant 112 : index
    %get3A_1675 = tpu.vector_load %arg5[%get3A_1674] {strides = array<i32>} : memref<128xf32, #tpu.memory_space<vmem>>, vector<16xf32>,
    %broadcast_in_dim3A_1676 = arith.constant 0 : i32
    %broadcast_in_dim3A_1677 = vector.broadcast %broadcast_in_dim3A_1676 : i32 to vector<16xi32>
    %slice3A_1678 = vector.extract_strided_slice %get3A_1675 {offsets = [0], sizes = [1], strides = [1]} : vector<16xf32> to vector<1xf32>
    %squeeze3A_1679 = vector.extract %slice3A_1678[0] : f32 from vector<1xf32>
    %broadcast_in_dim3A_1680 = vector.broadcast %squeeze3A_1679 : f32 to vector<16xf32>
    %lt3A_1681 = arith.cmpf olt, %broadcast_in_dim3A_1680, %get3A_1675 : vector<16xf32>
    %eq3A_1682 = arith.cmpf oeq, %broadcast_in_dim3A_1680, %get3A_1675 : vector<16xf32>
    %gt3A_1683 = arith.constant 0 : i32
    %gt3A_1684 = vector.broadcast %gt3A_1683 : i32 to vector<16xi32>
    %gt3A_1685 = arith.cmpi sgt, %iota3A, %gt3A_1684 : vector<16xi32>
    %and3A_1686 = arith.andi %eq3A_1682, %gt3A_1685 : vector<16xi1>
    %or3A_1687 = arith.ori %lt3A_1681, %and3A_1686 : vector<16xi1>
    %convert_element_type3A_1688 = arith.extui %or3A_1687 : vector<16xi1> to vector<16xi32>
    %add3A_1689 = arith.addi %broadcast_in_dim3A_1677, %convert_element_type3A_1688 : vector<16xi32>
    %slice3A_1690 = vector.extract_strided_slice %get3A_1675 {offsets = [1], sizes = [1], strides = [1]} : vector<16xf32> to vector<1xf32>
    %squeeze3A_1691 = vector.extract %slice3A_1690[0] : f32 from vector<1xf32>
    %broadcast_in_dim3A_1692 = vector.broadcast %squeeze3A_1691 : f32 to vector<16xf32>
    %lt3A_1693 = arith.cmpf olt, %broadcast_in_dim3A_1692, %get3A_1675 : vector<16xf32>
    %eq3A_1694 = arith.cmpf oeq, %broadcast_in_dim3A_1692, %get3A_1675 : vector<16xf32>
    %gt3A_1695 = arith.constant 1 : i32
    %gt3A_1696 = vector.broadcast %gt3A_1695 : i32 to vector<16xi32>
    %gt3A_1697 = arith.cmpi sgt, %iota3A, %gt3A_1696 : vector<16xi32>
    %and3A_1698 = arith.andi %eq3A_1694, %gt3A_1697 : vector<16xi1>
    %or3A_1699 = arith.ori %lt3A_1693, %and3A_1698 : vector<16xi1>
    %convert_element_type3A_1700 = arith.extui %or3A_1699 : vector<16xi1> to vector<16xi32>
    %add3A_1701 = arith.addi %add3A_1689, %convert_element_type3A_1700 : vector<16xi32>
    %slice3A_1702 = vector.extract_strided_slice %get3A_1675 {offsets = [2], sizes = [1], strides = [1]} : vector<16xf32> to vector<1xf32>
    %squeeze3A_1703 = vector.extract %slice3A_1702[0] : f32 from vector<1xf32>
    %broadcast_in_dim3A_1704 = vector.broadcast %squeeze3A_1703 : f32 to vector<16xf32>
    %lt3A_1705 = arith.cmpf olt, %broadcast_in_dim3A_1704, %get3A_1675 : vector<16xf32>
    %eq3A_1706 = arith.cmpf oeq, %broadcast_in_dim3A_1704, %get3A_1675 : vector<16xf32>
    %gt3A_1707 = arith.constant 2 : i32
    %gt3A_1708 = vector.broadcast %gt3A_1707 : i32 to vector<16xi32>
    %gt3A_1709 = arith.cmpi sgt, %iota3A, %gt3A_1708 : vector<16xi32>
    %and3A_1710 = arith.andi %eq3A_1706, %gt3A_1709 : vector<16xi1>
    %or3A_1711 = arith.ori %lt3A_1705, %and3A_1710 : vector<16xi1>
    %convert_element_type3A_1712 = arith.extui %or3A_1711 : vector<16xi1> to vector<16xi32>
    %add3A_1713 = arith.addi %add3A_1701, %convert_element_type3A_1712 : vector<16xi32>
    %slice3A_1714 = vector.extract_strided_slice %get3A_1675 {offsets = [3], sizes = [1], strides = [1]} : vector<16xf32> to vector<1xf32>
    %squeeze3A_1715 = vector.extract %slice3A_1714[0] : f32 from vector<1xf32>
    %broadcast_in_dim3A_1716 = vector.broadcast %squeeze3A_1715 : f32 to vector<16xf32>
    %lt3A_1717 = arith.cmpf olt, %broadcast_in_dim3A_1716, %get3A_1675 : vector<16xf32>
    %eq3A_1718 = arith.cmpf oeq, %broadcast_in_dim3A_1716, %get3A_1675 : vector<16xf32>
    %gt3A_1719 = arith.constant 3 : i32
    %gt3A_1720 = vector.broadcast %gt3A_1719 : i32 to vector<16xi32>
    %gt3A_1721 = arith.cmpi sgt, %iota3A, %gt3A_1720 : vector<16xi32>
    %and3A_1722 = arith.andi %eq3A_1718, %gt3A_1721 : vector<16xi1>
    %or3A_1723 = arith.ori %lt3A_1717, %and3A_1722 : vector<16xi1>
    %convert_element_type3A_1724 = arith.extui %or3A_1723 : vector<16xi1> to vector<16xi32>
    %add3A_1725 = arith.addi %add3A_1713, %convert_element_type3A_1724 : vector<16xi32>
    %slice3A_1726 = vector.extract_strided_slice %get3A_1675 {offsets = [4], sizes = [1], strides = [1]} : vector<16xf32> to vector<1xf32>
    %squeeze3A_1727 = vector.extract %slice3A_1726[0] : f32 from vector<1xf32>
    %broadcast_in_dim3A_1728 = vector.broadcast %squeeze3A_1727 : f32 to vector<16xf32>
    %lt3A_1729 = arith.cmpf olt, %broadcast_in_dim3A_1728, %get3A_1675 : vector<16xf32>
    %eq3A_1730 = arith.cmpf oeq, %broadcast_in_dim3A_1728, %get3A_1675 : vector<16xf32>
    %gt3A_1731 = arith.constant 4 : i32
    %gt3A_1732 = vector.broadcast %gt3A_1731 : i32 to vector<16xi32>
    %gt3A_1733 = arith.cmpi sgt, %iota3A, %gt3A_1732 : vector<16xi32>
    %and3A_1734 = arith.andi %eq3A_1730, %gt3A_1733 : vector<16xi1>
    %or3A_1735 = arith.ori %lt3A_1729, %and3A_1734 : vector<16xi1>
    %convert_element_type3A_1736 = arith.extui %or3A_1735 : vector<16xi1> to vector<16xi32>
    %add3A_1737 = arith.addi %add3A_1725, %convert_element_type3A_1736 : vector<16xi32>
    %slice3A_1738 = vector.extract_strided_slice %get3A_1675 {offsets = [5], sizes = [1], strides = [1]} : vector<16xf32> to vector<1xf32>
    %squeeze3A_1739 = vector.extract %slice3A_1738[0] : f32 from vector<1xf32>
    %broadcast_in_dim3A_1740 = vector.broadcast %squeeze3A_1739 : f32 to vector<16xf32>
    %lt3A_1741 = arith.cmpf olt, %broadcast_in_dim3A_1740, %get3A_1675 : vector<16xf32>
    %eq3A_1742 = arith.cmpf oeq, %broadcast_in_dim3A_1740, %get3A_1675 : vector<16xf32>
    %gt3A_1743 = arith.constant 5 : i32
    %gt3A_1744 = vector.broadcast %gt3A_1743 : i32 to vector<16xi32>
    %gt3A_1745 = arith.cmpi sgt, %iota3A, %gt3A_1744 : vector<16xi32>
    %and3A_1746 = arith.andi %eq3A_1742, %gt3A_1745 : vector<16xi1>
    %or3A_1747 = arith.ori %lt3A_1741, %and3A_1746 : vector<16xi1>
    %convert_element_type3A_1748 = arith.extui %or3A_1747 : vector<16xi1> to vector<16xi32>
    %add3A_1749 = arith.addi %add3A_1737, %convert_element_type3A_1748 : vector<16xi32>
    %slice3A_1750 = vector.extract_strided_slice %get3A_1675 {offsets = [6], sizes = [1], strides = [1]} : vector<16xf32> to vector<1xf32>
    %squeeze3A_1751 = vector.extract %slice3A_1750[0] : f32 from vector<1xf32>
    %broadcast_in_dim3A_1752 = vector.broadcast %squeeze3A_1751 : f32 to vector<16xf32>
    %lt3A_1753 = arith.cmpf olt, %broadcast_in_dim3A_1752, %get3A_1675 : vector<16xf32>
    %eq3A_1754 = arith.cmpf oeq, %broadcast_in_dim3A_1752, %get3A_1675 : vector<16xf32>
    %gt3A_1755 = arith.constant 6 : i32
    %gt3A_1756 = vector.broadcast %gt3A_1755 : i32 to vector<16xi32>
    %gt3A_1757 = arith.cmpi sgt, %iota3A, %gt3A_1756 : vector<16xi32>
    %and3A_1758 = arith.andi %eq3A_1754, %gt3A_1757 : vector<16xi1>
    %or3A_1759 = arith.ori %lt3A_1753, %and3A_1758 : vector<16xi1>
    %convert_element_type3A_1760 = arith.extui %or3A_1759 : vector<16xi1> to vector<16xi32>
    %add3A_1761 = arith.addi %add3A_1749, %convert_element_type3A_1760 : vector<16xi32>
    %slice3A_1762 = vector.extract_strided_slice %get3A_1675 {offsets = [7], sizes = [1], strides = [1]} : vector<16xf32> to vector<1xf32>
    %squeeze3A_1763 = vector.extract %slice3A_1762[0] : f32 from vector<1xf32>
    %broadcast_in_dim3A_1764 = vector.broadcast %squeeze3A_1763 : f32 to vector<16xf32>
    %lt3A_1765 = arith.cmpf olt, %broadcast_in_dim3A_1764, %get3A_1675 : vector<16xf32>
    %eq3A_1766 = arith.cmpf oeq, %broadcast_in_dim3A_1764, %get3A_1675 : vector<16xf32>
    %gt3A_1767 = arith.constant 7 : i32
    %gt3A_1768 = vector.broadcast %gt3A_1767 : i32 to vector<16xi32>
    %gt3A_1769 = arith.cmpi sgt, %iota3A, %gt3A_1768 : vector<16xi32>
    %and3A_1770 = arith.andi %eq3A_1766, %gt3A_1769 : vector<16xi1>
    %or3A_1771 = arith.ori %lt3A_1765, %and3A_1770 : vector<16xi1>
    %convert_element_type3A_1772 = arith.extui %or3A_1771 : vector<16xi1> to vector<16xi32>
    %add3A_1773 = arith.addi %add3A_1761, %convert_element_type3A_1772 : vector<16xi32>
    %slice3A_1774 = vector.extract_strided_slice %get3A_1675 {offsets = [8], sizes = [1], strides = [1]} : vector<16xf32> to vector<1xf32>
    %squeeze3A_1775 = vector.extract %slice3A_1774[0] : f32 from vector<1xf32>
    %broadcast_in_dim3A_1776 = vector.broadcast %squeeze3A_1775 : f32 to vector<16xf32>
    %lt3A_1777 = arith.cmpf olt, %broadcast_in_dim3A_1776, %get3A_1675 : vector<16xf32>
    %eq3A_1778 = arith.cmpf oeq, %broadcast_in_dim3A_1776, %get3A_1675 : vector<16xf32>
    %gt3A_1779 = arith.constant 8 : i32
    %gt3A_1780 = vector.broadcast %gt3A_1779 : i32 to vector<16xi32>
    %gt3A_1781 = arith.cmpi sgt, %iota3A, %gt3A_1780 : vector<16xi32>
    %and3A_1782 = arith.andi %eq3A_1778, %gt3A_1781 : vector<16xi1>
    %or3A_1783 = arith.ori %lt3A_1777, %and3A_1782 : vector<16xi1>
    %convert_element_type3A_1784 = arith.extui %or3A_1783 : vector<16xi1> to vector<16xi32>
    %add3A_1785 = arith.addi %add3A_1773, %convert_element_type3A_1784 : vector<16xi32>
    %slice3A_1786 = vector.extract_strided_slice %get3A_1675 {offsets = [9], sizes = [1], strides = [1]} : vector<16xf32> to vector<1xf32>
    %squeeze3A_1787 = vector.extract %slice3A_1786[0] : f32 from vector<1xf32>
    %broadcast_in_dim3A_1788 = vector.broadcast %squeeze3A_1787 : f32 to vector<16xf32>
    %lt3A_1789 = arith.cmpf olt, %broadcast_in_dim3A_1788, %get3A_1675 : vector<16xf32>
    %eq3A_1790 = arith.cmpf oeq, %broadcast_in_dim3A_1788, %get3A_1675 : vector<16xf32>
    %gt3A_1791 = arith.constant 9 : i32
    %gt3A_1792 = vector.broadcast %gt3A_1791 : i32 to vector<16xi32>
    %gt3A_1793 = arith.cmpi sgt, %iota3A, %gt3A_1792 : vector<16xi32>
    %and3A_1794 = arith.andi %eq3A_1790, %gt3A_1793 : vector<16xi1>
    %or3A_1795 = arith.ori %lt3A_1789, %and3A_1794 : vector<16xi1>
    %convert_element_type3A_1796 = arith.extui %or3A_1795 : vector<16xi1> to vector<16xi32>
    %add3A_1797 = arith.addi %add3A_1785, %convert_element_type3A_1796 : vector<16xi32>
    %slice3A_1798 = vector.extract_strided_slice %get3A_1675 {offsets = [10], sizes = [1], strides = [1]} : vector<16xf32> to vector<1xf32>
    %squeeze3A_1799 = vector.extract %slice3A_1798[0] : f32 from vector<1xf32>
    %broadcast_in_dim3A_1800 = vector.broadcast %squeeze3A_1799 : f32 to vector<16xf32>
    %lt3A_1801 = arith.cmpf olt, %broadcast_in_dim3A_1800, %get3A_1675 : vector<16xf32>
    %eq3A_1802 = arith.cmpf oeq, %broadcast_in_dim3A_1800, %get3A_1675 : vector<16xf32>
    %gt3A_1803 = arith.constant 10 : i32
    %gt3A_1804 = vector.broadcast %gt3A_1803 : i32 to vector<16xi32>
    %gt3A_1805 = arith.cmpi sgt, %iota3A, %gt3A_1804 : vector<16xi32>
    %and3A_1806 = arith.andi %eq3A_1802, %gt3A_1805 : vector<16xi1>
    %or3A_1807 = arith.ori %lt3A_1801, %and3A_1806 : vector<16xi1>
    %convert_element_type3A_1808 = arith.extui %or3A_1807 : vector<16xi1> to vector<16xi32>
    %add3A_1809 = arith.addi %add3A_1797, %convert_element_type3A_1808 : vector<16xi32>
    %slice3A_1810 = vector.extract_strided_slice %get3A_1675 {offsets = [11], sizes = [1], strides = [1]} : vector<16xf32> to vector<1xf32>
    %squeeze3A_1811 = vector.extract %slice3A_1810[0] : f32 from vector<1xf32>
    %broadcast_in_dim3A_1812 = vector.broadcast %squeeze3A_1811 : f32 to vector<16xf32>
    %lt3A_1813 = arith.cmpf olt, %broadcast_in_dim3A_1812, %get3A_1675 : vector<16xf32>
    %eq3A_1814 = arith.cmpf oeq, %broadcast_in_dim3A_1812, %get3A_1675 : vector<16xf32>
    %gt3A_1815 = arith.constant 11 : i32
    %gt3A_1816 = vector.broadcast %gt3A_1815 : i32 to vector<16xi32>
    %gt3A_1817 = arith.cmpi sgt, %iota3A, %gt3A_1816 : vector<16xi32>
    %and3A_1818 = arith.andi %eq3A_1814, %gt3A_1817 : vector<16xi1>
    %or3A_1819 = arith.ori %lt3A_1813, %and3A_1818 : vector<16xi1>
    %convert_element_type3A_1820 = arith.extui %or3A_1819 : vector<16xi1> to vector<16xi32>
    %add3A_1821 = arith.addi %add3A_1809, %convert_element_type3A_1820 : vector<16xi32>
    %slice3A_1822 = vector.extract_strided_slice %get3A_1675 {offsets = [12], sizes = [1], strides = [1]} : vector<16xf32> to vector<1xf32>
    %squeeze3A_1823 = vector.extract %slice3A_1822[0] : f32 from vector<1xf32>
    %broadcast_in_dim3A_1824 = vector.broadcast %squeeze3A_1823 : f32 to vector<16xf32>
    %lt3A_1825 = arith.cmpf olt, %broadcast_in_dim3A_1824, %get3A_1675 : vector<16xf32>
    %eq3A_1826 = arith.cmpf oeq, %broadcast_in_dim3A_1824, %get3A_1675 : vector<16xf32>
    %gt3A_1827 = arith.constant 12 : i32
    %gt3A_1828 = vector.broadcast %gt3A_1827 : i32 to vector<16xi32>
    %gt3A_1829 = arith.cmpi sgt, %iota3A, %gt3A_1828 : vector<16xi32>
    %and3A_1830 = arith.andi %eq3A_1826, %gt3A_1829 : vector<16xi1>
    %or3A_1831 = arith.ori %lt3A_1825, %and3A_1830 : vector<16xi1>
    %convert_element_type3A_1832 = arith.extui %or3A_1831 : vector<16xi1> to vector<16xi32>
    %add3A_1833 = arith.addi %add3A_1821, %convert_element_type3A_1832 : vector<16xi32>
    %slice3A_1834 = vector.extract_strided_slice %get3A_1675 {offsets = [13], sizes = [1], strides = [1]} : vector<16xf32> to vector<1xf32>
    %squeeze3A_1835 = vector.extract %slice3A_1834[0] : f32 from vector<1xf32>
    %broadcast_in_dim3A_1836 = vector.broadcast %squeeze3A_1835 : f32 to vector<16xf32>
    %lt3A_1837 = arith.cmpf olt, %broadcast_in_dim3A_1836, %get3A_1675 : vector<16xf32>
    %eq3A_1838 = arith.cmpf oeq, %broadcast_in_dim3A_1836, %get3A_1675 : vector<16xf32>
    %gt3A_1839 = arith.constant 13 : i32
    %gt3A_1840 = vector.broadcast %gt3A_1839 : i32 to vector<16xi32>
    %gt3A_1841 = arith.cmpi sgt, %iota3A, %gt3A_1840 : vector<16xi32>
    %and3A_1842 = arith.andi %eq3A_1838, %gt3A_1841 : vector<16xi1>
    %or3A_1843 = arith.ori %lt3A_1837, %and3A_1842 : vector<16xi1>
    %convert_element_type3A_1844 = arith.extui %or3A_1843 : vector<16xi1> to vector<16xi32>
    %add3A_1845 = arith.addi %add3A_1833, %convert_element_type3A_1844 : vector<16xi32>
    %slice3A_1846 = vector.extract_strided_slice %get3A_1675 {offsets = [14], sizes = [1], strides = [1]} : vector<16xf32> to vector<1xf32>
    %squeeze3A_1847 = vector.extract %slice3A_1846[0] : f32 from vector<1xf32>
    %broadcast_in_dim3A_1848 = vector.broadcast %squeeze3A_1847 : f32 to vector<16xf32>
    %lt3A_1849 = arith.cmpf olt, %broadcast_in_dim3A_1848, %get3A_1675 : vector<16xf32>
    %eq3A_1850 = arith.cmpf oeq, %broadcast_in_dim3A_1848, %get3A_1675 : vector<16xf32>
    %gt3A_1851 = arith.constant 14 : i32
    %gt3A_1852 = vector.broadcast %gt3A_1851 : i32 to vector<16xi32>
    %gt3A_1853 = arith.cmpi sgt, %iota3A, %gt3A_1852 : vector<16xi32>
    %and3A_1854 = arith.andi %eq3A_1850, %gt3A_1853 : vector<16xi1>
    %or3A_1855 = arith.ori %lt3A_1849, %and3A_1854 : vector<16xi1>
    %convert_element_type3A_1856 = arith.extui %or3A_1855 : vector<16xi1> to vector<16xi32>
    %add3A_1857 = arith.addi %add3A_1845, %convert_element_type3A_1856 : vector<16xi32>
    %lt3A_1858 = arith.constant 8 : i32
    %lt3A_1859 = vector.broadcast %lt3A_1858 : i32 to vector<16xi32>
    %lt3A_1860 = arith.cmpi slt, %add3A_1857, %lt3A_1859 : vector<16xi32>
    %neg3A_1861 = arith.constant 0.000000e+00 : f32
    %neg3A_1862 = vector.broadcast %neg3A_1861 : f32 to vector<16xf32>
    %neg3A_1863 = arith.subf %neg3A_1862, %get3A_1675 : vector<16xf32>
    %exp3A_1864 = math.exp %neg3A_1863 : vector<16xf32>
    %add3A_1865 = arith.constant 1.000000e+00 : f32
    %add3A_1866 = vector.broadcast %add3A_1865 : f32 to vector<16xf32>
    %add3A_1867 = arith.addf %add3A_1866, %exp3A_1864 : vector<16xf32>
    %div3A_1868 = arith.constant 1.000000e+00 : f32
    %div3A_1869 = vector.broadcast %div3A_1868 : f32 to vector<16xf32>
    %div3A_1870 = arith.divf %div3A_1869, %add3A_1867 : vector<16xf32>
    tpu.vector_store_idx %arg6[%add3A_1857], %iota3A masked %lt3A_1860 : memref<16xi32, #tpu.memory_space<vmem>>[vector<16xi32>], vector<16xi32>, vector<16xi1>
    tpu.vector_store_idx %arg7[%add3A_1857], %div3A_1870 masked %lt3A_1860 : memref<16xf32, #tpu.memory_space<vmem>>[vector<16xi32>], vector<16xf32>, vector<16xi1>
    %gather3A_1871 = tpu.vector_load_idx %arg6[%and3A_265] : memref<16xi32, #tpu.memory_space<vmem>>[vector<16xi32>], vector<16xi32>,
    %swap3A_1872 = arith.constant 112 : index
    %swap3A_1873 = tpu.vector_load %arg8[%swap3A_1872] {strides = array<i32>} : memref<128xi32, #tpu.memory_space<vmem>>, vector<16xi32>,
    tpu.vector_store %arg8[%swap3A_1872], %gather3A_1871 {strides = array<i32>} : memref<128xi32, #tpu.memory_space<vmem>>, vector<16xi32>,
    %gather3A_1874 = tpu.vector_load_idx %arg7[%and3A_265] : memref<16xf32, #tpu.memory_space<vmem>>[vector<16xi32>], vector<16xf32>,
    %swap3A_1875 = arith.constant 112 : index
    %swap3A_1876 = tpu.vector_load %arg9[%swap3A_1875] {strides = array<i32>} : memref<128xf32, #tpu.memory_space<vmem>>, vector<16xf32>,
    tpu.vector_store %arg9[%swap3A_1875], %gather3A_1874 {strides = array<i32>} : memref<128xf32, #tpu.memory_space<vmem>>, vector<16xf32>,
    %scan3A = arith.constant 0 : i32
    %scan3A_1877 = arith.constant 0 : i32
    %scan3A_1878 = arith.constant 3 : i32
    %scan3A_1879 = arith.addi %scan3A_1877, %scan3A_1878 : i32
    %scan3A_1880 = arith.constant 1 : i32
    scf.for %scan3A_2033 = %scan3A_1877 to %scan3A_1879 step %scan3A_1880  : i32 {
      %mul3A_2034 = arith.constant 3 : i32
      %mul3A_2035 = arith.muli %add3A, %mul3A_2034 : i32
      %add3A_2036 = arith.addi %mul3A_2035, %scan3A_2033 : i32
      %jit3A_2037 = arith.constant 24 : i32
      %div3A_2038 = arith.divsi %add3A_2036, %jit3A_2037 : i32
      %sign3A_2039 = arith.constant 0 : i32
      %sign3A_2040 = arith.cmpi sgt, %add3A_2036, %sign3A_2039 : i32
      %sign3A_2041 = arith.extui %sign3A_2040 : i1 to i32
      %sign3A_2042 = arith.constant 0 : i32
      %sign3A_2043 = arith.cmpi slt, %add3A_2036, %sign3A_2042 : i32
      %sign3A_2044 = arith.extui %sign3A_2043 : i1 to i32
      %sign3A_2045 = arith.subi %sign3A_2041, %sign3A_2044 : i32
      %sign3A_2046 = arith.constant 0 : i32
      %sign3A_2047 = arith.cmpi sgt, %jit3A_2037, %sign3A_2046 : i32
      %sign3A_2048 = arith.extui %sign3A_2047 : i1 to i32
      %sign3A_2049 = arith.constant 0 : i32
      %sign3A_2050 = arith.cmpi slt, %jit3A_2037, %sign3A_2049 : i32
      %sign3A_2051 = arith.extui %sign3A_2050 : i1 to i32
      %sign3A_2052 = arith.subi %sign3A_2048, %sign3A_2051 : i32
      %ne3A_2053 = arith.cmpi ne, %sign3A_2045, %sign3A_2052 : i32
      %rem3A_2054 = arith.remsi %add3A_2036, %jit3A_2037 : i32
      %ne3A_2055 = arith.constant 0 : i32
      %ne3A_2056 = arith.cmpi ne, %rem3A_2054, %ne3A_2055 : i32
      %and3A_2057 = arith.andi %ne3A_2053, %ne3A_2056 : i1
      %sub3A_2058 = arith.constant 1 : i32
      %sub3A_2059 = arith.subi %div3A_2038, %sub3A_2058 : i32
      %select_n3A_2060 = arith.select %and3A_2057, %sub3A_2059, %div3A_2038 : i32
      %mul3A_2061 = arith.constant 24 : i32
      %mul3A_2062 = arith.muli %select_n3A_2060, %mul3A_2061 : i32
      %sub3A_2063 = arith.subi %add3A_2036, %mul3A_2062 : i32
      %mul3A_2064 = arith.constant 8 : i32
      %mul3A_2065 = arith.muli %sub3A_2063, %mul3A_2064 : i32
      %gt3A_2066 = arith.constant 0 : i32
      %gt3A_2067 = arith.cmpi sgt, %scan3A_2033, %gt3A_2066 : i32
      %convert_element_type3A_2068 = arith.extui %gt3A_2067 : i1 to i32
      %cond3A = arith.constant 0 : i32
      %cond3A_2069 = arith.cmpi ne, %convert_element_type3A_2068, %cond3A : i32
      scf.if %cond3A_2069 {
        %dma_start3A_2316 = arith.constant 0 : i32
        %dma_start3A_2317 = arith.constant 0 : i32
        %dma_start3A_2318 = arith.constant 0 : i32
        %dma_start3A_2319 = arith.constant 0 : i32
        %dma_start3A_2320 = tpu.memref_slice %arg10[%dma_start3A_2317, %dma_start3A_2318, %dma_start3A_2319] : memref<15x8x512xf32, #tpu.memory_space<vmem>> -> memref<1x8x512xf32, #tpu.memory_space<vmem>>
        %dma_start3A_2321 = tpu.memref_squeeze %dma_start3A_2320 : memref<1x8x512xf32, #tpu.memory_space<vmem>> -> memref<8x512xf32, #tpu.memory_space<vmem>>
        %dma_start3A_2322 = arith.constant 0 : i32
        %dma_start3A_2323 = tpu.memref_slice %arg2[%select_n3A_2060, %dma_start3A_2316, %mul3A_2065, %dma_start3A_2322] : memref<4x15x192x512xf32, #tpu.memory_space<hbm>> -> memref<1x1x8x512xf32, #tpu.memory_space<hbm>>
        %dma_start3A_2324 = tpu.memref_squeeze %dma_start3A_2323 : memref<1x1x8x512xf32, #tpu.memory_space<hbm>> -> memref<8x512xf32, #tpu.memory_space<hbm>>
        %dma_start3A_2325 = arith.constant 0 : i32
        %dma_start3A_2326 = arith.constant 0 : i32
        %dma_start3A_2327 = tpu.memref_slice %arg10[%dma_start3A_2317, %dma_start3A_2325, %dma_start3A_2326] : memref<15x8x512xf32, #tpu.memory_space<vmem>> -> memref<1x8x512xf32, #tpu.memory_space<vmem>>
        %dma_start3A_2328 = tpu.memref_squeeze %dma_start3A_2327 : memref<1x8x512xf32, #tpu.memory_space<vmem>> -> memref<8x512xf32, #tpu.memory_space<vmem>>
        %dma_start3A_2329 = arith.constant 0 : i32
        %dma_start3A_2330 = tpu.memref_slice %arg2[%select_n3A_2060, %dma_start3A_2316, %mul3A_2065, %dma_start3A_2329] : memref<4x15x192x512xf32, #tpu.memory_space<hbm>> -> memref<1x1x8x512xf32, #tpu.memory_space<hbm>>
        %dma_start3A_2331 = tpu.memref_squeeze %dma_start3A_2330 : memref<1x1x8x512xf32, #tpu.memory_space<hbm>> -> memref<8x512xf32, #tpu.memory_space<hbm>>
        tpu.enqueue_dma source(%dma_start3A_2331 : memref<8x512xf32, #tpu.memory_space<hbm>>) target(%dma_start3A_2328 : memref<8x512xf32, #tpu.memory_space<vmem>>) target_semaphore(%arg12 : memref<!tpu.dma_semaphore, #tpu.memory_space<semaphore_mem>>)
        %dma_start3A_2332 = arith.constant 1 : i32
        %dma_start3A_2333 = arith.constant 1 : i32
        %dma_start3A_2334 = arith.constant 0 : i32
        %dma_start3A_2335 = arith.constant 0 : i32
        %dma_start3A_2336 = tpu.memref_slice %arg10[%dma_start3A_2333, %dma_start3A_2334, %dma_start3A_2335] : memref<15x8x512xf32, #tpu.memory_space<vmem>> -> memref<1x8x512xf32, #tpu.memory_space<vmem>>
        %dma_start3A_2337 = tpu.memref_squeeze %dma_start3A_2336 : memref<1x8x512xf32, #tpu.memory_space<vmem>> -> memref<8x512xf32, #tpu.memory_space<vmem>>
        %dma_start3A_2338 = arith.constant 0 : i32
        %dma_start3A_2339 = tpu.memref_slice %arg2[%select_n3A_2060, %dma_start3A_2332, %mul3A_2065, %dma_start3A_2338] : memref<4x15x192x512xf32, #tpu.memory_space<hbm>> -> memref<1x1x8x512xf32, #tpu.memory_space<hbm>>
        %dma_start3A_2340 = tpu.memref_squeeze %dma_start3A_2339 : memref<1x1x8x512xf32, #tpu.memory_space<hbm>> -> memref<8x512xf32, #tpu.memory_space<hbm>>
        %dma_start3A_2341 = arith.constant 0 : i32
        %dma_start3A_2342 = arith.constant 0 : i32
        %dma_start3A_2343 = tpu.memref_slice %arg10[%dma_start3A_2333, %dma_start3A_2341, %dma_start3A_2342] : memref<15x8x512xf32, #tpu.memory_space<vmem>> -> memref<1x8x512xf32, #tpu.memory_space<vmem>>
        %dma_start3A_2344 = tpu.memref_squeeze %dma_start3A_2343 : memref<1x8x512xf32, #tpu.memory_space<vmem>> -> memref<8x512xf32, #tpu.memory_space<vmem>>
        %dma_start3A_2345 = arith.constant 0 : i32
        %dma_start3A_2346 = tpu.memref_slice %arg2[%select_n3A_2060, %dma_start3A_2332, %mul3A_2065, %dma_start3A_2345] : memref<4x15x192x512xf32, #tpu.memory_space<hbm>> -> memref<1x1x8x512xf32, #tpu.memory_space<hbm>>
        %dma_start3A_2347 = tpu.memref_squeeze %dma_start3A_2346 : memref<1x1x8x512xf32, #tpu.memory_space<hbm>> -> memref<8x512xf32, #tpu.memory_space<hbm>>
        tpu.enqueue_dma source(%dma_start3A_2347 : memref<8x512xf32, #tpu.memory_space<hbm>>) target(%dma_start3A_2344 : memref<8x512xf32, #tpu.memory_space<vmem>>) target_semaphore(%arg12 : memref<!tpu.dma_semaphore, #tpu.memory_space<semaphore_mem>>)
        %dma_start3A_2348 = arith.constant 2 : i32
        %dma_start3A_2349 = arith.constant 2 : i32
        %dma_start3A_2350 = arith.constant 0 : i32
        %dma_start3A_2351 = arith.constant 0 : i32
        %dma_start3A_2352 = tpu.memref_slice %arg10[%dma_start3A_2349, %dma_start3A_2350, %dma_start3A_2351] : memref<15x8x512xf32, #tpu.memory_space<vmem>> -> memref<1x8x512xf32, #tpu.memory_space<vmem>>
        %dma_start3A_2353 = tpu.memref_squeeze %dma_start3A_2352 : memref<1x8x512xf32, #tpu.memory_space<vmem>> -> memref<8x512xf32, #tpu.memory_space<vmem>>
        %dma_start3A_2354 = arith.constant 0 : i32
        %dma_start3A_2355 = tpu.memref_slice %arg2[%select_n3A_2060, %dma_start3A_2348, %mul3A_2065, %dma_start3A_2354] : memref<4x15x192x512xf32, #tpu.memory_space<hbm>> -> memref<1x1x8x512xf32, #tpu.memory_space<hbm>>
        %dma_start3A_2356 = tpu.memref_squeeze %dma_start3A_2355 : memref<1x1x8x512xf32, #tpu.memory_space<hbm>> -> memref<8x512xf32, #tpu.memory_space<hbm>>
        %dma_start3A_2357 = arith.constant 0 : i32
        %dma_start3A_2358 = arith.constant 0 : i32
        %dma_start3A_2359 = tpu.memref_slice %arg10[%dma_start3A_2349, %dma_start3A_2357, %dma_start3A_2358] : memref<15x8x512xf32, #tpu.memory_space<vmem>> -> memref<1x8x512xf32, #tpu.memory_space<vmem>>
        %dma_start3A_2360 = tpu.memref_squeeze %dma_start3A_2359 : memref<1x8x512xf32, #tpu.memory_space<vmem>> -> memref<8x512xf32, #tpu.memory_space<vmem>>
        %dma_start3A_2361 = arith.constant 0 : i32
        %dma_start3A_2362 = tpu.memref_slice %arg2[%select_n3A_2060, %dma_start3A_2348, %mul3A_2065, %dma_start3A_2361] : memref<4x15x192x512xf32, #tpu.memory_space<hbm>> -> memref<1x1x8x512xf32, #tpu.memory_space<hbm>>
        %dma_start3A_2363 = tpu.memref_squeeze %dma_start3A_2362 : memref<1x1x8x512xf32, #tpu.memory_space<hbm>> -> memref<8x512xf32, #tpu.memory_space<hbm>>
        tpu.enqueue_dma source(%dma_start3A_2363 : memref<8x512xf32, #tpu.memory_space<hbm>>) target(%dma_start3A_2360 : memref<8x512xf32, #tpu.memory_space<vmem>>) target_semaphore(%arg12 : memref<!tpu.dma_semaphore, #tpu.memory_space<semaphore_mem>>)
        %dma_start3A_2364 = arith.constant 3 : i32
        %dma_start3A_2365 = arith.constant 3 : i32
        %dma_start3A_2366 = arith.constant 0 : i32
        %dma_start3A_2367 = arith.constant 0 : i32
        %dma_start3A_2368 = tpu.memref_slice %arg10[%dma_start3A_2365, %dma_start3A_2366, %dma_start3A_2367] : memref<15x8x512xf32, #tpu.memory_space<vmem>> -> memref<1x8x512xf32, #tpu.memory_space<vmem>>
        %dma_start3A_2369 = tpu.memref_squeeze %dma_start3A_2368 : memref<1x8x512xf32, #tpu.memory_space<vmem>> -> memref<8x512xf32, #tpu.memory_space<vmem>>
        %dma_start3A_2370 = arith.constant 0 : i32
        %dma_start3A_2371 = tpu.memref_slice %arg2[%select_n3A_2060, %dma_start3A_2364, %mul3A_2065, %dma_start3A_2370] : memref<4x15x192x512xf32, #tpu.memory_space<hbm>> -> memref<1x1x8x512xf32, #tpu.memory_space<hbm>>
        %dma_start3A_2372 = tpu.memref_squeeze %dma_start3A_2371 : memref<1x1x8x512xf32, #tpu.memory_space<hbm>> -> memref<8x512xf32, #tpu.memory_space<hbm>>
        %dma_start3A_2373 = arith.constant 0 : i32
        %dma_start3A_2374 = arith.constant 0 : i32
        %dma_start3A_2375 = tpu.memref_slice %arg10[%dma_start3A_2365, %dma_start3A_2373, %dma_start3A_2374] : memref<15x8x512xf32, #tpu.memory_space<vmem>> -> memref<1x8x512xf32, #tpu.memory_space<vmem>>
        %dma_start3A_2376 = tpu.memref_squeeze %dma_start3A_2375 : memref<1x8x512xf32, #tpu.memory_space<vmem>> -> memref<8x512xf32, #tpu.memory_space<vmem>>
        %dma_start3A_2377 = arith.constant 0 : i32
        %dma_start3A_2378 = tpu.memref_slice %arg2[%select_n3A_2060, %dma_start3A_2364, %mul3A_2065, %dma_start3A_2377] : memref<4x15x192x512xf32, #tpu.memory_space<hbm>> -> memref<1x1x8x512xf32, #tpu.memory_space<hbm>>
        %dma_start3A_2379 = tpu.memref_squeeze %dma_start3A_2378 : memref<1x1x8x512xf32, #tpu.memory_space<hbm>> -> memref<8x512xf32, #tpu.memory_space<hbm>>
        tpu.enqueue_dma source(%dma_start3A_2379 : memref<8x512xf32, #tpu.memory_space<hbm>>) target(%dma_start3A_2376 : memref<8x512xf32, #tpu.memory_space<vmem>>) target_semaphore(%arg12 : memref<!tpu.dma_semaphore, #tpu.memory_space<semaphore_mem>>)
        %dma_start3A_2380 = arith.constant 4 : i32
        %dma_start3A_2381 = arith.constant 4 : i32
        %dma_start3A_2382 = arith.constant 0 : i32
        %dma_start3A_2383 = arith.constant 0 : i32
        %dma_start3A_2384 = tpu.memref_slice %arg10[%dma_start3A_2381, %dma_start3A_2382, %dma_start3A_2383] : memref<15x8x512xf32, #tpu.memory_space<vmem>> -> memref<1x8x512xf32, #tpu.memory_space<vmem>>
        %dma_start3A_2385 = tpu.memref_squeeze %dma_start3A_2384 : memref<1x8x512xf32, #tpu.memory_space<vmem>> -> memref<8x512xf32, #tpu.memory_space<vmem>>
        %dma_start3A_2386 = arith.constant 0 : i32
        %dma_start3A_2387 = tpu.memref_slice %arg2[%select_n3A_2060, %dma_start3A_2380, %mul3A_2065, %dma_start3A_2386] : memref<4x15x192x512xf32, #tpu.memory_space<hbm>> -> memref<1x1x8x512xf32, #tpu.memory_space<hbm>>
        %dma_start3A_2388 = tpu.memref_squeeze %dma_start3A_2387 : memref<1x1x8x512xf32, #tpu.memory_space<hbm>> -> memref<8x512xf32, #tpu.memory_space<hbm>>
        %dma_start3A_2389 = arith.constant 0 : i32
        %dma_start3A_2390 = arith.constant 0 : i32
        %dma_start3A_2391 = tpu.memref_slice %arg10[%dma_start3A_2381, %dma_start3A_2389, %dma_start3A_2390] : memref<15x8x512xf32, #tpu.memory_space<vmem>> -> memref<1x8x512xf32, #tpu.memory_space<vmem>>
        %dma_start3A_2392 = tpu.memref_squeeze %dma_start3A_2391 : memref<1x8x512xf32, #tpu.memory_space<vmem>> -> memref<8x512xf32, #tpu.memory_space<vmem>>
        %dma_start3A_2393 = arith.constant 0 : i32
        %dma_start3A_2394 = tpu.memref_slice %arg2[%select_n3A_2060, %dma_start3A_2380, %mul3A_2065, %dma_start3A_2393] : memref<4x15x192x512xf32, #tpu.memory_space<hbm>> -> memref<1x1x8x512xf32, #tpu.memory_space<hbm>>
        %dma_start3A_2395 = tpu.memref_squeeze %dma_start3A_2394 : memref<1x1x8x512xf32, #tpu.memory_space<hbm>> -> memref<8x512xf32, #tpu.memory_space<hbm>>
        tpu.enqueue_dma source(%dma_start3A_2395 : memref<8x512xf32, #tpu.memory_space<hbm>>) target(%dma_start3A_2392 : memref<8x512xf32, #tpu.memory_space<vmem>>) target_semaphore(%arg12 : memref<!tpu.dma_semaphore, #tpu.memory_space<semaphore_mem>>)
        %dma_start3A_2396 = arith.constant 5 : i32
        %dma_start3A_2397 = arith.constant 5 : i32
        %dma_start3A_2398 = arith.constant 0 : i32
        %dma_start3A_2399 = arith.constant 0 : i32
        %dma_start3A_2400 = tpu.memref_slice %arg10[%dma_start3A_2397, %dma_start3A_2398, %dma_start3A_2399] : memref<15x8x512xf32, #tpu.memory_space<vmem>> -> memref<1x8x512xf32, #tpu.memory_space<vmem>>
        %dma_start3A_2401 = tpu.memref_squeeze %dma_start3A_2400 : memref<1x8x512xf32, #tpu.memory_space<vmem>> -> memref<8x512xf32, #tpu.memory_space<vmem>>
        %dma_start3A_2402 = arith.constant 0 : i32
        %dma_start3A_2403 = tpu.memref_slice %arg2[%select_n3A_2060, %dma_start3A_2396, %mul3A_2065, %dma_start3A_2402] : memref<4x15x192x512xf32, #tpu.memory_space<hbm>> -> memref<1x1x8x512xf32, #tpu.memory_space<hbm>>
        %dma_start3A_2404 = tpu.memref_squeeze %dma_start3A_2403 : memref<1x1x8x512xf32, #tpu.memory_space<hbm>> -> memref<8x512xf32, #tpu.memory_space<hbm>>
        %dma_start3A_2405 = arith.constant 0 : i32
        %dma_start3A_2406 = arith.constant 0 : i32
        %dma_start3A_2407 = tpu.memref_slice %arg10[%dma_start3A_2397, %dma_start3A_2405, %dma_start3A_2406] : memref<15x8x512xf32, #tpu.memory_space<vmem>> -> memref<1x8x512xf32, #tpu.memory_space<vmem>>
        %dma_start3A_2408 = tpu.memref_squeeze %dma_start3A_2407 : memref<1x8x512xf32, #tpu.memory_space<vmem>> -> memref<8x512xf32, #tpu.memory_space<vmem>>
        %dma_start3A_2409 = arith.constant 0 : i32
        %dma_start3A_2410 = tpu.memref_slice %arg2[%select_n3A_2060, %dma_start3A_2396, %mul3A_2065, %dma_start3A_2409] : memref<4x15x192x512xf32, #tpu.memory_space<hbm>> -> memref<1x1x8x512xf32, #tpu.memory_space<hbm>>
        %dma_start3A_2411 = tpu.memref_squeeze %dma_start3A_2410 : memref<1x1x8x512xf32, #tpu.memory_space<hbm>> -> memref<8x512xf32, #tpu.memory_space<hbm>>
        tpu.enqueue_dma source(%dma_start3A_2411 : memref<8x512xf32, #tpu.memory_space<hbm>>) target(%dma_start3A_2408 : memref<8x512xf32, #tpu.memory_space<vmem>>) target_semaphore(%arg12 : memref<!tpu.dma_semaphore, #tpu.memory_space<semaphore_mem>>)
        %dma_start3A_2412 = arith.constant 6 : i32
        %dma_start3A_2413 = arith.constant 6 : i32
        %dma_start3A_2414 = arith.constant 0 : i32
        %dma_start3A_2415 = arith.constant 0 : i32
        %dma_start3A_2416 = tpu.memref_slice %arg10[%dma_start3A_2413, %dma_start3A_2414, %dma_start3A_2415] : memref<15x8x512xf32, #tpu.memory_space<vmem>> -> memref<1x8x512xf32, #tpu.memory_space<vmem>>
        %dma_start3A_2417 = tpu.memref_squeeze %dma_start3A_2416 : memref<1x8x512xf32, #tpu.memory_space<vmem>> -> memref<8x512xf32, #tpu.memory_space<vmem>>
        %dma_start3A_2418 = arith.constant 0 : i32
        %dma_start3A_2419 = tpu.memref_slice %arg2[%select_n3A_2060, %dma_start3A_2412, %mul3A_2065, %dma_start3A_2418] : memref<4x15x192x512xf32, #tpu.memory_space<hbm>> -> memref<1x1x8x512xf32, #tpu.memory_space<hbm>>
        %dma_start3A_2420 = tpu.memref_squeeze %dma_start3A_2419 : memref<1x1x8x512xf32, #tpu.memory_space<hbm>> -> memref<8x512xf32, #tpu.memory_space<hbm>>
        %dma_start3A_2421 = arith.constant 0 : i32
        %dma_start3A_2422 = arith.constant 0 : i32
        %dma_start3A_2423 = tpu.memref_slice %arg10[%dma_start3A_2413, %dma_start3A_2421, %dma_start3A_2422] : memref<15x8x512xf32, #tpu.memory_space<vmem>> -> memref<1x8x512xf32, #tpu.memory_space<vmem>>
        %dma_start3A_2424 = tpu.memref_squeeze %dma_start3A_2423 : memref<1x8x512xf32, #tpu.memory_space<vmem>> -> memref<8x512xf32, #tpu.memory_space<vmem>>
        %dma_start3A_2425 = arith.constant 0 : i32
        %dma_start3A_2426 = tpu.memref_slice %arg2[%select_n3A_2060, %dma_start3A_2412, %mul3A_2065, %dma_start3A_2425] : memref<4x15x192x512xf32, #tpu.memory_space<hbm>> -> memref<1x1x8x512xf32, #tpu.memory_space<hbm>>
        %dma_start3A_2427 = tpu.memref_squeeze %dma_start3A_2426 : memref<1x1x8x512xf32, #tpu.memory_space<hbm>> -> memref<8x512xf32, #tpu.memory_space<hbm>>
        tpu.enqueue_dma source(%dma_start3A_2427 : memref<8x512xf32, #tpu.memory_space<hbm>>) target(%dma_start3A_2424 : memref<8x512xf32, #tpu.memory_space<vmem>>) target_semaphore(%arg12 : memref<!tpu.dma_semaphore, #tpu.memory_space<semaphore_mem>>)
        %dma_start3A_2428 = arith.constant 7 : i32
        %dma_start3A_2429 = arith.constant 7 : i32
        %dma_start3A_2430 = arith.constant 0 : i32
        %dma_start3A_2431 = arith.constant 0 : i32
        %dma_start3A_2432 = tpu.memref_slice %arg10[%dma_start3A_2429, %dma_start3A_2430, %dma_start3A_2431] : memref<15x8x512xf32, #tpu.memory_space<vmem>> -> memref<1x8x512xf32, #tpu.memory_space<vmem>>
        %dma_start3A_2433 = tpu.memref_squeeze %dma_start3A_2432 : memref<1x8x512xf32, #tpu.memory_space<vmem>> -> memref<8x512xf32, #tpu.memory_space<vmem>>
        %dma_start3A_2434 = arith.constant 0 : i32
        %dma_start3A_2435 = tpu.memref_slice %arg2[%select_n3A_2060, %dma_start3A_2428, %mul3A_2065, %dma_start3A_2434] : memref<4x15x192x512xf32, #tpu.memory_space<hbm>> -> memref<1x1x8x512xf32, #tpu.memory_space<hbm>>
        %dma_start3A_2436 = tpu.memref_squeeze %dma_start3A_2435 : memref<1x1x8x512xf32, #tpu.memory_space<hbm>> -> memref<8x512xf32, #tpu.memory_space<hbm>>
        %dma_start3A_2437 = arith.constant 0 : i32
        %dma_start3A_2438 = arith.constant 0 : i32
        %dma_start3A_2439 = tpu.memref_slice %arg10[%dma_start3A_2429, %dma_start3A_2437, %dma_start3A_2438] : memref<15x8x512xf32, #tpu.memory_space<vmem>> -> memref<1x8x512xf32, #tpu.memory_space<vmem>>
        %dma_start3A_2440 = tpu.memref_squeeze %dma_start3A_2439 : memref<1x8x512xf32, #tpu.memory_space<vmem>> -> memref<8x512xf32, #tpu.memory_space<vmem>>
        %dma_start3A_2441 = arith.constant 0 : i32
        %dma_start3A_2442 = tpu.memref_slice %arg2[%select_n3A_2060, %dma_start3A_2428, %mul3A_2065, %dma_start3A_2441] : memref<4x15x192x512xf32, #tpu.memory_space<hbm>> -> memref<1x1x8x512xf32, #tpu.memory_space<hbm>>
        %dma_start3A_2443 = tpu.memref_squeeze %dma_start3A_2442 : memref<1x1x8x512xf32, #tpu.memory_space<hbm>> -> memref<8x512xf32, #tpu.memory_space<hbm>>
        tpu.enqueue_dma source(%dma_start3A_2443 : memref<8x512xf32, #tpu.memory_space<hbm>>) target(%dma_start3A_2440 : memref<8x512xf32, #tpu.memory_space<vmem>>) target_semaphore(%arg12 : memref<!tpu.dma_semaphore, #tpu.memory_space<semaphore_mem>>)
        %dma_start3A_2444 = arith.constant 8 : i32
        %dma_start3A_2445 = arith.constant 8 : i32
        %dma_start3A_2446 = arith.constant 0 : i32
        %dma_start3A_2447 = arith.constant 0 : i32
        %dma_start3A_2448 = tpu.memref_slice %arg10[%dma_start3A_2445, %dma_start3A_2446, %dma_start3A_2447] : memref<15x8x512xf32, #tpu.memory_space<vmem>> -> memref<1x8x512xf32, #tpu.memory_space<vmem>>
        %dma_start3A_2449 = tpu.memref_squeeze %dma_start3A_2448 : memref<1x8x512xf32, #tpu.memory_space<vmem>> -> memref<8x512xf32, #tpu.memory_space<vmem>>
        %dma_start3A_2450 = arith.constant 0 : i32
        %dma_start3A_2451 = tpu.memref_slice %arg2[%select_n3A_2060, %dma_start3A_2444, %mul3A_2065, %dma_start3A_2450] : memref<4x15x192x512xf32, #tpu.memory_space<hbm>> -> memref<1x1x8x512xf32, #tpu.memory_space<hbm>>
        %dma_start3A_2452 = tpu.memref_squeeze %dma_start3A_2451 : memref<1x1x8x512xf32, #tpu.memory_space<hbm>> -> memref<8x512xf32, #tpu.memory_space<hbm>>
        %dma_start3A_2453 = arith.constant 0 : i32
        %dma_start3A_2454 = arith.constant 0 : i32
        %dma_start3A_2455 = tpu.memref_slice %arg10[%dma_start3A_2445, %dma_start3A_2453, %dma_start3A_2454] : memref<15x8x512xf32, #tpu.memory_space<vmem>> -> memref<1x8x512xf32, #tpu.memory_space<vmem>>
        %dma_start3A_2456 = tpu.memref_squeeze %dma_start3A_2455 : memref<1x8x512xf32, #tpu.memory_space<vmem>> -> memref<8x512xf32, #tpu.memory_space<vmem>>
        %dma_start3A_2457 = arith.constant 0 : i32
        %dma_start3A_2458 = tpu.memref_slice %arg2[%select_n3A_2060, %dma_start3A_2444, %mul3A_2065, %dma_start3A_2457] : memref<4x15x192x512xf32, #tpu.memory_space<hbm>> -> memref<1x1x8x512xf32, #tpu.memory_space<hbm>>
        %dma_start3A_2459 = tpu.memref_squeeze %dma_start3A_2458 : memref<1x1x8x512xf32, #tpu.memory_space<hbm>> -> memref<8x512xf32, #tpu.memory_space<hbm>>
        tpu.enqueue_dma source(%dma_start3A_2459 : memref<8x512xf32, #tpu.memory_space<hbm>>) target(%dma_start3A_2456 : memref<8x512xf32, #tpu.memory_space<vmem>>) target_semaphore(%arg12 : memref<!tpu.dma_semaphore, #tpu.memory_space<semaphore_mem>>)
        %dma_start3A_2460 = arith.constant 9 : i32
        %dma_start3A_2461 = arith.constant 9 : i32
        %dma_start3A_2462 = arith.constant 0 : i32
        %dma_start3A_2463 = arith.constant 0 : i32
        %dma_start3A_2464 = tpu.memref_slice %arg10[%dma_start3A_2461, %dma_start3A_2462, %dma_start3A_2463] : memref<15x8x512xf32, #tpu.memory_space<vmem>> -> memref<1x8x512xf32, #tpu.memory_space<vmem>>
        %dma_start3A_2465 = tpu.memref_squeeze %dma_start3A_2464 : memref<1x8x512xf32, #tpu.memory_space<vmem>> -> memref<8x512xf32, #tpu.memory_space<vmem>>
        %dma_start3A_2466 = arith.constant 0 : i32
        %dma_start3A_2467 = tpu.memref_slice %arg2[%select_n3A_2060, %dma_start3A_2460, %mul3A_2065, %dma_start3A_2466] : memref<4x15x192x512xf32, #tpu.memory_space<hbm>> -> memref<1x1x8x512xf32, #tpu.memory_space<hbm>>
        %dma_start3A_2468 = tpu.memref_squeeze %dma_start3A_2467 : memref<1x1x8x512xf32, #tpu.memory_space<hbm>> -> memref<8x512xf32, #tpu.memory_space<hbm>>
        %dma_start3A_2469 = arith.constant 0 : i32
        %dma_start3A_2470 = arith.constant 0 : i32
        %dma_start3A_2471 = tpu.memref_slice %arg10[%dma_start3A_2461, %dma_start3A_2469, %dma_start3A_2470] : memref<15x8x512xf32, #tpu.memory_space<vmem>> -> memref<1x8x512xf32, #tpu.memory_space<vmem>>
        %dma_start3A_2472 = tpu.memref_squeeze %dma_start3A_2471 : memref<1x8x512xf32, #tpu.memory_space<vmem>> -> memref<8x512xf32, #tpu.memory_space<vmem>>
        %dma_start3A_2473 = arith.constant 0 : i32
        %dma_start3A_2474 = tpu.memref_slice %arg2[%select_n3A_2060, %dma_start3A_2460, %mul3A_2065, %dma_start3A_2473] : memref<4x15x192x512xf32, #tpu.memory_space<hbm>> -> memref<1x1x8x512xf32, #tpu.memory_space<hbm>>
        %dma_start3A_2475 = tpu.memref_squeeze %dma_start3A_2474 : memref<1x1x8x512xf32, #tpu.memory_space<hbm>> -> memref<8x512xf32, #tpu.memory_space<hbm>>
        tpu.enqueue_dma source(%dma_start3A_2475 : memref<8x512xf32, #tpu.memory_space<hbm>>) target(%dma_start3A_2472 : memref<8x512xf32, #tpu.memory_space<vmem>>) target_semaphore(%arg12 : memref<!tpu.dma_semaphore, #tpu.memory_space<semaphore_mem>>)
        %dma_start3A_2476 = arith.constant 10 : i32
        %dma_start3A_2477 = arith.constant 10 : i32
        %dma_start3A_2478 = arith.constant 0 : i32
        %dma_start3A_2479 = arith.constant 0 : i32
        %dma_start3A_2480 = tpu.memref_slice %arg10[%dma_start3A_2477, %dma_start3A_2478, %dma_start3A_2479] : memref<15x8x512xf32, #tpu.memory_space<vmem>> -> memref<1x8x512xf32, #tpu.memory_space<vmem>>
        %dma_start3A_2481 = tpu.memref_squeeze %dma_start3A_2480 : memref<1x8x512xf32, #tpu.memory_space<vmem>> -> memref<8x512xf32, #tpu.memory_space<vmem>>
        %dma_start3A_2482 = arith.constant 0 : i32
        %dma_start3A_2483 = tpu.memref_slice %arg2[%select_n3A_2060, %dma_start3A_2476, %mul3A_2065, %dma_start3A_2482] : memref<4x15x192x512xf32, #tpu.memory_space<hbm>> -> memref<1x1x8x512xf32, #tpu.memory_space<hbm>>
        %dma_start3A_2484 = tpu.memref_squeeze %dma_start3A_2483 : memref<1x1x8x512xf32, #tpu.memory_space<hbm>> -> memref<8x512xf32, #tpu.memory_space<hbm>>
        %dma_start3A_2485 = arith.constant 0 : i32
        %dma_start3A_2486 = arith.constant 0 : i32
        %dma_start3A_2487 = tpu.memref_slice %arg10[%dma_start3A_2477, %dma_start3A_2485, %dma_start3A_2486] : memref<15x8x512xf32, #tpu.memory_space<vmem>> -> memref<1x8x512xf32, #tpu.memory_space<vmem>>
        %dma_start3A_2488 = tpu.memref_squeeze %dma_start3A_2487 : memref<1x8x512xf32, #tpu.memory_space<vmem>> -> memref<8x512xf32, #tpu.memory_space<vmem>>
        %dma_start3A_2489 = arith.constant 0 : i32
        %dma_start3A_2490 = tpu.memref_slice %arg2[%select_n3A_2060, %dma_start3A_2476, %mul3A_2065, %dma_start3A_2489] : memref<4x15x192x512xf32, #tpu.memory_space<hbm>> -> memref<1x1x8x512xf32, #tpu.memory_space<hbm>>
        %dma_start3A_2491 = tpu.memref_squeeze %dma_start3A_2490 : memref<1x1x8x512xf32, #tpu.memory_space<hbm>> -> memref<8x512xf32, #tpu.memory_space<hbm>>
        tpu.enqueue_dma source(%dma_start3A_2491 : memref<8x512xf32, #tpu.memory_space<hbm>>) target(%dma_start3A_2488 : memref<8x512xf32, #tpu.memory_space<vmem>>) target_semaphore(%arg12 : memref<!tpu.dma_semaphore, #tpu.memory_space<semaphore_mem>>)
        %dma_start3A_2492 = arith.constant 11 : i32
        %dma_start3A_2493 = arith.constant 11 : i32
        %dma_start3A_2494 = arith.constant 0 : i32
        %dma_start3A_2495 = arith.constant 0 : i32
        %dma_start3A_2496 = tpu.memref_slice %arg10[%dma_start3A_2493, %dma_start3A_2494, %dma_start3A_2495] : memref<15x8x512xf32, #tpu.memory_space<vmem>> -> memref<1x8x512xf32, #tpu.memory_space<vmem>>
        %dma_start3A_2497 = tpu.memref_squeeze %dma_start3A_2496 : memref<1x8x512xf32, #tpu.memory_space<vmem>> -> memref<8x512xf32, #tpu.memory_space<vmem>>
        %dma_start3A_2498 = arith.constant 0 : i32
        %dma_start3A_2499 = tpu.memref_slice %arg2[%select_n3A_2060, %dma_start3A_2492, %mul3A_2065, %dma_start3A_2498] : memref<4x15x192x512xf32, #tpu.memory_space<hbm>> -> memref<1x1x8x512xf32, #tpu.memory_space<hbm>>
        %dma_start3A_2500 = tpu.memref_squeeze %dma_start3A_2499 : memref<1x1x8x512xf32, #tpu.memory_space<hbm>> -> memref<8x512xf32, #tpu.memory_space<hbm>>
        %dma_start3A_2501 = arith.constant 0 : i32
        %dma_start3A_2502 = arith.constant 0 : i32
        %dma_start3A_2503 = tpu.memref_slice %arg10[%dma_start3A_2493, %dma_start3A_2501, %dma_start3A_2502] : memref<15x8x512xf32, #tpu.memory_space<vmem>> -> memref<1x8x512xf32, #tpu.memory_space<vmem>>
        %dma_start3A_2504 = tpu.memref_squeeze %dma_start3A_2503 : memref<1x8x512xf32, #tpu.memory_space<vmem>> -> memref<8x512xf32, #tpu.memory_space<vmem>>
        %dma_start3A_2505 = arith.constant 0 : i32
        %dma_start3A_2506 = tpu.memref_slice %arg2[%select_n3A_2060, %dma_start3A_2492, %mul3A_2065, %dma_start3A_2505] : memref<4x15x192x512xf32, #tpu.memory_space<hbm>> -> memref<1x1x8x512xf32, #tpu.memory_space<hbm>>
        %dma_start3A_2507 = tpu.memref_squeeze %dma_start3A_2506 : memref<1x1x8x512xf32, #tpu.memory_space<hbm>> -> memref<8x512xf32, #tpu.memory_space<hbm>>
        tpu.enqueue_dma source(%dma_start3A_2507 : memref<8x512xf32, #tpu.memory_space<hbm>>) target(%dma_start3A_2504 : memref<8x512xf32, #tpu.memory_space<vmem>>) target_semaphore(%arg12 : memref<!tpu.dma_semaphore, #tpu.memory_space<semaphore_mem>>)
        %dma_start3A_2508 = arith.constant 12 : i32
        %dma_start3A_2509 = arith.constant 12 : i32
        %dma_start3A_2510 = arith.constant 0 : i32
        %dma_start3A_2511 = arith.constant 0 : i32
        %dma_start3A_2512 = tpu.memref_slice %arg10[%dma_start3A_2509, %dma_start3A_2510, %dma_start3A_2511] : memref<15x8x512xf32, #tpu.memory_space<vmem>> -> memref<1x8x512xf32, #tpu.memory_space<vmem>>
        %dma_start3A_2513 = tpu.memref_squeeze %dma_start3A_2512 : memref<1x8x512xf32, #tpu.memory_space<vmem>> -> memref<8x512xf32, #tpu.memory_space<vmem>>
        %dma_start3A_2514 = arith.constant 0 : i32
        %dma_start3A_2515 = tpu.memref_slice %arg2[%select_n3A_2060, %dma_start3A_2508, %mul3A_2065, %dma_start3A_2514] : memref<4x15x192x512xf32, #tpu.memory_space<hbm>> -> memref<1x1x8x512xf32, #tpu.memory_space<hbm>>
        %dma_start3A_2516 = tpu.memref_squeeze %dma_start3A_2515 : memref<1x1x8x512xf32, #tpu.memory_space<hbm>> -> memref<8x512xf32, #tpu.memory_space<hbm>>
        %dma_start3A_2517 = arith.constant 0 : i32
        %dma_start3A_2518 = arith.constant 0 : i32
        %dma_start3A_2519 = tpu.memref_slice %arg10[%dma_start3A_2509, %dma_start3A_2517, %dma_start3A_2518] : memref<15x8x512xf32, #tpu.memory_space<vmem>> -> memref<1x8x512xf32, #tpu.memory_space<vmem>>
        %dma_start3A_2520 = tpu.memref_squeeze %dma_start3A_2519 : memref<1x8x512xf32, #tpu.memory_space<vmem>> -> memref<8x512xf32, #tpu.memory_space<vmem>>
        %dma_start3A_2521 = arith.constant 0 : i32
        %dma_start3A_2522 = tpu.memref_slice %arg2[%select_n3A_2060, %dma_start3A_2508, %mul3A_2065, %dma_start3A_2521] : memref<4x15x192x512xf32, #tpu.memory_space<hbm>> -> memref<1x1x8x512xf32, #tpu.memory_space<hbm>>
        %dma_start3A_2523 = tpu.memref_squeeze %dma_start3A_2522 : memref<1x1x8x512xf32, #tpu.memory_space<hbm>> -> memref<8x512xf32, #tpu.memory_space<hbm>>
        tpu.enqueue_dma source(%dma_start3A_2523 : memref<8x512xf32, #tpu.memory_space<hbm>>) target(%dma_start3A_2520 : memref<8x512xf32, #tpu.memory_space<vmem>>) target_semaphore(%arg12 : memref<!tpu.dma_semaphore, #tpu.memory_space<semaphore_mem>>)
        %dma_start3A_2524 = arith.constant 13 : i32
        %dma_start3A_2525 = arith.constant 13 : i32
        %dma_start3A_2526 = arith.constant 0 : i32
        %dma_start3A_2527 = arith.constant 0 : i32
        %dma_start3A_2528 = tpu.memref_slice %arg10[%dma_start3A_2525, %dma_start3A_2526, %dma_start3A_2527] : memref<15x8x512xf32, #tpu.memory_space<vmem>> -> memref<1x8x512xf32, #tpu.memory_space<vmem>>
        %dma_start3A_2529 = tpu.memref_squeeze %dma_start3A_2528 : memref<1x8x512xf32, #tpu.memory_space<vmem>> -> memref<8x512xf32, #tpu.memory_space<vmem>>
        %dma_start3A_2530 = arith.constant 0 : i32
        %dma_start3A_2531 = tpu.memref_slice %arg2[%select_n3A_2060, %dma_start3A_2524, %mul3A_2065, %dma_start3A_2530] : memref<4x15x192x512xf32, #tpu.memory_space<hbm>> -> memref<1x1x8x512xf32, #tpu.memory_space<hbm>>
        %dma_start3A_2532 = tpu.memref_squeeze %dma_start3A_2531 : memref<1x1x8x512xf32, #tpu.memory_space<hbm>> -> memref<8x512xf32, #tpu.memory_space<hbm>>
        %dma_start3A_2533 = arith.constant 0 : i32
        %dma_start3A_2534 = arith.constant 0 : i32
        %dma_start3A_2535 = tpu.memref_slice %arg10[%dma_start3A_2525, %dma_start3A_2533, %dma_start3A_2534] : memref<15x8x512xf32, #tpu.memory_space<vmem>> -> memref<1x8x512xf32, #tpu.memory_space<vmem>>
        %dma_start3A_2536 = tpu.memref_squeeze %dma_start3A_2535 : memref<1x8x512xf32, #tpu.memory_space<vmem>> -> memref<8x512xf32, #tpu.memory_space<vmem>>
        %dma_start3A_2537 = arith.constant 0 : i32
        %dma_start3A_2538 = tpu.memref_slice %arg2[%select_n3A_2060, %dma_start3A_2524, %mul3A_2065, %dma_start3A_2537] : memref<4x15x192x512xf32, #tpu.memory_space<hbm>> -> memref<1x1x8x512xf32, #tpu.memory_space<hbm>>
        %dma_start3A_2539 = tpu.memref_squeeze %dma_start3A_2538 : memref<1x1x8x512xf32, #tpu.memory_space<hbm>> -> memref<8x512xf32, #tpu.memory_space<hbm>>
        tpu.enqueue_dma source(%dma_start3A_2539 : memref<8x512xf32, #tpu.memory_space<hbm>>) target(%dma_start3A_2536 : memref<8x512xf32, #tpu.memory_space<vmem>>) target_semaphore(%arg12 : memref<!tpu.dma_semaphore, #tpu.memory_space<semaphore_mem>>)
        %dma_start3A_2540 = arith.constant 14 : i32
        %dma_start3A_2541 = arith.constant 14 : i32
        %dma_start3A_2542 = arith.constant 0 : i32
        %dma_start3A_2543 = arith.constant 0 : i32
        %dma_start3A_2544 = tpu.memref_slice %arg10[%dma_start3A_2541, %dma_start3A_2542, %dma_start3A_2543] : memref<15x8x512xf32, #tpu.memory_space<vmem>> -> memref<1x8x512xf32, #tpu.memory_space<vmem>>
        %dma_start3A_2545 = tpu.memref_squeeze %dma_start3A_2544 : memref<1x8x512xf32, #tpu.memory_space<vmem>> -> memref<8x512xf32, #tpu.memory_space<vmem>>
        %dma_start3A_2546 = arith.constant 0 : i32
        %dma_start3A_2547 = tpu.memref_slice %arg2[%select_n3A_2060, %dma_start3A_2540, %mul3A_2065, %dma_start3A_2546] : memref<4x15x192x512xf32, #tpu.memory_space<hbm>> -> memref<1x1x8x512xf32, #tpu.memory_space<hbm>>
        %dma_start3A_2548 = tpu.memref_squeeze %dma_start3A_2547 : memref<1x1x8x512xf32, #tpu.memory_space<hbm>> -> memref<8x512xf32, #tpu.memory_space<hbm>>
        %dma_start3A_2549 = arith.constant 0 : i32
        %dma_start3A_2550 = arith.constant 0 : i32
        %dma_start3A_2551 = tpu.memref_slice %arg10[%dma_start3A_2541, %dma_start3A_2549, %dma_start3A_2550] : memref<15x8x512xf32, #tpu.memory_space<vmem>> -> memref<1x8x512xf32, #tpu.memory_space<vmem>>
        %dma_start3A_2552 = tpu.memref_squeeze %dma_start3A_2551 : memref<1x8x512xf32, #tpu.memory_space<vmem>> -> memref<8x512xf32, #tpu.memory_space<vmem>>
        %dma_start3A_2553 = arith.constant 0 : i32
        %dma_start3A_2554 = tpu.memref_slice %arg2[%select_n3A_2060, %dma_start3A_2540, %mul3A_2065, %dma_start3A_2553] : memref<4x15x192x512xf32, #tpu.memory_space<hbm>> -> memref<1x1x8x512xf32, #tpu.memory_space<hbm>>
        %dma_start3A_2555 = tpu.memref_squeeze %dma_start3A_2554 : memref<1x1x8x512xf32, #tpu.memory_space<hbm>> -> memref<8x512xf32, #tpu.memory_space<hbm>>
        tpu.enqueue_dma source(%dma_start3A_2555 : memref<8x512xf32, #tpu.memory_space<hbm>>) target(%dma_start3A_2552 : memref<8x512xf32, #tpu.memory_space<vmem>>) target_semaphore(%arg12 : memref<!tpu.dma_semaphore, #tpu.memory_space<semaphore_mem>>)
      } else {
      }
      %dma_wait3A_2070 = arith.constant 0 : i32
      %dma_wait3A_2071 = arith.constant 0 : i32
      %dma_wait3A_2072 = arith.constant 0 : i32
      %dma_wait3A_2073 = arith.constant 0 : i32
      %dma_wait3A_2074 = tpu.memref_slice %arg10[%dma_wait3A_2071, %dma_wait3A_2072, %dma_wait3A_2073] : memref<15x8x512xf32, #tpu.memory_space<vmem>> -> memref<1x8x512xf32, #tpu.memory_space<vmem>>
      %dma_wait3A_2075 = tpu.memref_squeeze %dma_wait3A_2074 : memref<1x8x512xf32, #tpu.memory_space<vmem>> -> memref<8x512xf32, #tpu.memory_space<vmem>>
      %dma_wait3A_2076 = arith.constant 0 : i32
      %dma_wait3A_2077 = tpu.memref_slice %arg2[%select_n3A_2060, %dma_wait3A_2070, %mul3A_2065, %dma_wait3A_2076] : memref<4x15x192x512xf32, #tpu.memory_space<hbm>> -> memref<1x1x8x512xf32, #tpu.memory_space<hbm>>
      %dma_wait3A_2078 = tpu.memref_squeeze %dma_wait3A_2077 : memref<1x1x8x512xf32, #tpu.memory_space<hbm>> -> memref<8x512xf32, #tpu.memory_space<hbm>>
      %dma_wait3A_2079 = arith.constant 0 : i32
      %dma_wait3A_2080 = arith.constant 0 : i32
      %dma_wait3A_2081 = tpu.memref_slice %arg10[%dma_wait3A_2071, %dma_wait3A_2079, %dma_wait3A_2080] : memref<15x8x512xf32, #tpu.memory_space<vmem>> -> memref<1x8x512xf32, #tpu.memory_space<vmem>>
      %dma_wait3A_2082 = tpu.memref_squeeze %dma_wait3A_2081 : memref<1x8x512xf32, #tpu.memory_space<vmem>> -> memref<8x512xf32, #tpu.memory_space<vmem>>
      %dma_wait3A_2083 = arith.constant 0 : i32
      %dma_wait3A_2084 = tpu.memref_slice %arg2[%select_n3A_2060, %dma_wait3A_2070, %mul3A_2065, %dma_wait3A_2083] : memref<4x15x192x512xf32, #tpu.memory_space<hbm>> -> memref<1x1x8x512xf32, #tpu.memory_space<hbm>>
      %dma_wait3A_2085 = tpu.memref_squeeze %dma_wait3A_2084 : memref<1x1x8x512xf32, #tpu.memory_space<hbm>> -> memref<8x512xf32, #tpu.memory_space<hbm>>
      tpu.wait_dma2 semaphore(%arg12 : memref<!tpu.dma_semaphore, #tpu.memory_space<semaphore_mem>>) src(%dma_wait3A_2085 : memref<8x512xf32, #tpu.memory_space<hbm>>) dst(%dma_wait3A_2082 : memref<8x512xf32, #tpu.memory_space<vmem>>)
      %dma_wait3A_2086 = arith.constant 1 : i32
      %dma_wait3A_2087 = arith.constant 1 : i32
      %dma_wait3A_2088 = arith.constant 0 : i32
      %dma_wait3A_2089 = arith.constant 0 : i32
      %dma_wait3A_2090 = tpu.memref_slice %arg10[%dma_wait3A_2087, %dma_wait3A_2088, %dma_wait3A_2089] : memref<15x8x512xf32, #tpu.memory_space<vmem>> -> memref<1x8x512xf32, #tpu.memory_space<vmem>>
      %dma_wait3A_2091 = tpu.memref_squeeze %dma_wait3A_2090 : memref<1x8x512xf32, #tpu.memory_space<vmem>> -> memref<8x512xf32, #tpu.memory_space<vmem>>
      %dma_wait3A_2092 = arith.constant 0 : i32
      %dma_wait3A_2093 = tpu.memref_slice %arg2[%select_n3A_2060, %dma_wait3A_2086, %mul3A_2065, %dma_wait3A_2092] : memref<4x15x192x512xf32, #tpu.memory_space<hbm>> -> memref<1x1x8x512xf32, #tpu.memory_space<hbm>>
      %dma_wait3A_2094 = tpu.memref_squeeze %dma_wait3A_2093 : memref<1x1x8x512xf32, #tpu.memory_space<hbm>> -> memref<8x512xf32, #tpu.memory_space<hbm>>
      %dma_wait3A_2095 = arith.constant 0 : i32
      %dma_wait3A_2096 = arith.constant 0 : i32
      %dma_wait3A_2097 = tpu.memref_slice %arg10[%dma_wait3A_2087, %dma_wait3A_2095, %dma_wait3A_2096] : memref<15x8x512xf32, #tpu.memory_space<vmem>> -> memref<1x8x512xf32, #tpu.memory_space<vmem>>
      %dma_wait3A_2098 = tpu.memref_squeeze %dma_wait3A_2097 : memref<1x8x512xf32, #tpu.memory_space<vmem>> -> memref<8x512xf32, #tpu.memory_space<vmem>>
      %dma_wait3A_2099 = arith.constant 0 : i32
      %dma_wait3A_2100 = tpu.memref_slice %arg2[%select_n3A_2060, %dma_wait3A_2086, %mul3A_2065, %dma_wait3A_2099] : memref<4x15x192x512xf32, #tpu.memory_space<hbm>> -> memref<1x1x8x512xf32, #tpu.memory_space<hbm>>
      %dma_wait3A_2101 = tpu.memref_squeeze %dma_wait3A_2100 : memref<1x1x8x512xf32, #tpu.memory_space<hbm>> -> memref<8x512xf32, #tpu.memory_space<hbm>>
      tpu.wait_dma2 semaphore(%arg12 : memref<!tpu.dma_semaphore, #tpu.memory_space<semaphore_mem>>) src(%dma_wait3A_2101 : memref<8x512xf32, #tpu.memory_space<hbm>>) dst(%dma_wait3A_2098 : memref<8x512xf32, #tpu.memory_space<vmem>>)
      %dma_wait3A_2102 = arith.constant 2 : i32
      %dma_wait3A_2103 = arith.constant 2 : i32
      %dma_wait3A_2104 = arith.constant 0 : i32
      %dma_wait3A_2105 = arith.constant 0 : i32
      %dma_wait3A_2106 = tpu.memref_slice %arg10[%dma_wait3A_2103, %dma_wait3A_2104, %dma_wait3A_2105] : memref<15x8x512xf32, #tpu.memory_space<vmem>> -> memref<1x8x512xf32, #tpu.memory_space<vmem>>
      %dma_wait3A_2107 = tpu.memref_squeeze %dma_wait3A_2106 : memref<1x8x512xf32, #tpu.memory_space<vmem>> -> memref<8x512xf32, #tpu.memory_space<vmem>>
      %dma_wait3A_2108 = arith.constant 0 : i32
      %dma_wait3A_2109 = tpu.memref_slice %arg2[%select_n3A_2060, %dma_wait3A_2102, %mul3A_2065, %dma_wait3A_2108] : memref<4x15x192x512xf32, #tpu.memory_space<hbm>> -> memref<1x1x8x512xf32, #tpu.memory_space<hbm>>
      %dma_wait3A_2110 = tpu.memref_squeeze %dma_wait3A_2109 : memref<1x1x8x512xf32, #tpu.memory_space<hbm>> -> memref<8x512xf32, #tpu.memory_space<hbm>>
      %dma_wait3A_2111 = arith.constant 0 : i32
      %dma_wait3A_2112 = arith.constant 0 : i32
      %dma_wait3A_2113 = tpu.memref_slice %arg10[%dma_wait3A_2103, %dma_wait3A_2111, %dma_wait3A_2112] : memref<15x8x512xf32, #tpu.memory_space<vmem>> -> memref<1x8x512xf32, #tpu.memory_space<vmem>>
      %dma_wait3A_2114 = tpu.memref_squeeze %dma_wait3A_2113 : memref<1x8x512xf32, #tpu.memory_space<vmem>> -> memref<8x512xf32, #tpu.memory_space<vmem>>
      %dma_wait3A_2115 = arith.constant 0 : i32
      %dma_wait3A_2116 = tpu.memref_slice %arg2[%select_n3A_2060, %dma_wait3A_2102, %mul3A_2065, %dma_wait3A_2115] : memref<4x15x192x512xf32, #tpu.memory_space<hbm>> -> memref<1x1x8x512xf32, #tpu.memory_space<hbm>>
      %dma_wait3A_2117 = tpu.memref_squeeze %dma_wait3A_2116 : memref<1x1x8x512xf32, #tpu.memory_space<hbm>> -> memref<8x512xf32, #tpu.memory_space<hbm>>
      tpu.wait_dma2 semaphore(%arg12 : memref<!tpu.dma_semaphore, #tpu.memory_space<semaphore_mem>>) src(%dma_wait3A_2117 : memref<8x512xf32, #tpu.memory_space<hbm>>) dst(%dma_wait3A_2114 : memref<8x512xf32, #tpu.memory_space<vmem>>)
      %dma_wait3A_2118 = arith.constant 3 : i32
      %dma_wait3A_2119 = arith.constant 3 : i32
      %dma_wait3A_2120 = arith.constant 0 : i32
      %dma_wait3A_2121 = arith.constant 0 : i32
      %dma_wait3A_2122 = tpu.memref_slice %arg10[%dma_wait3A_2119, %dma_wait3A_2120, %dma_wait3A_2121] : memref<15x8x512xf32, #tpu.memory_space<vmem>> -> memref<1x8x512xf32, #tpu.memory_space<vmem>>
      %dma_wait3A_2123 = tpu.memref_squeeze %dma_wait3A_2122 : memref<1x8x512xf32, #tpu.memory_space<vmem>> -> memref<8x512xf32, #tpu.memory_space<vmem>>
      %dma_wait3A_2124 = arith.constant 0 : i32
      %dma_wait3A_2125 = tpu.memref_slice %arg2[%select_n3A_2060, %dma_wait3A_2118, %mul3A_2065, %dma_wait3A_2124] : memref<4x15x192x512xf32, #tpu.memory_space<hbm>> -> memref<1x1x8x512xf32, #tpu.memory_space<hbm>>
      %dma_wait3A_2126 = tpu.memref_squeeze %dma_wait3A_2125 : memref<1x1x8x512xf32, #tpu.memory_space<hbm>> -> memref<8x512xf32, #tpu.memory_space<hbm>>
      %dma_wait3A_2127 = arith.constant 0 : i32
      %dma_wait3A_2128 = arith.constant 0 : i32
      %dma_wait3A_2129 = tpu.memref_slice %arg10[%dma_wait3A_2119, %dma_wait3A_2127, %dma_wait3A_2128] : memref<15x8x512xf32, #tpu.memory_space<vmem>> -> memref<1x8x512xf32, #tpu.memory_space<vmem>>
      %dma_wait3A_2130 = tpu.memref_squeeze %dma_wait3A_2129 : memref<1x8x512xf32, #tpu.memory_space<vmem>> -> memref<8x512xf32, #tpu.memory_space<vmem>>
      %dma_wait3A_2131 = arith.constant 0 : i32
      %dma_wait3A_2132 = tpu.memref_slice %arg2[%select_n3A_2060, %dma_wait3A_2118, %mul3A_2065, %dma_wait3A_2131] : memref<4x15x192x512xf32, #tpu.memory_space<hbm>> -> memref<1x1x8x512xf32, #tpu.memory_space<hbm>>
      %dma_wait3A_2133 = tpu.memref_squeeze %dma_wait3A_2132 : memref<1x1x8x512xf32, #tpu.memory_space<hbm>> -> memref<8x512xf32, #tpu.memory_space<hbm>>
      tpu.wait_dma2 semaphore(%arg12 : memref<!tpu.dma_semaphore, #tpu.memory_space<semaphore_mem>>) src(%dma_wait3A_2133 : memref<8x512xf32, #tpu.memory_space<hbm>>) dst(%dma_wait3A_2130 : memref<8x512xf32, #tpu.memory_space<vmem>>)
      %dma_wait3A_2134 = arith.constant 4 : i32
      %dma_wait3A_2135 = arith.constant 4 : i32
      %dma_wait3A_2136 = arith.constant 0 : i32
      %dma_wait3A_2137 = arith.constant 0 : i32
      %dma_wait3A_2138 = tpu.memref_slice %arg10[%dma_wait3A_2135, %dma_wait3A_2136, %dma_wait3A_2137] : memref<15x8x512xf32, #tpu.memory_space<vmem>> -> memref<1x8x512xf32, #tpu.memory_space<vmem>>
      %dma_wait3A_2139 = tpu.memref_squeeze %dma_wait3A_2138 : memref<1x8x512xf32, #tpu.memory_space<vmem>> -> memref<8x512xf32, #tpu.memory_space<vmem>>
      %dma_wait3A_2140 = arith.constant 0 : i32
      %dma_wait3A_2141 = tpu.memref_slice %arg2[%select_n3A_2060, %dma_wait3A_2134, %mul3A_2065, %dma_wait3A_2140] : memref<4x15x192x512xf32, #tpu.memory_space<hbm>> -> memref<1x1x8x512xf32, #tpu.memory_space<hbm>>
      %dma_wait3A_2142 = tpu.memref_squeeze %dma_wait3A_2141 : memref<1x1x8x512xf32, #tpu.memory_space<hbm>> -> memref<8x512xf32, #tpu.memory_space<hbm>>
      %dma_wait3A_2143 = arith.constant 0 : i32
      %dma_wait3A_2144 = arith.constant 0 : i32
      %dma_wait3A_2145 = tpu.memref_slice %arg10[%dma_wait3A_2135, %dma_wait3A_2143, %dma_wait3A_2144] : memref<15x8x512xf32, #tpu.memory_space<vmem>> -> memref<1x8x512xf32, #tpu.memory_space<vmem>>
      %dma_wait3A_2146 = tpu.memref_squeeze %dma_wait3A_2145 : memref<1x8x512xf32, #tpu.memory_space<vmem>> -> memref<8x512xf32, #tpu.memory_space<vmem>>
      %dma_wait3A_2147 = arith.constant 0 : i32
      %dma_wait3A_2148 = tpu.memref_slice %arg2[%select_n3A_2060, %dma_wait3A_2134, %mul3A_2065, %dma_wait3A_2147] : memref<4x15x192x512xf32, #tpu.memory_space<hbm>> -> memref<1x1x8x512xf32, #tpu.memory_space<hbm>>
      %dma_wait3A_2149 = tpu.memref_squeeze %dma_wait3A_2148 : memref<1x1x8x512xf32, #tpu.memory_space<hbm>> -> memref<8x512xf32, #tpu.memory_space<hbm>>
      tpu.wait_dma2 semaphore(%arg12 : memref<!tpu.dma_semaphore, #tpu.memory_space<semaphore_mem>>) src(%dma_wait3A_2149 : memref<8x512xf32, #tpu.memory_space<hbm>>) dst(%dma_wait3A_2146 : memref<8x512xf32, #tpu.memory_space<vmem>>)
      %dma_wait3A_2150 = arith.constant 5 : i32
      %dma_wait3A_2151 = arith.constant 5 : i32
      %dma_wait3A_2152 = arith.constant 0 : i32
      %dma_wait3A_2153 = arith.constant 0 : i32
      %dma_wait3A_2154 = tpu.memref_slice %arg10[%dma_wait3A_2151, %dma_wait3A_2152, %dma_wait3A_2153] : memref<15x8x512xf32, #tpu.memory_space<vmem>> -> memref<1x8x512xf32, #tpu.memory_space<vmem>>
      %dma_wait3A_2155 = tpu.memref_squeeze %dma_wait3A_2154 : memref<1x8x512xf32, #tpu.memory_space<vmem>> -> memref<8x512xf32, #tpu.memory_space<vmem>>
      %dma_wait3A_2156 = arith.constant 0 : i32
      %dma_wait3A_2157 = tpu.memref_slice %arg2[%select_n3A_2060, %dma_wait3A_2150, %mul3A_2065, %dma_wait3A_2156] : memref<4x15x192x512xf32, #tpu.memory_space<hbm>> -> memref<1x1x8x512xf32, #tpu.memory_space<hbm>>
      %dma_wait3A_2158 = tpu.memref_squeeze %dma_wait3A_2157 : memref<1x1x8x512xf32, #tpu.memory_space<hbm>> -> memref<8x512xf32, #tpu.memory_space<hbm>>
      %dma_wait3A_2159 = arith.constant 0 : i32
      %dma_wait3A_2160 = arith.constant 0 : i32
      %dma_wait3A_2161 = tpu.memref_slice %arg10[%dma_wait3A_2151, %dma_wait3A_2159, %dma_wait3A_2160] : memref<15x8x512xf32, #tpu.memory_space<vmem>> -> memref<1x8x512xf32, #tpu.memory_space<vmem>>
      %dma_wait3A_2162 = tpu.memref_squeeze %dma_wait3A_2161 : memref<1x8x512xf32, #tpu.memory_space<vmem>> -> memref<8x512xf32, #tpu.memory_space<vmem>>
      %dma_wait3A_2163 = arith.constant 0 : i32
      %dma_wait3A_2164 = tpu.memref_slice %arg2[%select_n3A_2060, %dma_wait3A_2150, %mul3A_2065, %dma_wait3A_2163] : memref<4x15x192x512xf32, #tpu.memory_space<hbm>> -> memref<1x1x8x512xf32, #tpu.memory_space<hbm>>
      %dma_wait3A_2165 = tpu.memref_squeeze %dma_wait3A_2164 : memref<1x1x8x512xf32, #tpu.memory_space<hbm>> -> memref<8x512xf32, #tpu.memory_space<hbm>>
      tpu.wait_dma2 semaphore(%arg12 : memref<!tpu.dma_semaphore, #tpu.memory_space<semaphore_mem>>) src(%dma_wait3A_2165 : memref<8x512xf32, #tpu.memory_space<hbm>>) dst(%dma_wait3A_2162 : memref<8x512xf32, #tpu.memory_space<vmem>>)
      %dma_wait3A_2166 = arith.constant 6 : i32
      %dma_wait3A_2167 = arith.constant 6 : i32
      %dma_wait3A_2168 = arith.constant 0 : i32
      %dma_wait3A_2169 = arith.constant 0 : i32
      %dma_wait3A_2170 = tpu.memref_slice %arg10[%dma_wait3A_2167, %dma_wait3A_2168, %dma_wait3A_2169] : memref<15x8x512xf32, #tpu.memory_space<vmem>> -> memref<1x8x512xf32, #tpu.memory_space<vmem>>
      %dma_wait3A_2171 = tpu.memref_squeeze %dma_wait3A_2170 : memref<1x8x512xf32, #tpu.memory_space<vmem>> -> memref<8x512xf32, #tpu.memory_space<vmem>>
      %dma_wait3A_2172 = arith.constant 0 : i32
      %dma_wait3A_2173 = tpu.memref_slice %arg2[%select_n3A_2060, %dma_wait3A_2166, %mul3A_2065, %dma_wait3A_2172] : memref<4x15x192x512xf32, #tpu.memory_space<hbm>> -> memref<1x1x8x512xf32, #tpu.memory_space<hbm>>
      %dma_wait3A_2174 = tpu.memref_squeeze %dma_wait3A_2173 : memref<1x1x8x512xf32, #tpu.memory_space<hbm>> -> memref<8x512xf32, #tpu.memory_space<hbm>>
      %dma_wait3A_2175 = arith.constant 0 : i32
      %dma_wait3A_2176 = arith.constant 0 : i32
      %dma_wait3A_2177 = tpu.memref_slice %arg10[%dma_wait3A_2167, %dma_wait3A_2175, %dma_wait3A_2176] : memref<15x8x512xf32, #tpu.memory_space<vmem>> -> memref<1x8x512xf32, #tpu.memory_space<vmem>>
      %dma_wait3A_2178 = tpu.memref_squeeze %dma_wait3A_2177 : memref<1x8x512xf32, #tpu.memory_space<vmem>> -> memref<8x512xf32, #tpu.memory_space<vmem>>
      %dma_wait3A_2179 = arith.constant 0 : i32
      %dma_wait3A_2180 = tpu.memref_slice %arg2[%select_n3A_2060, %dma_wait3A_2166, %mul3A_2065, %dma_wait3A_2179] : memref<4x15x192x512xf32, #tpu.memory_space<hbm>> -> memref<1x1x8x512xf32, #tpu.memory_space<hbm>>
      %dma_wait3A_2181 = tpu.memref_squeeze %dma_wait3A_2180 : memref<1x1x8x512xf32, #tpu.memory_space<hbm>> -> memref<8x512xf32, #tpu.memory_space<hbm>>
      tpu.wait_dma2 semaphore(%arg12 : memref<!tpu.dma_semaphore, #tpu.memory_space<semaphore_mem>>) src(%dma_wait3A_2181 : memref<8x512xf32, #tpu.memory_space<hbm>>) dst(%dma_wait3A_2178 : memref<8x512xf32, #tpu.memory_space<vmem>>)
      %dma_wait3A_2182 = arith.constant 7 : i32
      %dma_wait3A_2183 = arith.constant 7 : i32
      %dma_wait3A_2184 = arith.constant 0 : i32
      %dma_wait3A_2185 = arith.constant 0 : i32
      %dma_wait3A_2186 = tpu.memref_slice %arg10[%dma_wait3A_2183, %dma_wait3A_2184, %dma_wait3A_2185] : memref<15x8x512xf32, #tpu.memory_space<vmem>> -> memref<1x8x512xf32, #tpu.memory_space<vmem>>
      %dma_wait3A_2187 = tpu.memref_squeeze %dma_wait3A_2186 : memref<1x8x512xf32, #tpu.memory_space<vmem>> -> memref<8x512xf32, #tpu.memory_space<vmem>>
      %dma_wait3A_2188 = arith.constant 0 : i32
      %dma_wait3A_2189 = tpu.memref_slice %arg2[%select_n3A_2060, %dma_wait3A_2182, %mul3A_2065, %dma_wait3A_2188] : memref<4x15x192x512xf32, #tpu.memory_space<hbm>> -> memref<1x1x8x512xf32, #tpu.memory_space<hbm>>
      %dma_wait3A_2190 = tpu.memref_squeeze %dma_wait3A_2189 : memref<1x1x8x512xf32, #tpu.memory_space<hbm>> -> memref<8x512xf32, #tpu.memory_space<hbm>>
      %dma_wait3A_2191 = arith.constant 0 : i32
      %dma_wait3A_2192 = arith.constant 0 : i32
      %dma_wait3A_2193 = tpu.memref_slice %arg10[%dma_wait3A_2183, %dma_wait3A_2191, %dma_wait3A_2192] : memref<15x8x512xf32, #tpu.memory_space<vmem>> -> memref<1x8x512xf32, #tpu.memory_space<vmem>>
      %dma_wait3A_2194 = tpu.memref_squeeze %dma_wait3A_2193 : memref<1x8x512xf32, #tpu.memory_space<vmem>> -> memref<8x512xf32, #tpu.memory_space<vmem>>
      %dma_wait3A_2195 = arith.constant 0 : i32
      %dma_wait3A_2196 = tpu.memref_slice %arg2[%select_n3A_2060, %dma_wait3A_2182, %mul3A_2065, %dma_wait3A_2195] : memref<4x15x192x512xf32, #tpu.memory_space<hbm>> -> memref<1x1x8x512xf32, #tpu.memory_space<hbm>>
      %dma_wait3A_2197 = tpu.memref_squeeze %dma_wait3A_2196 : memref<1x1x8x512xf32, #tpu.memory_space<hbm>> -> memref<8x512xf32, #tpu.memory_space<hbm>>
      tpu.wait_dma2 semaphore(%arg12 : memref<!tpu.dma_semaphore, #tpu.memory_space<semaphore_mem>>) src(%dma_wait3A_2197 : memref<8x512xf32, #tpu.memory_space<hbm>>) dst(%dma_wait3A_2194 : memref<8x512xf32, #tpu.memory_space<vmem>>)
      %dma_wait3A_2198 = arith.constant 8 : i32
      %dma_wait3A_2199 = arith.constant 8 : i32
      %dma_wait3A_2200 = arith.constant 0 : i32
      %dma_wait3A_2201 = arith.constant 0 : i32
      %dma_wait3A_2202 = tpu.memref_slice %arg10[%dma_wait3A_2199, %dma_wait3A_2200, %dma_wait3A_2201] : memref<15x8x512xf32, #tpu.memory_space<vmem>> -> memref<1x8x512xf32, #tpu.memory_space<vmem>>
      %dma_wait3A_2203 = tpu.memref_squeeze %dma_wait3A_2202 : memref<1x8x512xf32, #tpu.memory_space<vmem>> -> memref<8x512xf32, #tpu.memory_space<vmem>>
      %dma_wait3A_2204 = arith.constant 0 : i32
      %dma_wait3A_2205 = tpu.memref_slice %arg2[%select_n3A_2060, %dma_wait3A_2198, %mul3A_2065, %dma_wait3A_2204] : memref<4x15x192x512xf32, #tpu.memory_space<hbm>> -> memref<1x1x8x512xf32, #tpu.memory_space<hbm>>
      %dma_wait3A_2206 = tpu.memref_squeeze %dma_wait3A_2205 : memref<1x1x8x512xf32, #tpu.memory_space<hbm>> -> memref<8x512xf32, #tpu.memory_space<hbm>>
      %dma_wait3A_2207 = arith.constant 0 : i32
      %dma_wait3A_2208 = arith.constant 0 : i32
      %dma_wait3A_2209 = tpu.memref_slice %arg10[%dma_wait3A_2199, %dma_wait3A_2207, %dma_wait3A_2208] : memref<15x8x512xf32, #tpu.memory_space<vmem>> -> memref<1x8x512xf32, #tpu.memory_space<vmem>>
      %dma_wait3A_2210 = tpu.memref_squeeze %dma_wait3A_2209 : memref<1x8x512xf32, #tpu.memory_space<vmem>> -> memref<8x512xf32, #tpu.memory_space<vmem>>
      %dma_wait3A_2211 = arith.constant 0 : i32
      %dma_wait3A_2212 = tpu.memref_slice %arg2[%select_n3A_2060, %dma_wait3A_2198, %mul3A_2065, %dma_wait3A_2211] : memref<4x15x192x512xf32, #tpu.memory_space<hbm>> -> memref<1x1x8x512xf32, #tpu.memory_space<hbm>>
      %dma_wait3A_2213 = tpu.memref_squeeze %dma_wait3A_2212 : memref<1x1x8x512xf32, #tpu.memory_space<hbm>> -> memref<8x512xf32, #tpu.memory_space<hbm>>
      tpu.wait_dma2 semaphore(%arg12 : memref<!tpu.dma_semaphore, #tpu.memory_space<semaphore_mem>>) src(%dma_wait3A_2213 : memref<8x512xf32, #tpu.memory_space<hbm>>) dst(%dma_wait3A_2210 : memref<8x512xf32, #tpu.memory_space<vmem>>)
      %dma_wait3A_2214 = arith.constant 9 : i32
      %dma_wait3A_2215 = arith.constant 9 : i32
      %dma_wait3A_2216 = arith.constant 0 : i32
      %dma_wait3A_2217 = arith.constant 0 : i32
      %dma_wait3A_2218 = tpu.memref_slice %arg10[%dma_wait3A_2215, %dma_wait3A_2216, %dma_wait3A_2217] : memref<15x8x512xf32, #tpu.memory_space<vmem>> -> memref<1x8x512xf32, #tpu.memory_space<vmem>>
      %dma_wait3A_2219 = tpu.memref_squeeze %dma_wait3A_2218 : memref<1x8x512xf32, #tpu.memory_space<vmem>> -> memref<8x512xf32, #tpu.memory_space<vmem>>
      %dma_wait3A_2220 = arith.constant 0 : i32
      %dma_wait3A_2221 = tpu.memref_slice %arg2[%select_n3A_2060, %dma_wait3A_2214, %mul3A_2065, %dma_wait3A_2220] : memref<4x15x192x512xf32, #tpu.memory_space<hbm>> -> memref<1x1x8x512xf32, #tpu.memory_space<hbm>>
      %dma_wait3A_2222 = tpu.memref_squeeze %dma_wait3A_2221 : memref<1x1x8x512xf32, #tpu.memory_space<hbm>> -> memref<8x512xf32, #tpu.memory_space<hbm>>
      %dma_wait3A_2223 = arith.constant 0 : i32
      %dma_wait3A_2224 = arith.constant 0 : i32
      %dma_wait3A_2225 = tpu.memref_slice %arg10[%dma_wait3A_2215, %dma_wait3A_2223, %dma_wait3A_2224] : memref<15x8x512xf32, #tpu.memory_space<vmem>> -> memref<1x8x512xf32, #tpu.memory_space<vmem>>
      %dma_wait3A_2226 = tpu.memref_squeeze %dma_wait3A_2225 : memref<1x8x512xf32, #tpu.memory_space<vmem>> -> memref<8x512xf32, #tpu.memory_space<vmem>>
      %dma_wait3A_2227 = arith.constant 0 : i32
      %dma_wait3A_2228 = tpu.memref_slice %arg2[%select_n3A_2060, %dma_wait3A_2214, %mul3A_2065, %dma_wait3A_2227] : memref<4x15x192x512xf32, #tpu.memory_space<hbm>> -> memref<1x1x8x512xf32, #tpu.memory_space<hbm>>
      %dma_wait3A_2229 = tpu.memref_squeeze %dma_wait3A_2228 : memref<1x1x8x512xf32, #tpu.memory_space<hbm>> -> memref<8x512xf32, #tpu.memory_space<hbm>>
      tpu.wait_dma2 semaphore(%arg12 : memref<!tpu.dma_semaphore, #tpu.memory_space<semaphore_mem>>) src(%dma_wait3A_2229 : memref<8x512xf32, #tpu.memory_space<hbm>>) dst(%dma_wait3A_2226 : memref<8x512xf32, #tpu.memory_space<vmem>>)
      %dma_wait3A_2230 = arith.constant 10 : i32
      %dma_wait3A_2231 = arith.constant 10 : i32
      %dma_wait3A_2232 = arith.constant 0 : i32
      %dma_wait3A_2233 = arith.constant 0 : i32
      %dma_wait3A_2234 = tpu.memref_slice %arg10[%dma_wait3A_2231, %dma_wait3A_2232, %dma_wait3A_2233] : memref<15x8x512xf32, #tpu.memory_space<vmem>> -> memref<1x8x512xf32, #tpu.memory_space<vmem>>
      %dma_wait3A_2235 = tpu.memref_squeeze %dma_wait3A_2234 : memref<1x8x512xf32, #tpu.memory_space<vmem>> -> memref<8x512xf32, #tpu.memory_space<vmem>>
      %dma_wait3A_2236 = arith.constant 0 : i32
      %dma_wait3A_2237 = tpu.memref_slice %arg2[%select_n3A_2060, %dma_wait3A_2230, %mul3A_2065, %dma_wait3A_2236] : memref<4x15x192x512xf32, #tpu.memory_space<hbm>> -> memref<1x1x8x512xf32, #tpu.memory_space<hbm>>
      %dma_wait3A_2238 = tpu.memref_squeeze %dma_wait3A_2237 : memref<1x1x8x512xf32, #tpu.memory_space<hbm>> -> memref<8x512xf32, #tpu.memory_space<hbm>>
      %dma_wait3A_2239 = arith.constant 0 : i32
      %dma_wait3A_2240 = arith.constant 0 : i32
      %dma_wait3A_2241 = tpu.memref_slice %arg10[%dma_wait3A_2231, %dma_wait3A_2239, %dma_wait3A_2240] : memref<15x8x512xf32, #tpu.memory_space<vmem>> -> memref<1x8x512xf32, #tpu.memory_space<vmem>>
      %dma_wait3A_2242 = tpu.memref_squeeze %dma_wait3A_2241 : memref<1x8x512xf32, #tpu.memory_space<vmem>> -> memref<8x512xf32, #tpu.memory_space<vmem>>
      %dma_wait3A_2243 = arith.constant 0 : i32
      %dma_wait3A_2244 = tpu.memref_slice %arg2[%select_n3A_2060, %dma_wait3A_2230, %mul3A_2065, %dma_wait3A_2243] : memref<4x15x192x512xf32, #tpu.memory_space<hbm>> -> memref<1x1x8x512xf32, #tpu.memory_space<hbm>>
      %dma_wait3A_2245 = tpu.memref_squeeze %dma_wait3A_2244 : memref<1x1x8x512xf32, #tpu.memory_space<hbm>> -> memref<8x512xf32, #tpu.memory_space<hbm>>
      tpu.wait_dma2 semaphore(%arg12 : memref<!tpu.dma_semaphore, #tpu.memory_space<semaphore_mem>>) src(%dma_wait3A_2245 : memref<8x512xf32, #tpu.memory_space<hbm>>) dst(%dma_wait3A_2242 : memref<8x512xf32, #tpu.memory_space<vmem>>)
      %dma_wait3A_2246 = arith.constant 11 : i32
      %dma_wait3A_2247 = arith.constant 11 : i32
      %dma_wait3A_2248 = arith.constant 0 : i32
      %dma_wait3A_2249 = arith.constant 0 : i32
      %dma_wait3A_2250 = tpu.memref_slice %arg10[%dma_wait3A_2247, %dma_wait3A_2248, %dma_wait3A_2249] : memref<15x8x512xf32, #tpu.memory_space<vmem>> -> memref<1x8x512xf32, #tpu.memory_space<vmem>>
      %dma_wait3A_2251 = tpu.memref_squeeze %dma_wait3A_2250 : memref<1x8x512xf32, #tpu.memory_space<vmem>> -> memref<8x512xf32, #tpu.memory_space<vmem>>
      %dma_wait3A_2252 = arith.constant 0 : i32
      %dma_wait3A_2253 = tpu.memref_slice %arg2[%select_n3A_2060, %dma_wait3A_2246, %mul3A_2065, %dma_wait3A_2252] : memref<4x15x192x512xf32, #tpu.memory_space<hbm>> -> memref<1x1x8x512xf32, #tpu.memory_space<hbm>>
      %dma_wait3A_2254 = tpu.memref_squeeze %dma_wait3A_2253 : memref<1x1x8x512xf32, #tpu.memory_space<hbm>> -> memref<8x512xf32, #tpu.memory_space<hbm>>
      %dma_wait3A_2255 = arith.constant 0 : i32
      %dma_wait3A_2256 = arith.constant 0 : i32
      %dma_wait3A_2257 = tpu.memref_slice %arg10[%dma_wait3A_2247, %dma_wait3A_2255, %dma_wait3A_2256] : memref<15x8x512xf32, #tpu.memory_space<vmem>> -> memref<1x8x512xf32, #tpu.memory_space<vmem>>
      %dma_wait3A_2258 = tpu.memref_squeeze %dma_wait3A_2257 : memref<1x8x512xf32, #tpu.memory_space<vmem>> -> memref<8x512xf32, #tpu.memory_space<vmem>>
      %dma_wait3A_2259 = arith.constant 0 : i32
      %dma_wait3A_2260 = tpu.memref_slice %arg2[%select_n3A_2060, %dma_wait3A_2246, %mul3A_2065, %dma_wait3A_2259] : memref<4x15x192x512xf32, #tpu.memory_space<hbm>> -> memref<1x1x8x512xf32, #tpu.memory_space<hbm>>
      %dma_wait3A_2261 = tpu.memref_squeeze %dma_wait3A_2260 : memref<1x1x8x512xf32, #tpu.memory_space<hbm>> -> memref<8x512xf32, #tpu.memory_space<hbm>>
      tpu.wait_dma2 semaphore(%arg12 : memref<!tpu.dma_semaphore, #tpu.memory_space<semaphore_mem>>) src(%dma_wait3A_2261 : memref<8x512xf32, #tpu.memory_space<hbm>>) dst(%dma_wait3A_2258 : memref<8x512xf32, #tpu.memory_space<vmem>>)
      %dma_wait3A_2262 = arith.constant 12 : i32
      %dma_wait3A_2263 = arith.constant 12 : i32
      %dma_wait3A_2264 = arith.constant 0 : i32
      %dma_wait3A_2265 = arith.constant 0 : i32
      %dma_wait3A_2266 = tpu.memref_slice %arg10[%dma_wait3A_2263, %dma_wait3A_2264, %dma_wait3A_2265] : memref<15x8x512xf32, #tpu.memory_space<vmem>> -> memref<1x8x512xf32, #tpu.memory_space<vmem>>
      %dma_wait3A_2267 = tpu.memref_squeeze %dma_wait3A_2266 : memref<1x8x512xf32, #tpu.memory_space<vmem>> -> memref<8x512xf32, #tpu.memory_space<vmem>>
      %dma_wait3A_2268 = arith.constant 0 : i32
      %dma_wait3A_2269 = tpu.memref_slice %arg2[%select_n3A_2060, %dma_wait3A_2262, %mul3A_2065, %dma_wait3A_2268] : memref<4x15x192x512xf32, #tpu.memory_space<hbm>> -> memref<1x1x8x512xf32, #tpu.memory_space<hbm>>
      %dma_wait3A_2270 = tpu.memref_squeeze %dma_wait3A_2269 : memref<1x1x8x512xf32, #tpu.memory_space<hbm>> -> memref<8x512xf32, #tpu.memory_space<hbm>>
      %dma_wait3A_2271 = arith.constant 0 : i32
      %dma_wait3A_2272 = arith.constant 0 : i32
      %dma_wait3A_2273 = tpu.memref_slice %arg10[%dma_wait3A_2263, %dma_wait3A_2271, %dma_wait3A_2272] : memref<15x8x512xf32, #tpu.memory_space<vmem>> -> memref<1x8x512xf32, #tpu.memory_space<vmem>>
      %dma_wait3A_2274 = tpu.memref_squeeze %dma_wait3A_2273 : memref<1x8x512xf32, #tpu.memory_space<vmem>> -> memref<8x512xf32, #tpu.memory_space<vmem>>
      %dma_wait3A_2275 = arith.constant 0 : i32
      %dma_wait3A_2276 = tpu.memref_slice %arg2[%select_n3A_2060, %dma_wait3A_2262, %mul3A_2065, %dma_wait3A_2275] : memref<4x15x192x512xf32, #tpu.memory_space<hbm>> -> memref<1x1x8x512xf32, #tpu.memory_space<hbm>>
      %dma_wait3A_2277 = tpu.memref_squeeze %dma_wait3A_2276 : memref<1x1x8x512xf32, #tpu.memory_space<hbm>> -> memref<8x512xf32, #tpu.memory_space<hbm>>
      tpu.wait_dma2 semaphore(%arg12 : memref<!tpu.dma_semaphore, #tpu.memory_space<semaphore_mem>>) src(%dma_wait3A_2277 : memref<8x512xf32, #tpu.memory_space<hbm>>) dst(%dma_wait3A_2274 : memref<8x512xf32, #tpu.memory_space<vmem>>)
      %dma_wait3A_2278 = arith.constant 13 : i32
      %dma_wait3A_2279 = arith.constant 13 : i32
      %dma_wait3A_2280 = arith.constant 0 : i32
      %dma_wait3A_2281 = arith.constant 0 : i32
      %dma_wait3A_2282 = tpu.memref_slice %arg10[%dma_wait3A_2279, %dma_wait3A_2280, %dma_wait3A_2281] : memref<15x8x512xf32, #tpu.memory_space<vmem>> -> memref<1x8x512xf32, #tpu.memory_space<vmem>>
      %dma_wait3A_2283 = tpu.memref_squeeze %dma_wait3A_2282 : memref<1x8x512xf32, #tpu.memory_space<vmem>> -> memref<8x512xf32, #tpu.memory_space<vmem>>
      %dma_wait3A_2284 = arith.constant 0 : i32
      %dma_wait3A_2285 = tpu.memref_slice %arg2[%select_n3A_2060, %dma_wait3A_2278, %mul3A_2065, %dma_wait3A_2284] : memref<4x15x192x512xf32, #tpu.memory_space<hbm>> -> memref<1x1x8x512xf32, #tpu.memory_space<hbm>>
      %dma_wait3A_2286 = tpu.memref_squeeze %dma_wait3A_2285 : memref<1x1x8x512xf32, #tpu.memory_space<hbm>> -> memref<8x512xf32, #tpu.memory_space<hbm>>
      %dma_wait3A_2287 = arith.constant 0 : i32
      %dma_wait3A_2288 = arith.constant 0 : i32
      %dma_wait3A_2289 = tpu.memref_slice %arg10[%dma_wait3A_2279, %dma_wait3A_2287, %dma_wait3A_2288] : memref<15x8x512xf32, #tpu.memory_space<vmem>> -> memref<1x8x512xf32, #tpu.memory_space<vmem>>
      %dma_wait3A_2290 = tpu.memref_squeeze %dma_wait3A_2289 : memref<1x8x512xf32, #tpu.memory_space<vmem>> -> memref<8x512xf32, #tpu.memory_space<vmem>>
      %dma_wait3A_2291 = arith.constant 0 : i32
      %dma_wait3A_2292 = tpu.memref_slice %arg2[%select_n3A_2060, %dma_wait3A_2278, %mul3A_2065, %dma_wait3A_2291] : memref<4x15x192x512xf32, #tpu.memory_space<hbm>> -> memref<1x1x8x512xf32, #tpu.memory_space<hbm>>
      %dma_wait3A_2293 = tpu.memref_squeeze %dma_wait3A_2292 : memref<1x1x8x512xf32, #tpu.memory_space<hbm>> -> memref<8x512xf32, #tpu.memory_space<hbm>>
      tpu.wait_dma2 semaphore(%arg12 : memref<!tpu.dma_semaphore, #tpu.memory_space<semaphore_mem>>) src(%dma_wait3A_2293 : memref<8x512xf32, #tpu.memory_space<hbm>>) dst(%dma_wait3A_2290 : memref<8x512xf32, #tpu.memory_space<vmem>>)
      %dma_wait3A_2294 = arith.constant 14 : i32
      %dma_wait3A_2295 = arith.constant 14 : i32
      %dma_wait3A_2296 = arith.constant 0 : i32
      %dma_wait3A_2297 = arith.constant 0 : i32
      %dma_wait3A_2298 = tpu.memref_slice %arg10[%dma_wait3A_2295, %dma_wait3A_2296, %dma_wait3A_2297] : memref<15x8x512xf32, #tpu.memory_space<vmem>> -> memref<1x8x512xf32, #tpu.memory_space<vmem>>
      %dma_wait3A_2299 = tpu.memref_squeeze %dma_wait3A_2298 : memref<1x8x512xf32, #tpu.memory_space<vmem>> -> memref<8x512xf32, #tpu.memory_space<vmem>>
      %dma_wait3A_2300 = arith.constant 0 : i32
      %dma_wait3A_2301 = tpu.memref_slice %arg2[%select_n3A_2060, %dma_wait3A_2294, %mul3A_2065, %dma_wait3A_2300] : memref<4x15x192x512xf32, #tpu.memory_space<hbm>> -> memref<1x1x8x512xf32, #tpu.memory_space<hbm>>
      %dma_wait3A_2302 = tpu.memref_squeeze %dma_wait3A_2301 : memref<1x1x8x512xf32, #tpu.memory_space<hbm>> -> memref<8x512xf32, #tpu.memory_space<hbm>>
      %dma_wait3A_2303 = arith.constant 0 : i32
      %dma_wait3A_2304 = arith.constant 0 : i32
      %dma_wait3A_2305 = tpu.memref_slice %arg10[%dma_wait3A_2295, %dma_wait3A_2303, %dma_wait3A_2304] : memref<15x8x512xf32, #tpu.memory_space<vmem>> -> memref<1x8x512xf32, #tpu.memory_space<vmem>>
      %dma_wait3A_2306 = tpu.memref_squeeze %dma_wait3A_2305 : memref<1x8x512xf32, #tpu.memory_space<vmem>> -> memref<8x512xf32, #tpu.memory_space<vmem>>
      %dma_wait3A_2307 = arith.constant 0 : i32
      %dma_wait3A_2308 = tpu.memref_slice %arg2[%select_n3A_2060, %dma_wait3A_2294, %mul3A_2065, %dma_wait3A_2307] : memref<4x15x192x512xf32, #tpu.memory_space<hbm>> -> memref<1x1x8x512xf32, #tpu.memory_space<hbm>>
      %dma_wait3A_2309 = tpu.memref_squeeze %dma_wait3A_2308 : memref<1x1x8x512xf32, #tpu.memory_space<hbm>> -> memref<8x512xf32, #tpu.memory_space<hbm>>
      tpu.wait_dma2 semaphore(%arg12 : memref<!tpu.dma_semaphore, #tpu.memory_space<semaphore_mem>>) src(%dma_wait3A_2309 : memref<8x512xf32, #tpu.memory_space<hbm>>) dst(%dma_wait3A_2306 : memref<8x512xf32, #tpu.memory_space<vmem>>)
      %scan3A_2310 = arith.constant 0 : i32
      %scan3A_2311 = arith.constant 0 : i32
      %scan3A_2312 = arith.constant 64 : i32
      %scan3A_2313 = arith.addi %scan3A_2311, %scan3A_2312 : i32
      %scan3A_2314 = arith.constant 1 : i32
      scf.for %scan3A_2316 = %scan3A_2311 to %scan3A_2313 step %scan3A_2314  : i32 {
        %jit3A_2317 = arith.constant 8 : i32
        %div3A_2318 = arith.divsi %scan3A_2316, %jit3A_2317 : i32
        %sign3A_2319 = arith.constant 0 : i32
        %sign3A_2320 = arith.cmpi sgt, %scan3A_2316, %sign3A_2319 : i32
        %sign3A_2321 = arith.extui %sign3A_2320 : i1 to i32
        %sign3A_2322 = arith.constant 0 : i32
        %sign3A_2323 = arith.cmpi slt, %scan3A_2316, %sign3A_2322 : i32
        %sign3A_2324 = arith.extui %sign3A_2323 : i1 to i32
        %sign3A_2325 = arith.subi %sign3A_2321, %sign3A_2324 : i32
        %sign3A_2326 = arith.constant 0 : i32
        %sign3A_2327 = arith.cmpi sgt, %jit3A_2317, %sign3A_2326 : i32
        %sign3A_2328 = arith.extui %sign3A_2327 : i1 to i32
        %sign3A_2329 = arith.constant 0 : i32
        %sign3A_2330 = arith.cmpi slt, %jit3A_2317, %sign3A_2329 : i32
        %sign3A_2331 = arith.extui %sign3A_2330 : i1 to i32
        %sign3A_2332 = arith.subi %sign3A_2328, %sign3A_2331 : i32
        %ne3A_2333 = arith.cmpi ne, %sign3A_2325, %sign3A_2332 : i32
        %rem3A_2334 = arith.remsi %scan3A_2316, %jit3A_2317 : i32
        %ne3A_2335 = arith.constant 0 : i32
        %ne3A_2336 = arith.cmpi ne, %rem3A_2334, %ne3A_2335 : i32
        %and3A_2337 = arith.andi %ne3A_2333, %ne3A_2336 : i1
        %sub3A_2338 = arith.constant 1 : i32
        %sub3A_2339 = arith.subi %div3A_2318, %sub3A_2338 : i32
        %select_n3A_2340 = arith.select %and3A_2337, %sub3A_2339, %div3A_2318 : i32
        %mul3A_2341 = arith.constant 8 : i32
        %mul3A_2342 = arith.muli %select_n3A_2340, %mul3A_2341 : i32
        %sub3A_2343 = arith.subi %scan3A_2316, %mul3A_2342 : i32
        %mul3A_2344 = arith.constant 64 : i32
        %mul3A_2345 = arith.muli %scan3A_2033, %mul3A_2344 : i32
        %add3A_2346 = arith.addi %mul3A_2345, %scan3A_2316 : i32
        %rem3A_2347 = arith.constant 8 : i32
        %rem3A_2348 = arith.remsi %add3A_2346, %rem3A_2347 : i32
        %mul3A_2349 = arith.constant 192 : i32
        %mul3A_2350 = arith.muli %select_n3A_2340, %mul3A_2349 : i32
        %add3A_2351 = arith.addi %mul3A_2350, %mul3A_2065 : i32
        %add3A_2352 = arith.addi %add3A_2351, %sub3A_2343 : i32
        %ge3A = arith.constant 8 : i32
        %ge3A_2353 = arith.cmpi sge, %add3A_2346, %ge3A : i32
        %convert_element_type3A_2354 = arith.extui %ge3A_2353 : i1 to i32
        %cond3A_2355 = arith.constant 0 : i32
        %cond3A_2356 = arith.cmpi ne, %convert_element_type3A_2354, %cond3A_2355 : i32
        scf.if %cond3A_2356 {
          %dma_wait3A_2468 = arith.constant 0 : i32
          %dma_wait3A_2469 = arith.constant 0 : i32
          %dma_wait3A_2470 = tpu.memref_slice %arg11[%rem3A_2348, %dma_wait3A_2468, %dma_wait3A_2469] : memref<8x8x512xf32, #tpu.memory_space<vmem>> -> memref<1x8x512xf32, #tpu.memory_space<vmem>>
          %dma_wait3A_2471 = tpu.memref_squeeze %dma_wait3A_2470 : memref<1x8x512xf32, #tpu.memory_space<vmem>> -> memref<8x512xf32, #tpu.memory_space<vmem>>
          %dma_wait3A_2472 = arith.constant 0 : i32
          %dma_wait3A_2473 = arith.constant 0 : i32
          %dma_wait3A_2474 = tpu.memref_slice %arg4[%select_n3A_2060, %add3A_2352, %dma_wait3A_2472, %dma_wait3A_2473] : memref<4x1536x8x512xf32, #tpu.memory_space<hbm>> -> memref<1x1x8x512xf32, #tpu.memory_space<hbm>>
          %dma_wait3A_2475 = tpu.memref_squeeze %dma_wait3A_2474 : memref<1x1x8x512xf32, #tpu.memory_space<hbm>> -> memref<8x512xf32, #tpu.memory_space<hbm>>
          %dma_wait3A_2476 = arith.constant 0 : i32
          %dma_wait3A_2477 = arith.constant 0 : i32
          %dma_wait3A_2478 = tpu.memref_slice %arg4[%select_n3A_2060, %add3A_2352, %dma_wait3A_2476, %dma_wait3A_2477] : memref<4x1536x8x512xf32, #tpu.memory_space<hbm>> -> memref<1x1x8x512xf32, #tpu.memory_space<hbm>>
          %dma_wait3A_2479 = tpu.memref_squeeze %dma_wait3A_2478 : memref<1x1x8x512xf32, #tpu.memory_space<hbm>> -> memref<8x512xf32, #tpu.memory_space<hbm>>
          %dma_wait3A_2480 = arith.constant 0 : i32
          %dma_wait3A_2481 = arith.constant 0 : i32
          %dma_wait3A_2482 = tpu.memref_slice %arg11[%rem3A_2348, %dma_wait3A_2480, %dma_wait3A_2481] : memref<8x8x512xf32, #tpu.memory_space<vmem>> -> memref<1x8x512xf32, #tpu.memory_space<vmem>>
          %dma_wait3A_2483 = tpu.memref_squeeze %dma_wait3A_2482 : memref<1x8x512xf32, #tpu.memory_space<vmem>> -> memref<8x512xf32, #tpu.memory_space<vmem>>
          tpu.wait_dma2 semaphore(%arg13 : memref<!tpu.dma_semaphore, #tpu.memory_space<semaphore_mem>>) src(%dma_wait3A_2483 : memref<8x512xf32, #tpu.memory_space<vmem>>) dst(%dma_wait3A_2479 : memref<8x512xf32, #tpu.memory_space<hbm>>)
        } else {
        }
        %mul3A_2357 = arith.constant 16 : i32
        %mul3A_2358 = arith.muli %select_n3A_2340, %mul3A_2357 : i32
        %add3A_2359 = arith.constant 0 : i32
        %add3A_2360 = arith.addi %mul3A_2358, %add3A_2359 : i32
        %broadcast_in_dim3A_2361 = vector.broadcast %add3A_2360 : i32 to vector<16xi32>
        %gather3A_2362 = tpu.vector_load_idx %arg8[%broadcast_in_dim3A_2361] : memref<128xi32, #tpu.memory_space<vmem>>[vector<16xi32>], vector<16xi32>,
        %gather3A_2363 = tpu.vector_load_idx %arg9[%broadcast_in_dim3A_2361] : memref<128xf32, #tpu.memory_space<vmem>>[vector<16xi32>], vector<16xf32>,
        %slice3A_2364 = vector.extract_strided_slice %gather3A_2362 {offsets = [0], sizes = [1], strides = [1]} : vector<16xi32> to vector<1xi32>
        %squeeze3A_2365 = vector.extract %slice3A_2364[0] : i32 from vector<1xi32>
        %parallel_loop3A = arith.constant 0 : i32
        %parallel_loop3A_2366 = arith.constant 32 : i32
        %parallel_loop3A_2367 = arith.constant 1 : i32
        scf.for %parallel_loop3A_2468 = %parallel_loop3A to %parallel_loop3A_2366 step %parallel_loop3A_2367  : i32 {
          %parallel_loop3A_2469 = arith.constant 16 : i32
          %parallel_loop3A_2470 = arith.muli %parallel_loop3A_2468, %parallel_loop3A_2469 : i32
          %parallel_loop3A_2471 = arith.index_cast %squeeze3A_2365 : i32 to index
          %parallel_loop3A_2472 = arith.index_cast %sub3A_2343 : i32 to index
          %parallel_loop3A_2473 = arith.index_cast %parallel_loop3A_2470 : i32 to index
          %parallel_loop3A_2474 = tpu.vector_load %arg10[%parallel_loop3A_2471, %parallel_loop3A_2472, %parallel_loop3A_2473] {strides = array<i32>} : memref<15x8x512xf32, #tpu.memory_space<vmem>>, vector<16xf32>,
          %parallel_loop3A_2475 = arith.mulf %parallel_loop3A_2474, %gather3A_2363 : vector<16xf32>
          %parallel_loop3A_2476 = arith.constant 16 : i32
          %parallel_loop3A_2477 = arith.muli %parallel_loop3A_2468, %parallel_loop3A_2476 : i32
          %parallel_loop3A_2478 = arith.constant 0 : i32
          %parallel_loop3A_2479 = arith.index_cast %rem3A_2348 : i32 to index
          %parallel_loop3A_2480 = arith.index_cast %parallel_loop3A_2478 : i32 to index
          %parallel_loop3A_2481 = arith.index_cast %parallel_loop3A_2477 : i32 to index
          %parallel_loop3A_2482 = tpu.vector_load %arg11[%parallel_loop3A_2479, %parallel_loop3A_2480, %parallel_loop3A_2481] {strides = array<i32>} : memref<8x8x512xf32, #tpu.memory_space<vmem>>, vector<16xf32>,
          tpu.vector_store %arg11[%parallel_loop3A_2479, %parallel_loop3A_2480, %parallel_loop3A_2481], %parallel_loop3A_2475 {strides = array<i32>} : memref<8x8x512xf32, #tpu.memory_space<vmem>>, vector<16xf32>,
        } {sc.loop_unroll_factor = 8 : i64, sc.parallel_access}
        %mul3A_2368 = arith.constant 16 : i32
        %mul3A_2369 = arith.muli %select_n3A_2340, %mul3A_2368 : i32
        %add3A_2370 = arith.constant 1 : i32
        %add3A_2371 = arith.addi %mul3A_2369, %add3A_2370 : i32
        %broadcast_in_dim3A_2372 = vector.broadcast %add3A_2371 : i32 to vector<16xi32>
        %gather3A_2373 = tpu.vector_load_idx %arg8[%broadcast_in_dim3A_2372] : memref<128xi32, #tpu.memory_space<vmem>>[vector<16xi32>], vector<16xi32>,
        %gather3A_2374 = tpu.vector_load_idx %arg9[%broadcast_in_dim3A_2372] : memref<128xf32, #tpu.memory_space<vmem>>[vector<16xi32>], vector<16xf32>,
        %slice3A_2375 = vector.extract_strided_slice %gather3A_2373 {offsets = [0], sizes = [1], strides = [1]} : vector<16xi32> to vector<1xi32>
        %squeeze3A_2376 = vector.extract %slice3A_2375[0] : i32 from vector<1xi32>
        %parallel_loop3A_2377 = arith.constant 0 : i32
        %parallel_loop3A_2378 = arith.constant 32 : i32
        %parallel_loop3A_2379 = arith.constant 1 : i32
        scf.for %parallel_loop3A_2468 = %parallel_loop3A_2377 to %parallel_loop3A_2378 step %parallel_loop3A_2379  : i32 {
          %parallel_loop3A_2469 = arith.constant 16 : i32
          %parallel_loop3A_2470 = arith.muli %parallel_loop3A_2468, %parallel_loop3A_2469 : i32
          %parallel_loop3A_2471 = arith.index_cast %squeeze3A_2376 : i32 to index
          %parallel_loop3A_2472 = arith.index_cast %sub3A_2343 : i32 to index
          %parallel_loop3A_2473 = arith.index_cast %parallel_loop3A_2470 : i32 to index
          %parallel_loop3A_2474 = tpu.vector_load %arg10[%parallel_loop3A_2471, %parallel_loop3A_2472, %parallel_loop3A_2473] {strides = array<i32>} : memref<15x8x512xf32, #tpu.memory_space<vmem>>, vector<16xf32>,
          %parallel_loop3A_2475 = arith.mulf %parallel_loop3A_2474, %gather3A_2374 : vector<16xf32>
          %parallel_loop3A_2476 = arith.constant 16 : i32
          %parallel_loop3A_2477 = arith.muli %parallel_loop3A_2468, %parallel_loop3A_2476 : i32
          %parallel_loop3A_2478 = arith.constant 1 : i32
          %parallel_loop3A_2479 = arith.index_cast %rem3A_2348 : i32 to index
          %parallel_loop3A_2480 = arith.index_cast %parallel_loop3A_2478 : i32 to index
          %parallel_loop3A_2481 = arith.index_cast %parallel_loop3A_2477 : i32 to index
          %parallel_loop3A_2482 = tpu.vector_load %arg11[%parallel_loop3A_2479, %parallel_loop3A_2480, %parallel_loop3A_2481] {strides = array<i32>} : memref<8x8x512xf32, #tpu.memory_space<vmem>>, vector<16xf32>,
          tpu.vector_store %arg11[%parallel_loop3A_2479, %parallel_loop3A_2480, %parallel_loop3A_2481], %parallel_loop3A_2475 {strides = array<i32>} : memref<8x8x512xf32, #tpu.memory_space<vmem>>, vector<16xf32>,
        } {sc.loop_unroll_factor = 8 : i64, sc.parallel_access}
        %mul3A_2380 = arith.constant 16 : i32
        %mul3A_2381 = arith.muli %select_n3A_2340, %mul3A_2380 : i32
        %add3A_2382 = arith.constant 2 : i32
        %add3A_2383 = arith.addi %mul3A_2381, %add3A_2382 : i32
        %broadcast_in_dim3A_2384 = vector.broadcast %add3A_2383 : i32 to vector<16xi32>
        %gather3A_2385 = tpu.vector_load_idx %arg8[%broadcast_in_dim3A_2384] : memref<128xi32, #tpu.memory_space<vmem>>[vector<16xi32>], vector<16xi32>,
        %gather3A_2386 = tpu.vector_load_idx %arg9[%broadcast_in_dim3A_2384] : memref<128xf32, #tpu.memory_space<vmem>>[vector<16xi32>], vector<16xf32>,
        %slice3A_2387 = vector.extract_strided_slice %gather3A_2385 {offsets = [0], sizes = [1], strides = [1]} : vector<16xi32> to vector<1xi32>
        %squeeze3A_2388 = vector.extract %slice3A_2387[0] : i32 from vector<1xi32>
        %parallel_loop3A_2389 = arith.constant 0 : i32
        %parallel_loop3A_2390 = arith.constant 32 : i32
        %parallel_loop3A_2391 = arith.constant 1 : i32
        scf.for %parallel_loop3A_2468 = %parallel_loop3A_2389 to %parallel_loop3A_2390 step %parallel_loop3A_2391  : i32 {
          %parallel_loop3A_2469 = arith.constant 16 : i32
          %parallel_loop3A_2470 = arith.muli %parallel_loop3A_2468, %parallel_loop3A_2469 : i32
          %parallel_loop3A_2471 = arith.index_cast %squeeze3A_2388 : i32 to index
          %parallel_loop3A_2472 = arith.index_cast %sub3A_2343 : i32 to index
          %parallel_loop3A_2473 = arith.index_cast %parallel_loop3A_2470 : i32 to index
          %parallel_loop3A_2474 = tpu.vector_load %arg10[%parallel_loop3A_2471, %parallel_loop3A_2472, %parallel_loop3A_2473] {strides = array<i32>} : memref<15x8x512xf32, #tpu.memory_space<vmem>>, vector<16xf32>,
          %parallel_loop3A_2475 = arith.mulf %parallel_loop3A_2474, %gather3A_2386 : vector<16xf32>
          %parallel_loop3A_2476 = arith.constant 16 : i32
          %parallel_loop3A_2477 = arith.muli %parallel_loop3A_2468, %parallel_loop3A_2476 : i32
          %parallel_loop3A_2478 = arith.constant 2 : i32
          %parallel_loop3A_2479 = arith.index_cast %rem3A_2348 : i32 to index
          %parallel_loop3A_2480 = arith.index_cast %parallel_loop3A_2478 : i32 to index
          %parallel_loop3A_2481 = arith.index_cast %parallel_loop3A_2477 : i32 to index
          %parallel_loop3A_2482 = tpu.vector_load %arg11[%parallel_loop3A_2479, %parallel_loop3A_2480, %parallel_loop3A_2481] {strides = array<i32>} : memref<8x8x512xf32, #tpu.memory_space<vmem>>, vector<16xf32>,
          tpu.vector_store %arg11[%parallel_loop3A_2479, %parallel_loop3A_2480, %parallel_loop3A_2481], %parallel_loop3A_2475 {strides = array<i32>} : memref<8x8x512xf32, #tpu.memory_space<vmem>>, vector<16xf32>,
        } {sc.loop_unroll_factor = 8 : i64, sc.parallel_access}
        %mul3A_2392 = arith.constant 16 : i32
        %mul3A_2393 = arith.muli %select_n3A_2340, %mul3A_2392 : i32
        %add3A_2394 = arith.constant 3 : i32
        %add3A_2395 = arith.addi %mul3A_2393, %add3A_2394 : i32
        %broadcast_in_dim3A_2396 = vector.broadcast %add3A_2395 : i32 to vector<16xi32>
        %gather3A_2397 = tpu.vector_load_idx %arg8[%broadcast_in_dim3A_2396] : memref<128xi32, #tpu.memory_space<vmem>>[vector<16xi32>], vector<16xi32>,
        %gather3A_2398 = tpu.vector_load_idx %arg9[%broadcast_in_dim3A_2396] : memref<128xf32, #tpu.memory_space<vmem>>[vector<16xi32>], vector<16xf32>,
        %slice3A_2399 = vector.extract_strided_slice %gather3A_2397 {offsets = [0], sizes = [1], strides = [1]} : vector<16xi32> to vector<1xi32>
        %squeeze3A_2400 = vector.extract %slice3A_2399[0] : i32 from vector<1xi32>
        %parallel_loop3A_2401 = arith.constant 0 : i32
        %parallel_loop3A_2402 = arith.constant 32 : i32
        %parallel_loop3A_2403 = arith.constant 1 : i32
        scf.for %parallel_loop3A_2468 = %parallel_loop3A_2401 to %parallel_loop3A_2402 step %parallel_loop3A_2403  : i32 {
          %parallel_loop3A_2469 = arith.constant 16 : i32
          %parallel_loop3A_2470 = arith.muli %parallel_loop3A_2468, %parallel_loop3A_2469 : i32
          %parallel_loop3A_2471 = arith.index_cast %squeeze3A_2400 : i32 to index
          %parallel_loop3A_2472 = arith.index_cast %sub3A_2343 : i32 to index
          %parallel_loop3A_2473 = arith.index_cast %parallel_loop3A_2470 : i32 to index
          %parallel_loop3A_2474 = tpu.vector_load %arg10[%parallel_loop3A_2471, %parallel_loop3A_2472, %parallel_loop3A_2473] {strides = array<i32>} : memref<15x8x512xf32, #tpu.memory_space<vmem>>, vector<16xf32>,
          %parallel_loop3A_2475 = arith.mulf %parallel_loop3A_2474, %gather3A_2398 : vector<16xf32>
          %parallel_loop3A_2476 = arith.constant 16 : i32
          %parallel_loop3A_2477 = arith.muli %parallel_loop3A_2468, %parallel_loop3A_2476 : i32
          %parallel_loop3A_2478 = arith.constant 3 : i32
          %parallel_loop3A_2479 = arith.index_cast %rem3A_2348 : i32 to index
          %parallel_loop3A_2480 = arith.index_cast %parallel_loop3A_2478 : i32 to index
          %parallel_loop3A_2481 = arith.index_cast %parallel_loop3A_2477 : i32 to index
          %parallel_loop3A_2482 = tpu.vector_load %arg11[%parallel_loop3A_2479, %parallel_loop3A_2480, %parallel_loop3A_2481] {strides = array<i32>} : memref<8x8x512xf32, #tpu.memory_space<vmem>>, vector<16xf32>,
          tpu.vector_store %arg11[%parallel_loop3A_2479, %parallel_loop3A_2480, %parallel_loop3A_2481], %parallel_loop3A_2475 {strides = array<i32>} : memref<8x8x512xf32, #tpu.memory_space<vmem>>, vector<16xf32>,
        } {sc.loop_unroll_factor = 8 : i64, sc.parallel_access}
        %mul3A_2404 = arith.constant 16 : i32
        %mul3A_2405 = arith.muli %select_n3A_2340, %mul3A_2404 : i32
        %add3A_2406 = arith.constant 4 : i32
        %add3A_2407 = arith.addi %mul3A_2405, %add3A_2406 : i32
        %broadcast_in_dim3A_2408 = vector.broadcast %add3A_2407 : i32 to vector<16xi32>
        %gather3A_2409 = tpu.vector_load_idx %arg8[%broadcast_in_dim3A_2408] : memref<128xi32, #tpu.memory_space<vmem>>[vector<16xi32>], vector<16xi32>,
        %gather3A_2410 = tpu.vector_load_idx %arg9[%broadcast_in_dim3A_2408] : memref<128xf32, #tpu.memory_space<vmem>>[vector<16xi32>], vector<16xf32>,
        %slice3A_2411 = vector.extract_strided_slice %gather3A_2409 {offsets = [0], sizes = [1], strides = [1]} : vector<16xi32> to vector<1xi32>
        %squeeze3A_2412 = vector.extract %slice3A_2411[0] : i32 from vector<1xi32>
        %parallel_loop3A_2413 = arith.constant 0 : i32
        %parallel_loop3A_2414 = arith.constant 32 : i32
        %parallel_loop3A_2415 = arith.constant 1 : i32
        scf.for %parallel_loop3A_2468 = %parallel_loop3A_2413 to %parallel_loop3A_2414 step %parallel_loop3A_2415  : i32 {
          %parallel_loop3A_2469 = arith.constant 16 : i32
          %parallel_loop3A_2470 = arith.muli %parallel_loop3A_2468, %parallel_loop3A_2469 : i32
          %parallel_loop3A_2471 = arith.index_cast %squeeze3A_2412 : i32 to index
          %parallel_loop3A_2472 = arith.index_cast %sub3A_2343 : i32 to index
          %parallel_loop3A_2473 = arith.index_cast %parallel_loop3A_2470 : i32 to index
          %parallel_loop3A_2474 = tpu.vector_load %arg10[%parallel_loop3A_2471, %parallel_loop3A_2472, %parallel_loop3A_2473] {strides = array<i32>} : memref<15x8x512xf32, #tpu.memory_space<vmem>>, vector<16xf32>,
          %parallel_loop3A_2475 = arith.mulf %parallel_loop3A_2474, %gather3A_2410 : vector<16xf32>
          %parallel_loop3A_2476 = arith.constant 16 : i32
          %parallel_loop3A_2477 = arith.muli %parallel_loop3A_2468, %parallel_loop3A_2476 : i32
          %parallel_loop3A_2478 = arith.constant 4 : i32
          %parallel_loop3A_2479 = arith.index_cast %rem3A_2348 : i32 to index
          %parallel_loop3A_2480 = arith.index_cast %parallel_loop3A_2478 : i32 to index
          %parallel_loop3A_2481 = arith.index_cast %parallel_loop3A_2477 : i32 to index
          %parallel_loop3A_2482 = tpu.vector_load %arg11[%parallel_loop3A_2479, %parallel_loop3A_2480, %parallel_loop3A_2481] {strides = array<i32>} : memref<8x8x512xf32, #tpu.memory_space<vmem>>, vector<16xf32>,
          tpu.vector_store %arg11[%parallel_loop3A_2479, %parallel_loop3A_2480, %parallel_loop3A_2481], %parallel_loop3A_2475 {strides = array<i32>} : memref<8x8x512xf32, #tpu.memory_space<vmem>>, vector<16xf32>,
        } {sc.loop_unroll_factor = 8 : i64, sc.parallel_access}
        %mul3A_2416 = arith.constant 16 : i32
        %mul3A_2417 = arith.muli %select_n3A_2340, %mul3A_2416 : i32
        %add3A_2418 = arith.constant 5 : i32
        %add3A_2419 = arith.addi %mul3A_2417, %add3A_2418 : i32
        %broadcast_in_dim3A_2420 = vector.broadcast %add3A_2419 : i32 to vector<16xi32>
        %gather3A_2421 = tpu.vector_load_idx %arg8[%broadcast_in_dim3A_2420] : memref<128xi32, #tpu.memory_space<vmem>>[vector<16xi32>], vector<16xi32>,
        %gather3A_2422 = tpu.vector_load_idx %arg9[%broadcast_in_dim3A_2420] : memref<128xf32, #tpu.memory_space<vmem>>[vector<16xi32>], vector<16xf32>,
        %slice3A_2423 = vector.extract_strided_slice %gather3A_2421 {offsets = [0], sizes = [1], strides = [1]} : vector<16xi32> to vector<1xi32>
        %squeeze3A_2424 = vector.extract %slice3A_2423[0] : i32 from vector<1xi32>
        %parallel_loop3A_2425 = arith.constant 0 : i32
        %parallel_loop3A_2426 = arith.constant 32 : i32
        %parallel_loop3A_2427 = arith.constant 1 : i32
        scf.for %parallel_loop3A_2468 = %parallel_loop3A_2425 to %parallel_loop3A_2426 step %parallel_loop3A_2427  : i32 {
          %parallel_loop3A_2469 = arith.constant 16 : i32
          %parallel_loop3A_2470 = arith.muli %parallel_loop3A_2468, %parallel_loop3A_2469 : i32
          %parallel_loop3A_2471 = arith.index_cast %squeeze3A_2424 : i32 to index
          %parallel_loop3A_2472 = arith.index_cast %sub3A_2343 : i32 to index
          %parallel_loop3A_2473 = arith.index_cast %parallel_loop3A_2470 : i32 to index
          %parallel_loop3A_2474 = tpu.vector_load %arg10[%parallel_loop3A_2471, %parallel_loop3A_2472, %parallel_loop3A_2473] {strides = array<i32>} : memref<15x8x512xf32, #tpu.memory_space<vmem>>, vector<16xf32>,
          %parallel_loop3A_2475 = arith.mulf %parallel_loop3A_2474, %gather3A_2422 : vector<16xf32>
          %parallel_loop3A_2476 = arith.constant 16 : i32
          %parallel_loop3A_2477 = arith.muli %parallel_loop3A_2468, %parallel_loop3A_2476 : i32
          %parallel_loop3A_2478 = arith.constant 5 : i32
          %parallel_loop3A_2479 = arith.index_cast %rem3A_2348 : i32 to index
          %parallel_loop3A_2480 = arith.index_cast %parallel_loop3A_2478 : i32 to index
          %parallel_loop3A_2481 = arith.index_cast %parallel_loop3A_2477 : i32 to index
          %parallel_loop3A_2482 = tpu.vector_load %arg11[%parallel_loop3A_2479, %parallel_loop3A_2480, %parallel_loop3A_2481] {strides = array<i32>} : memref<8x8x512xf32, #tpu.memory_space<vmem>>, vector<16xf32>,
          tpu.vector_store %arg11[%parallel_loop3A_2479, %parallel_loop3A_2480, %parallel_loop3A_2481], %parallel_loop3A_2475 {strides = array<i32>} : memref<8x8x512xf32, #tpu.memory_space<vmem>>, vector<16xf32>,
        } {sc.loop_unroll_factor = 8 : i64, sc.parallel_access}
        %mul3A_2428 = arith.constant 16 : i32
        %mul3A_2429 = arith.muli %select_n3A_2340, %mul3A_2428 : i32
        %add3A_2430 = arith.constant 6 : i32
        %add3A_2431 = arith.addi %mul3A_2429, %add3A_2430 : i32
        %broadcast_in_dim3A_2432 = vector.broadcast %add3A_2431 : i32 to vector<16xi32>
        %gather3A_2433 = tpu.vector_load_idx %arg8[%broadcast_in_dim3A_2432] : memref<128xi32, #tpu.memory_space<vmem>>[vector<16xi32>], vector<16xi32>,
        %gather3A_2434 = tpu.vector_load_idx %arg9[%broadcast_in_dim3A_2432] : memref<128xf32, #tpu.memory_space<vmem>>[vector<16xi32>], vector<16xf32>,
        %slice3A_2435 = vector.extract_strided_slice %gather3A_2433 {offsets = [0], sizes = [1], strides = [1]} : vector<16xi32> to vector<1xi32>
        %squeeze3A_2436 = vector.extract %slice3A_2435[0] : i32 from vector<1xi32>
        %parallel_loop3A_2437 = arith.constant 0 : i32
        %parallel_loop3A_2438 = arith.constant 32 : i32
        %parallel_loop3A_2439 = arith.constant 1 : i32
        scf.for %parallel_loop3A_2468 = %parallel_loop3A_2437 to %parallel_loop3A_2438 step %parallel_loop3A_2439  : i32 {
          %parallel_loop3A_2469 = arith.constant 16 : i32
          %parallel_loop3A_2470 = arith.muli %parallel_loop3A_2468, %parallel_loop3A_2469 : i32
          %parallel_loop3A_2471 = arith.index_cast %squeeze3A_2436 : i32 to index
          %parallel_loop3A_2472 = arith.index_cast %sub3A_2343 : i32 to index
          %parallel_loop3A_2473 = arith.index_cast %parallel_loop3A_2470 : i32 to index
          %parallel_loop3A_2474 = tpu.vector_load %arg10[%parallel_loop3A_2471, %parallel_loop3A_2472, %parallel_loop3A_2473] {strides = array<i32>} : memref<15x8x512xf32, #tpu.memory_space<vmem>>, vector<16xf32>,
          %parallel_loop3A_2475 = arith.mulf %parallel_loop3A_2474, %gather3A_2434 : vector<16xf32>
          %parallel_loop3A_2476 = arith.constant 16 : i32
          %parallel_loop3A_2477 = arith.muli %parallel_loop3A_2468, %parallel_loop3A_2476 : i32
          %parallel_loop3A_2478 = arith.constant 6 : i32
          %parallel_loop3A_2479 = arith.index_cast %rem3A_2348 : i32 to index
          %parallel_loop3A_2480 = arith.index_cast %parallel_loop3A_2478 : i32 to index
          %parallel_loop3A_2481 = arith.index_cast %parallel_loop3A_2477 : i32 to index
          %parallel_loop3A_2482 = tpu.vector_load %arg11[%parallel_loop3A_2479, %parallel_loop3A_2480, %parallel_loop3A_2481] {strides = array<i32>} : memref<8x8x512xf32, #tpu.memory_space<vmem>>, vector<16xf32>,
          tpu.vector_store %arg11[%parallel_loop3A_2479, %parallel_loop3A_2480, %parallel_loop3A_2481], %parallel_loop3A_2475 {strides = array<i32>} : memref<8x8x512xf32, #tpu.memory_space<vmem>>, vector<16xf32>,
        } {sc.loop_unroll_factor = 8 : i64, sc.parallel_access}
        %mul3A_2440 = arith.constant 16 : i32
        %mul3A_2441 = arith.muli %select_n3A_2340, %mul3A_2440 : i32
        %add3A_2442 = arith.constant 7 : i32
        %add3A_2443 = arith.addi %mul3A_2441, %add3A_2442 : i32
        %broadcast_in_dim3A_2444 = vector.broadcast %add3A_2443 : i32 to vector<16xi32>
        %gather3A_2445 = tpu.vector_load_idx %arg8[%broadcast_in_dim3A_2444] : memref<128xi32, #tpu.memory_space<vmem>>[vector<16xi32>], vector<16xi32>,
        %gather3A_2446 = tpu.vector_load_idx %arg9[%broadcast_in_dim3A_2444] : memref<128xf32, #tpu.memory_space<vmem>>[vector<16xi32>], vector<16xf32>,
        %slice3A_2447 = vector.extract_strided_slice %gather3A_2445 {offsets = [0], sizes = [1], strides = [1]} : vector<16xi32> to vector<1xi32>
        %squeeze3A_2448 = vector.extract %slice3A_2447[0] : i32 from vector<1xi32>
        %parallel_loop3A_2449 = arith.constant 0 : i32
        %parallel_loop3A_2450 = arith.constant 32 : i32
        %parallel_loop3A_2451 = arith.constant 1 : i32
        scf.for %parallel_loop3A_2468 = %parallel_loop3A_2449 to %parallel_loop3A_2450 step %parallel_loop3A_2451  : i32 {
          %parallel_loop3A_2469 = arith.constant 16 : i32
          %parallel_loop3A_2470 = arith.muli %parallel_loop3A_2468, %parallel_loop3A_2469 : i32
          %parallel_loop3A_2471 = arith.index_cast %squeeze3A_2448 : i32 to index
          %parallel_loop3A_2472 = arith.index_cast %sub3A_2343 : i32 to index
          %parallel_loop3A_2473 = arith.index_cast %parallel_loop3A_2470 : i32 to index
          %parallel_loop3A_2474 = tpu.vector_load %arg10[%parallel_loop3A_2471, %parallel_loop3A_2472, %parallel_loop3A_2473] {strides = array<i32>} : memref<15x8x512xf32, #tpu.memory_space<vmem>>, vector<16xf32>,
          %parallel_loop3A_2475 = arith.mulf %parallel_loop3A_2474, %gather3A_2446 : vector<16xf32>
          %parallel_loop3A_2476 = arith.constant 16 : i32
          %parallel_loop3A_2477 = arith.muli %parallel_loop3A_2468, %parallel_loop3A_2476 : i32
          %parallel_loop3A_2478 = arith.constant 7 : i32
          %parallel_loop3A_2479 = arith.index_cast %rem3A_2348 : i32 to index
          %parallel_loop3A_2480 = arith.index_cast %parallel_loop3A_2478 : i32 to index
          %parallel_loop3A_2481 = arith.index_cast %parallel_loop3A_2477 : i32 to index
          %parallel_loop3A_2482 = tpu.vector_load %arg11[%parallel_loop3A_2479, %parallel_loop3A_2480, %parallel_loop3A_2481] {strides = array<i32>} : memref<8x8x512xf32, #tpu.memory_space<vmem>>, vector<16xf32>,
          tpu.vector_store %arg11[%parallel_loop3A_2479, %parallel_loop3A_2480, %parallel_loop3A_2481], %parallel_loop3A_2475 {strides = array<i32>} : memref<8x8x512xf32, #tpu.memory_space<vmem>>, vector<16xf32>,
        } {sc.loop_unroll_factor = 8 : i64, sc.parallel_access}
        %dma_start3A_2452 = arith.constant 0 : i32
        %dma_start3A_2453 = arith.constant 0 : i32
        %dma_start3A_2454 = tpu.memref_slice %arg11[%rem3A_2348, %dma_start3A_2452, %dma_start3A_2453] : memref<8x8x512xf32, #tpu.memory_space<vmem>> -> memref<1x8x512xf32, #tpu.memory_space<vmem>>
        %dma_start3A_2455 = tpu.memref_squeeze %dma_start3A_2454 : memref<1x8x512xf32, #tpu.memory_space<vmem>> -> memref<8x512xf32, #tpu.memory_space<vmem>>
        %dma_start3A_2456 = arith.constant 0 : i32
        %dma_start3A_2457 = arith.constant 0 : i32
        %dma_start3A_2458 = tpu.memref_slice %arg4[%select_n3A_2060, %add3A_2352, %dma_start3A_2456, %dma_start3A_2457] : memref<4x1536x8x512xf32, #tpu.memory_space<hbm>> -> memref<1x1x8x512xf32, #tpu.memory_space<hbm>>
        %dma_start3A_2459 = tpu.memref_squeeze %dma_start3A_2458 : memref<1x1x8x512xf32, #tpu.memory_space<hbm>> -> memref<8x512xf32, #tpu.memory_space<hbm>>
        %dma_start3A_2460 = arith.constant 0 : i32
        %dma_start3A_2461 = arith.constant 0 : i32
        %dma_start3A_2462 = tpu.memref_slice %arg4[%select_n3A_2060, %add3A_2352, %dma_start3A_2460, %dma_start3A_2461] : memref<4x1536x8x512xf32, #tpu.memory_space<hbm>> -> memref<1x1x8x512xf32, #tpu.memory_space<hbm>>
        %dma_start3A_2463 = tpu.memref_squeeze %dma_start3A_2462 : memref<1x1x8x512xf32, #tpu.memory_space<hbm>> -> memref<8x512xf32, #tpu.memory_space<hbm>>
        %dma_start3A_2464 = arith.constant 0 : i32
        %dma_start3A_2465 = arith.constant 0 : i32
        %dma_start3A_2466 = tpu.memref_slice %arg11[%rem3A_2348, %dma_start3A_2464, %dma_start3A_2465] : memref<8x8x512xf32, #tpu.memory_space<vmem>> -> memref<1x8x512xf32, #tpu.memory_space<vmem>>
        %dma_start3A_2467 = tpu.memref_squeeze %dma_start3A_2466 : memref<1x8x512xf32, #tpu.memory_space<vmem>> -> memref<8x512xf32, #tpu.memory_space<vmem>>
        tpu.enqueue_dma source(%dma_start3A_2467 : memref<8x512xf32, #tpu.memory_space<vmem>>) target(%dma_start3A_2463 : memref<8x512xf32, #tpu.memory_space<hbm>>) target_semaphore(%arg13 : memref<!tpu.dma_semaphore, #tpu.memory_space<semaphore_mem>>)
      }
      %scan3A_2315 = arith.constant 64 : i32
    }
    %scan3A_1881 = arith.constant 3 : i32
    %dma_wait3A = arith.constant 0 : i32
    %dma_wait3A_1882 = arith.constant 0 : i32
    %dma_wait3A_1883 = arith.constant 0 : i32
    %dma_wait3A_1884 = arith.constant 0 : i32
    %dma_wait3A_1885 = arith.constant 0 : i32
    %dma_wait3A_1886 = tpu.memref_slice %arg11[%dma_wait3A, %dma_wait3A_1884, %dma_wait3A_1885] : memref<8x8x512xf32, #tpu.memory_space<vmem>> -> memref<1x8x512xf32, #tpu.memory_space<vmem>>
    %dma_wait3A_1887 = tpu.memref_squeeze %dma_wait3A_1886 : memref<1x8x512xf32, #tpu.memory_space<vmem>> -> memref<8x512xf32, #tpu.memory_space<vmem>>
    %dma_wait3A_1888 = arith.constant 0 : i32
    %dma_wait3A_1889 = arith.constant 0 : i32
    %dma_wait3A_1890 = tpu.memref_slice %arg4[%dma_wait3A_1882, %dma_wait3A_1883, %dma_wait3A_1888, %dma_wait3A_1889] : memref<4x1536x8x512xf32, #tpu.memory_space<hbm>> -> memref<1x1x8x512xf32, #tpu.memory_space<hbm>>
    %dma_wait3A_1891 = tpu.memref_squeeze %dma_wait3A_1890 : memref<1x1x8x512xf32, #tpu.memory_space<hbm>> -> memref<8x512xf32, #tpu.memory_space<hbm>>
    %dma_wait3A_1892 = arith.constant 0 : i32
    %dma_wait3A_1893 = arith.constant 0 : i32
    %dma_wait3A_1894 = tpu.memref_slice %arg4[%dma_wait3A_1882, %dma_wait3A_1883, %dma_wait3A_1892, %dma_wait3A_1893] : memref<4x1536x8x512xf32, #tpu.memory_space<hbm>> -> memref<1x1x8x512xf32, #tpu.memory_space<hbm>>
    %dma_wait3A_1895 = tpu.memref_squeeze %dma_wait3A_1894 : memref<1x1x8x512xf32, #tpu.memory_space<hbm>> -> memref<8x512xf32, #tpu.memory_space<hbm>>
    %dma_wait3A_1896 = arith.constant 0 : i32
    %dma_wait3A_1897 = arith.constant 0 : i32
    %dma_wait3A_1898 = tpu.memref_slice %arg11[%dma_wait3A, %dma_wait3A_1896, %dma_wait3A_1897] : memref<8x8x512xf32, #tpu.memory_space<vmem>> -> memref<1x8x512xf32, #tpu.memory_space<vmem>>
    %dma_wait3A_1899 = tpu.memref_squeeze %dma_wait3A_1898 : memref<1x8x512xf32, #tpu.memory_space<vmem>> -> memref<8x512xf32, #tpu.memory_space<vmem>>
    tpu.wait_dma2 semaphore(%arg13 : memref<!tpu.dma_semaphore, #tpu.memory_space<semaphore_mem>>) src(%dma_wait3A_1899 : memref<8x512xf32, #tpu.memory_space<vmem>>) dst(%dma_wait3A_1895 : memref<8x512xf32, #tpu.memory_space<hbm>>)
    %dma_wait3A_1900 = arith.constant 0 : i32
    %dma_wait3A_1901 = arith.constant 0 : i32
    %dma_wait3A_1902 = arith.constant 0 : i32
    %dma_wait3A_1903 = arith.constant 0 : i32
    %dma_wait3A_1904 = arith.constant 0 : i32
    %dma_wait3A_1905 = tpu.memref_slice %arg11[%dma_wait3A_1900, %dma_wait3A_1903, %dma_wait3A_1904] : memref<8x8x512xf32, #tpu.memory_space<vmem>> -> memref<1x8x512xf32, #tpu.memory_space<vmem>>
    %dma_wait3A_1906 = tpu.memref_squeeze %dma_wait3A_1905 : memref<1x8x512xf32, #tpu.memory_space<vmem>> -> memref<8x512xf32, #tpu.memory_space<vmem>>
    %dma_wait3A_1907 = arith.constant 0 : i32
    %dma_wait3A_1908 = arith.constant 0 : i32
    %dma_wait3A_1909 = tpu.memref_slice %arg4[%dma_wait3A_1901, %dma_wait3A_1902, %dma_wait3A_1907, %dma_wait3A_1908] : memref<4x1536x8x512xf32, #tpu.memory_space<hbm>> -> memref<1x1x8x512xf32, #tpu.memory_space<hbm>>
    %dma_wait3A_1910 = tpu.memref_squeeze %dma_wait3A_1909 : memref<1x1x8x512xf32, #tpu.memory_space<hbm>> -> memref<8x512xf32, #tpu.memory_space<hbm>>
    %dma_wait3A_1911 = arith.constant 0 : i32
    %dma_wait3A_1912 = arith.constant 0 : i32
    %dma_wait3A_1913 = tpu.memref_slice %arg4[%dma_wait3A_1901, %dma_wait3A_1902, %dma_wait3A_1911, %dma_wait3A_1912] : memref<4x1536x8x512xf32, #tpu.memory_space<hbm>> -> memref<1x1x8x512xf32, #tpu.memory_space<hbm>>
    %dma_wait3A_1914 = tpu.memref_squeeze %dma_wait3A_1913 : memref<1x1x8x512xf32, #tpu.memory_space<hbm>> -> memref<8x512xf32, #tpu.memory_space<hbm>>
    %dma_wait3A_1915 = arith.constant 0 : i32
    %dma_wait3A_1916 = arith.constant 0 : i32
    %dma_wait3A_1917 = tpu.memref_slice %arg11[%dma_wait3A_1900, %dma_wait3A_1915, %dma_wait3A_1916] : memref<8x8x512xf32, #tpu.memory_space<vmem>> -> memref<1x8x512xf32, #tpu.memory_space<vmem>>
    %dma_wait3A_1918 = tpu.memref_squeeze %dma_wait3A_1917 : memref<1x8x512xf32, #tpu.memory_space<vmem>> -> memref<8x512xf32, #tpu.memory_space<vmem>>
    tpu.wait_dma2 semaphore(%arg13 : memref<!tpu.dma_semaphore, #tpu.memory_space<semaphore_mem>>) src(%dma_wait3A_1918 : memref<8x512xf32, #tpu.memory_space<vmem>>) dst(%dma_wait3A_1914 : memref<8x512xf32, #tpu.memory_space<hbm>>)
    %dma_wait3A_1919 = arith.constant 0 : i32
    %dma_wait3A_1920 = arith.constant 0 : i32
    %dma_wait3A_1921 = arith.constant 0 : i32
    %dma_wait3A_1922 = arith.constant 0 : i32
    %dma_wait3A_1923 = arith.constant 0 : i32
    %dma_wait3A_1924 = tpu.memref_slice %arg11[%dma_wait3A_1919, %dma_wait3A_1922, %dma_wait3A_1923] : memref<8x8x512xf32, #tpu.memory_space<vmem>> -> memref<1x8x512xf32, #tpu.memory_space<vmem>>
    %dma_wait3A_1925 = tpu.memref_squeeze %dma_wait3A_1924 : memref<1x8x512xf32, #tpu.memory_space<vmem>> -> memref<8x512xf32, #tpu.memory_space<vmem>>
    %dma_wait3A_1926 = arith.constant 0 : i32
    %dma_wait3A_1927 = arith.constant 0 : i32
    %dma_wait3A_1928 = tpu.memref_slice %arg4[%dma_wait3A_1920, %dma_wait3A_1921, %dma_wait3A_1926, %dma_wait3A_1927] : memref<4x1536x8x512xf32, #tpu.memory_space<hbm>> -> memref<1x1x8x512xf32, #tpu.memory_space<hbm>>
    %dma_wait3A_1929 = tpu.memref_squeeze %dma_wait3A_1928 : memref<1x1x8x512xf32, #tpu.memory_space<hbm>> -> memref<8x512xf32, #tpu.memory_space<hbm>>
    %dma_wait3A_1930 = arith.constant 0 : i32
    %dma_wait3A_1931 = arith.constant 0 : i32
    %dma_wait3A_1932 = tpu.memref_slice %arg4[%dma_wait3A_1920, %dma_wait3A_1921, %dma_wait3A_1930, %dma_wait3A_1931] : memref<4x1536x8x512xf32, #tpu.memory_space<hbm>> -> memref<1x1x8x512xf32, #tpu.memory_space<hbm>>
    %dma_wait3A_1933 = tpu.memref_squeeze %dma_wait3A_1932 : memref<1x1x8x512xf32, #tpu.memory_space<hbm>> -> memref<8x512xf32, #tpu.memory_space<hbm>>
    %dma_wait3A_1934 = arith.constant 0 : i32
    %dma_wait3A_1935 = arith.constant 0 : i32
    %dma_wait3A_1936 = tpu.memref_slice %arg11[%dma_wait3A_1919, %dma_wait3A_1934, %dma_wait3A_1935] : memref<8x8x512xf32, #tpu.memory_space<vmem>> -> memref<1x8x512xf32, #tpu.memory_space<vmem>>
    %dma_wait3A_1937 = tpu.memref_squeeze %dma_wait3A_1936 : memref<1x8x512xf32, #tpu.memory_space<vmem>> -> memref<8x512xf32, #tpu.memory_space<vmem>>
    tpu.wait_dma2 semaphore(%arg13 : memref<!tpu.dma_semaphore, #tpu.memory_space<semaphore_mem>>) src(%dma_wait3A_1937 : memref<8x512xf32, #tpu.memory_space<vmem>>) dst(%dma_wait3A_1933 : memref<8x512xf32, #tpu.memory_space<hbm>>)
    %dma_wait3A_1938 = arith.constant 0 : i32
    %dma_wait3A_1939 = arith.constant 0 : i32
    %dma_wait3A_1940 = arith.constant 0 : i32
    %dma_wait3A_1941 = arith.constant 0 : i32
    %dma_wait3A_1942 = arith.constant 0 : i32
    %dma_wait3A_1943 = tpu.memref_slice %arg11[%dma_wait3A_1938, %dma_wait3A_1941, %dma_wait3A_1942] : memref<8x8x512xf32, #tpu.memory_space<vmem>> -> memref<1x8x512xf32, #tpu.memory_space<vmem>>
    %dma_wait3A_1944 = tpu.memref_squeeze %dma_wait3A_1943 : memref<1x8x512xf32, #tpu.memory_space<vmem>> -> memref<8x512xf32, #tpu.memory_space<vmem>>
    %dma_wait3A_1945 = arith.constant 0 : i32
    %dma_wait3A_1946 = arith.constant 0 : i32
    %dma_wait3A_1947 = tpu.memref_slice %arg4[%dma_wait3A_1939, %dma_wait3A_1940, %dma_wait3A_1945, %dma_wait3A_1946] : memref<4x1536x8x512xf32, #tpu.memory_space<hbm>> -> memref<1x1x8x512xf32, #tpu.memory_space<hbm>>
    %dma_wait3A_1948 = tpu.memref_squeeze %dma_wait3A_1947 : memref<1x1x8x512xf32, #tpu.memory_space<hbm>> -> memref<8x512xf32, #tpu.memory_space<hbm>>
    %dma_wait3A_1949 = arith.constant 0 : i32
    %dma_wait3A_1950 = arith.constant 0 : i32
    %dma_wait3A_1951 = tpu.memref_slice %arg4[%dma_wait3A_1939, %dma_wait3A_1940, %dma_wait3A_1949, %dma_wait3A_1950] : memref<4x1536x8x512xf32, #tpu.memory_space<hbm>> -> memref<1x1x8x512xf32, #tpu.memory_space<hbm>>
    %dma_wait3A_1952 = tpu.memref_squeeze %dma_wait3A_1951 : memref<1x1x8x512xf32, #tpu.memory_space<hbm>> -> memref<8x512xf32, #tpu.memory_space<hbm>>
    %dma_wait3A_1953 = arith.constant 0 : i32
    %dma_wait3A_1954 = arith.constant 0 : i32
    %dma_wait3A_1955 = tpu.memref_slice %arg11[%dma_wait3A_1938, %dma_wait3A_1953, %dma_wait3A_1954] : memref<8x8x512xf32, #tpu.memory_space<vmem>> -> memref<1x8x512xf32, #tpu.memory_space<vmem>>
    %dma_wait3A_1956 = tpu.memref_squeeze %dma_wait3A_1955 : memref<1x8x512xf32, #tpu.memory_space<vmem>> -> memref<8x512xf32, #tpu.memory_space<vmem>>
    tpu.wait_dma2 semaphore(%arg13 : memref<!tpu.dma_semaphore, #tpu.memory_space<semaphore_mem>>) src(%dma_wait3A_1956 : memref<8x512xf32, #tpu.memory_space<vmem>>) dst(%dma_wait3A_1952 : memref<8x512xf32, #tpu.memory_space<hbm>>)
    %dma_wait3A_1957 = arith.constant 0 : i32
    %dma_wait3A_1958 = arith.constant 0 : i32
    %dma_wait3A_1959 = arith.constant 0 : i32
    %dma_wait3A_1960 = arith.constant 0 : i32
    %dma_wait3A_1961 = arith.constant 0 : i32
    %dma_wait3A_1962 = tpu.memref_slice %arg11[%dma_wait3A_1957, %dma_wait3A_1960, %dma_wait3A_1961] : memref<8x8x512xf32, #tpu.memory_space<vmem>> -> memref<1x8x512xf32, #tpu.memory_space<vmem>>
    %dma_wait3A_1963 = tpu.memref_squeeze %dma_wait3A_1962 : memref<1x8x512xf32, #tpu.memory_space<vmem>> -> memref<8x512xf32, #tpu.memory_space<vmem>>
    %dma_wait3A_1964 = arith.constant 0 : i32
    %dma_wait3A_1965 = arith.constant 0 : i32
    %dma_wait3A_1966 = tpu.memref_slice %arg4[%dma_wait3A_1958, %dma_wait3A_1959, %dma_wait3A_1964, %dma_wait3A_1965] : memref<4x1536x8x512xf32, #tpu.memory_space<hbm>> -> memref<1x1x8x512xf32, #tpu.memory_space<hbm>>
    %dma_wait3A_1967 = tpu.memref_squeeze %dma_wait3A_1966 : memref<1x1x8x512xf32, #tpu.memory_space<hbm>> -> memref<8x512xf32, #tpu.memory_space<hbm>>
    %dma_wait3A_1968 = arith.constant 0 : i32
    %dma_wait3A_1969 = arith.constant 0 : i32
    %dma_wait3A_1970 = tpu.memref_slice %arg4[%dma_wait3A_1958, %dma_wait3A_1959, %dma_wait3A_1968, %dma_wait3A_1969] : memref<4x1536x8x512xf32, #tpu.memory_space<hbm>> -> memref<1x1x8x512xf32, #tpu.memory_space<hbm>>
    %dma_wait3A_1971 = tpu.memref_squeeze %dma_wait3A_1970 : memref<1x1x8x512xf32, #tpu.memory_space<hbm>> -> memref<8x512xf32, #tpu.memory_space<hbm>>
    %dma_wait3A_1972 = arith.constant 0 : i32
    %dma_wait3A_1973 = arith.constant 0 : i32
    %dma_wait3A_1974 = tpu.memref_slice %arg11[%dma_wait3A_1957, %dma_wait3A_1972, %dma_wait3A_1973] : memref<8x8x512xf32, #tpu.memory_space<vmem>> -> memref<1x8x512xf32, #tpu.memory_space<vmem>>
    %dma_wait3A_1975 = tpu.memref_squeeze %dma_wait3A_1974 : memref<1x8x512xf32, #tpu.memory_space<vmem>> -> memref<8x512xf32, #tpu.memory_space<vmem>>
    tpu.wait_dma2 semaphore(%arg13 : memref<!tpu.dma_semaphore, #tpu.memory_space<semaphore_mem>>) src(%dma_wait3A_1975 : memref<8x512xf32, #tpu.memory_space<vmem>>) dst(%dma_wait3A_1971 : memref<8x512xf32, #tpu.memory_space<hbm>>)
    %dma_wait3A_1976 = arith.constant 0 : i32
    %dma_wait3A_1977 = arith.constant 0 : i32
    %dma_wait3A_1978 = arith.constant 0 : i32
    %dma_wait3A_1979 = arith.constant 0 : i32
    %dma_wait3A_1980 = arith.constant 0 : i32
    %dma_wait3A_1981 = tpu.memref_slice %arg11[%dma_wait3A_1976, %dma_wait3A_1979, %dma_wait3A_1980] : memref<8x8x512xf32, #tpu.memory_space<vmem>> -> memref<1x8x512xf32, #tpu.memory_space<vmem>>
    %dma_wait3A_1982 = tpu.memref_squeeze %dma_wait3A_1981 : memref<1x8x512xf32, #tpu.memory_space<vmem>> -> memref<8x512xf32, #tpu.memory_space<vmem>>
    %dma_wait3A_1983 = arith.constant 0 : i32
    %dma_wait3A_1984 = arith.constant 0 : i32
    %dma_wait3A_1985 = tpu.memref_slice %arg4[%dma_wait3A_1977, %dma_wait3A_1978, %dma_wait3A_1983, %dma_wait3A_1984] : memref<4x1536x8x512xf32, #tpu.memory_space<hbm>> -> memref<1x1x8x512xf32, #tpu.memory_space<hbm>>
    %dma_wait3A_1986 = tpu.memref_squeeze %dma_wait3A_1985 : memref<1x1x8x512xf32, #tpu.memory_space<hbm>> -> memref<8x512xf32, #tpu.memory_space<hbm>>
    %dma_wait3A_1987 = arith.constant 0 : i32
    %dma_wait3A_1988 = arith.constant 0 : i32
    %dma_wait3A_1989 = tpu.memref_slice %arg4[%dma_wait3A_1977, %dma_wait3A_1978, %dma_wait3A_1987, %dma_wait3A_1988] : memref<4x1536x8x512xf32, #tpu.memory_space<hbm>> -> memref<1x1x8x512xf32, #tpu.memory_space<hbm>>
    %dma_wait3A_1990 = tpu.memref_squeeze %dma_wait3A_1989 : memref<1x1x8x512xf32, #tpu.memory_space<hbm>> -> memref<8x512xf32, #tpu.memory_space<hbm>>
    %dma_wait3A_1991 = arith.constant 0 : i32
    %dma_wait3A_1992 = arith.constant 0 : i32
    %dma_wait3A_1993 = tpu.memref_slice %arg11[%dma_wait3A_1976, %dma_wait3A_1991, %dma_wait3A_1992] : memref<8x8x512xf32, #tpu.memory_space<vmem>> -> memref<1x8x512xf32, #tpu.memory_space<vmem>>
    %dma_wait3A_1994 = tpu.memref_squeeze %dma_wait3A_1993 : memref<1x8x512xf32, #tpu.memory_space<vmem>> -> memref<8x512xf32, #tpu.memory_space<vmem>>
    tpu.wait_dma2 semaphore(%arg13 : memref<!tpu.dma_semaphore, #tpu.memory_space<semaphore_mem>>) src(%dma_wait3A_1994 : memref<8x512xf32, #tpu.memory_space<vmem>>) dst(%dma_wait3A_1990 : memref<8x512xf32, #tpu.memory_space<hbm>>)
    %dma_wait3A_1995 = arith.constant 0 : i32
    %dma_wait3A_1996 = arith.constant 0 : i32
    %dma_wait3A_1997 = arith.constant 0 : i32
    %dma_wait3A_1998 = arith.constant 0 : i32
    %dma_wait3A_1999 = arith.constant 0 : i32
    %dma_wait3A_2000 = tpu.memref_slice %arg11[%dma_wait3A_1995, %dma_wait3A_1998, %dma_wait3A_1999] : memref<8x8x512xf32, #tpu.memory_space<vmem>> -> memref<1x8x512xf32, #tpu.memory_space<vmem>>
    %dma_wait3A_2001 = tpu.memref_squeeze %dma_wait3A_2000 : memref<1x8x512xf32, #tpu.memory_space<vmem>> -> memref<8x512xf32, #tpu.memory_space<vmem>>
    %dma_wait3A_2002 = arith.constant 0 : i32
    %dma_wait3A_2003 = arith.constant 0 : i32
    %dma_wait3A_2004 = tpu.memref_slice %arg4[%dma_wait3A_1996, %dma_wait3A_1997, %dma_wait3A_2002, %dma_wait3A_2003] : memref<4x1536x8x512xf32, #tpu.memory_space<hbm>> -> memref<1x1x8x512xf32, #tpu.memory_space<hbm>>
    %dma_wait3A_2005 = tpu.memref_squeeze %dma_wait3A_2004 : memref<1x1x8x512xf32, #tpu.memory_space<hbm>> -> memref<8x512xf32, #tpu.memory_space<hbm>>
    %dma_wait3A_2006 = arith.constant 0 : i32
    %dma_wait3A_2007 = arith.constant 0 : i32
    %dma_wait3A_2008 = tpu.memref_slice %arg4[%dma_wait3A_1996, %dma_wait3A_1997, %dma_wait3A_2006, %dma_wait3A_2007] : memref<4x1536x8x512xf32, #tpu.memory_space<hbm>> -> memref<1x1x8x512xf32, #tpu.memory_space<hbm>>
    %dma_wait3A_2009 = tpu.memref_squeeze %dma_wait3A_2008 : memref<1x1x8x512xf32, #tpu.memory_space<hbm>> -> memref<8x512xf32, #tpu.memory_space<hbm>>
    %dma_wait3A_2010 = arith.constant 0 : i32
    %dma_wait3A_2011 = arith.constant 0 : i32
    %dma_wait3A_2012 = tpu.memref_slice %arg11[%dma_wait3A_1995, %dma_wait3A_2010, %dma_wait3A_2011] : memref<8x8x512xf32, #tpu.memory_space<vmem>> -> memref<1x8x512xf32, #tpu.memory_space<vmem>>
    %dma_wait3A_2013 = tpu.memref_squeeze %dma_wait3A_2012 : memref<1x8x512xf32, #tpu.memory_space<vmem>> -> memref<8x512xf32, #tpu.memory_space<vmem>>
    tpu.wait_dma2 semaphore(%arg13 : memref<!tpu.dma_semaphore, #tpu.memory_space<semaphore_mem>>) src(%dma_wait3A_2013 : memref<8x512xf32, #tpu.memory_space<vmem>>) dst(%dma_wait3A_2009 : memref<8x512xf32, #tpu.memory_space<hbm>>)
    %dma_wait3A_2014 = arith.constant 0 : i32
    %dma_wait3A_2015 = arith.constant 0 : i32
    %dma_wait3A_2016 = arith.constant 0 : i32
    %dma_wait3A_2017 = arith.constant 0 : i32
    %dma_wait3A_2018 = arith.constant 0 : i32
    %dma_wait3A_2019 = tpu.memref_slice %arg11[%dma_wait3A_2014, %dma_wait3A_2017, %dma_wait3A_2018] : memref<8x8x512xf32, #tpu.memory_space<vmem>> -> memref<1x8x512xf32, #tpu.memory_space<vmem>>
    %dma_wait3A_2020 = tpu.memref_squeeze %dma_wait3A_2019 : memref<1x8x512xf32, #tpu.memory_space<vmem>> -> memref<8x512xf32, #tpu.memory_space<vmem>>
    %dma_wait3A_2021 = arith.constant 0 : i32
    %dma_wait3A_2022 = arith.constant 0 : i32
    %dma_wait3A_2023 = tpu.memref_slice %arg4[%dma_wait3A_2015, %dma_wait3A_2016, %dma_wait3A_2021, %dma_wait3A_2022] : memref<4x1536x8x512xf32, #tpu.memory_space<hbm>> -> memref<1x1x8x512xf32, #tpu.memory_space<hbm>>
    %dma_wait3A_2024 = tpu.memref_squeeze %dma_wait3A_2023 : memref<1x1x8x512xf32, #tpu.memory_space<hbm>> -> memref<8x512xf32, #tpu.memory_space<hbm>>
    %dma_wait3A_2025 = arith.constant 0 : i32
    %dma_wait3A_2026 = arith.constant 0 : i32
    %dma_wait3A_2027 = tpu.memref_slice %arg4[%dma_wait3A_2015, %dma_wait3A_2016, %dma_wait3A_2025, %dma_wait3A_2026] : memref<4x1536x8x512xf32, #tpu.memory_space<hbm>> -> memref<1x1x8x512xf32, #tpu.memory_space<hbm>>
    %dma_wait3A_2028 = tpu.memref_squeeze %dma_wait3A_2027 : memref<1x1x8x512xf32, #tpu.memory_space<hbm>> -> memref<8x512xf32, #tpu.memory_space<hbm>>
    %dma_wait3A_2029 = arith.constant 0 : i32
    %dma_wait3A_2030 = arith.constant 0 : i32
    %dma_wait3A_2031 = tpu.memref_slice %arg11[%dma_wait3A_2014, %dma_wait3A_2029, %dma_wait3A_2030] : memref<8x8x512xf32, #tpu.memory_space<vmem>> -> memref<1x8x512xf32, #tpu.memory_space<vmem>>
    %dma_wait3A_2032 = tpu.memref_squeeze %dma_wait3A_2031 : memref<1x8x512xf32, #tpu.memory_space<vmem>> -> memref<8x512xf32, #tpu.memory_space<vmem>>
    tpu.wait_dma2 semaphore(%arg13 : memref<!tpu.dma_semaphore, #tpu.memory_space<semaphore_mem>>) src(%dma_wait3A_2032 : memref<8x512xf32, #tpu.memory_space<vmem>>) dst(%dma_wait3A_2028 : memref<8x512xf32, #tpu.memory_space<hbm>>)
    return
  }
}

</mosaic_0001>

<sc_bundles>
// kernel: kernel.3.cloned.1.call-start
scs
__scs_entry_jumppad:
0x0: {  	(pc) =	sbr.rel $0x88, $3  }
0x1: {  	(tag) =	ssettag $0x0;
	lr =	simm.s32 $0x1  }
0x2: {  	[smem:$0x3F9F] =	sst lr;
	_ =	strace $0xD0000000  }
0x3: {  	_ = 	snop  }
0x4: {  	_ = 	snop  }
0x5: {  	_ = 	snop  }
0x6: {  	_ = 	snop  }
0x7: {  	_ = 	snop  }
__scs_overlays_trampoline_lowered:
0x8: {  	[smem:$0x3FAE] =	sst s0  }
0x9: {  	[smem:$0x3FAF] =	sst s1  }
0xa: {  	[smem:$0x3FB0] =	sst s2  }
0xb: {  	[smem:$0x3FB1] =	sst s3  }
0xc: {  	[smem:$0x3FB2] =	sst s4  }
0xd: {  	[smem:$0x3FB3] =	sst s5  }
0xe: {  	[smem:$0x3FB4] =	sst s6  }
0xf: {  	[smem:$0x3FB5] =	sst s7  }
0x10: {  	[smem:$0x3FB6] =	sst s8  }
0x11: {  	[smem:$0x3FB7] =	sst s9;
	s0 =	simm.s32 @!p0 $0x0  }
0x12: {  	s1 =	sld [smem:$0x3F9D];
	s0 =	simm.s32 @p0 $0x1  }
0x13: {  	[smem:$0x3FB8] =	sst s0;
	s0 =	simm.s32 @!p1 $0x0  }
0x14: {  	s2 =	sld [smem:$0x3F9C];
	s0 =	simm.s32 @p1 $0x1  }
0x15: {  	[smem:$0x3FB9] =	sst s0;
	s0 =	simm.s32 @!p2 $0x0  }
0x16: {  	s3 =	sld [smem:$0x3FDB];
	s0 =	simm.s32 @p2 $0x1  }
0x17: {  	s4 =	simm.s32 $0x1BF5;
	[smem:$0x3FBB] =	sst s0  }
0x18: {  	s0 =	sld [smem:$0x3F9E];
	_ =	swait.ge [sflag:s4], $0x0  }
0x19: {  	s7 =	sld [smem:$0x3F9F]  }
0x1a: {  	s8 =	sadd.s32 $0xFFFFE003, lr  }
0x1b: {  	s9 =	sadd.s32 $0xFFFFFEF7, lr;
	s5 =	simm.s32 $0xFFFFFFFF;
	p2 =	slt.u32 s8, $0xFFFFF086  }
0x1c: {  	p1 =	slt.u32 s9, $0xF7A;
	s5 =	simm.s32 @!p2 $0x0  }
0x1d: {  	s5 =	simm.s32 @p1 $0x1;
	p0 =	seq.s32 s7, s2  }
0x1e: {  	s7 =	smul.u32 @!p0 $0xF7A, s2;
	p2 =	seq.s32 @!p0 s5, $0x0  }
0x1f: {  	s9 =	smul.u32 $0xF7A, s1;
	s8 =	simm.s32 @!p0 $0x1BF5;
	p2 =	por !p2, p0  }
0x20: {  	[sflag:s8] =	ssyncset.s32 @!p0 $0xFFFFF086;
	s6 =	sadd.s32 @!p0 s3, s7;
	s7 =	simm.s32 @!p0 $0x108  }
0x21: {  	s3 =	sadd.s32 s3, s9;
	s6 =	sadd.s32 @!p0 $0x88, s6;
	s7 =	simm.s32 @p2 $0x1082  }
0x22: {  	[simem:s7], [sflag:s8] =	dma.local @!p0 [hbm:s6], $0xF7A  }
0x23: {  	s9 =	sor.u32 $0xD0000000, s2;
	s6 =	simm.s32 $0x108;
	_ =	swait.ge @!p0 [sflag:s8], $0x0  }
0x24: {  	s3 =	sadd.s32 $0x88, s3;
	s6 =	simm.s32 @!p1 $0x1082;
	[sflag:s4] =	ssyncset.s32 $0xFFFFF086  }
0x25: {  	[simem:s6], [sflag:s4] =	dma.local [hbm:s3], $0xF7A  }
0x26: {  	[smem:$0x3F9F] =	sst s1;
	(tag) =	ssettag s2;
	_ =	strace s9  }
0x27: {  	s1 =	sld [smem:$0x3FAF]  }
0x28: {  	s2 =	sld [smem:$0x3FB0]  }
0x29: {  	s4 =	sld [smem:$0x3FB2]  }
0x2a: {  	p0 =	seq.s32 s5, $0x0;
	s5 =	sld [smem:$0x3FB3]  }
0x2b: {  	s6 =	sld [smem:$0x3FB4]  }
0x2c: {  	s7 =	sld [smem:$0x3FB5]  }
0x2d: {  	s3 =	simm.s32 $0x108;
	s8 =	sld [smem:$0x3FB6]  }
0x2e: {  	s3 =	simm.s32 @!p0 $0x1082;
	s9 =	sld [smem:$0x3FB7]  }
0x2f: {  	lr =	sadd.s32 s0, s3;
	s0 =	sld [smem:$0x3FAE]  }
0x30: {  	s3 =	sld [smem:$0x3FB1]  }
0x31: {  	[smem:$0x3FBA] =	sst s10  }
0x32: {  	s10 =	sld [smem:$0x3FB8];
	_ =	sdelay $0x3  }
0x33: {  	p0 =	seq.s32 s10, $0x1;
	s10 =	sld [smem:$0x3FBA];
	_ =	sdelay $0x3  }
0x34: {  	[smem:$0x3FBA] =	sst s10  }
0x35: {  	s10 =	sld [smem:$0x3FB9];
	_ =	sdelay $0x3  }
0x36: {  	p1 =	seq.s32 s10, $0x1;
	s10 =	sld [smem:$0x3FBA];
	_ =	sdelay $0x3  }
0x37: {  	[smem:$0x3FBA] =	sst s10  }
0x38: {  	s10 =	sld [smem:$0x3FBB]  }
0x39: {  	_ = 	snop;
	(pc) =	sbr.ind lr, $3  }
0x3a: {  	_ = 	snop  }
0x3b: {  	_ = 	snop  }
0x3c: {  	p2 =	seq.s32 s10, $0x1;
	s10 =	sld [smem:$0x3FBA]  }
0x3d: {  	_ =	shalt  }
0x3e: {  	_ =	shalt  }
0x3f: {  	_ =	shalt  }
0x40: {  	_ =	shalt  }
0x41: {  	_ =	shalt  }
0x42: {  	_ =	shalt  }
0x43: {  	_ =	shalt  }
0x44: {  	_ =	shalt  }
0x45: {  	_ =	shalt  }
0x46: {  	_ =	shalt  }
0x47: {  	_ =	shalt  }
0x48: {  	_ =	shalt  }
0x49: {  	_ =	shalt  }
0x4a: {  	_ =	shalt  }
0x4b: {  	_ =	shalt  }
0x4c: {  	_ =	shalt  }
0x4d: {  	_ =	shalt  }
0x4e: {  	_ =	shalt  }
0x4f: {  	_ =	shalt  }
0x50: {  	_ =	shalt  }
0x51: {  	_ =	shalt  }
0x52: {  	_ =	shalt  }
0x53: {  	_ =	shalt  }
0x54: {  	_ =	shalt  }
0x55: {  	_ =	shalt  }
0x56: {  	_ =	shalt  }
0x57: {  	_ =	shalt  }
0x58: {  	_ =	shalt  }
0x59: {  	_ =	shalt  }
0x5a: {  	_ =	shalt  }
0x5b: {  	_ =	shalt  }
0x5c: {  	_ =	shalt  }
0x5d: {  	_ =	shalt  }
0x5e: {  	_ =	shalt  }
0x5f: {  	_ =	shalt  }
0x60: {  	_ =	shalt  }
0x61: {  	_ =	shalt  }
0x62: {  	_ =	shalt  }
0x63: {  	_ =	shalt  }
0x64: {  	_ =	shalt  }
0x65: {  	_ =	shalt  }
0x66: {  	_ =	shalt  }
0x67: {  	_ =	shalt  }
0x68: {  	_ =	shalt  }
0x69: {  	_ =	shalt  }
0x6a: {  	_ =	shalt  }
0x6b: {  	_ =	shalt  }
0x6c: {  	_ =	shalt  }
0x6d: {  	_ =	shalt  }
0x6e: {  	_ =	shalt  }
0x6f: {  	_ =	shalt  }
0x70: {  	_ =	shalt  }
0x71: {  	_ =	shalt  }
0x72: {  	_ =	shalt  }
0x73: {  	_ =	shalt  }
0x74: {  	_ =	shalt  }
0x75: {  	_ =	shalt  }
0x76: {  	_ =	shalt  }
0x77: {  	_ =	shalt  }
0x78: {  	_ =	shalt  }
0x79: {  	_ =	shalt  }
0x7a: {  	_ =	shalt  }
0x7b: {  	_ =	shalt  }
0x7c: {  	_ =	shalt  }
0x7d: {  	_ =	shalt  }
0x7e: {  	_ =	shalt  }
0x7f: {  	_ =	shalt  }
0x80: {  	_ =	shalt  }
0x81: {  	_ =	shalt  }
0x82: {  	_ =	shalt  }
0x83: {  	_ =	shalt  }
0x84: {  	_ =	shalt  }
0x85: {  	_ =	shalt  }
0x86: {  	_ =	shalt  }
0x87: {  	_ =	shalt  }
.Lfunc_end0:
.L_simem_size_0:
called_computation_lowered:
.L_overlay_start_0:
0x88: {  	s2 =	sld [smem:$0x3FD9]  }
0x89: {  	s3 =	sld [smem:$0x3FFE];
	_ =	sdelay $0x1  }
0x8a: {  	s1 =	srdreg.scid  }
0x8b: {  	s0 =	sand.u32 $0x1, s1  }
0x8c: {  	s17 =	sshll.u32 s0, $0xA;
	s2 =	sadd.s32 s3, s2  }
0x8d: {  	s2 =	sadd.s32 s2, s17  }
0x8e: {  	[smem:$0x3FC6] =	sst s2  }
0x8f: {  	_ = 	snop  }
0x90: {  	s2 =	sld [smem:$0x3FC9]  }
0x91: {  	s18 =	sld [smem:$0x3FD0];
	(tm) =	ssettm $0x1  }
0x92: {  	s4 =	sld [smem:$0x3FFB];
	_ =	sdelay $0x3  }
0x93: {  	_ =	strace s4  }
0x94: {  	s4 =	sld [smem:$0x3FFC];
	_ =	sdelay $0x3  }
0x95: {  	_ =	strace s4  }
0x96: {  	s4 =	sld [smem:$0x3FFD];
	_ =	sdelay $0x3  }
0x97: {  	_ =	strace s4  }
0x98: {  	_ =	strace $0x8FFFFFFF  }
0x99: {  	s19 =	sld [smem:$0x3FDB];
	_ =	sdelay $0x1  }
0x9a: {  	s5 =	simm.s32 $_scs_section_size  }
0x9b: {  	s6 =	simm.s32 $_size__tile_overlayer_lowered;
	s7 =	simm.s32 $_tile_overlayer_lowered  }
0x9c: {  	s22 =	simm.s32 $0x1BFF;
	s21 =	sshll.u32 s7, $0x1;
	s4 =	sadd.s32 s5, s19  }
0x9d: {  	s8 =	simm.s32 $0x0;
	s20 =	sshll.u32 s6, $0x1;
	s6 =	sadd.s32 s21, s4  }
0x9e: {  	[timem:s8], [sflag:s22] =	dma.local [hbm:s6], s20  }
0x9f: {  	_ =	swait.ge [sflag:s22], s20  }
0xa0: {  	s5 =	ssub.s32 $0x0, s20;
	[sflag:s22] =	ssyncset.done $0x0  }
0xa1: {  	[sflag:s22] =	ssyncadd.s32 s5;
	_ =	sdelay $0x1  }
0xa2: {  	s23 =	simm.s32 $0x1B8B  }
0xa3: {  	_ =	swait.ge [sflag:s23], $0x1  }
0xa4: {  	[sflag:s23] =	ssyncset.done $0x0  }
0xa5: {  	s25 =	simm.s32 $0x1B8E;
	s24 =	sld [smem:$0x3FFE];
	[sflag:s23] =	ssyncadd.s32 $0xFFFFFFFF  }
0xa6: {  	s26 =	simm.s32 $execute0_lowered;
	[smem:$0x3FD2] =	sst s25  }
0xa7: {  	s6 =	sshll.u32 s26, $0x1;
	_ =	strace $0x80000046;
	[dreg:$0x1] =	wrdreg $0xFFFFFFFF  }
0xa8: {  	s28 =	simm.s32 $_size_execute0_lowered;
	s4 =	sadd.s32 s4, s6;
	[dreg:$0x0] =	wrdreg $0x0  }
0xa9: {  	s6 =	sshll.u32 s28, $0x1;
	[dreg:$0x2] =	wrdreg s4  }
0xaa: {  	[dreg:$0x3] =	wrdreg s6  }
0xab: {  	[dreg:$0x4] =	wrdreg $0xC0  }
0xac: {  	_ =	task [dreg:s8], $0x5FFFF  }
0xad: {  	[dreg:$0x1] =	wrdreg $0xFFFFFFFF  }
0xae: {  	[dreg:$0x0] =	wrdreg $0x60  }
0xaf: {  	[dreg:$0x2] =	wrdreg s2  }
0xb0: {  	[dreg:$0x3] =	wrdreg s24  }
0xb1: {  	[dreg:$0x4] =	wrdreg s18  }
0xb2: {  	[dreg:$0x5] =	wrdreg $0x9  }
0xb3: {  	_ =	task.clear_ibuf [dreg:s8], $0x6FFFF;
	_ =	strace $0x90000046  }
0xb4: {  	s29 =	simm.s32 $0x9;
	_ =	strace $0x80000048  }
0xb5: {  	_ =	swait.ge [sflag:s29], $0x1  }
0xb6: {  	[sflag:s29] =	ssyncadd.s32 $0xFFFFFFFF  }
0xb7: {  	_ =	strace $0x90000048  }
0xb8: {  	_ =	sfence  }
0xb9: {  	s30 =	sld [smem:$0x0];
	_ =	sdelay $0x2  }
0xba: {  	s31 =	sshll.u32 s1, $0xD;
	s1 =	sshrl.u32 s1, $0x2  }
0xbb: {  	s3 =	sand.u32 $0x4000, s31;
	s1 =	sadd.s32 s1, s30  }
0xbc: {  	s0 =	sor.u32 s3, s0;
	s1 =	sshll.u32 s1, $0x11  }
0xbd: {  	s0 =	sor.u32 s1, s0  }
0xbe: {  	s0 =	sadd.s32 $0x8F2B, s0  }
0xbf: {  	[sflag:s0] =	ssyncadd.remote.s32 $0x1  }
0xc0: {  	_ =	sfence.sel $0xFFFF  }
0xc1: {  	[dreg:$0x0] =	wrdreg $0xFFFFFFFF;
	(pc) =	sbr.abs _section_cstart, $3  }
0xc2: {  	[dreg:$0x1] =	wrdreg $0xFFFFFFFF  }
0xc3: {  	_ =	task.clear_ibuf [dreg:s8], $0x2FFFF;
	_ =	strace $0x9FFFFFFF  }
0xc4: {  	(tm) =	ssettm $0x7FFFFFFF  }
0xc5: {  	_ =	shalt  }
tec
execute0_lowered:
.L_overlay_start_1:
0x0: {  	(tag) =	ssettag $0x1  }
0x1: {  	s0 =	srdreg.scid;
	s1 =	rddreg [dreg:$0x0]  }
0x2: {  	s4 =	stileid.u32;
	s6 =	rddreg [dreg:$0x1];
	s5 =	simm.s32 $0x0  }
0x3: {  	s0 =	sand.u32 $0x1, s0;
	s2 =	sshll.u32 s4, $0x1;
	s9 =	sshrl.u32 s4, $0x2  }
0x4: {  	s4 =	rddreg [dreg:$0x2];
	s2 =	sor.u32 s0, s2;
	s7 =	smul.u32 $0xFFFE8, s9  }
0x5: {  	[smem:$0x7FF] =	sst s5;
	s6 =	sadd.s32 $0x400, s6;
	s3 =	smul.u32 $0x3, s2  }
0x6: {  	_ =	strace $0x80000047;
	s0 =	ssub.s32 $0x2, s0;
	[dreg:$0x4] =	wrdreg s6  }
0x7: {  	s2 =	smul.u32 $0x168000, s9;
	s10 =	sshrl.u32 s0, $0x1;
	s7 =	sadd.s32 s7, s3  }
0x8: {  	s9 =	simm.s32 $0xD280;
	s0 =	ssub.s32 s0, s10;
	s7 =	sshll.u32 s7, $0xC  }
0x9: {  	s10 =	simm.s32 $0xE280;
	s0 =	smax.u32 s0, $0x1;
	s2 =	sadd.s32 s2, s7  }
0xa: {  	[dreg:$0x14] =	wrdreg s0;
	s11 =	sadd.s32 $0x18000, s2;
	s7 =	sadd.s32 $0x30000, s2  }
0xb: {  	s8 =	sshrl.u32 s2, $0x3;
	s13 =	sadd.s32 $0x48000, s2;
	s14 =	sadd.s32 $0x60000, s2  }
0xc: {  	s15 =	sadd.s32 $0x78000, s2;
	s18 =	sadd.s32 $0x90000, s2;
	s19 =	sadd.s32 $0xA8000, s2  }
0xd: {  	s20 =	sadd.s32 $0xC0000, s2;
	s23 =	sadd.s32 $0xD8000, s2;
	s24 =	sadd.s32 $0xF0000, s2  }
0xe: {  	s25 =	sadd.s32 $0x108000, s2;
	s29 =	sadd.s32 $0x120000, s2;
	s30 =	sadd.s32 $0x138000, s2  }
0xf: {  	s2 =	sadd.s32 $0x150000, s2;
	s6 =	sshrl.u32 s11, $0x3;
	s8 =	sadd.s32 s1, s8  }
0x10: {  	s7 =	sshrl.u32 s7, $0x3;
	s2 =	sshrl.u32 s2, $0x3;
	[dreg:$0x5] =	wrdreg s8  }
0x11: {  	s6 =	sadd.s32 s1, s6;
	s12 =	sadd.s32 s1, s7;
	s7 =	sshrl.u32 s14, $0x3  }
0x12: {  	s8 =	sshrl.u32 s15, $0x3;
	s2 =	sadd.s32 s1, s2;
	[dreg:$0x6] =	wrdreg s6  }
0x13: {  	s14 =	simm.s32 $0x1;
	s15 =	simm.s32 $0x180;
	[dreg:$0x7] =	wrdreg s12  }
0x14: {  	s6 =	sshrl.u32 s13, $0x3;
	s16 =	sadd.s32 s1, s7;
	[dreg:$0x13] =	wrdreg s2  }
0x15: {  	s17 =	sadd.s32 s1, s8;
	s7 =	sshrl.u32 s19, $0x3;
	[dreg:$0x9] =	wrdreg s16  }
0x16: {  	s8 =	sshrl.u32 s20, $0x3;
	s6 =	sadd.s32 s1, s6;
	[dreg:$0xa] =	wrdreg s17  }
0x17: {  	s2 =	simm.s32 $0x0;
	s21 =	sadd.s32 s1, s7;
	[dreg:$0x8] =	wrdreg s6  }
0x18: {  	s22 =	sadd.s32 s1, s8;
	s7 =	sshrl.u32 s24, $0x3;
	[dreg:$0xc] =	wrdreg s21  }
0x19: {  	s6 =	sshrl.u32 s18, $0x3;
	[dreg:$0xd] =	wrdreg s22;
	s26 =	sadd.s32 s1, s7  }
0x1a: {  	s8 =	sshrl.u32 s25, $0x3;
	s6 =	sadd.s32 s1, s6;
	[dreg:$0xf] =	wrdreg s26  }
0x1b: {  	s28 =	sadd.s32 s1, s8;
	[dreg:$0xb] =	wrdreg s6;
	s6 =	sshrl.u32 s23, $0x3  }
0x1c: {  	s7 =	sshrl.u32 s30, $0x3;
	[dreg:$0x10] =	wrdreg s28;
	s6 =	sadd.s32 s1, s6  }
0x1d: {  	v0 =	vimm.s32 $0x0;
	s31 =	sadd.s32 s1, s7;
	[dreg:$0xe] =	wrdreg s6;
	s6 =	sshrl.u32 s29, $0x3  }
0x1e: {  	v1 =	vlaneseq.u32;
	vm9 =	vcmask $0x3F20;
	vm12 =	vcmask $0x3F2C;
	s16 =	simm.s32 $0x200;
	[dreg:$0x12] =	wrdreg s31;
	s6 =	sadd.s32 s1, s6  }
0x1f: {  	vm13 =	vcmask $0x3F30;
	vm14 =	vcmask $0x3F34;
	v2 =	vand.u32 $0x7, v1;
	s17 =	simm.s32 $0x2;
	s8 =	simm.s32 $0xC280;
	[dreg:$0x11] =	wrdreg s6  }
.LBB2_1:
0x20: {  	[dreg:$0x15] =	wrdreg s2  }
0x21: {  	s0 =	rddreg [dreg:$0x5];
	s20 =	simm.s32 $0x280  }
0x22: {  	[tilespmem:s20], [sflag:$0x1] =	stream.linear.gather [hbm4b:s0+s5], $0x1000, $0x38;
	[tilespmem:$0x17280] =	vst v63  }
0x23: {  	s21 =	rddreg [dreg:$0x6];
	s22 =	simm.s32 $0x1280  }
0x24: {  	[tilespmem:s22], [sflag:$0x1] =	stream.linear.gather [hbm4b:s21+s5], $0x1000, $0x38;
	[tilespmem:$0x17280] =	vst v63  }
0x25: {  	s23 =	rddreg [dreg:$0x7];
	s24 =	simm.s32 $0x2280  }
0x26: {  	[tilespmem:s24], [sflag:$0x1] =	stream.linear.gather [hbm4b:s23+s5], $0x1000, $0x38;
	[tilespmem:$0x17280] =	vst v63  }
0x27: {  	s25 =	rddreg [dreg:$0x8];
	s26 =	simm.s32 $0x3280  }
0x28: {  	[tilespmem:s26], [sflag:$0x1] =	stream.linear.gather [hbm4b:s25+s5], $0x1000, $0x38;
	[tilespmem:$0x17280] =	vst v63  }
0x29: {  	s28 =	rddreg [dreg:$0x9];
	s29 =	simm.s32 $0x4280  }
0x2a: {  	[tilespmem:s29], [sflag:$0x1] =	stream.linear.gather [hbm4b:s28+s5], $0x1000, $0x38;
	[tilespmem:$0x17280] =	vst v63  }
0x2b: {  	s30 =	rddreg [dreg:$0xa];
	s31 =	simm.s32 $0x5280  }
0x2c: {  	[tilespmem:s31], [sflag:$0x1] =	stream.linear.gather [hbm4b:s30+s5], $0x1000, $0x38;
	[tilespmem:$0x17280] =	vst v63  }
0x2d: {  	s2 =	rddreg [dreg:$0xb];
	s6 =	simm.s32 $0x6280  }
0x2e: {  	[tilespmem:s6], [sflag:$0x1] =	stream.linear.gather [hbm4b:s2+s5], $0x1000, $0x38;
	[tilespmem:$0x17280] =	vst v63  }
0x2f: {  	s7 =	rddreg [dreg:$0xc];
	s11 =	simm.s32 $0x7280  }
0x30: {  	[tilespmem:s11], [sflag:$0x1] =	stream.linear.gather [hbm4b:s7+s5], $0x1000, $0x38;
	[tilespmem:$0x17280] =	vst v63  }
0x31: {  	s12 =	rddreg [dreg:$0xd];
	s13 =	simm.s32 $0x8280  }
0x32: {  	[tilespmem:s13], [sflag:$0x1] =	stream.linear.gather [hbm4b:s12+s5], $0x1000, $0x38;
	[tilespmem:$0x17280] =	vst v63  }
0x33: {  	s18 =	rddreg [dreg:$0xe];
	s19 =	simm.s32 $0x9280  }
0x34: {  	[tilespmem:s19], [sflag:$0x1] =	stream.linear.gather [hbm4b:s18+s5], $0x1000, $0x38;
	[tilespmem:$0x17280] =	vst v63  }
0x35: {  	s20 =	rddreg [dreg:$0xf];
	s21 =	simm.s32 $0xA280  }
0x36: {  	[tilespmem:s21], [sflag:$0x1] =	stream.linear.gather [hbm4b:s20+s5], $0x1000, $0x38;
	[tilespmem:$0x17280] =	vst v63  }
0x37: {  	s22 =	rddreg [dreg:$0x10];
	s23 =	simm.s32 $0xB280  }
0x38: {  	[tilespmem:s23], [sflag:$0x1] =	stream.linear.gather [hbm4b:s22+s5], $0x1000, $0x38;
	[tilespmem:$0x17280] =	vst v63  }
0x39: {  	s24 =	rddreg [dreg:$0x11]  }
0x3a: {  	[tilespmem:s8], [sflag:$0x1] =	stream.linear.gather [hbm4b:s24+s5], $0x1000, $0x38;
	[tilespmem:$0x17280] =	vst v63  }
0x3b: {  	s25 =	rddreg [dreg:$0x12]  }
0x3c: {  	[tilespmem:s9], [sflag:$0x1] =	stream.linear.gather [hbm4b:s25+s5], $0x1000, $0x38;
	[tilespmem:$0x17280] =	vst v63  }
0x3d: {  	s26 =	rddreg [dreg:$0x13]  }
0x3e: {  	[tilespmem:s10], [sflag:$0x1] =	stream.linear.gather [hbm4b:s26+s5], $0x1000, $0x38;
	[tilespmem:$0x17280] =	vst v63  }
0x3f: {  	s28 =	rddreg [dreg:$0x4];
	s29 =	simm.s32 $0x3  }
0x40: {  	[tilespmem:s5], [sflag:$0x3] =	stream.linear.gather [hbm4b:s28+s5], $0x80, $0x38;
	[tilespmem:$0x17280] =	vst v63  }
0x41: {  	_ =	swait.ge [sflag:s29], $0x80  }
0x42: {  	[sflag:s29] =	ssyncset.done $0x0  }
0x43: {  	[sflag:s29] =	ssyncadd.s32 $0xFFFFFF80  }
0x44: {  	v3 =	vld [tilespmem:$0x0];
	_ =	sdelay $0x4  }
0x45: {  	vm2 =	vcmask $0x3F04;
	vm3 =	vcmask $0x3F08;
	v4 =	vbroadcast v3, $0x0  }
0x46: {  	vm4 =	vcmask $0x3F0C;
	v15 =	vbroadcast v3, $0x1;
	v5 =	vbroadcast v3, $0x2  }
0x47: {  	vm5 =	vcmask $0x3F10;
	v17 =	vbroadcast v3, $0x3;
	v7 =	vbroadcast v3, $0x4  }
0x48: {  	vm8 =	vcmask $0x3F1C;
	v20 =	vbroadcast v3, $0x5;
	v22 =	vbroadcast v3, $0x6  }
0x49: {  	vm10 =	vcmask $0x3F24;
	v23 =	vbroadcast v3, $0x7;
	v25 =	vbroadcast v3, $0x8  }
0x4a: {  	vm11 =	vcmask $0x3F28;
	v29 =	vbroadcast v3, $0x9;
	v8 =	vbroadcast v3, $0xA  }
0x4b: {  	v28 =	vsub.f32 $0.0e+00, v3;
	v32 =	vbroadcast v3, $0xB;
	v34 =	vbroadcast v3, $0xC  }
0x4c: {  	v36 =	vbroadcast v3, $0xD;
	v38 =	vbroadcast v3, $0xE;
	vm15 =	veq.f32 v4, v3  }
0x4d: {  	vm0 =	vlt.f32 v4, v3;
	vm1 =	veq.f32 v5, v3;
	vm15 =	vmand vm15, vm2  }
0x4e: {  	vm6 =	veq.f32 v15, v3;
	vm1 =	vmand vm1, vm4;
	vm0 =	vmor vm0, vm15  }
0x4f: {  	vm15 =	vlt.f32 v15, v3;
	v6 =	vsel vm0, $0x1, v0;
	vm0 =	vmand vm6, vm3  }
0x50: {  	vm6 =	vcmask $0x3F14;
	vm0 =	vmor vm15, vm0;
	vm15 =	vlt.f32 v5, v3  }
0x51: {  	v5 =	vmul.f32 $1.442695020e+00, v28;
	v16 =	vsel vm0, $0x1, v0;
	vm7 =	vmor vm15, vm1  }
0x52: {  	vm0 =	veq.f32 v17, v3;
	vm1 =	vlt.f32 v17, v3;
	vm15 =	veq.f32 v7, v3  }
0x53: {  	v4 =	vadd.s32 v16, v6;
	v18 =	vsel vm7, $0x1, v0;
	vm0 =	vmand vm0, vm5  }
0x54: {  	vm15 =	vmand vm15, vm6;
	vm7 =	vcmask $0x3F18;
	vm5 =	vlt.f32 v22, v3  }
0x55: {  	(erf) = vpow2.f32 v5;
	vm0 =	vmor vm1, vm0;
	vm1 =	vlt.f32 v7, v3  }
0x56: {  	v4 =	vadd.s32 v18, v4;
	v19 =	vsel vm0, $0x1, v0;
	vm4 =	vmor vm1, vm15  }
0x57: {  	vm0 =	vlt.f32 v20, v3;
	vm1 =	veq.f32 v20, v3;
	vm15 =	veq.f32 v22, v3  }
0x58: {  	v4 =	vadd.s32 v19, v4;
	v21 =	vsel vm4, $0x1, v0;
	vm1 =	vmand vm1, vm7  }
0x59: {  	vm15 =	vmand vm15, vm8;
	vm4 =	veq.f32 v23, v3;
	v4 =	vadd.s32 v21, v4  }
0x5a: {  	vm0 =	vmor vm0, vm1;
	vm7 =	vmor vm5, vm15;
	vm15 =	vlt.f32 v23, v3  }
0x5b: {  	vm1 =	vmand vm4, vm9;
	vm4 =	vlt.f32 v25, v3;
	v24 =	vsel vm0, $0x1, v0  }
0x5c: {  	v26 =	vsel vm7, $0x1, v0;
	vm5 =	vmor vm15, vm1;
	vm7 =	veq.f32 v25, v3  }
0x5d: {  	vm15 =	veq.f32 v8, v3;
	v4 =	vadd.s32 v24, v4;
	v27 =	vsel vm5, $0x1, v0  }
0x5e: {  	vm0 =	vmand vm7, vm10;
	vm5 =	vlt.f32 v29, v3;
	vm7 =	veq.f32 v29, v3  }
0x5f: {  	vm15 =	vmand vm15, vm12;
	v4 =	vadd.s32 v26, v4;
	vm0 =	vmor vm4, vm0  }
0x60: {  	vm1 =	vmand vm7, vm11;
	vm4 =	vlt.f32 v8, v3;
	vm7 =	veq.f32 v32, v3  }
0x61: {  	v4 =	vadd.s32 v27, v4;
	v30 =	vsel vm0, $0x1, v0;
	vm0 =	vmor vm5, vm1  }
0x62: {  	vm5 =	vmor vm4, vm15;
	vm4 =	vlt.f32 v32, v3;
	vm15 =	veq.f32 v34, v3  }
0x63: {  	vm1 =	veq.f32 v36, v3;
	v4 =	vadd.s32 v30, v4;
	v31 =	vsel vm0, $0x1, v0  }
0x64: {  	v33 =	vsel vm5, $0x1, v0;
	vm0 =	vmand vm7, vm13;
	vm5 =	vlt.f32 v34, v3  }
0x65: {  	vm15 =	vmand vm15, vm14;
	v4 =	vadd.s32 v31, v4;
	vm0 =	vmor vm4, vm0  }
0x66: {  	v39 =	vpop (erf);
	vm7 =	vmor vm5, vm15;
	vm4 =	vcmask $0x3F38;
	vm15 =	veq.f32 v38, v3  }
0x67: {  	v5 =	vadd.f32 $1.000000000e+00, v39;
	v4 =	vadd.s32 v33, v4;
	v35 =	vsel vm0, $0x1, v0  }
0x68: {  	v37 =	vsel vm7, $0x1, v0;
	vm0 =	vlt.f32 v36, v3;
	vm1 =	vmand vm1, vm4  }
0x69: {  	vm4 =	vcmask $0x3F3C;
	v4 =	vadd.s32 v35, v4;
	vm0 =	vmor vm0, vm1  }
0x6a: {  	vm1 =	vlt.f32 v38, v3;
	vm15 =	vmand vm15, vm4;
	(erf) = vrcp.f32 v5  }
0x6b: {  	v4 =	vadd.s32 v37, v4;
	v3 =	vsel vm0, $0x1, v0;
	vm4 =	vmor vm1, vm15  }
0x6c: {  	v3 =	vadd.s32 v3, v4;
	v40 =	vsel vm4, $0x1, v0  }
0x6d: {  	v3 =	vadd.s32 v40, v3  }
0x6e: {  	vm5 =	vlt.u32 v3, $0x8;
	_ =	sdelay $0x4  }
0x6f: {  	s30 =	simm.s32 $0x80  }
0x70: {  	s31 =	simm.s32 $0x100;
	v41 =	vpop (erf);
	[tilespmem:v3+s30+$0x0] =	vst.idx.msk vm5, v1  }
0x71: {  	[tilespmem:v3+s31+$0x0] =	vst.idx.msk vm5, v41  }
0x72: {  	v3 =	vld [tilespmem:$0x10];
	_ =	sdelay $0x4  }
0x73: {  	v42 =	vbroadcast v3, $0x0;
	v43 =	vbroadcast v3, $0x1  }
0x74: {  	v44 =	vbroadcast v3, $0x2;
	v47 =	vbroadcast v3, $0x3  }
0x75: {  	v49 =	vbroadcast v3, $0x4;
	v51 =	vbroadcast v3, $0x5  }
0x76: {  	v53 =	vbroadcast v3, $0x6;
	v54 =	vbroadcast v3, $0x7  }
0x77: {  	v56 =	vbroadcast v3, $0x8;
	v60 =	vbroadcast v3, $0x9  }
0x78: {  	vm5 =	vmmov vm2;
	v62 =	vbroadcast v3, $0xA;
	v9 =	vbroadcast v3, $0xB  }
0x79: {  	v59 =	vsub.f32 $0.0e+00, v3;
	v11 =	vbroadcast v3, $0xC;
	v13 =	vbroadcast v3, $0xD  }
0x7a: {  	v15 =	vbroadcast v3, $0xE;
	vm0 =	veq.f32 v42, v3;
	vm1 =	vlt.f32 v42, v3  }
0x7b: {  	vm7 =	veq.f32 v43, v3;
	vm4 =	vlt.f32 v43, v3;
	v5 =	vmul.f32 $1.442695020e+00, v59  }
0x7c: {  	vm15 =	veq.f32 v44, v3;
	vm0 =	vmand vm0, vm2;
	vm2 =	vcmask $0x3F3C  }
0x7d: {  	vm0 =	vmor vm1, vm0;
	vm1 =	vlt.f32 v47, v3;
	(erf) = vpow2.f32 v5  }
0x7e: {  	v45 =	vsel vm0, $0x1, v0;
	vm0 =	vmand vm7, vm3;
	vm7 =	vlt.f32 v44, v3  }
0x7f: {  	vm3 =	vcmask $0x3F38;
	vm0 =	vmor vm4, vm0;
	vm4 =	vcmask $0x3F0C  }
0x80: {  	vm15 =	vmand vm15, vm4;
	v46 =	vsel vm0, $0x1, v0;
	vm0 =	veq.f32 v47, v3  }
0x81: {  	vm4 =	vlt.f32 v49, v3;
	vm7 =	vmor vm7, vm15;
	v4 =	vadd.s32 v46, v45  }
0x82: {  	vm15 =	veq.f32 v49, v3;
	v48 =	vsel vm7, $0x1, v0;
	vm7 =	vcmask $0x3F10  }
0x83: {  	vm15 =	vmand vm15, vm6;
	v4 =	vadd.s32 v48, v4;
	vm0 =	vmand vm0, vm7  }
0x84: {  	vm4 =	vmor vm4, vm15;
	vm15 =	veq.f32 v53, v3;
	vm0 =	vmor vm1, vm0  }
0x85: {  	v52 =	vsel vm4, $0x1, v0;
	vm1 =	veq.f32 v51, v3;
	vm4 =	vcmask $0x3F18  }
0x86: {  	v50 =	vsel vm0, $0x1, v0;
	vm0 =	vlt.f32 v51, v3;
	vm1 =	vmand vm1, vm4  }
0x87: {  	vm15 =	vmand vm15, vm8;
	v4 =	vadd.s32 v50, v4;
	vm0 =	vmor vm0, vm1  }
0x88: {  	vm1 =	vlt.f32 v53, v3;
	v4 =	vadd.s32 v52, v4;
	v55 =	vsel vm0, $0x1, v0  }
0x89: {  	vm0 =	vmor vm1, vm15;
	vm1 =	veq.f32 v54, v3;
	vm15 =	vlt.f32 v54, v3  }
0x8a: {  	v17 =	vpop (erf);
	vm1 =	vmand vm1, vm9;
	v4 =	vadd.s32 v55, v4;
	v57 =	vsel vm0, $0x1, v0  }
0x8b: {  	v5 =	vadd.f32 $1.000000000e+00, v17;
	vm0 =	vmor vm15, vm1;
	v4 =	vadd.s32 v57, v4  }
0x8c: {  	vm1 =	vlt.f32 v56, v3;
	v58 =	vsel vm0, $0x1, v0;
	vm0 =	veq.f32 v56, v3  }
0x8d: {  	vm15 =	veq.f32 v62, v3;
	(erf) = vrcp.f32 v5;
	vm0 =	vmand vm0, vm10  }
0x8e: {  	vm15 =	vmand vm15, vm12;
	vm0 =	vmor vm1, vm0;
	vm1 =	veq.f32 v60, v3  }
0x8f: {  	v61 =	vsel vm0, $0x1, v0;
	vm0 =	vlt.f32 v60, v3;
	vm1 =	vmand vm1, vm11  }
0x90: {  	v4 =	vadd.s32 v58, v4;
	vm0 =	vmor vm0, vm1;
	vm1 =	vlt.f32 v62, v3  }
0x91: {  	v4 =	vadd.s32 v61, v4;
	v63 =	vsel vm0, $0x1, v0;
	vm0 =	vmor vm1, vm15  }
0x92: {  	vm1 =	vlt.f32 v9, v3;
	v10 =	vsel vm0, $0x1, v0;
	vm0 =	veq.f32 v9, v3  }
0x93: {  	vm15 =	veq.f32 v11, v3;
	v4 =	vadd.s32 v63, v4;
	vm0 =	vmand vm0, vm13  }
0x94: {  	vm15 =	vmand vm15, vm14;
	vm0 =	vmor vm1, vm0;
	vm1 =	vlt.f32 v11, v3  }
0x95: {  	v4 =	vadd.s32 v10, v4;
	v12 =	vsel vm0, $0x1, v0;
	vm0 =	vmor vm1, vm15  }
0x96: {  	v16 =	vld.idx.msk [tilespmem:v2+s30+$0x0], $0xffff;
	vm1 =	veq.f32 v13, v3;
	vm15 =	veq.f32 v15, v3;
	v4 =	vadd.s32 v12, v4  }
0x97: {  	v14 =	vsel vm0, $0x1, v0;
	vm0 =	vlt.f32 v13, v3;
	vm1 =	vmand vm1, vm3  }
0x98: {  	vm15 =	vmand vm15, vm2;
	vm0 =	vmor vm0, vm1;
	vm1 =	vlt.f32 v15, v3  }
0x99: {  	v4 =	vadd.s32 v14, v4;
	v3 =	vsel vm0, $0x1, v0;
	vm0 =	vmor vm1, vm15  }
0x9a: {  	v3 =	vadd.s32 v3, v4;
	v18 =	vsel vm0, $0x1, v0  }
0x9b: {  	[tilespmem:$0x180] =	vst v16;
	v3 =	vadd.s32 v18, v3  }
0x9c: {  	v19 =	vld.idx.msk [tilespmem:v2+s31+$0x0], $0xffff;
	vm0 =	vlt.u32 v3, $0x8;
	_ =	sdelay $0x4  }
0x9d: {  	[tilespmem:$0x200] =	vst v19  }
0x9e: {  	v20 =	vpop (erf);
	[tilespmem:v3+s30+$0x0] =	vst.idx.msk vm0, v1  }
0x9f: {  	[tilespmem:v3+s31+$0x0] =	vst.idx.msk vm0, v20  }
0xa0: {  	v3 =	vld [tilespmem:$0x20];
	_ =	sdelay $0x4  }
0xa1: {  	v21 =	vbroadcast v3, $0x0  }
0xa2: {  	v22 =	vbroadcast v3, $0x1;
	v23 =	vbroadcast v3, $0x2  }
0xa3: {  	v26 =	vbroadcast v3, $0x3;
	v28 =	vbroadcast v3, $0x4  }
0xa4: {  	v30 =	vbroadcast v3, $0x5;
	v32 =	vbroadcast v3, $0x6  }
0xa5: {  	vm2 =	vmmov vm4;
	v33 =	vbroadcast v3, $0x7;
	v35 =	vbroadcast v3, $0x8  }
0xa6: {  	v38 =	vsub.f32 $0.0e+00, v3;
	v39 =	vbroadcast v3, $0x9;
	v41 =	vbroadcast v3, $0xA  }
0xa7: {  	v43 =	vbroadcast v3, $0xB;
	v45 =	vbroadcast v3, $0xC;
	vm0 =	veq.f32 v21, v3  }
0xa8: {  	v47 =	vbroadcast v3, $0xD;
	vm1 =	vlt.f32 v21, v3;
	vm0 =	vmand vm0, vm5  }
0xa9: {  	v49 =	vbroadcast v3, $0xE;
	v5 =	vmul.f32 $1.442695020e+00, v38;
	vm0 =	vmor vm1, vm0  }
0xaa: {  	vm5 =	vcmask $0x3F08;
	v24 =	vsel vm0, $0x1, v0;
	vm0 =	veq.f32 v22, v3  }
0xab: {  	vm15 =	veq.f32 v23, v3;
	vm1 =	vlt.f32 v22, v3;
	vm0 =	vmand vm0, vm5  }
0xac: {  	(erf) = vpow2.f32 v5;
	vm5 =	vcmask $0x3F0C;
	vm0 =	vmor vm1, vm0  }
0xad: {  	vm1 =	vlt.f32 v23, v3;
	vm15 =	vmand vm15, vm5;
	v25 =	vsel vm0, $0x1, v0  }
0xae: {  	vm5 =	vmor vm1, vm15;
	vm0 =	veq.f32 v26, v3;
	vm15 =	veq.f32 v28, v3  }
0xaf: {  	v27 =	vsel vm5, $0x1, v0;
	vm5 =	vlt.f32 v26, v3;
	vm0 =	vmand vm0, vm7  }
0xb0: {  	v4 =	vadd.s32 v25, v24;
	vm15 =	vmand vm15, vm6;
	vm0 =	vmor vm5, vm0  }
0xb1: {  	v4 =	vadd.s32 v27, v4;
	vm5 =	vlt.f32 v28, v3;
	v29 =	vsel vm0, $0x1, v0  }
0xb2: {  	vm5 =	vmor vm5, vm15;
	vm0 =	vlt.f32 v30, v3;
	vm15 =	veq.f32 v32, v3  }
0xb3: {  	v4 =	vadd.s32 v29, v4;
	v31 =	vsel vm5, $0x1, v0;
	vm5 =	veq.f32 v30, v3  }
0xb4: {  	vm15 =	vmand vm15, vm8;
	v4 =	vadd.s32 v31, v4;
	vm1 =	vmand vm5, vm4  }
0xb5: {  	vm4 =	vmmov vm8;
	vm5 =	veq.f32 v33, v3;
	vm8 =	vmmov vm10;
	v51 =	vpop (erf)  }
0xb6: {  	vm0 =	vmor vm0, vm1;
	vm1 =	vlt.f32 v32, v3;
	v5 =	vadd.f32 $1.000000000e+00, v51  }
0xb7: {  	v34 =	vsel vm0, $0x1, v0;
	vm0 =	vmor vm1, vm15;
	vm15 =	vlt.f32 v33, v3  }
0xb8: {  	vm1 =	vmand vm5, vm9;
	v4 =	vadd.s32 v34, v4;
	v36 =	vsel vm0, $0x1, v0  }
0xb9: {  	vm5 =	vmor vm15, vm1;
	vm0 =	veq.f32 v35, v3;
	vm15 =	veq.f32 v41, v3  }
0xba: {  	(erf) = vrcp.f32 v5;
	v4 =	vadd.s32 v36, v4;
	v37 =	vsel vm5, $0x1, v0  }
0xbb: {  	vm5 =	vlt.f32 v35, v3;
	vm0 =	vmand vm0, vm10;
	vm15 =	vmand vm15, vm12  }
0xbc: {  	vm10 =	vcmask $0x3F3C;
	v4 =	vadd.s32 v37, v4;
	vm0 =	vmor vm5, vm0  }
0xbd: {  	vm5 =	veq.f32 v39, v3;
	v40 =	vsel vm0, $0x1, v0;
	vm0 =	vlt.f32 v39, v3  }
0xbe: {  	vm1 =	vmand vm5, vm11;
	vm5 =	vlt.f32 v41, v3;
	v4 =	vadd.s32 v40, v4  }
0xbf: {  	vm0 =	vmor vm0, vm1;
	vm5 =	vmor vm5, vm15;
	vm15 =	veq.f32 v45, v3  }
0xc0: {  	v42 =	vsel vm0, $0x1, v0;
	v44 =	vsel vm5, $0x1, v0;
	vm0 =	veq.f32 v43, v3  }
0xc1: {  	vm5 =	vlt.f32 v43, v3;
	vm15 =	vmand vm15, vm14;
	vm0 =	vmand vm0, vm13  }
0xc2: {  	v4 =	vadd.s32 v42, v4;
	vm0 =	vmor vm5, vm0;
	vm5 =	vlt.f32 v45, v3  }
0xc3: {  	v4 =	vadd.s32 v44, v4;
	v46 =	vsel vm0, $0x1, v0;
	vm5 =	vmor vm5, vm15  }
0xc4: {  	v50 =	vld.idx.msk [tilespmem:v2+s30+$0x0], $0xffff;
	vm0 =	vlt.f32 v47, v3;
	v48 =	vsel vm5, $0x1, v0;
	vm5 =	veq.f32 v47, v3  }
0xc5: {  	vm15 =	veq.f32 v49, v3;
	v4 =	vadd.s32 v46, v4;
	vm1 =	vmand vm5, vm3  }
0xc6: {  	vm15 =	vmand vm15, vm10;
	vm5 =	vlt.f32 v49, v3;
	vm0 =	vmor vm0, vm1  }
0xc7: {  	v4 =	vadd.s32 v48, v4;
	vm5 =	vmor vm5, vm15;
	v3 =	vsel vm0, $0x1, v0  }
0xc8: {  	v52 =	vsel vm5, $0x1, v0;
	v3 =	vadd.s32 v3, v4  }
0xc9: {  	[tilespmem:$0x190] =	vst v50;
	v3 =	vadd.s32 v52, v3  }
0xca: {  	v53 =	vld.idx.msk [tilespmem:v2+s31+$0x0], $0xffff;
	vm5 =	vlt.u32 v3, $0x8;
	_ =	sdelay $0x4  }
0xcb: {  	[tilespmem:$0x210] =	vst v53  }
0xcc: {  	v54 =	vpop (erf);
	[tilespmem:v3+s30+$0x0] =	vst.idx.msk vm5, v1  }
0xcd: {  	[tilespmem:v3+s31+$0x0] =	vst.idx.msk vm5, v54  }
0xce: {  	v3 =	vld [tilespmem:$0x30];
	_ =	sdelay $0x4  }
0xcf: {  	v55 =	vbroadcast v3, $0x0;
	v56 =	vbroadcast v3, $0x1  }
0xd0: {  	v57 =	vbroadcast v3, $0x2;
	v60 =	vbroadcast v3, $0x3  }
0xd1: {  	v62 =	vbroadcast v3, $0x4;
	v9 =	vbroadcast v3, $0x5  }
0xd2: {  	v11 =	vbroadcast v3, $0x6;
	v12 =	vbroadcast v3, $0x7  }
0xd3: {  	vm5 =	vcmask $0x3F04;
	v14 =	vbroadcast v3, $0x8;
	v18 =	vbroadcast v3, $0x9  }
0xd4: {  	v17 =	vsub.f32 $0.0e+00, v3;
	v20 =	vbroadcast v3, $0xA;
	v22 =	vbroadcast v3, $0xB  }
0xd5: {  	v24 =	vbroadcast v3, $0xC;
	v26 =	vbroadcast v3, $0xD;
	vm0 =	veq.f32 v55, v3  }
0xd6: {  	v28 =	vbroadcast v3, $0xE;
	vm1 =	vlt.f32 v55, v3;
	vm0 =	vmand vm0, vm5  }
0xd7: {  	vm15 =	veq.f32 v57, v3;
	v5 =	vmul.f32 $1.442695020e+00, v17;
	vm0 =	vmor vm1, vm0  }
0xd8: {  	vm5 =	vcmask $0x3F08;
	v58 =	vsel vm0, $0x1, v0;
	vm0 =	veq.f32 v56, v3  }
0xd9: {  	vm1 =	vlt.f32 v56, v3;
	vm0 =	vmand vm0, vm5;
	vm5 =	vcmask $0x3F0C  }
0xda: {  	vm0 =	vmor vm1, vm0;
	vm1 =	vlt.f32 v57, v3;
	vm15 =	vmand vm15, vm5  }
0xdb: {  	(erf) = vpow2.f32 v5;
	v59 =	vsel vm0, $0x1, v0;
	vm5 =	vmor vm1, vm15  }
0xdc: {  	vm1 =	vlt.f32 v60, v3;
	vm15 =	veq.f32 v62, v3;
	v4 =	vadd.s32 v59, v58  }
0xdd: {  	v61 =	vsel vm5, $0x1, v0;
	vm5 =	veq.f32 v60, v3;
	vm15 =	vmand vm15, vm6  }
0xde: {  	vm6 =	veq.f32 v9, v3;
	v4 =	vadd.s32 v61, v4;
	vm0 =	vmand vm5, vm7  }
0xdf: {  	vm5 =	vmmov vm7;
	vm7 =	vlt.f32 v62, v3;
	vm0 =	vmor vm1, vm0  }
0xe0: {  	vm7 =	vmor vm7, vm15;
	vm1 =	vmand vm6, vm2;
	vm15 =	veq.f32 v11, v3  }
0xe1: {  	v63 =	vsel vm0, $0x1, v0;
	v10 =	vsel vm7, $0x1, v0;
	vm0 =	vlt.f32 v9, v3  }
0xe2: {  	vm7 =	vlt.f32 v11, v3;
	v4 =	vadd.s32 v63, v4;
	vm0 =	vmor vm0, vm1  }
0xe3: {  	vm15 =	vmand vm15, vm4;
	v4 =	vadd.s32 v10, v4;
	v13 =	vsel vm0, $0x1, v0  }
0xe4: {  	v30 =	vpop (erf);
	vm0 =	vmor vm7, vm15;
	vm7 =	veq.f32 v12, v3;
	vm15 =	vlt.f32 v12, v3  }
0xe5: {  	v5 =	vadd.f32 $1.000000000e+00, v30;
	vm1 =	vmand vm7, vm9;
	v4 =	vadd.s32 v13, v4  }
0xe6: {  	v15 =	vsel vm0, $0x1, v0;
	vm0 =	veq.f32 v14, v3;
	vm7 =	vmor vm15, vm1  }
0xe7: {  	v4 =	vadd.s32 v15, v4;
	vm0 =	vmand vm0, vm8;
	vm15 =	veq.f32 v20, v3  }
0xe8: {  	(erf) = vrcp.f32 v5;
	v16 =	vsel vm7, $0x1, v0;
	vm7 =	vlt.f32 v14, v3  }
0xe9: {  	vm15 =	vmand vm15, vm12;
	vm0 =	vmor vm7, vm0;
	vm7 =	veq.f32 v18, v3  }
0xea: {  	v19 =	vsel vm0, $0x1, v0;
	vm0 =	vlt.f32 v18, v3;
	vm1 =	vmand vm7, vm11  }
0xeb: {  	v4 =	vadd.s32 v16, v4;
	vm0 =	vmor vm0, vm1;
	vm1 =	vlt.f32 v20, v3  }
0xec: {  	v4 =	vadd.s32 v19, v4;
	v21 =	vsel vm0, $0x1, v0;
	vm0 =	vmor vm1, vm15  }
0xed: {  	vm1 =	vlt.f32 v22, v3;
	v23 =	vsel vm0, $0x1, v0;
	vm0 =	veq.f32 v22, v3  }
0xee: {  	vm15 =	veq.f32 v24, v3;
	v4 =	vadd.s32 v21, v4;
	vm0 =	vmand vm0, vm13  }
0xef: {  	vm15 =	vmand vm15, vm14;
	vm0 =	vmor vm1, vm0;
	vm1 =	vlt.f32 v24, v3  }
0xf0: {  	v4 =	vadd.s32 v23, v4;
	v25 =	vsel vm0, $0x1, v0;
	vm0 =	vmor vm1, vm15  }
0xf1: {  	v29 =	vld.idx.msk [tilespmem:v2+s30+$0x0], $0xffff;
	vm1 =	veq.f32 v26, v3;
	vm15 =	veq.f32 v28, v3;
	v4 =	vadd.s32 v25, v4  }
0xf2: {  	v27 =	vsel vm0, $0x1, v0;
	vm0 =	vlt.f32 v26, v3;
	vm1 =	vmand vm1, vm3  }
0xf3: {  	vm15 =	vmand vm15, vm10;
	vm0 =	vmor vm0, vm1;
	vm1 =	vlt.f32 v28, v3  }
0xf4: {  	v4 =	vadd.s32 v27, v4;
	v3 =	vsel vm0, $0x1, v0;
	vm0 =	vmor vm1, vm15  }
0xf5: {  	v3 =	vadd.s32 v3, v4;
	v31 =	vsel vm0, $0x1, v0  }
0xf6: {  	[tilespmem:$0x1A0] =	vst v29;
	v3 =	vadd.s32 v31, v3  }
0xf7: {  	v32 =	vld.idx.msk [tilespmem:v2+s31+$0x0], $0xffff;
	vm0 =	vlt.u32 v3, $0x8;
	_ =	sdelay $0x4  }
0xf8: {  	[tilespmem:$0x220] =	vst v32  }
0xf9: {  	v33 =	vpop (erf);
	[tilespmem:v3+s30+$0x0] =	vst.idx.msk vm0, v1  }
0xfa: {  	[tilespmem:v3+s31+$0x0] =	vst.idx.msk vm0, v33  }
0xfb: {  	v3 =	vld [tilespmem:$0x40];
	_ =	sdelay $0x4  }
0xfc: {  	vm6 =	vmmov vm2;
	v34 =	vbroadcast v3, $0x0  }
0xfd: {  	vm2 =	vmmov vm8;
	v35 =	vbroadcast v3, $0x1;
	v36 =	vbroadcast v3, $0x2  }
0xfe: {  	vm8 =	vcmask $0x3F04;
	v39 =	vbroadcast v3, $0x3;
	v41 =	vbroadcast v3, $0x4  }
0xff: {  	vm7 =	vmmov vm11;
	v43 =	vbroadcast v3, $0x5;
	v45 =	vbroadcast v3, $0x6  }
0x100: {  	vm11 =	vcmask $0x3F08;
	v46 =	vbroadcast v3, $0x7;
	v48 =	vbroadcast v3, $0x8  }
0x101: {  	v51 =	vsub.f32 $0.0e+00, v3;
	v52 =	vbroadcast v3, $0x9;
	v54 =	vbroadcast v3, $0xA  }
0x102: {  	v56 =	vbroadcast v3, $0xB;
	v58 =	vbroadcast v3, $0xC;
	vm0 =	veq.f32 v34, v3  }
0x103: {  	v60 =	vbroadcast v3, $0xD;
	vm1 =	vlt.f32 v34, v3;
	vm0 =	vmand vm0, vm8  }
0x104: {  	vm15 =	veq.f32 v36, v3;
	v5 =	vmul.f32 $1.442695020e+00, v51;
	vm0 =	vmor vm1, vm0  }
0x105: {  	vm8 =	vcmask $0x3F0C;
	v37 =	vsel vm0, $0x1, v0;
	vm0 =	veq.f32 v35, v3  }
0x106: {  	vm1 =	vlt.f32 v35, v3;
	(erf) = vpow2.f32 v5;
	vm0 =	vmand vm0, vm11  }
0x107: {  	vm15 =	vmand vm15, vm8;
	vm0 =	vmor vm1, vm0;
	vm1 =	vlt.f32 v36, v3  }
0x108: {  	v62 =	vbroadcast v3, $0xE;
	v38 =	vsel vm0, $0x1, v0;
	vm0 =	vmor vm1, vm15  }
0x109: {  	vm8 =	vcmask $0x3F14;
	v40 =	vsel vm0, $0x1, v0;
	vm0 =	veq.f32 v39, v3  }
0x10a: {  	vm1 =	vlt.f32 v39, v3;
	vm15 =	veq.f32 v41, v3;
	vm0 =	vmand vm0, vm5  }
0x10b: {  	v4 =	vadd.s32 v38, v37;
	vm15 =	vmand vm15, vm8;
	vm0 =	vmor vm1, vm0  }
0x10c: {  	v4 =	vadd.s32 v40, v4;
	vm1 =	vlt.f32 v41, v3;
	v42 =	vsel vm0, $0x1, v0  }
0x10d: {  	vm0 =	vmor vm1, vm15;
	vm1 =	veq.f32 v43, v3;
	vm15 =	veq.f32 v45, v3  }
0x10e: {  	v4 =	vadd.s32 v42, v4;
	v44 =	vsel vm0, $0x1, v0;
	vm0 =	vlt.f32 v43, v3  }
0x10f: {  	vm1 =	vmand vm1, vm6;
	vm15 =	vmand vm15, vm4;
	v12 =	vpop (erf);
	v4 =	vadd.s32 v44, v4  }
0x110: {  	vm0 =	vmor vm0, vm1;
	vm1 =	vlt.f32 v45, v3;
	v5 =	vadd.f32 $1.000000000e+00, v12  }
0x111: {  	v47 =	vsel vm0, $0x1, v0;
	vm0 =	vmor vm1, vm15;
	vm1 =	veq.f32 v46, v3  }
0x112: {  	vm15 =	vlt.f32 v46, v3;
	vm1 =	vmand vm1, vm9;
	v4 =	vadd.s32 v47, v4  }
0x113: {  	v49 =	vsel vm0, $0x1, v0;
	(erf) = vrcp.f32 v5;
	vm0 =	vmor vm15, vm1  }
0x114: {  	v4 =	vadd.s32 v49, v4;
	v50 =	vsel vm0, $0x1, v0;
	vm0 =	veq.f32 v48, v3  }
0x115: {  	vm1 =	vlt.f32 v48, v3;
	vm15 =	veq.f32 v54, v3;
	vm0 =	vmand vm0, vm2  }
0x116: {  	vm15 =	vmand vm15, vm12;
	vm0 =	vmor vm1, vm0;
	vm1 =	veq.f32 v52, v3  }
0x117: {  	v53 =	vsel vm0, $0x1, v0;
	vm0 =	vlt.f32 v52, v3;
	vm1 =	vmand vm1, vm7  }
0x118: {  	v4 =	vadd.s32 v50, v4;
	vm0 =	vmor vm0, vm1;
	vm1 =	vlt.f32 v54, v3  }
0x119: {  	v4 =	vadd.s32 v53, v4;
	v55 =	vsel vm0, $0x1, v0;
	vm0 =	vmor vm1, vm15  }
0x11a: {  	vm1 =	vlt.f32 v56, v3;
	v57 =	vsel vm0, $0x1, v0;
	vm0 =	veq.f32 v56, v3  }
0x11b: {  	vm15 =	veq.f32 v58, v3;
	v4 =	vadd.s32 v55, v4;
	vm0 =	vmand vm0, vm13  }
0x11c: {  	vm15 =	vmand vm15, vm14;
	vm0 =	vmor vm1, vm0;
	vm1 =	vlt.f32 v58, v3  }
0x11d: {  	v4 =	vadd.s32 v57, v4;
	v59 =	vsel vm0, $0x1, v0;
	vm0 =	vmor vm1, vm15  }
0x11e: {  	v63 =	vld.idx.msk [tilespmem:v2+s30+$0x0], $0xffff;
	vm1 =	veq.f32 v60, v3;
	vm15 =	veq.f32 v62, v3;
	v4 =	vadd.s32 v59, v4  }
0x11f: {  	v61 =	vsel vm0, $0x1, v0;
	vm0 =	vlt.f32 v60, v3;
	vm1 =	vmand vm1, vm3  }
0x120: {  	vm15 =	vmand vm15, vm10;
	vm0 =	vmor vm0, vm1;
	vm1 =	vlt.f32 v62, v3  }
0x121: {  	v4 =	vadd.s32 v61, v4;
	v3 =	vsel vm0, $0x1, v0;
	vm0 =	vmor vm1, vm15  }
0x122: {  	v3 =	vadd.s32 v3, v4;
	v13 =	vsel vm0, $0x1, v0  }
0x123: {  	[tilespmem:$0x1B0] =	vst v63;
	v3 =	vadd.s32 v13, v3  }
0x124: {  	v14 =	vld.idx.msk [tilespmem:v2+s31+$0x0], $0xffff;
	vm0 =	vlt.u32 v3, $0x8;
	_ =	sdelay $0x4  }
0x125: {  	[tilespmem:$0x230] =	vst v14  }
0x126: {  	v15 =	vpop (erf);
	[tilespmem:v3+s30+$0x0] =	vst.idx.msk vm0, v1  }
0x127: {  	[tilespmem:v3+s31+$0x0] =	vst.idx.msk vm0, v15  }
0x128: {  	v3 =	vld [tilespmem:$0x50];
	_ =	sdelay $0x4  }
0x129: {  	v16 =	vbroadcast v3, $0x0;
	v17 =	vbroadcast v3, $0x1  }
0x12a: {  	v18 =	vbroadcast v3, $0x2;
	v21 =	vbroadcast v3, $0x3  }
0x12b: {  	v23 =	vbroadcast v3, $0x4;
	v25 =	vbroadcast v3, $0x5  }
0x12c: {  	vm8 =	vcmask $0x3F04;
	v27 =	vbroadcast v3, $0x6;
	v28 =	vbroadcast v3, $0x7  }
0x12d: {  	vm10 =	vcmask $0x3F0C;
	v30 =	vbroadcast v3, $0x8;
	v34 =	vbroadcast v3, $0x9  }
0x12e: {  	v33 =	vsub.f32 $0.0e+00, v3;
	v36 =	vbroadcast v3, $0xA;
	v38 =	vbroadcast v3, $0xB  }
0x12f: {  	v40 =	vbroadcast v3, $0xC;
	v42 =	vbroadcast v3, $0xD;
	vm0 =	veq.f32 v16, v3  }
0x130: {  	v44 =	vbroadcast v3, $0xE;
	vm1 =	vlt.f32 v16, v3;
	vm0 =	vmand vm0, vm8  }
0x131: {  	vm15 =	veq.f32 v18, v3;
	v5 =	vmul.f32 $1.442695020e+00, v33;
	vm0 =	vmor vm1, vm0  }
0x132: {  	vm15 =	vmand vm15, vm10;
	v19 =	vsel vm0, $0x1, v0;
	vm0 =	veq.f32 v17, v3  }
0x133: {  	vm8 =	vcmask $0x3F14;
	vm1 =	vlt.f32 v17, v3;
	vm0 =	vmand vm0, vm11  }
0x134: {  	(erf) = vpow2.f32 v5;
	vm0 =	vmor vm1, vm0;
	vm1 =	vlt.f32 v18, v3  }
0x135: {  	v20 =	vsel vm0, $0x1, v0;
	vm0 =	vmor vm1, vm15;
	vm1 =	vlt.f32 v21, v3  }
0x136: {  	vm15 =	veq.f32 v23, v3;
	v22 =	vsel vm0, $0x1, v0;
	vm0 =	veq.f32 v21, v3  }
0x137: {  	v4 =	vadd.s32 v20, v19;
	vm15 =	vmand vm15, vm8;
	vm0 =	vmand vm0, vm5  }
0x138: {  	v4 =	vadd.s32 v22, v4;
	vm0 =	vmor vm1, vm0;
	vm1 =	vlt.f32 v23, v3  }
0x139: {  	v24 =	vsel vm0, $0x1, v0;
	vm0 =	vmor vm1, vm15;
	vm1 =	veq.f32 v25, v3  }
0x13a: {  	vm15 =	veq.f32 v27, v3;
	v4 =	vadd.s32 v24, v4;
	v26 =	vsel vm0, $0x1, v0  }
0x13b: {  	vm0 =	vlt.f32 v25, v3;
	vm1 =	vmand vm1, vm6;
	vm6 =	vlt.f32 v27, v3  }
0x13c: {  	vm15 =	vmand vm15, vm4;
	v4 =	vadd.s32 v26, v4;
	vm0 =	vmor vm0, vm1  }
0x13d: {  	v46 =	vpop (erf);
	vm4 =	vmor vm6, vm15;
	vm6 =	veq.f32 v28, v3;
	vm15 =	vlt.f32 v28, v3  }
0x13e: {  	v5 =	vadd.f32 $1.000000000e+00, v46;
	v29 =	vsel vm0, $0x1, v0;
	vm1 =	vmand vm6, vm9  }
0x13f: {  	v31 =	vsel vm4, $0x1, v0;
	vm6 =	veq.f32 v30, v3;
	v4 =	vadd.s32 v29, v4  }
0x140: {  	vm4 =	vmor vm15, vm1;
	vm0 =	vmand vm6, vm2;
	vm6 =	vlt.f32 v34, v3  }
0x141: {  	vm15 =	veq.f32 v36, v3;
	v32 =	vsel vm4, $0x1, v0;
	vm4 =	vlt.f32 v30, v3  }
0x142: {  	(erf) = vrcp.f32 v5;
	vm0 =	vmor vm4, vm0;
	vm4 =	veq.f32 v34, v3  }
0x143: {  	v4 =	vadd.s32 v31, v4;
	vm15 =	vmand vm15, vm12;
	vm1 =	vmand vm4, vm7  }
0x144: {  	v4 =	vadd.s32 v32, v4;
	v35 =	vsel vm0, $0x1, v0;
	vm0 =	vmor vm6, vm1  }
0x145: {  	v4 =	vadd.s32 v35, v4;
	vm6 =	vlt.f32 v36, v3;
	v37 =	vsel vm0, $0x1, v0  }
0x146: {  	vm4 =	vmor vm6, vm15;
	vm6 =	veq.f32 v38, v3;
	vm15 =	veq.f32 v40, v3  }
0x147: {  	v4 =	vadd.s32 v37, v4;
	v39 =	vsel vm4, $0x1, v0;
	vm4 =	vlt.f32 v38, v3  }
0x148: {  	vm0 =	vmand vm6, vm13;
	vm6 =	vlt.f32 v40, v3;
	vm15 =	vmand vm15, vm14  }
0x149: {  	v4 =	vadd.s32 v39, v4;
	vm0 =	vmor vm4, vm0;
	vm4 =	vmor vm6, vm15  }
0x14a: {  	vm6 =	veq.f32 v42, v3;
	vm15 =	veq.f32 v44, v3;
	v41 =	vsel vm0, $0x1, v0  }
0x14b: {  	v45 =	vld.idx.msk [tilespmem:v2+s30+$0x0], $0xffff;
	v43 =	vsel vm4, $0x1, v0;
	vm0 =	vlt.f32 v42, v3;
	vm1 =	vmand vm6, vm3  }
0x14c: {  	vm6 =	vmmov vm3;
	vm3 =	vcmask $0x3F3C;
	v4 =	vadd.s32 v41, v4  }
0x14d: {  	vm0 =	vmor vm0, vm1;
	vm1 =	vlt.f32 v44, v3;
	vm15 =	vmand vm15, vm3  }
0x14e: {  	v4 =	vadd.s32 v43, v4;
	v3 =	vsel vm0, $0x1, v0;
	vm4 =	vmor vm1, vm15  }
0x14f: {  	v3 =	vadd.s32 v3, v4;
	v47 =	vsel vm4, $0x1, v0  }
0x150: {  	[tilespmem:$0x1C0] =	vst v45;
	v3 =	vadd.s32 v47, v3  }
0x151: {  	v48 =	vld.idx.msk [tilespmem:v2+s31+$0x0], $0xffff;
	vm4 =	vlt.u32 v3, $0x8;
	_ =	sdelay $0x4  }
0x152: {  	[tilespmem:$0x240] =	vst v48  }
0x153: {  	v49 =	vpop (erf);
	[tilespmem:v3+s30+$0x0] =	vst.idx.msk vm4, v1  }
0x154: {  	[tilespmem:v3+s31+$0x0] =	vst.idx.msk vm4, v49  }
0x155: {  	v3 =	vld [tilespmem:$0x60];
	_ =	sdelay $0x4  }
0x156: {  	v50 =	vbroadcast v3, $0x0;
	v51 =	vbroadcast v3, $0x1  }
0x157: {  	v52 =	vbroadcast v3, $0x2;
	v55 =	vbroadcast v3, $0x3  }
0x158: {  	v57 =	vbroadcast v3, $0x4;
	v59 =	vbroadcast v3, $0x5  }
0x159: {  	v61 =	vbroadcast v3, $0x6;
	v62 =	vbroadcast v3, $0x7  }
0x15a: {  	vm3 =	vcmask $0x3F04;
	v9 =	vbroadcast v3, $0x8;
	v13 =	vbroadcast v3, $0x9  }
0x15b: {  	v12 =	vsub.f32 $0.0e+00, v3;
	v15 =	vbroadcast v3, $0xA;
	v17 =	vbroadcast v3, $0xB  }
0x15c: {  	v19 =	vbroadcast v3, $0xC;
	v21 =	vbroadcast v3, $0xD;
	vm0 =	veq.f32 v50, v3  }
0x15d: {  	v23 =	vbroadcast v3, $0xE;
	vm1 =	vlt.f32 v50, v3;
	vm0 =	vmand vm0, vm3  }
0x15e: {  	vm4 =	vlt.f32 v51, v3;
	v5 =	vmul.f32 $1.442695020e+00, v12;
	vm0 =	vmor vm1, vm0  }
0x15f: {  	vm15 =	veq.f32 v52, v3;
	v53 =	vsel vm0, $0x1, v0;
	vm0 =	veq.f32 v51, v3  }
0x160: {  	vm15 =	vmand vm15, vm10;
	(erf) = vpow2.f32 v5;
	vm0 =	vmand vm0, vm11  }
0x161: {  	vm3 =	vcmask $0x3F1C;
	vm0 =	vmor vm4, vm0;
	vm4 =	vlt.f32 v52, v3  }
0x162: {  	vm1 =	veq.f32 v59, v3;
	v54 =	vsel vm0, $0x1, v0;
	vm4 =	vmor vm4, vm15  }
0x163: {  	vm0 =	veq.f32 v55, v3;
	vm15 =	veq.f32 v57, v3;
	v4 =	vadd.s32 v54, v53  }
0x164: {  	v56 =	vsel vm4, $0x1, v0;
	vm4 =	vlt.f32 v55, v3;
	vm0 =	vmand vm0, vm5  }
0x165: {  	vm15 =	vmand vm15, vm8;
	vm0 =	vmor vm4, vm0;
	vm4 =	vlt.f32 v57, v3  }
0x166: {  	v4 =	vadd.s32 v56, v4;
	v58 =	vsel vm0, $0x1, v0;
	vm4 =	vmor vm4, vm15  }
0x167: {  	vm0 =	vlt.f32 v59, v3;
	vm15 =	veq.f32 v61, v3;
	v4 =	vadd.s32 v58, v4  }
0x168: {  	v60 =	vsel vm4, $0x1, v0;
	vm4 =	vcmask $0x3F18;
	vm15 =	vmand vm15, vm3  }
0x169: {  	vm3 =	vcmask $0x3F3C;
	v4 =	vadd.s32 v60, v4;
	vm1 =	vmand vm1, vm4;
	v25 =	vpop (erf)  }
0x16a: {  	vm0 =	vmor vm0, vm1;
	vm1 =	vlt.f32 v61, v3;
	v5 =	vadd.f32 $1.000000000e+00, v25  }
0x16b: {  	v63 =	vsel vm0, $0x1, v0;
	vm0 =	vmor vm1, vm15;
	vm1 =	veq.f32 v62, v3  }
0x16c: {  	vm15 =	vlt.f32 v62, v3;
	vm1 =	vmand vm1, vm9;
	v4 =	vadd.s32 v63, v4  }
0x16d: {  	v10 =	vsel vm0, $0x1, v0;
	(erf) = vrcp.f32 v5;
	vm0 =	vmor vm15, vm1  }
0x16e: {  	v4 =	vadd.s32 v10, v4;
	v11 =	vsel vm0, $0x1, v0;
	vm0 =	veq.f32 v9, v3  }
0x16f: {  	vm1 =	vlt.f32 v9, v3;
	vm15 =	veq.f32 v15, v3;
	vm0 =	vmand vm0, vm2  }
0x170: {  	vm15 =	vmand vm15, vm12;
	vm0 =	vmor vm1, vm0;
	vm1 =	veq.f32 v13, v3  }
0x171: {  	v14 =	vsel vm0, $0x1, v0;
	vm0 =	vlt.f32 v13, v3;
	vm1 =	vmand vm1, vm7  }
0x172: {  	v4 =	vadd.s32 v11, v4;
	vm0 =	vmor vm0, vm1;
	vm1 =	vlt.f32 v15, v3  }
0x173: {  	v4 =	vadd.s32 v14, v4;
	v16 =	vsel vm0, $0x1, v0;
	vm0 =	vmor vm1, vm15  }
0x174: {  	vm1 =	vlt.f32 v17, v3;
	v18 =	vsel vm0, $0x1, v0;
	vm0 =	veq.f32 v17, v3  }
0x175: {  	vm15 =	veq.f32 v19, v3;
	v4 =	vadd.s32 v16, v4;
	vm0 =	vmand vm0, vm13  }
0x176: {  	vm15 =	vmand vm15, vm14;
	vm0 =	vmor vm1, vm0;
	vm1 =	vlt.f32 v19, v3  }
0x177: {  	v4 =	vadd.s32 v18, v4;
	v20 =	vsel vm0, $0x1, v0;
	vm0 =	vmor vm1, vm15  }
0x178: {  	v24 =	vld.idx.msk [tilespmem:v2+s30+$0x0], $0xffff;
	vm1 =	veq.f32 v21, v3;
	vm15 =	veq.f32 v23, v3;
	v4 =	vadd.s32 v20, v4  }
0x179: {  	v22 =	vsel vm0, $0x1, v0;
	vm0 =	vlt.f32 v21, v3;
	vm1 =	vmand vm1, vm6  }
0x17a: {  	vm15 =	vmand vm15, vm3;
	vm0 =	vmor vm0, vm1;
	vm1 =	vlt.f32 v23, v3  }
0x17b: {  	v4 =	vadd.s32 v22, v4;
	v3 =	vsel vm0, $0x1, v0;
	vm0 =	vmor vm1, vm15  }
0x17c: {  	v3 =	vadd.s32 v3, v4;
	v26 =	vsel vm0, $0x1, v0  }
0x17d: {  	[tilespmem:$0x1D0] =	vst v24;
	v3 =	vadd.s32 v26, v3  }
0x17e: {  	v27 =	vld.idx.msk [tilespmem:v2+s31+$0x0], $0xffff;
	vm0 =	vlt.u32 v3, $0x8;
	_ =	sdelay $0x4  }
0x17f: {  	[tilespmem:$0x250] =	vst v27  }
0x180: {  	v28 =	vpop (erf);
	[tilespmem:v3+s30+$0x0] =	vst.idx.msk vm0, v1  }
0x181: {  	[tilespmem:v3+s31+$0x0] =	vst.idx.msk vm0, v28  }
0x182: {  	v3 =	vld [tilespmem:$0x70];
	_ =	sdelay $0x4  }
0x183: {  	v29 =	vbroadcast v3, $0x0;
	v30 =	vbroadcast v3, $0x1  }
0x184: {  	v31 =	vbroadcast v3, $0x2;
	v34 =	vbroadcast v3, $0x3  }
0x185: {  	v36 =	vbroadcast v3, $0x4;
	v38 =	vbroadcast v3, $0x5  }
0x186: {  	v40 =	vbroadcast v3, $0x6;
	v42 =	vbroadcast v3, $0x7  }
0x187: {  	v44 =	vbroadcast v3, $0x8;
	v46 =	vbroadcast v3, $0x9  }
0x188: {  	vm2 =	vcmask $0x3F04;
	v50 =	vbroadcast v3, $0xA;
	v52 =	vbroadcast v3, $0xB  }
0x189: {  	v47 =	vsub.f32 $0.0e+00, v3;
	v53 =	vbroadcast v3, $0xC;
	v55 =	vbroadcast v3, $0xD  }
0x18a: {  	v57 =	vbroadcast v3, $0xE;
	vm0 =	vlt.f32 v29, v3;
	vm1 =	veq.f32 v29, v3  }
0x18b: {  	vm15 =	veq.f32 v30, v3;
	v48 =	vmul.f32 $1.442695020e+00, v47;
	vm1 =	vmand vm1, vm2  }
0x18c: {  	vm2 =	vlt.f32 v30, v3;
	vm15 =	vmand vm15, vm11;
	vm0 =	vmor vm0, vm1  }
0x18d: {  	vm1 =	vmor vm2, vm15;
	vm2 =	veq.f32 v34, v3;
	(erf) = vpow2.f32 v48  }
0x18e: {  	vm15 =	veq.f32 v57, v3;
	v32 =	vsel vm0, $0x1, v0;
	vm0 =	veq.f32 v31, v3  }
0x18f: {  	v33 =	vsel vm1, $0x1, v0;
	vm1 =	vlt.f32 v31, v3;
	vm0 =	vmand vm0, vm10  }
0x190: {  	vm2 =	vmand vm2, vm5;
	vm0 =	vmor vm1, vm0;
	vm1 =	vlt.f32 v34, v3  }
0x191: {  	v5 =	vadd.s32 v33, v32;
	v35 =	vsel vm0, $0x1, v0;
	vm5 =	vmor vm1, vm2  }
0x192: {  	vm0 =	veq.f32 v36, v3;
	vm2 =	veq.f32 v38, v3;
	v4 =	vadd.s32 v35, v5  }
0x193: {  	v37 =	vsel vm5, $0x1, v0;
	vm5 =	vlt.f32 v36, v3;
	vm0 =	vmand vm0, vm8  }
0x194: {  	vm2 =	vmand vm2, vm4;
	vm0 =	vmor vm5, vm0;
	vm5 =	vlt.f32 v38, v3  }
0x195: {  	v4 =	vadd.s32 v37, v4;
	v39 =	vsel vm0, $0x1, v0;
	vm4 =	vmor vm5, vm2  }
0x196: {  	vm1 =	vlt.f32 v40, v3;
	v4 =	vadd.s32 v39, v4;
	v41 =	vsel vm4, $0x1, v0  }
0x197: {  	vm5 =	veq.f32 v40, v3;
	vm4 =	vcmask $0x3F1C;
	v4 =	vadd.s32 v41, v4  }
0x198: {  	vm0 =	vmand vm5, vm4;
	vm5 =	veq.f32 v42, v3;
	vm4 =	vlt.f32 v42, v3;
	v59 =	vpop (erf)  }
0x199: {  	vm0 =	vmor vm1, vm0;
	vm2 =	vmand vm5, vm9;
	v6 =	vadd.f32 $1.000000000e+00, v59  }
0x19a: {  	v43 =	vsel vm0, $0x1, v0;
	vm5 =	vmor vm4, vm2;
	vm0 =	veq.f32 v44, v3  }
0x19b: {  	v4 =	vadd.s32 v43, v4;
	v45 =	vsel vm5, $0x1, v0;
	vm5 =	vcmask $0x3F24  }
0x19c: {  	vm4 =	vlt.f32 v44, v3;
	v4 =	vadd.s32 v45, v4;
	vm0 =	vmand vm0, vm5  }
0x19d: {  	vm5 =	vlt.f32 v46, v3;
	vm0 =	vmor vm4, vm0;
	vm4 =	veq.f32 v46, v3  }
0x19e: {  	v49 =	vsel vm0, $0x1, v0;
	vm1 =	vmand vm4, vm7;
	vm4 =	vlt.f32 v50, v3  }
0x19f: {  	vm7 =	veq.f32 v52, v3;
	vm0 =	vmor vm5, vm1;
	v4 =	vadd.s32 v49, v4  }
0x1a0: {  	vm5 =	veq.f32 v50, v3;
	vm2 =	vmand vm7, vm13;
	v51 =	vsel vm0, $0x1, v0  }
0x1a1: {  	vm7 =	veq.f32 v53, v3;
	vm1 =	vmand vm5, vm12;
	v4 =	vadd.s32 v51, v4  }
0x1a2: {  	vm0 =	vmor vm4, vm1;
	vm4 =	vlt.f32 v52, v3;
	vm1 =	vmand vm7, vm14  }
0x1a3: {  	vm7 =	vlt.f32 v55, v3;
	vm5 =	vmor vm4, vm2;
	vm4 =	vlt.f32 v53, v3  }
0x1a4: {  	v54 =	vsel vm0, $0x1, v0;
	v56 =	vsel vm5, $0x1, v0;
	vm5 =	vmor vm4, vm1  }
0x1a5: {  	vm4 =	veq.f32 v55, v3;
	v58 =	vsel vm5, $0x1, v0;
	vm5 =	vlt.f32 v57, v3;
	v3 =	vld.idx.msk [tilespmem:v2+s30+$0x0], $0xffff  }
0x1a6: {  	vm15 =	vmand vm15, vm3;
	v4 =	vadd.s32 v54, v4;
	vm2 =	vmand vm4, vm6  }
0x1a7: {  	(erf) = vrcp.f32 v6;
	v4 =	vadd.s32 v56, v4;
	vm1 =	vmor vm7, vm2  }
0x1a8: {  	vm0 =	vmor vm5, vm15;
	v4 =	vadd.s32 v58, v4;
	v60 =	vsel vm1, $0x1, v0  }
0x1a9: {  	v61 =	vsel vm0, $0x1, v0;
	v4 =	vadd.s32 v60, v4  }
0x1aa: {  	[tilespmem:$0x1E0] =	vst v3;
	v3 =	vadd.s32 v61, v4  }
0x1ab: {  	v62 =	vld.idx.msk [tilespmem:v2+s31+$0x0], $0xffff;
	vm7 =	vlt.u32 v3, $0x8;
	_ =	sdelay $0x4  }
0x1ac: {  	[tilespmem:$0x260] =	vst v62  }
0x1ad: {  	v63 =	vpop (erf);
	[tilespmem:v3+s30+$0x0] =	vst.idx.msk vm7, v1  }
0x1ae: {  	[tilespmem:v3+s31+$0x0] =	vst.idx.msk vm7, v63  }
0x1af: {  	v3 =	vld.idx.msk [tilespmem:v2+s30+$0x0], $0xffff;
	_ =	sdelay $0x4  }
0x1b0: {  	[tilespmem:$0x1F0] =	vst v3  }
0x1b1: {  	v3 =	vld.idx.msk [tilespmem:v2+s31+$0x0], $0xffff;
	_ =	sdelay $0x4  }
0x1b2: {  	s19 =	simm.s32 $0x0;
	[tilespmem:$0x270] =	vst v3  }
.LBB2_2:
0x1b3: {  	s0 =	sadd.s32 s3, s19  }
0x1b4: {  	p0 =	seq.s32 s19, $0x0;
	s2 =	smulhi.u32 $0xAAAAAAAB, s0  }
.Ltmp0:
0x1b5: {  	_ = 	snop;
	(pc) =	sbr.rel @p0 .LBB2_4-.Ltmp0, $3  }
0x1b6: {  	s2 =	sshrl.u32 s2, $0x4  }
0x1b7: {  	s6 =	smul.u32 $0x1FFFFFE8, s2;
	_ =	sdelay $0x1  }
0x1b8: {  	s11 =	sadd.s32 s0, s6  }
0x1b9: {  	s0 =	smul.u32 $0x168000, s2  }
0x1ba: {  	s6 =	sshll.u32 s11, $0xC  }
0x1bb: {  	s0 =	sadd.s32 s0, s6  }
0x1bc: {  	s6 =	sshrl.u32 s0, $0x3  }
0x1bd: {  	s7 =	simm.s32 $0x280;
	s21 =	sadd.s32 $0x18000, s0;
	s6 =	sadd.s32 s1, s6  }
0x1be: {  	[tilespmem:s7], [sflag:$0x1] =	stream.linear.gather [hbm4b:s6+s5], $0x1000, $0x38;
	[tilespmem:$0x17280] =	vst v63  }
0x1bf: {  	s6 =	sshrl.u32 s21, $0x3  }
0x1c0: {  	s22 =	simm.s32 $0x1280;
	s23 =	sadd.s32 $0x30000, s0;
	s6 =	sadd.s32 s1, s6  }
0x1c1: {  	[tilespmem:s22], [sflag:$0x1] =	stream.linear.gather [hbm4b:s6+s5], $0x1000, $0x38;
	[tilespmem:$0x17280] =	vst v63  }
0x1c2: {  	s6 =	sshrl.u32 s23, $0x3  }
0x1c3: {  	s24 =	simm.s32 $0x2280;
	s25 =	sadd.s32 $0x48000, s0;
	s6 =	sadd.s32 s1, s6  }
0x1c4: {  	[tilespmem:s24], [sflag:$0x1] =	stream.linear.gather [hbm4b:s6+s5], $0x1000, $0x38;
	[tilespmem:$0x17280] =	vst v63  }
0x1c5: {  	s6 =	sshrl.u32 s25, $0x3  }
0x1c6: {  	s26 =	simm.s32 $0x3280;
	s28 =	sadd.s32 $0x60000, s0;
	s6 =	sadd.s32 s1, s6  }
0x1c7: {  	[tilespmem:s26], [sflag:$0x1] =	stream.linear.gather [hbm4b:s6+s5], $0x1000, $0x38;
	[tilespmem:$0x17280] =	vst v63  }
0x1c8: {  	s6 =	sshrl.u32 s28, $0x3  }
0x1c9: {  	s29 =	simm.s32 $0x4280;
	s30 =	sadd.s32 $0x78000, s0;
	s6 =	sadd.s32 s1, s6  }
0x1ca: {  	[tilespmem:s29], [sflag:$0x1] =	stream.linear.gather [hbm4b:s6+s5], $0x1000, $0x38;
	[tilespmem:$0x17280] =	vst v63  }
0x1cb: {  	s6 =	sshrl.u32 s30, $0x3  }
0x1cc: {  	s31 =	simm.s32 $0x5280;
	s12 =	sadd.s32 $0x90000, s0;
	s6 =	sadd.s32 s1, s6  }
0x1cd: {  	[tilespmem:s31], [sflag:$0x1] =	stream.linear.gather [hbm4b:s6+s5], $0x1000, $0x38;
	[tilespmem:$0x17280] =	vst v63  }
0x1ce: {  	s6 =	sshrl.u32 s12, $0x3  }
0x1cf: {  	s13 =	simm.s32 $0x6280;
	s18 =	sadd.s32 $0xA8000, s0;
	s6 =	sadd.s32 s1, s6  }
0x1d0: {  	[tilespmem:s13], [sflag:$0x1] =	stream.linear.gather [hbm4b:s6+s5], $0x1000, $0x38;
	[tilespmem:$0x17280] =	vst v63  }
0x1d1: {  	s6 =	sshrl.u32 s18, $0x3  }
0x1d2: {  	s20 =	simm.s32 $0x7280;
	s21 =	sadd.s32 $0xC0000, s0;
	s6 =	sadd.s32 s1, s6  }
0x1d3: {  	[tilespmem:s20], [sflag:$0x1] =	stream.linear.gather [hbm4b:s6+s5], $0x1000, $0x38;
	[tilespmem:$0x17280] =	vst v63  }
0x1d4: {  	s6 =	sshrl.u32 s21, $0x3  }
0x1d5: {  	s22 =	simm.s32 $0x8280;
	s23 =	sadd.s32 $0xD8000, s0;
	s6 =	sadd.s32 s1, s6  }
0x1d6: {  	[tilespmem:s22], [sflag:$0x1] =	stream.linear.gather [hbm4b:s6+s5], $0x1000, $0x38;
	[tilespmem:$0x17280] =	vst v63  }
0x1d7: {  	s6 =	sshrl.u32 s23, $0x3  }
0x1d8: {  	s24 =	simm.s32 $0x9280;
	s25 =	sadd.s32 $0xF0000, s0;
	s6 =	sadd.s32 s1, s6  }
0x1d9: {  	[tilespmem:s24], [sflag:$0x1] =	stream.linear.gather [hbm4b:s6+s5], $0x1000, $0x38;
	[tilespmem:$0x17280] =	vst v63  }
0x1da: {  	s6 =	sshrl.u32 s25, $0x3  }
0x1db: {  	s26 =	simm.s32 $0xA280;
	s28 =	sadd.s32 $0x108000, s0;
	s6 =	sadd.s32 s1, s6  }
0x1dc: {  	[tilespmem:s26], [sflag:$0x1] =	stream.linear.gather [hbm4b:s6+s5], $0x1000, $0x38;
	[tilespmem:$0x17280] =	vst v63  }
0x1dd: {  	s6 =	sshrl.u32 s28, $0x3  }
0x1de: {  	s29 =	simm.s32 $0xB280;
	s30 =	sadd.s32 $0x120000, s0;
	s6 =	sadd.s32 s1, s6  }
0x1df: {  	[tilespmem:s29], [sflag:$0x1] =	stream.linear.gather [hbm4b:s6+s5], $0x1000, $0x38;
	[tilespmem:$0x17280] =	vst v63  }
0x1e0: {  	s6 =	sshrl.u32 s30, $0x3  }
0x1e1: {  	s31 =	sadd.s32 $0x138000, s0;
	s6 =	sadd.s32 s1, s6  }
0x1e2: {  	[tilespmem:s8], [sflag:$0x1] =	stream.linear.gather [hbm4b:s6+s5], $0x1000, $0x38;
	[tilespmem:$0x17280] =	vst v63  }
0x1e3: {  	s0 =	sadd.s32 $0x150000, s0;
	s6 =	sshrl.u32 s31, $0x3  }
0x1e4: {  	s0 =	sshrl.u32 s0, $0x3;
	s6 =	sadd.s32 s1, s6  }
0x1e5: {  	[tilespmem:s9], [sflag:$0x1] =	stream.linear.gather [hbm4b:s6+s5], $0x1000, $0x38;
	[tilespmem:$0x17280] =	vst v63  }
0x1e6: {  	s0 =	sadd.s32 s1, s0  }
0x1e7: {  	[tilespmem:s10], [sflag:$0x1] =	stream.linear.gather [hbm4b:s0+s5], $0x1000, $0x38;
	[tilespmem:$0x17280] =	vst v63  }
.LBB2_4:
0x1e8: {  	_ =	swait.ge [sflag:s14], $0x1000  }
0x1e9: {  	[sflag:s14] =	ssyncset.done $0x0  }
0x1ea: {  	[sflag:s14] =	ssyncadd.s32 $0xFFFFF000  }
0x1eb: {  	_ =	swait.ge [sflag:s14], $0x1000  }
0x1ec: {  	[sflag:s14] =	ssyncset.done $0x0  }
0x1ed: {  	[sflag:s14] =	ssyncadd.s32 $0xFFFFF000  }
0x1ee: {  	_ =	swait.ge [sflag:s14], $0x1000  }
0x1ef: {  	[sflag:s14] =	ssyncset.done $0x0  }
0x1f0: {  	[sflag:s14] =	ssyncadd.s32 $0xFFFFF000  }
0x1f1: {  	_ =	swait.ge [sflag:s14], $0x1000  }
0x1f2: {  	[sflag:s14] =	ssyncset.done $0x0  }
0x1f3: {  	[sflag:s14] =	ssyncadd.s32 $0xFFFFF000  }
0x1f4: {  	_ =	swait.ge [sflag:s14], $0x1000  }
0x1f5: {  	[sflag:s14] =	ssyncset.done $0x0  }
0x1f6: {  	[sflag:s14] =	ssyncadd.s32 $0xFFFFF000  }
0x1f7: {  	_ =	swait.ge [sflag:s14], $0x1000  }
0x1f8: {  	[sflag:s14] =	ssyncset.done $0x0  }
0x1f9: {  	[sflag:s14] =	ssyncadd.s32 $0xFFFFF000  }
0x1fa: {  	_ =	swait.ge [sflag:s14], $0x1000  }
0x1fb: {  	[sflag:s14] =	ssyncset.done $0x0  }
0x1fc: {  	[sflag:s14] =	ssyncadd.s32 $0xFFFFF000  }
0x1fd: {  	_ =	swait.ge [sflag:s14], $0x1000  }
0x1fe: {  	[sflag:s14] =	ssyncset.done $0x0  }
0x1ff: {  	[sflag:s14] =	ssyncadd.s32 $0xFFFFF000  }
0x200: {  	_ =	swait.ge [sflag:s14], $0x1000  }
0x201: {  	[sflag:s14] =	ssyncset.done $0x0  }
0x202: {  	[sflag:s14] =	ssyncadd.s32 $0xFFFFF000  }
0x203: {  	_ =	swait.ge [sflag:s14], $0x1000  }
0x204: {  	[sflag:s14] =	ssyncset.done $0x0  }
0x205: {  	[sflag:s14] =	ssyncadd.s32 $0xFFFFF000  }
0x206: {  	_ =	swait.ge [sflag:s14], $0x1000  }
0x207: {  	[sflag:s14] =	ssyncset.done $0x0  }
0x208: {  	[sflag:s14] =	ssyncadd.s32 $0xFFFFF000  }
0x209: {  	_ =	swait.ge [sflag:s14], $0x1000  }
0x20a: {  	[sflag:s14] =	ssyncset.done $0x0  }
0x20b: {  	[sflag:s14] =	ssyncadd.s32 $0xFFFFF000  }
0x20c: {  	_ =	swait.ge [sflag:s14], $0x1000  }
0x20d: {  	[sflag:s14] =	ssyncset.done $0x0  }
0x20e: {  	[sflag:s14] =	ssyncadd.s32 $0xFFFFF000  }
0x20f: {  	_ =	swait.ge [sflag:s14], $0x1000  }
0x210: {  	[sflag:s14] =	ssyncset.done $0x0  }
0x211: {  	[sflag:s14] =	ssyncadd.s32 $0xFFFFF000  }
0x212: {  	s20 =	sshll.u32 s11, $0x3;
	_ =	swait.ge [sflag:s14], $0x1000  }
0x213: {  	s21 =	sshll.u32 s19, $0x6;
	s22 =	smul.u32 $0x600000, s2;
	[sflag:s14] =	ssyncset.done $0x0  }
0x214: {  	s11 =	simm.s32 $0x0;
	s18 =	simm.s32 $0x0;
	[sflag:s14] =	ssyncadd.s32 $0xFFFFF000  }
.LBB2_5:
0x215: {  	s0 =	sshrl.u32 s18, $0x3  }
0x216: {  	s25 =	sshll.u32 s0, $0x4  }
0x217: {  	v3 =	vmov s25  }
0x218: {  	s2 =	sadd.s32 s21, s18;
	v3 =	vbroadcast v3, $0x0  }
0x219: {  	p0 =	slt.u32 s2, $0x8  }
0x21a: {  	s2 =	simm.s32 @!p0 $0x2  }
0x21b: {  	_ =	swait.ge @!p0 [sflag:s2], $0x1000  }
0x21c: {  	[sflag:s2] =	ssyncset.done @!p0 $0x0  }
0x21d: {  	[sflag:s2] =	ssyncadd.s32 @!p0 $0xFFFFF000  }
0x21e: {  	v4 =	vld.idx.msk [tilespmem:v3+s15+$0x0], $0xffff;
	_ =	sdelay $0x4  }
0x21f: {  	(v2sf) =	vpush v4, $0x0;
	_ =	sdelay $0xe  }
0x220: {  	s12 =	sand.u32 $0x7, s11;
	s6 =	spop (v2sf)  }
0x221: {  	s24 =	sshll.u32 s12, $0x9;
	s6 =	sshll.u32 s6, $0xE  }
0x222: {  	s6 =	sor.u32 s24, s6  }
0x223: {  	s6 =	sshra.s32 s6, $0x2  }
0x224: {  	v3 =	vld.idx.msk [tilespmem:v3+s16+$0x0], $0xffff;
	s7 =	sadd.s32 $0x2C0, s6  }
0x225: {  	s0 =	smul.u32 $0xC0, s0;
	v7 =	vld [tilespmem:s7+$0x30]  }
0x226: {  	v8 =	vld [tilespmem:s7+$0xFFFFFFD0]  }
0x227: {  	s13 =	sand.u32 $0x7, s18;
	s23 =	sadd.s32 s20, s0;
	v10 =	vld [tilespmem:s7+$0xFFFFFFE0]  }
0x228: {  	s23 =	sor.u32 s13, s23;
	s13 =	sshll.u32 s13, $0xC;
	s6 =	sshll.u32 s12, $0xC;
	v4 =	vld [tilespmem:s7+$0xFFFFFFF0]  }
0x229: {  	s13 =	sadd.s32 $0xF280, s13;
	s12 =	sadd.s32 $0xF670, s6;
	v5 =	vld [tilespmem:s7+$0x0]  }
0x22a: {  	s26 =	sadd.s32 $0xF5F0, s6;
	s28 =	sadd.s32 $0xF570, s6;
	s29 =	sadd.s32 $0xF4F0, s6;
	v6 =	vld [tilespmem:s7+$0x10];
	v11 =	vmul.f32 v7, v3  }
0x22b: {  	s30 =	sadd.s32 $0xF470, s6;
	s31 =	sadd.s32 $0xF3F0, s6;
	s0 =	sadd.s32 $0xF2C0, s6;
	v7 =	vld [tilespmem:s7+$0x20];
	v9 =	vmul.f32 v8, v3  }
0x22c: {  	s2 =	sadd.s32 $0xF370, s6;
	s6 =	simm.s32 $0x0;
	v8 =	vld [tilespmem:s7+$0xFFFFFFC0];
	v10 =	vmul.f32 v10, v3;
	s7 =	sadd.s32 $0x400, s7;
	[tilespmem:s0+$0x30] =	vst v11  }
.LBB2_6:
0x22d: {  	v11 =	vld [tilespmem:s7+$0x30];
	s6 =	sadd.s32 $0x8, s6;
	[tilespmem:s0+$0xFFFFFFD0] =	vst v9;
	v4 =	vmul.f32 v4, v3  }
0x22e: {  	v9 =	vld [tilespmem:s7+$0xFFFFFFD0];
	p0 =	slt.u32 s6, $0x18;
	[tilespmem:s0+$0xFFFFFFE0] =	vst v10;
	v5 =	vmul.f32 v5, v3  }
0x22f: {  	v10 =	vld [tilespmem:s7+$0xFFFFFFE0];
	[tilespmem:s0+$0xFFFFFFF0] =	vst v4;
	v6 =	vmul.f32 v6, v3  }
.Ltmp1:
0x230: {  	v4 =	vld [tilespmem:s7+$0xFFFFFFF0];
	[tilespmem:s0+$0x0] =	vst v5;
	v7 =	vmul.f32 v7, v3;
	(pc) =	sbr.rel @p0 .LBB2_6-.Ltmp1, $4  }
0x231: {  	v5 =	vld [tilespmem:s7+$0x0];
	v8 =	vmul.f32 v8, v3;
	[tilespmem:s0+$0x10] =	vst v6  }
0x232: {  	v6 =	vld [tilespmem:s7+$0x10];
	v11 =	vmul.f32 v11, v3;
	[tilespmem:s0+$0x20] =	vst v7  }
0x233: {  	v9 =	vmul.f32 v9, v3;
	v7 =	vld [tilespmem:s7+$0x20];
	[tilespmem:s0+$0xFFFFFFC0] =	vst v8;
	s0 =	sadd.s32 $0x400, s0  }
0x234: {  	v8 =	vld [tilespmem:s7+$0xFFFFFFC0];
	v10 =	vmul.f32 v10, v3;
	[tilespmem:s0+$0x30] =	vst v11;
	s7 =	sadd.s32 $0x400, s7  }
0x235: {  	s6 =	sor.u32 $0x1, s25  }
0x236: {  	v11 =	vmov s6  }
0x237: {  	[tilespmem:s0+$0xFFFFFFD0] =	vst v9;
	v4 =	vmul.f32 v4, v3;
	v9 =	vand.u32 $0xFFFFFFF1, v11  }
0x238: {  	[tilespmem:s0+$0xFFFFFFE0] =	vst v10;
	v5 =	vmul.f32 v5, v3;
	v9 =	vbroadcast v9, $0x0  }
0x239: {  	[tilespmem:s0+$0xFFFFFFF0] =	vst v4;
	v4 =	vmul.f32 v6, v3  }
0x23a: {  	[tilespmem:s0+$0x0] =	vst v5;
	v5 =	vmul.f32 v7, v3  }
0x23b: {  	v3 =	vmul.f32 v8, v3;
	[tilespmem:s0+$0x10] =	vst v4  }
0x23c: {  	[tilespmem:s0+$0x20] =	vst v5  }
0x23d: {  	[tilespmem:s0+$0xFFFFFFC0] =	vst v3  }
0x23e: {  	v3 =	vld.idx.msk [tilespmem:v9+s15+$0x0], $0xffff;
	_ =	sdelay $0x4  }
0x23f: {  	(v2sf) =	vpush v3, $0x0;
	_ =	sdelay $0xe  }
0x240: {  	s6 =	spop (v2sf)  }
0x241: {  	s0 =	sshll.u32 s6, $0xE  }
0x242: {  	s0 =	sor.u32 s24, s0  }
0x243: {  	s0 =	sshra.s32 s0, $0x2  }
0x244: {  	v3 =	vld.idx.msk [tilespmem:v9+s16+$0x0], $0xffff;
	s7 =	sadd.s32 $0x2C0, s0  }
0x245: {  	v5 =	vld [tilespmem:s7+$0x30]  }
0x246: {  	v7 =	vld [tilespmem:s7+$0xFFFFFFD0]  }
0x247: {  	v10 =	vld [tilespmem:s7+$0xFFFFFFE0]  }
0x248: {  	v8 =	vld [tilespmem:s7+$0xFFFFFFF0]  }
0x249: {  	v6 =	vld [tilespmem:s7+$0x0]  }
0x24a: {  	v4 =	vld [tilespmem:s7+$0x10];
	v11 =	vmul.f32 v5, v3  }
0x24b: {  	v5 =	vld [tilespmem:s7+$0x20];
	v9 =	vmul.f32 v7, v3  }
0x24c: {  	s0 =	simm.s32 $0x0;
	s6 =	sadd.s32 $0x400, s7;
	v7 =	vld [tilespmem:s7+$0xFFFFFFC0];
	v10 =	vmul.f32 v10, v3;
	[tilespmem:s2+$0x0] =	vst v11  }
.LBB2_8:
0x24d: {  	v11 =	vld [tilespmem:s6+$0x30];
	s0 =	sadd.s32 $0x8, s0;
	[tilespmem:s2+$0xFFFFFFA0] =	vst v9;
	v8 =	vmul.f32 v8, v3  }
0x24e: {  	v9 =	vld [tilespmem:s6+$0xFFFFFFD0];
	p0 =	slt.u32 s0, $0x18;
	[tilespmem:s2+$0xFFFFFFB0] =	vst v10;
	v6 =	vmul.f32 v6, v3  }
0x24f: {  	v10 =	vld [tilespmem:s6+$0xFFFFFFE0];
	[tilespmem:s2+$0xFFFFFFC0] =	vst v8;
	v4 =	vmul.f32 v4, v3  }
.Ltmp2:
0x250: {  	v8 =	vld [tilespmem:s6+$0xFFFFFFF0];
	[tilespmem:s2+$0xFFFFFFD0] =	vst v6;
	v5 =	vmul.f32 v5, v3;
	(pc) =	sbr.rel @p0 .LBB2_8-.Ltmp2, $4  }
0x251: {  	v6 =	vld [tilespmem:s6+$0x0];
	v7 =	vmul.f32 v7, v3;
	[tilespmem:s2+$0xFFFFFFE0] =	vst v4  }
0x252: {  	v4 =	vld [tilespmem:s6+$0x10];
	v11 =	vmul.f32 v11, v3;
	[tilespmem:s2+$0xFFFFFFF0] =	vst v5  }
0x253: {  	v9 =	vmul.f32 v9, v3;
	v5 =	vld [tilespmem:s6+$0x20];
	[tilespmem:s2+$0xFFFFFF90] =	vst v7;
	s2 =	sadd.s32 $0x400, s2  }
0x254: {  	v7 =	vld [tilespmem:s6+$0xFFFFFFC0];
	v10 =	vmul.f32 v10, v3;
	[tilespmem:s2+$0x0] =	vst v11;
	s6 =	sadd.s32 $0x400, s6  }
0x255: {  	s0 =	sor.u32 $0x2, s25  }
0x256: {  	v11 =	vmov s0  }
0x257: {  	[tilespmem:s2+$0xFFFFFFA0] =	vst v9;
	v8 =	vmul.f32 v8, v3;
	v9 =	vand.u32 $0xFFFFFFF2, v11  }
0x258: {  	[tilespmem:s2+$0xFFFFFFB0] =	vst v10;
	v6 =	vmul.f32 v6, v3;
	v9 =	vbroadcast v9, $0x0  }
0x259: {  	[tilespmem:s2+$0xFFFFFFC0] =	vst v8;
	v4 =	vmul.f32 v4, v3  }
0x25a: {  	[tilespmem:s2+$0xFFFFFFD0] =	vst v6;
	v5 =	vmul.f32 v5, v3  }
0x25b: {  	v3 =	vmul.f32 v7, v3;
	[tilespmem:s2+$0xFFFFFFE0] =	vst v4  }
0x25c: {  	[tilespmem:s2+$0xFFFFFFF0] =	vst v5  }
0x25d: {  	[tilespmem:s2+$0xFFFFFF90] =	vst v3  }
0x25e: {  	v3 =	vld.idx.msk [tilespmem:v9+s15+$0x0], $0xffff;
	_ =	sdelay $0x4  }
0x25f: {  	(v2sf) =	vpush v3, $0x0;
	_ =	sdelay $0xe  }
0x260: {  	s6 =	spop (v2sf)  }
0x261: {  	s0 =	sshll.u32 s6, $0xE  }
0x262: {  	s0 =	sor.u32 s24, s0  }
0x263: {  	s0 =	sshra.s32 s0, $0x2  }
0x264: {  	v3 =	vld.idx.msk [tilespmem:v9+s16+$0x0], $0xffff;
	s7 =	sadd.s32 $0x2C0, s0  }
0x265: {  	v5 =	vld [tilespmem:s7+$0x30]  }
0x266: {  	v7 =	vld [tilespmem:s7+$0xFFFFFFD0]  }
0x267: {  	v10 =	vld [tilespmem:s7+$0xFFFFFFE0]  }
0x268: {  	v8 =	vld [tilespmem:s7+$0xFFFFFFF0]  }
0x269: {  	v6 =	vld [tilespmem:s7+$0x0]  }
0x26a: {  	v4 =	vld [tilespmem:s7+$0x10];
	v11 =	vmul.f32 v5, v3  }
0x26b: {  	v5 =	vld [tilespmem:s7+$0x20];
	v9 =	vmul.f32 v7, v3  }
0x26c: {  	s0 =	simm.s32 $0x0;
	s2 =	sadd.s32 $0x400, s7;
	v7 =	vld [tilespmem:s7+$0xFFFFFFC0];
	v10 =	vmul.f32 v10, v3;
	[tilespmem:s31+$0x0] =	vst v11  }
.LBB2_10:
0x26d: {  	v11 =	vld [tilespmem:s2+$0x30];
	s0 =	sadd.s32 $0x8, s0;
	[tilespmem:s31+$0xFFFFFFA0] =	vst v9;
	v8 =	vmul.f32 v8, v3  }
0x26e: {  	v9 =	vld [tilespmem:s2+$0xFFFFFFD0];
	p0 =	slt.u32 s0, $0x18;
	[tilespmem:s31+$0xFFFFFFB0] =	vst v10;
	v6 =	vmul.f32 v6, v3  }
0x26f: {  	v10 =	vld [tilespmem:s2+$0xFFFFFFE0];
	[tilespmem:s31+$0xFFFFFFC0] =	vst v8;
	v4 =	vmul.f32 v4, v3  }
.Ltmp3:
0x270: {  	v8 =	vld [tilespmem:s2+$0xFFFFFFF0];
	[tilespmem:s31+$0xFFFFFFD0] =	vst v6;
	v5 =	vmul.f32 v5, v3;
	(pc) =	sbr.rel @p0 .LBB2_10-.Ltmp3, $4  }
0x271: {  	v6 =	vld [tilespmem:s2+$0x0];
	v7 =	vmul.f32 v7, v3;
	[tilespmem:s31+$0xFFFFFFE0] =	vst v4  }
0x272: {  	v4 =	vld [tilespmem:s2+$0x10];
	v11 =	vmul.f32 v11, v3;
	[tilespmem:s31+$0xFFFFFFF0] =	vst v5  }
0x273: {  	v9 =	vmul.f32 v9, v3;
	v5 =	vld [tilespmem:s2+$0x20];
	[tilespmem:s31+$0xFFFFFF90] =	vst v7;
	s31 =	sadd.s32 $0x400, s31  }
0x274: {  	v7 =	vld [tilespmem:s2+$0xFFFFFFC0];
	v10 =	vmul.f32 v10, v3;
	[tilespmem:s31+$0x0] =	vst v11;
	s2 =	sadd.s32 $0x400, s2  }
0x275: {  	s0 =	sor.u32 $0x3, s25  }
0x276: {  	v11 =	vmov s0  }
0x277: {  	[tilespmem:s31+$0xFFFFFFA0] =	vst v9;
	v8 =	vmul.f32 v8, v3;
	v9 =	vand.u32 $0xFFFFFFF3, v11  }
0x278: {  	[tilespmem:s31+$0xFFFFFFB0] =	vst v10;
	v6 =	vmul.f32 v6, v3;
	v9 =	vbroadcast v9, $0x0  }
0x279: {  	[tilespmem:s31+$0xFFFFFFC0] =	vst v8;
	v4 =	vmul.f32 v4, v3  }
0x27a: {  	[tilespmem:s31+$0xFFFFFFD0] =	vst v6;
	v5 =	vmul.f32 v5, v3  }
0x27b: {  	v3 =	vmul.f32 v7, v3;
	[tilespmem:s31+$0xFFFFFFE0] =	vst v4  }
0x27c: {  	[tilespmem:s31+$0xFFFFFFF0] =	vst v5  }
0x27d: {  	[tilespmem:s31+$0xFFFFFF90] =	vst v3  }
0x27e: {  	v3 =	vld.idx.msk [tilespmem:v9+s15+$0x0], $0xffff;
	_ =	sdelay $0x4  }
0x27f: {  	(v2sf) =	vpush v3, $0x0;
	_ =	sdelay $0xe  }
0x280: {  	s31 =	spop (v2sf)  }
0x281: {  	s0 =	sshll.u32 s31, $0xE  }
0x282: {  	s0 =	sor.u32 s24, s0  }
0x283: {  	s0 =	sshra.s32 s0, $0x2  }
0x284: {  	v3 =	vld.idx.msk [tilespmem:v9+s16+$0x0], $0xffff;
	s2 =	sadd.s32 $0x2C0, s0  }
0x285: {  	v5 =	vld [tilespmem:s2+$0x30]  }
0x286: {  	v7 =	vld [tilespmem:s2+$0xFFFFFFD0]  }
0x287: {  	v10 =	vld [tilespmem:s2+$0xFFFFFFE0]  }
0x288: {  	v8 =	vld [tilespmem:s2+$0xFFFFFFF0]  }
0x289: {  	v6 =	vld [tilespmem:s2+$0x0]  }
0x28a: {  	v4 =	vld [tilespmem:s2+$0x10];
	v11 =	vmul.f32 v5, v3  }
0x28b: {  	v5 =	vld [tilespmem:s2+$0x20];
	v9 =	vmul.f32 v7, v3  }
0x28c: {  	s0 =	simm.s32 $0x0;
	v7 =	vld [tilespmem:s2+$0xFFFFFFC0];
	v10 =	vmul.f32 v10, v3;
	s2 =	sadd.s32 $0x400, s2;
	[tilespmem:s30+$0x0] =	vst v11  }
.LBB2_12:
0x28d: {  	v11 =	vld [tilespmem:s2+$0x30];
	s0 =	sadd.s32 $0x8, s0;
	[tilespmem:s30+$0xFFFFFFA0] =	vst v9;
	v8 =	vmul.f32 v8, v3  }
0x28e: {  	v9 =	vld [tilespmem:s2+$0xFFFFFFD0];
	p0 =	slt.u32 s0, $0x18;
	[tilespmem:s30+$0xFFFFFFB0] =	vst v10;
	v6 =	vmul.f32 v6, v3  }
0x28f: {  	v10 =	vld [tilespmem:s2+$0xFFFFFFE0];
	[tilespmem:s30+$0xFFFFFFC0] =	vst v8;
	v4 =	vmul.f32 v4, v3  }
.Ltmp4:
0x290: {  	v8 =	vld [tilespmem:s2+$0xFFFFFFF0];
	[tilespmem:s30+$0xFFFFFFD0] =	vst v6;
	v5 =	vmul.f32 v5, v3;
	(pc) =	sbr.rel @p0 .LBB2_12-.Ltmp4, $4  }
0x291: {  	v6 =	vld [tilespmem:s2+$0x0];
	v7 =	vmul.f32 v7, v3;
	[tilespmem:s30+$0xFFFFFFE0] =	vst v4  }
0x292: {  	v4 =	vld [tilespmem:s2+$0x10];
	v11 =	vmul.f32 v11, v3;
	[tilespmem:s30+$0xFFFFFFF0] =	vst v5  }
0x293: {  	v9 =	vmul.f32 v9, v3;
	v5 =	vld [tilespmem:s2+$0x20];
	[tilespmem:s30+$0xFFFFFF90] =	vst v7;
	s30 =	sadd.s32 $0x400, s30  }
0x294: {  	v7 =	vld [tilespmem:s2+$0xFFFFFFC0];
	v10 =	vmul.f32 v10, v3;
	[tilespmem:s30+$0x0] =	vst v11;
	s2 =	sadd.s32 $0x400, s2  }
0x295: {  	s0 =	sor.u32 $0x4, s25  }
0x296: {  	v11 =	vmov s0  }
0x297: {  	[tilespmem:s30+$0xFFFFFFA0] =	vst v9;
	v8 =	vmul.f32 v8, v3;
	v9 =	vand.u32 $0xFFFFFFF4, v11  }
0x298: {  	[tilespmem:s30+$0xFFFFFFB0] =	vst v10;
	v6 =	vmul.f32 v6, v3;
	v9 =	vbroadcast v9, $0x0  }
0x299: {  	[tilespmem:s30+$0xFFFFFFC0] =	vst v8;
	v4 =	vmul.f32 v4, v3  }
0x29a: {  	[tilespmem:s30+$0xFFFFFFD0] =	vst v6;
	v5 =	vmul.f32 v5, v3  }
0x29b: {  	v3 =	vmul.f32 v7, v3;
	[tilespmem:s30+$0xFFFFFFE0] =	vst v4  }
0x29c: {  	[tilespmem:s30+$0xFFFFFFF0] =	vst v5  }
0x29d: {  	[tilespmem:s30+$0xFFFFFF90] =	vst v3  }
0x29e: {  	v3 =	vld.idx.msk [tilespmem:v9+s15+$0x0], $0xffff;
	_ =	sdelay $0x4  }
0x29f: {  	(v2sf) =	vpush v3, $0x0;
	_ =	sdelay $0xe  }
0x2a0: {  	s31 =	spop (v2sf)  }
0x2a1: {  	s0 =	sshll.u32 s31, $0xE  }
0x2a2: {  	s0 =	sor.u32 s24, s0  }
0x2a3: {  	s0 =	sshra.s32 s0, $0x2  }
0x2a4: {  	v3 =	vld.idx.msk [tilespmem:v9+s16+$0x0], $0xffff;
	s2 =	sadd.s32 $0x2C0, s0  }
0x2a5: {  	v5 =	vld [tilespmem:s2+$0x30]  }
0x2a6: {  	v7 =	vld [tilespmem:s2+$0xFFFFFFD0]  }
0x2a7: {  	v10 =	vld [tilespmem:s2+$0xFFFFFFE0]  }
0x2a8: {  	v8 =	vld [tilespmem:s2+$0xFFFFFFF0]  }
0x2a9: {  	v6 =	vld [tilespmem:s2+$0x0]  }
0x2aa: {  	v4 =	vld [tilespmem:s2+$0x10];
	v11 =	vmul.f32 v5, v3  }
0x2ab: {  	v5 =	vld [tilespmem:s2+$0x20];
	v9 =	vmul.f32 v7, v3  }
0x2ac: {  	s0 =	simm.s32 $0x0;
	v7 =	vld [tilespmem:s2+$0xFFFFFFC0];
	v10 =	vmul.f32 v10, v3;
	s2 =	sadd.s32 $0x400, s2;
	[tilespmem:s29+$0x0] =	vst v11  }
.LBB2_14:
0x2ad: {  	v11 =	vld [tilespmem:s2+$0x30];
	s0 =	sadd.s32 $0x8, s0;
	[tilespmem:s29+$0xFFFFFFA0] =	vst v9;
	v8 =	vmul.f32 v8, v3  }
0x2ae: {  	v9 =	vld [tilespmem:s2+$0xFFFFFFD0];
	p0 =	slt.u32 s0, $0x18;
	[tilespmem:s29+$0xFFFFFFB0] =	vst v10;
	v6 =	vmul.f32 v6, v3  }
0x2af: {  	v10 =	vld [tilespmem:s2+$0xFFFFFFE0];
	[tilespmem:s29+$0xFFFFFFC0] =	vst v8;
	v4 =	vmul.f32 v4, v3  }
.Ltmp5:
0x2b0: {  	v8 =	vld [tilespmem:s2+$0xFFFFFFF0];
	[tilespmem:s29+$0xFFFFFFD0] =	vst v6;
	v5 =	vmul.f32 v5, v3;
	(pc) =	sbr.rel @p0 .LBB2_14-.Ltmp5, $4  }
0x2b1: {  	v6 =	vld [tilespmem:s2+$0x0];
	v7 =	vmul.f32 v7, v3;
	[tilespmem:s29+$0xFFFFFFE0] =	vst v4  }
0x2b2: {  	v4 =	vld [tilespmem:s2+$0x10];
	v11 =	vmul.f32 v11, v3;
	[tilespmem:s29+$0xFFFFFFF0] =	vst v5  }
0x2b3: {  	v9 =	vmul.f32 v9, v3;
	v5 =	vld [tilespmem:s2+$0x20];
	[tilespmem:s29+$0xFFFFFF90] =	vst v7;
	s29 =	sadd.s32 $0x400, s29  }
0x2b4: {  	v7 =	vld [tilespmem:s2+$0xFFFFFFC0];
	v10 =	vmul.f32 v10, v3;
	[tilespmem:s29+$0x0] =	vst v11;
	s2 =	sadd.s32 $0x400, s2  }
0x2b5: {  	s0 =	sor.u32 $0x5, s25  }
0x2b6: {  	v11 =	vmov s0  }
0x2b7: {  	[tilespmem:s29+$0xFFFFFFA0] =	vst v9;
	v8 =	vmul.f32 v8, v3;
	v9 =	vand.u32 $0xFFFFFFF5, v11  }
0x2b8: {  	[tilespmem:s29+$0xFFFFFFB0] =	vst v10;
	v6 =	vmul.f32 v6, v3;
	v9 =	vbroadcast v9, $0x0  }
0x2b9: {  	[tilespmem:s29+$0xFFFFFFC0] =	vst v8;
	v4 =	vmul.f32 v4, v3  }
0x2ba: {  	[tilespmem:s29+$0xFFFFFFD0] =	vst v6;
	v5 =	vmul.f32 v5, v3  }
0x2bb: {  	v3 =	vmul.f32 v7, v3;
	[tilespmem:s29+$0xFFFFFFE0] =	vst v4  }
0x2bc: {  	[tilespmem:s29+$0xFFFFFFF0] =	vst v5  }
0x2bd: {  	[tilespmem:s29+$0xFFFFFF90] =	vst v3  }
0x2be: {  	v3 =	vld.idx.msk [tilespmem:v9+s15+$0x0], $0xffff;
	_ =	sdelay $0x4  }
0x2bf: {  	(v2sf) =	vpush v3, $0x0;
	_ =	sdelay $0xe  }
0x2c0: {  	s31 =	spop (v2sf)  }
0x2c1: {  	s0 =	sshll.u32 s31, $0xE  }
0x2c2: {  	s0 =	sor.u32 s24, s0  }
0x2c3: {  	s0 =	sshra.s32 s0, $0x2  }
0x2c4: {  	v3 =	vld.idx.msk [tilespmem:v9+s16+$0x0], $0xffff;
	s2 =	sadd.s32 $0x2C0, s0  }
0x2c5: {  	v5 =	vld [tilespmem:s2+$0x30]  }
0x2c6: {  	v7 =	vld [tilespmem:s2+$0xFFFFFFD0]  }
0x2c7: {  	v10 =	vld [tilespmem:s2+$0xFFFFFFE0]  }
0x2c8: {  	v8 =	vld [tilespmem:s2+$0xFFFFFFF0]  }
0x2c9: {  	v6 =	vld [tilespmem:s2+$0x0]  }
0x2ca: {  	v4 =	vld [tilespmem:s2+$0x10];
	v11 =	vmul.f32 v5, v3  }
0x2cb: {  	v5 =	vld [tilespmem:s2+$0x20];
	v9 =	vmul.f32 v7, v3  }
0x2cc: {  	s0 =	simm.s32 $0x0;
	v7 =	vld [tilespmem:s2+$0xFFFFFFC0];
	v10 =	vmul.f32 v10, v3;
	s2 =	sadd.s32 $0x400, s2;
	[tilespmem:s28+$0x0] =	vst v11  }
.LBB2_16:
0x2cd: {  	v11 =	vld [tilespmem:s2+$0x30];
	s0 =	sadd.s32 $0x8, s0;
	[tilespmem:s28+$0xFFFFFFA0] =	vst v9;
	v8 =	vmul.f32 v8, v3  }
0x2ce: {  	v9 =	vld [tilespmem:s2+$0xFFFFFFD0];
	p0 =	slt.u32 s0, $0x18;
	[tilespmem:s28+$0xFFFFFFB0] =	vst v10;
	v6 =	vmul.f32 v6, v3  }
0x2cf: {  	v10 =	vld [tilespmem:s2+$0xFFFFFFE0];
	[tilespmem:s28+$0xFFFFFFC0] =	vst v8;
	v4 =	vmul.f32 v4, v3  }
.Ltmp6:
0x2d0: {  	v8 =	vld [tilespmem:s2+$0xFFFFFFF0];
	[tilespmem:s28+$0xFFFFFFD0] =	vst v6;
	v5 =	vmul.f32 v5, v3;
	(pc) =	sbr.rel @p0 .LBB2_16-.Ltmp6, $4  }
0x2d1: {  	v6 =	vld [tilespmem:s2+$0x0];
	v7 =	vmul.f32 v7, v3;
	[tilespmem:s28+$0xFFFFFFE0] =	vst v4  }
0x2d2: {  	v4 =	vld [tilespmem:s2+$0x10];
	v11 =	vmul.f32 v11, v3;
	[tilespmem:s28+$0xFFFFFFF0] =	vst v5  }
0x2d3: {  	v9 =	vmul.f32 v9, v3;
	v5 =	vld [tilespmem:s2+$0x20];
	[tilespmem:s28+$0xFFFFFF90] =	vst v7;
	s28 =	sadd.s32 $0x400, s28  }
0x2d4: {  	v7 =	vld [tilespmem:s2+$0xFFFFFFC0];
	v10 =	vmul.f32 v10, v3;
	[tilespmem:s28+$0x0] =	vst v11;
	s2 =	sadd.s32 $0x400, s2  }
0x2d5: {  	s0 =	sor.u32 $0x6, s25  }
0x2d6: {  	v11 =	vmov s0  }
0x2d7: {  	[tilespmem:s28+$0xFFFFFFA0] =	vst v9;
	v8 =	vmul.f32 v8, v3;
	v9 =	vand.u32 $0xFFFFFFF6, v11  }
0x2d8: {  	[tilespmem:s28+$0xFFFFFFB0] =	vst v10;
	v6 =	vmul.f32 v6, v3;
	v9 =	vbroadcast v9, $0x0  }
0x2d9: {  	[tilespmem:s28+$0xFFFFFFC0] =	vst v8;
	v4 =	vmul.f32 v4, v3  }
0x2da: {  	[tilespmem:s28+$0xFFFFFFD0] =	vst v6;
	v5 =	vmul.f32 v5, v3  }
0x2db: {  	v3 =	vmul.f32 v7, v3;
	[tilespmem:s28+$0xFFFFFFE0] =	vst v4  }
0x2dc: {  	[tilespmem:s28+$0xFFFFFFF0] =	vst v5  }
0x2dd: {  	[tilespmem:s28+$0xFFFFFF90] =	vst v3  }
0x2de: {  	v3 =	vld.idx.msk [tilespmem:v9+s15+$0x0], $0xffff;
	_ =	sdelay $0x4  }
0x2df: {  	(v2sf) =	vpush v3, $0x0;
	_ =	sdelay $0xe  }
0x2e0: {  	s31 =	spop (v2sf)  }
0x2e1: {  	s0 =	sshll.u32 s31, $0xE  }
0x2e2: {  	s0 =	sor.u32 s24, s0  }
0x2e3: {  	s0 =	sshra.s32 s0, $0x2  }
0x2e4: {  	v3 =	vld.idx.msk [tilespmem:v9+s16+$0x0], $0xffff;
	s2 =	sadd.s32 $0x2C0, s0  }
0x2e5: {  	v5 =	vld [tilespmem:s2+$0x30]  }
0x2e6: {  	v7 =	vld [tilespmem:s2+$0xFFFFFFD0]  }
0x2e7: {  	v10 =	vld [tilespmem:s2+$0xFFFFFFE0]  }
0x2e8: {  	v8 =	vld [tilespmem:s2+$0xFFFFFFF0]  }
0x2e9: {  	v6 =	vld [tilespmem:s2+$0x0]  }
0x2ea: {  	v4 =	vld [tilespmem:s2+$0x10];
	v11 =	vmul.f32 v5, v3  }
0x2eb: {  	v5 =	vld [tilespmem:s2+$0x20];
	v9 =	vmul.f32 v7, v3  }
0x2ec: {  	s0 =	simm.s32 $0x0;
	v7 =	vld [tilespmem:s2+$0xFFFFFFC0];
	v10 =	vmul.f32 v10, v3;
	s2 =	sadd.s32 $0x400, s2;
	[tilespmem:s26+$0x0] =	vst v11  }
.LBB2_18:
0x2ed: {  	v11 =	vld [tilespmem:s2+$0x30];
	s0 =	sadd.s32 $0x8, s0;
	[tilespmem:s26+$0xFFFFFFA0] =	vst v9;
	v8 =	vmul.f32 v8, v3  }
0x2ee: {  	v9 =	vld [tilespmem:s2+$0xFFFFFFD0];
	p0 =	slt.u32 s0, $0x18;
	[tilespmem:s26+$0xFFFFFFB0] =	vst v10;
	v6 =	vmul.f32 v6, v3  }
0x2ef: {  	v10 =	vld [tilespmem:s2+$0xFFFFFFE0];
	[tilespmem:s26+$0xFFFFFFC0] =	vst v8;
	v4 =	vmul.f32 v4, v3  }
.Ltmp7:
0x2f0: {  	v8 =	vld [tilespmem:s2+$0xFFFFFFF0];
	[tilespmem:s26+$0xFFFFFFD0] =	vst v6;
	v5 =	vmul.f32 v5, v3;
	(pc) =	sbr.rel @p0 .LBB2_18-.Ltmp7, $4  }
0x2f1: {  	v6 =	vld [tilespmem:s2+$0x0];
	v7 =	vmul.f32 v7, v3;
	[tilespmem:s26+$0xFFFFFFE0] =	vst v4  }
0x2f2: {  	v4 =	vld [tilespmem:s2+$0x10];
	v11 =	vmul.f32 v11, v3;
	[tilespmem:s26+$0xFFFFFFF0] =	vst v5  }
0x2f3: {  	v9 =	vmul.f32 v9, v3;
	v5 =	vld [tilespmem:s2+$0x20];
	[tilespmem:s26+$0xFFFFFF90] =	vst v7;
	s26 =	sadd.s32 $0x400, s26  }
0x2f4: {  	v7 =	vld [tilespmem:s2+$0xFFFFFFC0];
	v10 =	vmul.f32 v10, v3;
	[tilespmem:s26+$0x0] =	vst v11;
	s2 =	sadd.s32 $0x400, s2  }
0x2f5: {  	s0 =	sor.u32 $0x7, s25  }
0x2f6: {  	v11 =	vmov s0  }
0x2f7: {  	[tilespmem:s26+$0xFFFFFFA0] =	vst v9;
	v8 =	vmul.f32 v8, v3;
	v9 =	vand.u32 $0xFFFFFFF7, v11  }
0x2f8: {  	[tilespmem:s26+$0xFFFFFFB0] =	vst v10;
	v6 =	vmul.f32 v6, v3;
	v9 =	vbroadcast v9, $0x0  }
0x2f9: {  	[tilespmem:s26+$0xFFFFFFC0] =	vst v8;
	v4 =	vmul.f32 v4, v3  }
0x2fa: {  	[tilespmem:s26+$0xFFFFFFD0] =	vst v6;
	v5 =	vmul.f32 v5, v3  }
0x2fb: {  	v3 =	vmul.f32 v7, v3;
	[tilespmem:s26+$0xFFFFFFE0] =	vst v4  }
0x2fc: {  	[tilespmem:s26+$0xFFFFFFF0] =	vst v5  }
0x2fd: {  	[tilespmem:s26+$0xFFFFFF90] =	vst v3  }
0x2fe: {  	v3 =	vld.idx.msk [tilespmem:v9+s15+$0x0], $0xffff;
	_ =	sdelay $0x4  }
0x2ff: {  	(v2sf) =	vpush v3, $0x0;
	_ =	sdelay $0xe  }
0x300: {  	s31 =	spop (v2sf)  }
0x301: {  	s0 =	sshll.u32 s31, $0xE  }
0x302: {  	s0 =	sor.u32 s24, s0  }
0x303: {  	s0 =	sshra.s32 s0, $0x2  }
0x304: {  	v3 =	vld.idx.msk [tilespmem:v9+s16+$0x0], $0xffff;
	s2 =	sadd.s32 $0x2C0, s0  }
0x305: {  	v6 =	vld [tilespmem:s2+$0x30]  }
0x306: {  	v8 =	vld [tilespmem:s2+$0xFFFFFFD0]  }
0x307: {  	v10 =	vld [tilespmem:s2+$0xFFFFFFE0]  }
0x308: {  	v7 =	vld [tilespmem:s2+$0xFFFFFFF0]  }
0x309: {  	v5 =	vld [tilespmem:s2+$0x0]  }
0x30a: {  	v4 =	vld [tilespmem:s2+$0x10];
	v11 =	vmul.f32 v6, v3  }
0x30b: {  	v6 =	vld [tilespmem:s2+$0x20];
	v9 =	vmul.f32 v8, v3  }
0x30c: {  	s0 =	simm.s32 $0x0;
	v8 =	vld [tilespmem:s2+$0xFFFFFFC0];
	v10 =	vmul.f32 v10, v3;
	s2 =	sadd.s32 $0x400, s2;
	[tilespmem:s12+$0x0] =	vst v11  }
.LBB2_20:
0x30d: {  	v11 =	vld [tilespmem:s2+$0x30];
	s0 =	sadd.s32 $0x8, s0;
	[tilespmem:s12+$0xFFFFFFA0] =	vst v9;
	v7 =	vmul.f32 v7, v3  }
0x30e: {  	v9 =	vld [tilespmem:s2+$0xFFFFFFD0];
	p0 =	slt.u32 s0, $0x18;
	[tilespmem:s12+$0xFFFFFFB0] =	vst v10;
	v5 =	vmul.f32 v5, v3  }
0x30f: {  	v10 =	vld [tilespmem:s2+$0xFFFFFFE0];
	[tilespmem:s12+$0xFFFFFFC0] =	vst v7;
	v4 =	vmul.f32 v4, v3  }
.Ltmp8:
0x310: {  	v7 =	vld [tilespmem:s2+$0xFFFFFFF0];
	[tilespmem:s12+$0xFFFFFFD0] =	vst v5;
	v6 =	vmul.f32 v6, v3;
	(pc) =	sbr.rel @p0 .LBB2_20-.Ltmp8, $4  }
0x311: {  	v5 =	vld [tilespmem:s2+$0x0];
	v8 =	vmul.f32 v8, v3;
	[tilespmem:s12+$0xFFFFFFE0] =	vst v4  }
0x312: {  	v4 =	vld [tilespmem:s2+$0x10];
	v11 =	vmul.f32 v11, v3;
	[tilespmem:s12+$0xFFFFFFF0] =	vst v6  }
0x313: {  	v9 =	vmul.f32 v9, v3;
	v6 =	vld [tilespmem:s2+$0x20];
	[tilespmem:s12+$0xFFFFFF90] =	vst v8;
	s12 =	sadd.s32 $0x400, s12  }
0x314: {  	v8 =	vld [tilespmem:s2+$0xFFFFFFC0];
	v10 =	vmul.f32 v10, v3;
	[tilespmem:s12+$0x0] =	vst v11;
	s2 =	sadd.s32 $0x400, s2  }
0x315: {  	[tilespmem:s12+$0xFFFFFFA0] =	vst v9;
	v7 =	vmul.f32 v7, v3  }
0x316: {  	s18 =	sadd.s32 $0x1, s18;
	[tilespmem:s12+$0xFFFFFFB0] =	vst v10;
	v5 =	vmul.f32 v5, v3  }
0x317: {  	p0 =	sne.s32 s18, $0x40;
	[tilespmem:s12+$0xFFFFFFC0] =	vst v7;
	v4 =	vmul.f32 v4, v3  }
.Ltmp9:
0x318: {  	s0 =	sshll.u32 s23, $0xC;
	[tilespmem:s12+$0xFFFFFFD0] =	vst v5;
	v63 =	vmul.f32 v6, v3;
	(pc) =	sbr.rel @p0 .LBB2_5-.Ltmp9, $4  }
0x319: {  	s0 =	sadd.s32 s22, s0;
	v3 =	vmul.f32 v8, v3;
	[tilespmem:s12+$0xFFFFFFE0] =	vst v4  }
0x31a: {  	s0 =	sshrl.u32 s0, $0x3;
	[tilespmem:s12+$0xFFFFFFF0] =	vst v63  }
0x31b: {  	s11 =	sadd.s32 $0x1, s11;
	s0 =	sadd.s32 s4, s0;
	[tilespmem:s12+$0xFFFFFF90] =	vst v3  }
0x31c: {  	[hbm4b:s0+s5] =	stream.linear.scatter [tilespmem:s13], [sflag:$0x2], $0x1000, $0x38;
	[tilespmem:$0x17280] =	vst v63  }
0x31d: {  	s19 =	sadd.s32 $0x1, s19  }
0x31e: {  	p0 =	sne.s32 s19, $0x3  }
.Ltmp10:
0x31f: {  	_ = 	snop;
	(pc) =	sbr.rel @p0 .LBB2_2-.Ltmp10, $1  }
0x320: {  	_ =	sdelay $0x3  }
0x321: {  	_ =	swait.ge [sflag:s17], $0x1000  }
0x322: {  	[sflag:s17] =	ssyncset.done $0x0  }
0x323: {  	[sflag:s17] =	ssyncadd.s32 $0xFFFFF000  }
0x324: {  	_ =	swait.ge [sflag:s17], $0x1000  }
0x325: {  	[sflag:s17] =	ssyncset.done $0x0  }
0x326: {  	[sflag:s17] =	ssyncadd.s32 $0xFFFFF000  }
0x327: {  	_ =	swait.ge [sflag:s17], $0x1000  }
0x328: {  	[sflag:s17] =	ssyncset.done $0x0  }
0x329: {  	[sflag:s17] =	ssyncadd.s32 $0xFFFFF000  }
0x32a: {  	_ =	swait.ge [sflag:s17], $0x1000  }
0x32b: {  	[sflag:s17] =	ssyncset.done $0x0  }
0x32c: {  	[sflag:s17] =	ssyncadd.s32 $0xFFFFF000  }
0x32d: {  	_ =	swait.ge [sflag:s17], $0x1000  }
0x32e: {  	[sflag:s17] =	ssyncset.done $0x0  }
0x32f: {  	[sflag:s17] =	ssyncadd.s32 $0xFFFFF000  }
0x330: {  	_ =	swait.ge [sflag:s17], $0x1000  }
0x331: {  	[sflag:s17] =	ssyncset.done $0x0  }
0x332: {  	[sflag:s17] =	ssyncadd.s32 $0xFFFFF000  }
0x333: {  	_ =	swait.ge [sflag:s17], $0x1000  }
0x334: {  	[sflag:s17] =	ssyncset.done $0x0  }
0x335: {  	[sflag:s17] =	ssyncadd.s32 $0xFFFFF000  }
0x336: {  	_ =	swait.ge [sflag:s17], $0x1000  }
0x337: {  	s2 =	rddreg [dreg:$0x15]  }
0x338: {  	s0 =	rddreg [dreg:$0x14];
	s2 =	sadd.s32 $0x1, s2  }
0x339: {  	p0 =	sne.s32 s2, s0  }
.Ltmp11:
0x33a: {  	_ = 	snop;
	(pc) =	sbr.rel @p0 .LBB2_1-.Ltmp11, $3  }
0x33b: {  	_ =	sdelay $0x1  }
0x33c: {  	[sflag:s17] =	ssyncset.done $0x0  }
0x33d: {  	[sflag:s17] =	ssyncadd.s32 $0xFFFFF000  }
0x33e: {  	_ =	sfence.sel $0x180000  }
0x33f: {  	[bflag:$0x0] =	sbarrier.arrive $0xFFFF  }
0x340: {  	_ =	strace $0x90000047  }
0x341: {  	s0 =	stileid.u32;
	[bflag:$0x2] =	sbarrier.arrive $0xFFFF  }
0x342: {  	p0 =	sne.s32 s0, $0x0;
	s0 =	rddreg [dreg:$0x3]  }
0x343: {  	s0 =	sadd.s32 @!p0 $0x100000, s0  }
0x344: {  	[sflag:s0] =	ssyncadd.tile.s32 @!p0 $0x1;
	_ =	shalt  }
.Lfunc_end2:
_tile_overlayer_lowered:
.L_overlay_start_2:
0x345: {  	(tag) =	ssettag $0x2  }
0x346: {  	s0 =	rddreg [dreg:$0x0];
	s2 =	stileid.u32  }
0x347: {  	s1 =	rddreg [dreg:$0x1];
	p0 =	sne.s32 s2, $0x0  }
0x348: {  	s3 =	rddreg [dreg:$0x2];
	[bflag:$0x3] =	sbarrier.arrive $0xFFFF;
	s2 =	simm.s32 @!p0 $0x1C03  }
0x349: {  	[timem:s3], [sflag:s2] =	dma.local @!p0 [hbm:s0], s1  }
0x34a: {  	s0 =	simm.s32 @!p0 $0x3  }
0x34b: {  	_ =	swait.ge @!p0 [sflag:s0], s1  }
0x34c: {  	s1 =	ssub.s32 @!p0 $0x0, s1;
	[sflag:s0] =	ssyncset.done @!p0 $0x0  }
0x34d: {  	[sflag:s0] =	ssyncadd.s32 @!p0 s1  }
0x34e: {  	[bflag:$0x3] =	sbarrier.arrive $0xFFFF  }
0x34f: {  	_ =	shalt  }

</sc_bundles>
